<compile_context>
chip_gen: v7x
topology: tpu7x:2x2x1
jax: 0.10.2.dev20260603
libtpu: 0.0.44.dev20260713+nightly
codegen_flags: <defaults>
</compile_context>

<pallas_src>
import functools

import jax
import jax.numpy as jnp
from jax import lax
from jax.experimental import pallas as pl
from jax.experimental.pallas import tpu as pltpu
from jax.experimental.pallas import tpu_sc as plsc

_NC = 2
_NS = 16
_NW = _NC * _NS

_EDGE_CHUNK = 80
_NBUF = 4
_IRING = 8


def _make_aggregate(n, e, d):
    assert e % _NW == 0
    edges_per_worker = e // _NW
    assert edges_per_worker % _EDGE_CHUNK == 0
    chunks = edges_per_worker // _EDGE_CHUNK
    rows_per_tile = (n // _NS) // 8 * 8
    tail_rows = n - _NS * rows_per_tile
    assert tail_rows % 8 == 0 and tail_rows <= rows_per_tile

    mesh = plsc.VectorSubcoreMesh(core_axis_name="c", subcore_axis_name="s")

    assert chunks >= _IRING

    @functools.partial(
        pl.kernel,
        out_type=jax.ShapeDtypeStruct((_NC * n, d), jnp.float32),
        mesh=mesh,
        scratch_types=[pltpu.VMEM((_NBUF, _EDGE_CHUNK, d), jnp.float32)]
        + [pltpu.VMEM((_EDGE_CHUNK,), jnp.int32)] * (2 * _IRING)
        + [pltpu.VMEM_SHARED((n, d), jnp.float32)]
        + [pltpu.SemaphoreType.DMA] * (2 * _NBUF + 2 * _IRING),
    )
    def agg_kernel(x_hbm, ei_hbm, out_hbm, rows, *rest):
        sidx = rest[:_IRING]
        didx = rest[_IRING:2 * _IRING]
        acc_sh = rest[2 * _IRING]
        sems = rest[2 * _IRING + 1:]
        gsem = sems[:_NBUF]
        ssem = sems[_NBUF:2 * _NBUF]
        issem = sems[2 * _NBUF:2 * _NBUF + _IRING]
        idsem = sems[2 * _NBUF + _IRING:]
        cid = lax.axis_index("c")
        sid = lax.axis_index("s")
        wid = sid * _NC + cid
        row0 = pl.multiple_of(sid * rows_per_tile, 8)

        def zbody(i, c):
            for jj in range(d // 16):
                rows[0, i, pl.ds(jj * 16, 16)] = jnp.zeros((16,), jnp.float32)
            return c

        lax.fori_loop(0, _EDGE_CHUNK, zbody, 0)
        full, rem = divmod(rows_per_tile, _EDGE_CHUNK)
        for k in range(full):
            pltpu.sync_copy(rows.at[0],
                            acc_sh.at[pl.ds(row0 + k * _EDGE_CHUNK, _EDGE_CHUNK)])
        if rem:
            pltpu.sync_copy(rows.at[0, pl.ds(0, rem)],
                            acc_sh.at[pl.ds(row0 + full * _EDGE_CHUNK, rem)])
        if tail_rows:
            @pl.when(sid == 0)
            def _zero_tail():
                pltpu.sync_copy(rows.at[0, pl.ds(0, tail_rows)],
                                acc_sh.at[pl.ds(_NS * rows_per_tile, tail_rows)])
        plsc.subcore_barrier()

        ebase = wid * edges_per_worker

        def fetch_idx(j, slot):
            base = ebase + j * _EDGE_CHUNK
            pltpu.async_copy(ei_hbm.at[pl.ds(base, _EDGE_CHUNK)],
                             sidx[slot], issem[slot])
            pltpu.async_copy(ei_hbm.at[pl.ds(e + base, _EDGE_CHUNK)],
                             didx[slot], idsem[slot])

        def wait_sidx(j, slot):
            base = ebase + j * _EDGE_CHUNK
            pltpu.make_async_copy(ei_hbm.at[pl.ds(base, _EDGE_CHUNK)],
                                  sidx[slot], issem[slot]).wait()

        def wait_didx(j, slot):
            base = ebase + j * _EDGE_CHUNK
            pltpu.make_async_copy(ei_hbm.at[pl.ds(e + base, _EDGE_CHUNK)],
                                  didx[slot], idsem[slot]).wait()

        for b in range(_IRING):
            fetch_idx(b, b)
        for b in range(_NBUF):
            wait_sidx(b, b)
            pltpu.async_copy(x_hbm.at[sidx[b]], rows.at[b], gsem[b])

        rounds = (chunks + _IRING - 1) // _IRING

        def body(g, carry):
            for u in range(_IRING):
                j = g * _IRING + u
                br = u % _NBUF

                @pl.when(j < chunks)
                def _step(j=j, u=u, br=br):
                    pltpu.make_async_copy(x_hbm.at[sidx[u]], rows.at[br],
                                          gsem[br]).wait()
                    wait_didx(j, u)
                    pltpu.async_copy(rows.at[br], acc_sh.at[didx[u]],
                                     ssem[br], add=True).wait()

                    @pl.when(j + _IRING < chunks)
                    def _fetch(j=j, u=u):
                        fetch_idx(j + _IRING, u)

                    @pl.when(j + _NBUF < chunks)
                    def _gather(j=j, u=u, br=br):
                        un = (u + _NBUF) % _IRING
                        wait_sidx(j + _NBUF, un)
                        pltpu.async_copy(x_hbm.at[sidx[un]], rows.at[br],
                                         gsem[br])
            return carry

        lax.fori_loop(0, rounds, body, 0)
        plsc.subcore_barrier()
        out0 = pl.multiple_of(cid * n + row0, 8)
        pltpu.sync_copy(acc_sh.at[pl.ds(row0, rows_per_tile)],
                        out_hbm.at[pl.ds(out0, rows_per_tile)])
        if tail_rows:
            @pl.when(sid == 0)
            def _copy_tail():
                tbase = _NS * rows_per_tile
                tout = pl.multiple_of(cid * n + tbase, 8)
                pltpu.sync_copy(acc_sh.at[pl.ds(tbase, tail_rows)],
                                out_hbm.at[pl.ds(tout, tail_rows)])

    return agg_kernel


_BLK = 5000


def _mlp1_body(x_ref, pa_ref, pb_ref, wa, ba, wb, bb, o_ref):
    h = x_ref[...] + pa_ref[...] + pb_ref[...]
    h = jnp.maximum(jnp.dot(h, wa[...], preferred_element_type=jnp.float32) + ba[...], 0.0)
    h = jnp.dot(h, wb[...], preferred_element_type=jnp.float32) + bb[...]
    o_ref[...] = jnp.maximum(h, 0.0)


def _mlp2_body(x_ref, pa_ref, pb_ref, wa, ba, wb, bb, wc, bc, o_ref):
    h = x_ref[...] + pa_ref[...] + pb_ref[...]
    h = jnp.maximum(jnp.dot(h, wa[...], preferred_element_type=jnp.float32) + ba[...], 0.0)
    h = jnp.dot(h, wb[...], preferred_element_type=jnp.float32) + bb[...]
    o_ref[...] = jnp.dot(h, wc[...], preferred_element_type=jnp.float32) + bc[...]


def _row_specs(n, d):
    nblk = n // _BLK
    row = pl.BlockSpec((_BLK, d), lambda i: (i, 0))
    pa = pl.BlockSpec((_BLK, d), lambda i: (i, 0))
    pb = pl.BlockSpec((_BLK, d), lambda i, _nb=nblk: (i + _nb, 0))
    w = pl.BlockSpec((d, d), lambda i: (0, 0))
    b = pl.BlockSpec((1, d), lambda i: (0, 0))
    return nblk, row, pa, pb, w, b


def _mlp1(x, p, wa, ba, wb, bb):
    n, d = x.shape
    nblk, row, pa, pb, w, b = _row_specs(n, d)
    return pl.pallas_call(
        _mlp1_body,
        grid=(nblk,),
        in_specs=[row, pa, pb, w, b, w, b],
        out_specs=row,
        out_shape=jax.ShapeDtypeStruct((n, d), jnp.float32),
    )(x, p, p, wa, ba.reshape(1, d), wb, bb.reshape(1, d))


def _mlp2(x, p, wa, ba, wb, bb, wc, bc):
    n, d = x.shape
    nblk, row, pa, pb, w, b = _row_specs(n, d)
    return pl.pallas_call(
        _mlp2_body,
        grid=(nblk,),
        in_specs=[row, pa, pb, w, b, w, b, w, b],
        out_specs=row,
        out_shape=jax.ShapeDtypeStruct((n, d), jnp.float32),
    )(x, p, p, wa, ba.reshape(1, d), wb, bb.reshape(1, d), wc, bc.reshape(1, d))


def kernel(x, edge_index, W1a, b1a, W1b, b1b, W2a, b2a, W2b, b2b, Wfc, bfc):
    n, d = x.shape
    e = edge_index.shape[1]
    ei = edge_index.astype(jnp.int32).reshape(2 * e)
    agg = _make_aggregate(n, e, d)
    p1 = agg(x, ei)
    h1 = _mlp1(x, p1, W1a, b1a, W1b, b1b)
    p2 = agg(h1, ei)
    return _mlp2(h1, p2, W2a, b2a, W2b, b2b, Wfc, bfc)

# --- scband reference (transcript-rebuilt; emitter-appended) ---
"""Pipeline reference for scband-ginmodel-5153960755352 (READ-ONLY COPY).

The authoritative reference and input builder live on the scoring server;
editing this copy changes nothing except your own understanding.
"""

import jax, jax.numpy as jnp
import numpy as np

N = 10000
E = 320000
D_IN = 128
D_HID = 128
D_OUT = 128


def setup_inputs(seed: int = 0) -> dict:
    key = jax.random.key(seed)
    ks = jax.random.split(key, 12)
    x = jax.random.normal(ks[0], (N, D_IN), dtype=jnp.float32)
    edge_index = jax.random.randint(ks[1], (2, E), 0, N, dtype=jnp.int64)
    def lin(k, fan_in, fan_out):
        bound = 1.0 / np.sqrt(fan_in)
        kw, kb = jax.random.split(k)
        W = jax.random.uniform(kw, (fan_in, fan_out), minval=-bound, maxval=bound, dtype=jnp.float32)
        b = jax.random.uniform(kb, (fan_out,), minval=-bound, maxval=bound, dtype=jnp.float32)
        return W, b
    W1a, b1a = lin(ks[2], D_IN, D_HID)
    W1b, b1b = lin(ks[3], D_HID, D_HID)
    W2a, b2a = lin(ks[4], D_HID, D_HID)
    W2b, b2b = lin(ks[5], D_HID, D_HID)
    Wfc, bfc = lin(ks[6], D_HID, D_OUT)
    return {"x": x, "edge_index": edge_index,
            "W1a": W1a, "b1a": b1a, "W1b": W1b, "b1b": b1b,
            "W2a": W2a, "b2a": b2a, "W2b": W2b, "b2b": b2b,
            "Wfc": Wfc, "bfc": bfc}


def _gin_conv(x, edge_index, Wa, ba, Wb, bb):
    # GINConv with eps=0: out = MLP((1+eps)*x + sum_{j in N(i)} x_j)
    src = edge_index[0]
    dst = edge_index[1]
    msgs = jnp.take(x, src, axis=0)            # gather (SparseCore)
    agg = jnp.zeros_like(x).at[dst].add(msgs)  # scatter-add (SparseCore)
    h = agg + x
    h = jnp.maximum(h @ Wa + ba, 0.0)
    return h @ Wb + bb


def reference(x, edge_index, W1a, b1a, W1b, b1b, W2a, b2a, W2b, b2b, Wfc, bfc):
    h = jnp.maximum(_gin_conv(x, edge_index, W1a, b1a, W1b, b1b), 0.0)
    # dropout is identity at inference
    h = _gin_conv(h, edge_index, W2a, b2a, W2b, b2b)
    out = h @ Wfc + bfc
    return out

if __name__ == "__main__":
    import jax
    _d = setup_inputs()
    print(jax.jit(kernel)(*tuple(_d.values())))

</pallas_src>

<mosaic_0001>
#map = affine_map<(d0, d1) -> (0, 0)>
#map1 = affine_map<(d0, d1) -> (0)>
module attributes {stable_mosaic.version = 14 : i64} {
  func.func @agg_kernel(%arg0: i32, %arg1: i32, %arg2: memref<10000x128xf32, #tpu.memory_space<hbm>>, %arg3: memref<640000xi32, #tpu.memory_space<hbm>>, %arg4: memref<20000x128xf32, #tpu.memory_space<hbm>>, %arg5: memref<4x80x128xf32, #tpu.memory_space<vmem>>, %arg6: memref<80xi32, #tpu.memory_space<vmem>>, %arg7: memref<80xi32, #tpu.memory_space<vmem>>, %arg8: memref<80xi32, #tpu.memory_space<vmem>>, %arg9: memref<80xi32, #tpu.memory_space<vmem>>, %arg10: memref<80xi32, #tpu.memory_space<vmem>>, %arg11: memref<80xi32, #tpu.memory_space<vmem>>, %arg12: memref<80xi32, #tpu.memory_space<vmem>>, %arg13: memref<80xi32, #tpu.memory_space<vmem>>, %arg14: memref<80xi32, #tpu.memory_space<vmem>>, %arg15: memref<80xi32, #tpu.memory_space<vmem>>, %arg16: memref<80xi32, #tpu.memory_space<vmem>>, %arg17: memref<80xi32, #tpu.memory_space<vmem>>, %arg18: memref<80xi32, #tpu.memory_space<vmem>>, %arg19: memref<80xi32, #tpu.memory_space<vmem>>, %arg20: memref<80xi32, #tpu.memory_space<vmem>>, %arg21: memref<80xi32, #tpu.memory_space<vmem>>, %arg22: memref<10000x128xf32, #tpu.memory_space<vmem_shared>>, %arg23: memref<!tpu.dma_semaphore, #tpu.memory_space<semaphore_mem>>, %arg24: memref<!tpu.dma_semaphore, #tpu.memory_space<semaphore_mem>>, %arg25: memref<!tpu.dma_semaphore, #tpu.memory_space<semaphore_mem>>, %arg26: memref<!tpu.dma_semaphore, #tpu.memory_space<semaphore_mem>>, %arg27: memref<!tpu.dma_semaphore, #tpu.memory_space<semaphore_mem>>, %arg28: memref<!tpu.dma_semaphore, #tpu.memory_space<semaphore_mem>>, %arg29: memref<!tpu.dma_semaphore, #tpu.memory_space<semaphore_mem>>, %arg30: memref<!tpu.dma_semaphore, #tpu.memory_space<semaphore_mem>>, %arg31: memref<!tpu.dma_semaphore, #tpu.memory_space<semaphore_mem>>, %arg32: memref<!tpu.dma_semaphore, #tpu.memory_space<semaphore_mem>>, %arg33: memref<!tpu.dma_semaphore, #tpu.memory_space<semaphore_mem>>, %arg34: memref<!tpu.dma_semaphore, #tpu.memory_space<semaphore_mem>>, %arg35: memref<!tpu.dma_semaphore, #tpu.memory_space<semaphore_mem>>, %arg36: memref<!tpu.dma_semaphore, #tpu.memory_space<semaphore_mem>>, %arg37: memref<!tpu.dma_semaphore, #tpu.memory_space<semaphore_mem>>, %arg38: memref<!tpu.dma_semaphore, #tpu.memory_space<semaphore_mem>>, %arg39: memref<!tpu.dma_semaphore, #tpu.memory_space<semaphore_mem>>, %arg40: memref<!tpu.dma_semaphore, #tpu.memory_space<semaphore_mem>>, %arg41: memref<!tpu.dma_semaphore, #tpu.memory_space<semaphore_mem>>, %arg42: memref<!tpu.dma_semaphore, #tpu.memory_space<semaphore_mem>>, %arg43: memref<!tpu.dma_semaphore, #tpu.memory_space<semaphore_mem>>, %arg44: memref<!tpu.dma_semaphore, #tpu.memory_space<semaphore_mem>>, %arg45: memref<!tpu.dma_semaphore, #tpu.memory_space<semaphore_mem>>, %arg46: memref<!tpu.dma_semaphore, #tpu.memory_space<semaphore_mem>>) attributes {dimension_semantics = [#tpu.dimension_semantics<core_parallel>, #tpu.dimension_semantics<subcore_parallel>], iteration_bounds = array<i64: 2, 16>, scalar_prefetch = 0 : i64, scratch_operands = 42 : i64, tpu.core_type = #tpu.core_type<sc_vector_subcore>, window_params = [{transform_indices = #map}, {transform_indices = #map1}, {transform_indices = #map}]} {
    %mul3A = arith.constant 2 : i32
    %mul3A_0 = arith.muli %arg1, %mul3A : i32
    %add3A = arith.addi %mul3A_0, %arg0 : i32
    %mul3A_1 = arith.constant 624 : i32
    %mul3A_2 = arith.muli %arg1, %mul3A_1 : i32
    %multiple_of3A = tpu.assume_multiple %mul3A_2, 8 : i32
    %scan3A = arith.constant 0 : i32
    %scan3A_3 = arith.constant 0 : i32
    %scan3A_4 = arith.constant 80 : i32
    %scan3A_5 = arith.addi %scan3A_3, %scan3A_4 : i32
    %scan3A_6 = arith.constant 1 : i32
    scf.for %scan3A_161 = %scan3A_3 to %scan3A_5 step %scan3A_6  : i32 {
      %broadcast_in_dim3A = arith.constant 0.000000e+00 : f32
      %broadcast_in_dim3A_162 = vector.broadcast %broadcast_in_dim3A : f32 to vector<16xf32>
      %swap3A = arith.constant 0 : i32
      %swap3A_163 = arith.index_cast %swap3A : i32 to index
      %swap3A_164 = arith.index_cast %scan3A_161 : i32 to index
      %swap3A_165 = arith.constant 0 : index
      %swap3A_166 = tpu.vector_load %arg5[%swap3A_163, %swap3A_164, %swap3A_165] {strides = array<i32>} : memref<4x80x128xf32, #tpu.memory_space<vmem>>, vector<1x1x16xf32>,
      %swap3A_167 = vector.shape_cast %swap3A_166 : vector<1x1x16xf32> to vector<16xf32>
      %swap3A_168 = vector.shape_cast %broadcast_in_dim3A_162 : vector<16xf32> to vector<1x1x16xf32>
      tpu.vector_store %arg5[%swap3A_163, %swap3A_164, %swap3A_165], %swap3A_168 {strides = array<i32>} : memref<4x80x128xf32, #tpu.memory_space<vmem>>, vector<1x1x16xf32>,
      %broadcast_in_dim3A_169 = arith.constant 0.000000e+00 : f32
      %broadcast_in_dim3A_170 = vector.broadcast %broadcast_in_dim3A_169 : f32 to vector<16xf32>
      %swap3A_171 = arith.constant 0 : i32
      %swap3A_172 = arith.index_cast %swap3A_171 : i32 to index
      %swap3A_173 = arith.index_cast %scan3A_161 : i32 to index
      %swap3A_174 = arith.constant 16 : index
      %swap3A_175 = tpu.vector_load %arg5[%swap3A_172, %swap3A_173, %swap3A_174] {strides = array<i32>} : memref<4x80x128xf32, #tpu.memory_space<vmem>>, vector<1x1x16xf32>,
      %swap3A_176 = vector.shape_cast %swap3A_175 : vector<1x1x16xf32> to vector<16xf32>
      %swap3A_177 = vector.shape_cast %broadcast_in_dim3A_170 : vector<16xf32> to vector<1x1x16xf32>
      tpu.vector_store %arg5[%swap3A_172, %swap3A_173, %swap3A_174], %swap3A_177 {strides = array<i32>} : memref<4x80x128xf32, #tpu.memory_space<vmem>>, vector<1x1x16xf32>,
      %broadcast_in_dim3A_178 = arith.constant 0.000000e+00 : f32
      %broadcast_in_dim3A_179 = vector.broadcast %broadcast_in_dim3A_178 : f32 to vector<16xf32>
      %swap3A_180 = arith.constant 0 : i32
      %swap3A_181 = arith.index_cast %swap3A_180 : i32 to index
      %swap3A_182 = arith.index_cast %scan3A_161 : i32 to index
      %swap3A_183 = arith.constant 32 : index
      %swap3A_184 = tpu.vector_load %arg5[%swap3A_181, %swap3A_182, %swap3A_183] {strides = array<i32>} : memref<4x80x128xf32, #tpu.memory_space<vmem>>, vector<1x1x16xf32>,
      %swap3A_185 = vector.shape_cast %swap3A_184 : vector<1x1x16xf32> to vector<16xf32>
      %swap3A_186 = vector.shape_cast %broadcast_in_dim3A_179 : vector<16xf32> to vector<1x1x16xf32>
      tpu.vector_store %arg5[%swap3A_181, %swap3A_182, %swap3A_183], %swap3A_186 {strides = array<i32>} : memref<4x80x128xf32, #tpu.memory_space<vmem>>, vector<1x1x16xf32>,
      %broadcast_in_dim3A_187 = arith.constant 0.000000e+00 : f32
      %broadcast_in_dim3A_188 = vector.broadcast %broadcast_in_dim3A_187 : f32 to vector<16xf32>
      %swap3A_189 = arith.constant 0 : i32
      %swap3A_190 = arith.index_cast %swap3A_189 : i32 to index
      %swap3A_191 = arith.index_cast %scan3A_161 : i32 to index
      %swap3A_192 = arith.constant 48 : index
      %swap3A_193 = tpu.vector_load %arg5[%swap3A_190, %swap3A_191, %swap3A_192] {strides = array<i32>} : memref<4x80x128xf32, #tpu.memory_space<vmem>>, vector<1x1x16xf32>,
      %swap3A_194 = vector.shape_cast %swap3A_193 : vector<1x1x16xf32> to vector<16xf32>
      %swap3A_195 = vector.shape_cast %broadcast_in_dim3A_188 : vector<16xf32> to vector<1x1x16xf32>
      tpu.vector_store %arg5[%swap3A_190, %swap3A_191, %swap3A_192], %swap3A_195 {strides = array<i32>} : memref<4x80x128xf32, #tpu.memory_space<vmem>>, vector<1x1x16xf32>,
      %broadcast_in_dim3A_196 = arith.constant 0.000000e+00 : f32
      %broadcast_in_dim3A_197 = vector.broadcast %broadcast_in_dim3A_196 : f32 to vector<16xf32>
      %swap3A_198 = arith.constant 0 : i32
      %swap3A_199 = arith.index_cast %swap3A_198 : i32 to index
      %swap3A_200 = arith.index_cast %scan3A_161 : i32 to index
      %swap3A_201 = arith.constant 64 : index
      %swap3A_202 = tpu.vector_load %arg5[%swap3A_199, %swap3A_200, %swap3A_201] {strides = array<i32>} : memref<4x80x128xf32, #tpu.memory_space<vmem>>, vector<1x1x16xf32>,
      %swap3A_203 = vector.shape_cast %swap3A_202 : vector<1x1x16xf32> to vector<16xf32>
      %swap3A_204 = vector.shape_cast %broadcast_in_dim3A_197 : vector<16xf32> to vector<1x1x16xf32>
      tpu.vector_store %arg5[%swap3A_199, %swap3A_200, %swap3A_201], %swap3A_204 {strides = array<i32>} : memref<4x80x128xf32, #tpu.memory_space<vmem>>, vector<1x1x16xf32>,
      %broadcast_in_dim3A_205 = arith.constant 0.000000e+00 : f32
      %broadcast_in_dim3A_206 = vector.broadcast %broadcast_in_dim3A_205 : f32 to vector<16xf32>
      %swap3A_207 = arith.constant 0 : i32
      %swap3A_208 = arith.index_cast %swap3A_207 : i32 to index
      %swap3A_209 = arith.index_cast %scan3A_161 : i32 to index
      %swap3A_210 = arith.constant 80 : index
      %swap3A_211 = tpu.vector_load %arg5[%swap3A_208, %swap3A_209, %swap3A_210] {strides = array<i32>} : memref<4x80x128xf32, #tpu.memory_space<vmem>>, vector<1x1x16xf32>,
      %swap3A_212 = vector.shape_cast %swap3A_211 : vector<1x1x16xf32> to vector<16xf32>
      %swap3A_213 = vector.shape_cast %broadcast_in_dim3A_206 : vector<16xf32> to vector<1x1x16xf32>
      tpu.vector_store %arg5[%swap3A_208, %swap3A_209, %swap3A_210], %swap3A_213 {strides = array<i32>} : memref<4x80x128xf32, #tpu.memory_space<vmem>>, vector<1x1x16xf32>,
      %broadcast_in_dim3A_214 = arith.constant 0.000000e+00 : f32
      %broadcast_in_dim3A_215 = vector.broadcast %broadcast_in_dim3A_214 : f32 to vector<16xf32>
      %swap3A_216 = arith.constant 0 : i32
      %swap3A_217 = arith.index_cast %swap3A_216 : i32 to index
      %swap3A_218 = arith.index_cast %scan3A_161 : i32 to index
      %swap3A_219 = arith.constant 96 : index
      %swap3A_220 = tpu.vector_load %arg5[%swap3A_217, %swap3A_218, %swap3A_219] {strides = array<i32>} : memref<4x80x128xf32, #tpu.memory_space<vmem>>, vector<1x1x16xf32>,
      %swap3A_221 = vector.shape_cast %swap3A_220 : vector<1x1x16xf32> to vector<16xf32>
      %swap3A_222 = vector.shape_cast %broadcast_in_dim3A_215 : vector<16xf32> to vector<1x1x16xf32>
      tpu.vector_store %arg5[%swap3A_217, %swap3A_218, %swap3A_219], %swap3A_222 {strides = array<i32>} : memref<4x80x128xf32, #tpu.memory_space<vmem>>, vector<1x1x16xf32>,
      %broadcast_in_dim3A_223 = arith.constant 0.000000e+00 : f32
      %broadcast_in_dim3A_224 = vector.broadcast %broadcast_in_dim3A_223 : f32 to vector<16xf32>
      %swap3A_225 = arith.constant 0 : i32
      %swap3A_226 = arith.index_cast %swap3A_225 : i32 to index
      %swap3A_227 = arith.index_cast %scan3A_161 : i32 to index
      %swap3A_228 = arith.constant 112 : index
      %swap3A_229 = tpu.vector_load %arg5[%swap3A_226, %swap3A_227, %swap3A_228] {strides = array<i32>} : memref<4x80x128xf32, #tpu.memory_space<vmem>>, vector<1x1x16xf32>,
      %swap3A_230 = vector.shape_cast %swap3A_229 : vector<1x1x16xf32> to vector<16xf32>
      %swap3A_231 = vector.shape_cast %broadcast_in_dim3A_224 : vector<16xf32> to vector<1x1x16xf32>
      tpu.vector_store %arg5[%swap3A_226, %swap3A_227, %swap3A_228], %swap3A_231 {strides = array<i32>} : memref<4x80x128xf32, #tpu.memory_space<vmem>>, vector<1x1x16xf32>,
    }
    %scan3A_7 = arith.constant 80 : i32
    %add3A_8 = arith.constant 0 : i32
    %add3A_9 = arith.addi %multiple_of3A, %add3A_8 : i32
    %run_scoped3A = arith.constant 0 : i32
    "tpu.region"() ({
      %run_scoped3A_161 = tpu.sem_alloc : memref<!tpu.dma_semaphore, #tpu.memory_space<semaphore_mem>>
      %dma_start3A_162 = arith.constant 0 : i32
      %dma_start3A_163 = arith.constant 0 : i32
      %dma_start3A_164 = tpu.memref_slice %arg5[%run_scoped3A, %dma_start3A_162, %dma_start3A_163] : memref<4x80x128xf32, #tpu.memory_space<vmem>> -> memref<1x80x128xf32, #tpu.memory_space<vmem>>
      %dma_start3A_165 = tpu.memref_squeeze %dma_start3A_164 : memref<1x80x128xf32, #tpu.memory_space<vmem>> -> memref<80x128xf32, #tpu.memory_space<vmem>>
      %dma_start3A_166 = arith.constant 0 : i32
      %dma_start3A_167 = tpu.memref_slice %arg22[%add3A_9, %dma_start3A_166] : memref<10000x128xf32, #tpu.memory_space<vmem_shared>> -> memref<80x128xf32, #tpu.memory_space<vmem_shared>>
      %dma_start3A_168 = arith.constant 0 : i32
      %dma_start3A_169 = tpu.memref_slice %arg22[%add3A_9, %dma_start3A_168] : memref<10000x128xf32, #tpu.memory_space<vmem_shared>> -> memref<80x128xf32, #tpu.memory_space<vmem_shared>>
      %dma_start3A_170 = arith.constant 0 : i32
      %dma_start3A_171 = arith.constant 0 : i32
      %dma_start3A_172 = tpu.memref_slice %arg5[%run_scoped3A, %dma_start3A_170, %dma_start3A_171] : memref<4x80x128xf32, #tpu.memory_space<vmem>> -> memref<1x80x128xf32, #tpu.memory_space<vmem>>
      %dma_start3A_173 = tpu.memref_squeeze %dma_start3A_172 : memref<1x80x128xf32, #tpu.memory_space<vmem>> -> memref<80x128xf32, #tpu.memory_space<vmem>>
      tpu.enqueue_dma source(%dma_start3A_173 : memref<80x128xf32, #tpu.memory_space<vmem>>) target(%dma_start3A_169 : memref<80x128xf32, #tpu.memory_space<vmem_shared>>) target_semaphore(%run_scoped3A_161 : memref<!tpu.dma_semaphore, #tpu.memory_space<semaphore_mem>>)
      %dma_wait3A_174 = arith.constant 0 : i32
      %dma_wait3A_175 = arith.constant 0 : i32
      %dma_wait3A_176 = tpu.memref_slice %arg5[%run_scoped3A, %dma_wait3A_174, %dma_wait3A_175] : memref<4x80x128xf32, #tpu.memory_space<vmem>> -> memref<1x80x128xf32, #tpu.memory_space<vmem>>
      %dma_wait3A_177 = tpu.memref_squeeze %dma_wait3A_176 : memref<1x80x128xf32, #tpu.memory_space<vmem>> -> memref<80x128xf32, #tpu.memory_space<vmem>>
      %dma_wait3A_178 = arith.constant 0 : i32
      %dma_wait3A_179 = tpu.memref_slice %arg22[%add3A_9, %dma_wait3A_178] : memref<10000x128xf32, #tpu.memory_space<vmem_shared>> -> memref<80x128xf32, #tpu.memory_space<vmem_shared>>
      %dma_wait3A_180 = arith.constant 0 : i32
      %dma_wait3A_181 = tpu.memref_slice %arg22[%add3A_9, %dma_wait3A_180] : memref<10000x128xf32, #tpu.memory_space<vmem_shared>> -> memref<80x128xf32, #tpu.memory_space<vmem_shared>>
      %dma_wait3A_182 = arith.constant 0 : i32
      %dma_wait3A_183 = arith.constant 0 : i32
      %dma_wait3A_184 = tpu.memref_slice %arg5[%run_scoped3A, %dma_wait3A_182, %dma_wait3A_183] : memref<4x80x128xf32, #tpu.memory_space<vmem>> -> memref<1x80x128xf32, #tpu.memory_space<vmem>>
      %dma_wait3A_185 = tpu.memref_squeeze %dma_wait3A_184 : memref<1x80x128xf32, #tpu.memory_space<vmem>> -> memref<80x128xf32, #tpu.memory_space<vmem>>
      tpu.wait_dma2 semaphore(%run_scoped3A_161 : memref<!tpu.dma_semaphore, #tpu.memory_space<semaphore_mem>>) src(%dma_wait3A_185 : memref<80x128xf32, #tpu.memory_space<vmem>>) dst(%dma_wait3A_181 : memref<80x128xf32, #tpu.memory_space<vmem_shared>>)
      tpu.yield
    }) : () -> ()
    %add3A_10 = arith.constant 80 : i32
    %add3A_11 = arith.addi %multiple_of3A, %add3A_10 : i32
    %run_scoped3A_12 = arith.constant 0 : i32
    "tpu.region"() ({
      %run_scoped3A_161 = tpu.sem_alloc : memref<!tpu.dma_semaphore, #tpu.memory_space<semaphore_mem>>
      %dma_start3A_162 = arith.constant 0 : i32
      %dma_start3A_163 = arith.constant 0 : i32
      %dma_start3A_164 = tpu.memref_slice %arg5[%run_scoped3A_12, %dma_start3A_162, %dma_start3A_163] : memref<4x80x128xf32, #tpu.memory_space<vmem>> -> memref<1x80x128xf32, #tpu.memory_space<vmem>>
      %dma_start3A_165 = tpu.memref_squeeze %dma_start3A_164 : memref<1x80x128xf32, #tpu.memory_space<vmem>> -> memref<80x128xf32, #tpu.memory_space<vmem>>
      %dma_start3A_166 = arith.constant 0 : i32
      %dma_start3A_167 = tpu.memref_slice %arg22[%add3A_11, %dma_start3A_166] : memref<10000x128xf32, #tpu.memory_space<vmem_shared>> -> memref<80x128xf32, #tpu.memory_space<vmem_shared>>
      %dma_start3A_168 = arith.constant 0 : i32
      %dma_start3A_169 = tpu.memref_slice %arg22[%add3A_11, %dma_start3A_168] : memref<10000x128xf32, #tpu.memory_space<vmem_shared>> -> memref<80x128xf32, #tpu.memory_space<vmem_shared>>
      %dma_start3A_170 = arith.constant 0 : i32
      %dma_start3A_171 = arith.constant 0 : i32
      %dma_start3A_172 = tpu.memref_slice %arg5[%run_scoped3A_12, %dma_start3A_170, %dma_start3A_171] : memref<4x80x128xf32, #tpu.memory_space<vmem>> -> memref<1x80x128xf32, #tpu.memory_space<vmem>>
      %dma_start3A_173 = tpu.memref_squeeze %dma_start3A_172 : memref<1x80x128xf32, #tpu.memory_space<vmem>> -> memref<80x128xf32, #tpu.memory_space<vmem>>
      tpu.enqueue_dma source(%dma_start3A_173 : memref<80x128xf32, #tpu.memory_space<vmem>>) target(%dma_start3A_169 : memref<80x128xf32, #tpu.memory_space<vmem_shared>>) target_semaphore(%run_scoped3A_161 : memref<!tpu.dma_semaphore, #tpu.memory_space<semaphore_mem>>)
      %dma_wait3A_174 = arith.constant 0 : i32
      %dma_wait3A_175 = arith.constant 0 : i32
      %dma_wait3A_176 = tpu.memref_slice %arg5[%run_scoped3A_12, %dma_wait3A_174, %dma_wait3A_175] : memref<4x80x128xf32, #tpu.memory_space<vmem>> -> memref<1x80x128xf32, #tpu.memory_space<vmem>>
      %dma_wait3A_177 = tpu.memref_squeeze %dma_wait3A_176 : memref<1x80x128xf32, #tpu.memory_space<vmem>> -> memref<80x128xf32, #tpu.memory_space<vmem>>
      %dma_wait3A_178 = arith.constant 0 : i32
      %dma_wait3A_179 = tpu.memref_slice %arg22[%add3A_11, %dma_wait3A_178] : memref<10000x128xf32, #tpu.memory_space<vmem_shared>> -> memref<80x128xf32, #tpu.memory_space<vmem_shared>>
      %dma_wait3A_180 = arith.constant 0 : i32
      %dma_wait3A_181 = tpu.memref_slice %arg22[%add3A_11, %dma_wait3A_180] : memref<10000x128xf32, #tpu.memory_space<vmem_shared>> -> memref<80x128xf32, #tpu.memory_space<vmem_shared>>
      %dma_wait3A_182 = arith.constant 0 : i32
      %dma_wait3A_183 = arith.constant 0 : i32
      %dma_wait3A_184 = tpu.memref_slice %arg5[%run_scoped3A_12, %dma_wait3A_182, %dma_wait3A_183] : memref<4x80x128xf32, #tpu.memory_space<vmem>> -> memref<1x80x128xf32, #tpu.memory_space<vmem>>
      %dma_wait3A_185 = tpu.memref_squeeze %dma_wait3A_184 : memref<1x80x128xf32, #tpu.memory_space<vmem>> -> memref<80x128xf32, #tpu.memory_space<vmem>>
      tpu.wait_dma2 semaphore(%run_scoped3A_161 : memref<!tpu.dma_semaphore, #tpu.memory_space<semaphore_mem>>) src(%dma_wait3A_185 : memref<80x128xf32, #tpu.memory_space<vmem>>) dst(%dma_wait3A_181 : memref<80x128xf32, #tpu.memory_space<vmem_shared>>)
      tpu.yield
    }) : () -> ()
    %add3A_13 = arith.constant 160 : i32
    %add3A_14 = arith.addi %multiple_of3A, %add3A_13 : i32
    %run_scoped3A_15 = arith.constant 0 : i32
    "tpu.region"() ({
      %run_scoped3A_161 = tpu.sem_alloc : memref<!tpu.dma_semaphore, #tpu.memory_space<semaphore_mem>>
      %dma_start3A_162 = arith.constant 0 : i32
      %dma_start3A_163 = arith.constant 0 : i32
      %dma_start3A_164 = tpu.memref_slice %arg5[%run_scoped3A_15, %dma_start3A_162, %dma_start3A_163] : memref<4x80x128xf32, #tpu.memory_space<vmem>> -> memref<1x80x128xf32, #tpu.memory_space<vmem>>
      %dma_start3A_165 = tpu.memref_squeeze %dma_start3A_164 : memref<1x80x128xf32, #tpu.memory_space<vmem>> -> memref<80x128xf32, #tpu.memory_space<vmem>>
      %dma_start3A_166 = arith.constant 0 : i32
      %dma_start3A_167 = tpu.memref_slice %arg22[%add3A_14, %dma_start3A_166] : memref<10000x128xf32, #tpu.memory_space<vmem_shared>> -> memref<80x128xf32, #tpu.memory_space<vmem_shared>>
      %dma_start3A_168 = arith.constant 0 : i32
      %dma_start3A_169 = tpu.memref_slice %arg22[%add3A_14, %dma_start3A_168] : memref<10000x128xf32, #tpu.memory_space<vmem_shared>> -> memref<80x128xf32, #tpu.memory_space<vmem_shared>>
      %dma_start3A_170 = arith.constant 0 : i32
      %dma_start3A_171 = arith.constant 0 : i32
      %dma_start3A_172 = tpu.memref_slice %arg5[%run_scoped3A_15, %dma_start3A_170, %dma_start3A_171] : memref<4x80x128xf32, #tpu.memory_space<vmem>> -> memref<1x80x128xf32, #tpu.memory_space<vmem>>
      %dma_start3A_173 = tpu.memref_squeeze %dma_start3A_172 : memref<1x80x128xf32, #tpu.memory_space<vmem>> -> memref<80x128xf32, #tpu.memory_space<vmem>>
      tpu.enqueue_dma source(%dma_start3A_173 : memref<80x128xf32, #tpu.memory_space<vmem>>) target(%dma_start3A_169 : memref<80x128xf32, #tpu.memory_space<vmem_shared>>) target_semaphore(%run_scoped3A_161 : memref<!tpu.dma_semaphore, #tpu.memory_space<semaphore_mem>>)
      %dma_wait3A_174 = arith.constant 0 : i32
      %dma_wait3A_175 = arith.constant 0 : i32
      %dma_wait3A_176 = tpu.memref_slice %arg5[%run_scoped3A_15, %dma_wait3A_174, %dma_wait3A_175] : memref<4x80x128xf32, #tpu.memory_space<vmem>> -> memref<1x80x128xf32, #tpu.memory_space<vmem>>
      %dma_wait3A_177 = tpu.memref_squeeze %dma_wait3A_176 : memref<1x80x128xf32, #tpu.memory_space<vmem>> -> memref<80x128xf32, #tpu.memory_space<vmem>>
      %dma_wait3A_178 = arith.constant 0 : i32
      %dma_wait3A_179 = tpu.memref_slice %arg22[%add3A_14, %dma_wait3A_178] : memref<10000x128xf32, #tpu.memory_space<vmem_shared>> -> memref<80x128xf32, #tpu.memory_space<vmem_shared>>
      %dma_wait3A_180 = arith.constant 0 : i32
      %dma_wait3A_181 = tpu.memref_slice %arg22[%add3A_14, %dma_wait3A_180] : memref<10000x128xf32, #tpu.memory_space<vmem_shared>> -> memref<80x128xf32, #tpu.memory_space<vmem_shared>>
      %dma_wait3A_182 = arith.constant 0 : i32
      %dma_wait3A_183 = arith.constant 0 : i32
      %dma_wait3A_184 = tpu.memref_slice %arg5[%run_scoped3A_15, %dma_wait3A_182, %dma_wait3A_183] : memref<4x80x128xf32, #tpu.memory_space<vmem>> -> memref<1x80x128xf32, #tpu.memory_space<vmem>>
      %dma_wait3A_185 = tpu.memref_squeeze %dma_wait3A_184 : memref<1x80x128xf32, #tpu.memory_space<vmem>> -> memref<80x128xf32, #tpu.memory_space<vmem>>
      tpu.wait_dma2 semaphore(%run_scoped3A_161 : memref<!tpu.dma_semaphore, #tpu.memory_space<semaphore_mem>>) src(%dma_wait3A_185 : memref<80x128xf32, #tpu.memory_space<vmem>>) dst(%dma_wait3A_181 : memref<80x128xf32, #tpu.memory_space<vmem_shared>>)
      tpu.yield
    }) : () -> ()
    %add3A_16 = arith.constant 240 : i32
    %add3A_17 = arith.addi %multiple_of3A, %add3A_16 : i32
    %run_scoped3A_18 = arith.constant 0 : i32
    "tpu.region"() ({
      %run_scoped3A_161 = tpu.sem_alloc : memref<!tpu.dma_semaphore, #tpu.memory_space<semaphore_mem>>
      %dma_start3A_162 = arith.constant 0 : i32
      %dma_start3A_163 = arith.constant 0 : i32
      %dma_start3A_164 = tpu.memref_slice %arg5[%run_scoped3A_18, %dma_start3A_162, %dma_start3A_163] : memref<4x80x128xf32, #tpu.memory_space<vmem>> -> memref<1x80x128xf32, #tpu.memory_space<vmem>>
      %dma_start3A_165 = tpu.memref_squeeze %dma_start3A_164 : memref<1x80x128xf32, #tpu.memory_space<vmem>> -> memref<80x128xf32, #tpu.memory_space<vmem>>
      %dma_start3A_166 = arith.constant 0 : i32
      %dma_start3A_167 = tpu.memref_slice %arg22[%add3A_17, %dma_start3A_166] : memref<10000x128xf32, #tpu.memory_space<vmem_shared>> -> memref<80x128xf32, #tpu.memory_space<vmem_shared>>
      %dma_start3A_168 = arith.constant 0 : i32
      %dma_start3A_169 = tpu.memref_slice %arg22[%add3A_17, %dma_start3A_168] : memref<10000x128xf32, #tpu.memory_space<vmem_shared>> -> memref<80x128xf32, #tpu.memory_space<vmem_shared>>
      %dma_start3A_170 = arith.constant 0 : i32
      %dma_start3A_171 = arith.constant 0 : i32
      %dma_start3A_172 = tpu.memref_slice %arg5[%run_scoped3A_18, %dma_start3A_170, %dma_start3A_171] : memref<4x80x128xf32, #tpu.memory_space<vmem>> -> memref<1x80x128xf32, #tpu.memory_space<vmem>>
      %dma_start3A_173 = tpu.memref_squeeze %dma_start3A_172 : memref<1x80x128xf32, #tpu.memory_space<vmem>> -> memref<80x128xf32, #tpu.memory_space<vmem>>
      tpu.enqueue_dma source(%dma_start3A_173 : memref<80x128xf32, #tpu.memory_space<vmem>>) target(%dma_start3A_169 : memref<80x128xf32, #tpu.memory_space<vmem_shared>>) target_semaphore(%run_scoped3A_161 : memref<!tpu.dma_semaphore, #tpu.memory_space<semaphore_mem>>)
      %dma_wait3A_174 = arith.constant 0 : i32
      %dma_wait3A_175 = arith.constant 0 : i32
      %dma_wait3A_176 = tpu.memref_slice %arg5[%run_scoped3A_18, %dma_wait3A_174, %dma_wait3A_175] : memref<4x80x128xf32, #tpu.memory_space<vmem>> -> memref<1x80x128xf32, #tpu.memory_space<vmem>>
      %dma_wait3A_177 = tpu.memref_squeeze %dma_wait3A_176 : memref<1x80x128xf32, #tpu.memory_space<vmem>> -> memref<80x128xf32, #tpu.memory_space<vmem>>
      %dma_wait3A_178 = arith.constant 0 : i32
      %dma_wait3A_179 = tpu.memref_slice %arg22[%add3A_17, %dma_wait3A_178] : memref<10000x128xf32, #tpu.memory_space<vmem_shared>> -> memref<80x128xf32, #tpu.memory_space<vmem_shared>>
      %dma_wait3A_180 = arith.constant 0 : i32
      %dma_wait3A_181 = tpu.memref_slice %arg22[%add3A_17, %dma_wait3A_180] : memref<10000x128xf32, #tpu.memory_space<vmem_shared>> -> memref<80x128xf32, #tpu.memory_space<vmem_shared>>
      %dma_wait3A_182 = arith.constant 0 : i32
      %dma_wait3A_183 = arith.constant 0 : i32
      %dma_wait3A_184 = tpu.memref_slice %arg5[%run_scoped3A_18, %dma_wait3A_182, %dma_wait3A_183] : memref<4x80x128xf32, #tpu.memory_space<vmem>> -> memref<1x80x128xf32, #tpu.memory_space<vmem>>
      %dma_wait3A_185 = tpu.memref_squeeze %dma_wait3A_184 : memref<1x80x128xf32, #tpu.memory_space<vmem>> -> memref<80x128xf32, #tpu.memory_space<vmem>>
      tpu.wait_dma2 semaphore(%run_scoped3A_161 : memref<!tpu.dma_semaphore, #tpu.memory_space<semaphore_mem>>) src(%dma_wait3A_185 : memref<80x128xf32, #tpu.memory_space<vmem>>) dst(%dma_wait3A_181 : memref<80x128xf32, #tpu.memory_space<vmem_shared>>)
      tpu.yield
    }) : () -> ()
    %add3A_19 = arith.constant 320 : i32
    %add3A_20 = arith.addi %multiple_of3A, %add3A_19 : i32
    %run_scoped3A_21 = arith.constant 0 : i32
    "tpu.region"() ({
      %run_scoped3A_161 = tpu.sem_alloc : memref<!tpu.dma_semaphore, #tpu.memory_space<semaphore_mem>>
      %dma_start3A_162 = arith.constant 0 : i32
      %dma_start3A_163 = arith.constant 0 : i32
      %dma_start3A_164 = tpu.memref_slice %arg5[%run_scoped3A_21, %dma_start3A_162, %dma_start3A_163] : memref<4x80x128xf32, #tpu.memory_space<vmem>> -> memref<1x80x128xf32, #tpu.memory_space<vmem>>
      %dma_start3A_165 = tpu.memref_squeeze %dma_start3A_164 : memref<1x80x128xf32, #tpu.memory_space<vmem>> -> memref<80x128xf32, #tpu.memory_space<vmem>>
      %dma_start3A_166 = arith.constant 0 : i32
      %dma_start3A_167 = tpu.memref_slice %arg22[%add3A_20, %dma_start3A_166] : memref<10000x128xf32, #tpu.memory_space<vmem_shared>> -> memref<80x128xf32, #tpu.memory_space<vmem_shared>>
      %dma_start3A_168 = arith.constant 0 : i32
      %dma_start3A_169 = tpu.memref_slice %arg22[%add3A_20, %dma_start3A_168] : memref<10000x128xf32, #tpu.memory_space<vmem_shared>> -> memref<80x128xf32, #tpu.memory_space<vmem_shared>>
      %dma_start3A_170 = arith.constant 0 : i32
      %dma_start3A_171 = arith.constant 0 : i32
      %dma_start3A_172 = tpu.memref_slice %arg5[%run_scoped3A_21, %dma_start3A_170, %dma_start3A_171] : memref<4x80x128xf32, #tpu.memory_space<vmem>> -> memref<1x80x128xf32, #tpu.memory_space<vmem>>
      %dma_start3A_173 = tpu.memref_squeeze %dma_start3A_172 : memref<1x80x128xf32, #tpu.memory_space<vmem>> -> memref<80x128xf32, #tpu.memory_space<vmem>>
      tpu.enqueue_dma source(%dma_start3A_173 : memref<80x128xf32, #tpu.memory_space<vmem>>) target(%dma_start3A_169 : memref<80x128xf32, #tpu.memory_space<vmem_shared>>) target_semaphore(%run_scoped3A_161 : memref<!tpu.dma_semaphore, #tpu.memory_space<semaphore_mem>>)
      %dma_wait3A_174 = arith.constant 0 : i32
      %dma_wait3A_175 = arith.constant 0 : i32
      %dma_wait3A_176 = tpu.memref_slice %arg5[%run_scoped3A_21, %dma_wait3A_174, %dma_wait3A_175] : memref<4x80x128xf32, #tpu.memory_space<vmem>> -> memref<1x80x128xf32, #tpu.memory_space<vmem>>
      %dma_wait3A_177 = tpu.memref_squeeze %dma_wait3A_176 : memref<1x80x128xf32, #tpu.memory_space<vmem>> -> memref<80x128xf32, #tpu.memory_space<vmem>>
      %dma_wait3A_178 = arith.constant 0 : i32
      %dma_wait3A_179 = tpu.memref_slice %arg22[%add3A_20, %dma_wait3A_178] : memref<10000x128xf32, #tpu.memory_space<vmem_shared>> -> memref<80x128xf32, #tpu.memory_space<vmem_shared>>
      %dma_wait3A_180 = arith.constant 0 : i32
      %dma_wait3A_181 = tpu.memref_slice %arg22[%add3A_20, %dma_wait3A_180] : memref<10000x128xf32, #tpu.memory_space<vmem_shared>> -> memref<80x128xf32, #tpu.memory_space<vmem_shared>>
      %dma_wait3A_182 = arith.constant 0 : i32
      %dma_wait3A_183 = arith.constant 0 : i32
      %dma_wait3A_184 = tpu.memref_slice %arg5[%run_scoped3A_21, %dma_wait3A_182, %dma_wait3A_183] : memref<4x80x128xf32, #tpu.memory_space<vmem>> -> memref<1x80x128xf32, #tpu.memory_space<vmem>>
      %dma_wait3A_185 = tpu.memref_squeeze %dma_wait3A_184 : memref<1x80x128xf32, #tpu.memory_space<vmem>> -> memref<80x128xf32, #tpu.memory_space<vmem>>
      tpu.wait_dma2 semaphore(%run_scoped3A_161 : memref<!tpu.dma_semaphore, #tpu.memory_space<semaphore_mem>>) src(%dma_wait3A_185 : memref<80x128xf32, #tpu.memory_space<vmem>>) dst(%dma_wait3A_181 : memref<80x128xf32, #tpu.memory_space<vmem_shared>>)
      tpu.yield
    }) : () -> ()
    %add3A_22 = arith.constant 400 : i32
    %add3A_23 = arith.addi %multiple_of3A, %add3A_22 : i32
    %run_scoped3A_24 = arith.constant 0 : i32
    "tpu.region"() ({
      %run_scoped3A_161 = tpu.sem_alloc : memref<!tpu.dma_semaphore, #tpu.memory_space<semaphore_mem>>
      %dma_start3A_162 = arith.constant 0 : i32
      %dma_start3A_163 = arith.constant 0 : i32
      %dma_start3A_164 = tpu.memref_slice %arg5[%run_scoped3A_24, %dma_start3A_162, %dma_start3A_163] : memref<4x80x128xf32, #tpu.memory_space<vmem>> -> memref<1x80x128xf32, #tpu.memory_space<vmem>>
      %dma_start3A_165 = tpu.memref_squeeze %dma_start3A_164 : memref<1x80x128xf32, #tpu.memory_space<vmem>> -> memref<80x128xf32, #tpu.memory_space<vmem>>
      %dma_start3A_166 = arith.constant 0 : i32
      %dma_start3A_167 = tpu.memref_slice %arg22[%add3A_23, %dma_start3A_166] : memref<10000x128xf32, #tpu.memory_space<vmem_shared>> -> memref<80x128xf32, #tpu.memory_space<vmem_shared>>
      %dma_start3A_168 = arith.constant 0 : i32
      %dma_start3A_169 = tpu.memref_slice %arg22[%add3A_23, %dma_start3A_168] : memref<10000x128xf32, #tpu.memory_space<vmem_shared>> -> memref<80x128xf32, #tpu.memory_space<vmem_shared>>
      %dma_start3A_170 = arith.constant 0 : i32
      %dma_start3A_171 = arith.constant 0 : i32
      %dma_start3A_172 = tpu.memref_slice %arg5[%run_scoped3A_24, %dma_start3A_170, %dma_start3A_171] : memref<4x80x128xf32, #tpu.memory_space<vmem>> -> memref<1x80x128xf32, #tpu.memory_space<vmem>>
      %dma_start3A_173 = tpu.memref_squeeze %dma_start3A_172 : memref<1x80x128xf32, #tpu.memory_space<vmem>> -> memref<80x128xf32, #tpu.memory_space<vmem>>
      tpu.enqueue_dma source(%dma_start3A_173 : memref<80x128xf32, #tpu.memory_space<vmem>>) target(%dma_start3A_169 : memref<80x128xf32, #tpu.memory_space<vmem_shared>>) target_semaphore(%run_scoped3A_161 : memref<!tpu.dma_semaphore, #tpu.memory_space<semaphore_mem>>)
      %dma_wait3A_174 = arith.constant 0 : i32
      %dma_wait3A_175 = arith.constant 0 : i32
      %dma_wait3A_176 = tpu.memref_slice %arg5[%run_scoped3A_24, %dma_wait3A_174, %dma_wait3A_175] : memref<4x80x128xf32, #tpu.memory_space<vmem>> -> memref<1x80x128xf32, #tpu.memory_space<vmem>>
      %dma_wait3A_177 = tpu.memref_squeeze %dma_wait3A_176 : memref<1x80x128xf32, #tpu.memory_space<vmem>> -> memref<80x128xf32, #tpu.memory_space<vmem>>
      %dma_wait3A_178 = arith.constant 0 : i32
      %dma_wait3A_179 = tpu.memref_slice %arg22[%add3A_23, %dma_wait3A_178] : memref<10000x128xf32, #tpu.memory_space<vmem_shared>> -> memref<80x128xf32, #tpu.memory_space<vmem_shared>>
      %dma_wait3A_180 = arith.constant 0 : i32
      %dma_wait3A_181 = tpu.memref_slice %arg22[%add3A_23, %dma_wait3A_180] : memref<10000x128xf32, #tpu.memory_space<vmem_shared>> -> memref<80x128xf32, #tpu.memory_space<vmem_shared>>
      %dma_wait3A_182 = arith.constant 0 : i32
      %dma_wait3A_183 = arith.constant 0 : i32
      %dma_wait3A_184 = tpu.memref_slice %arg5[%run_scoped3A_24, %dma_wait3A_182, %dma_wait3A_183] : memref<4x80x128xf32, #tpu.memory_space<vmem>> -> memref<1x80x128xf32, #tpu.memory_space<vmem>>
      %dma_wait3A_185 = tpu.memref_squeeze %dma_wait3A_184 : memref<1x80x128xf32, #tpu.memory_space<vmem>> -> memref<80x128xf32, #tpu.memory_space<vmem>>
      tpu.wait_dma2 semaphore(%run_scoped3A_161 : memref<!tpu.dma_semaphore, #tpu.memory_space<semaphore_mem>>) src(%dma_wait3A_185 : memref<80x128xf32, #tpu.memory_space<vmem>>) dst(%dma_wait3A_181 : memref<80x128xf32, #tpu.memory_space<vmem_shared>>)
      tpu.yield
    }) : () -> ()
    %add3A_25 = arith.constant 480 : i32
    %add3A_26 = arith.addi %multiple_of3A, %add3A_25 : i32
    %run_scoped3A_27 = arith.constant 0 : i32
    "tpu.region"() ({
      %run_scoped3A_161 = tpu.sem_alloc : memref<!tpu.dma_semaphore, #tpu.memory_space<semaphore_mem>>
      %dma_start3A_162 = arith.constant 0 : i32
      %dma_start3A_163 = arith.constant 0 : i32
      %dma_start3A_164 = tpu.memref_slice %arg5[%run_scoped3A_27, %dma_start3A_162, %dma_start3A_163] : memref<4x80x128xf32, #tpu.memory_space<vmem>> -> memref<1x80x128xf32, #tpu.memory_space<vmem>>
      %dma_start3A_165 = tpu.memref_squeeze %dma_start3A_164 : memref<1x80x128xf32, #tpu.memory_space<vmem>> -> memref<80x128xf32, #tpu.memory_space<vmem>>
      %dma_start3A_166 = arith.constant 0 : i32
      %dma_start3A_167 = tpu.memref_slice %arg22[%add3A_26, %dma_start3A_166] : memref<10000x128xf32, #tpu.memory_space<vmem_shared>> -> memref<80x128xf32, #tpu.memory_space<vmem_shared>>
      %dma_start3A_168 = arith.constant 0 : i32
      %dma_start3A_169 = tpu.memref_slice %arg22[%add3A_26, %dma_start3A_168] : memref<10000x128xf32, #tpu.memory_space<vmem_shared>> -> memref<80x128xf32, #tpu.memory_space<vmem_shared>>
      %dma_start3A_170 = arith.constant 0 : i32
      %dma_start3A_171 = arith.constant 0 : i32
      %dma_start3A_172 = tpu.memref_slice %arg5[%run_scoped3A_27, %dma_start3A_170, %dma_start3A_171] : memref<4x80x128xf32, #tpu.memory_space<vmem>> -> memref<1x80x128xf32, #tpu.memory_space<vmem>>
      %dma_start3A_173 = tpu.memref_squeeze %dma_start3A_172 : memref<1x80x128xf32, #tpu.memory_space<vmem>> -> memref<80x128xf32, #tpu.memory_space<vmem>>
      tpu.enqueue_dma source(%dma_start3A_173 : memref<80x128xf32, #tpu.memory_space<vmem>>) target(%dma_start3A_169 : memref<80x128xf32, #tpu.memory_space<vmem_shared>>) target_semaphore(%run_scoped3A_161 : memref<!tpu.dma_semaphore, #tpu.memory_space<semaphore_mem>>)
      %dma_wait3A_174 = arith.constant 0 : i32
      %dma_wait3A_175 = arith.constant 0 : i32
      %dma_wait3A_176 = tpu.memref_slice %arg5[%run_scoped3A_27, %dma_wait3A_174, %dma_wait3A_175] : memref<4x80x128xf32, #tpu.memory_space<vmem>> -> memref<1x80x128xf32, #tpu.memory_space<vmem>>
      %dma_wait3A_177 = tpu.memref_squeeze %dma_wait3A_176 : memref<1x80x128xf32, #tpu.memory_space<vmem>> -> memref<80x128xf32, #tpu.memory_space<vmem>>
      %dma_wait3A_178 = arith.constant 0 : i32
      %dma_wait3A_179 = tpu.memref_slice %arg22[%add3A_26, %dma_wait3A_178] : memref<10000x128xf32, #tpu.memory_space<vmem_shared>> -> memref<80x128xf32, #tpu.memory_space<vmem_shared>>
      %dma_wait3A_180 = arith.constant 0 : i32
      %dma_wait3A_181 = tpu.memref_slice %arg22[%add3A_26, %dma_wait3A_180] : memref<10000x128xf32, #tpu.memory_space<vmem_shared>> -> memref<80x128xf32, #tpu.memory_space<vmem_shared>>
      %dma_wait3A_182 = arith.constant 0 : i32
      %dma_wait3A_183 = arith.constant 0 : i32
      %dma_wait3A_184 = tpu.memref_slice %arg5[%run_scoped3A_27, %dma_wait3A_182, %dma_wait3A_183] : memref<4x80x128xf32, #tpu.memory_space<vmem>> -> memref<1x80x128xf32, #tpu.memory_space<vmem>>
      %dma_wait3A_185 = tpu.memref_squeeze %dma_wait3A_184 : memref<1x80x128xf32, #tpu.memory_space<vmem>> -> memref<80x128xf32, #tpu.memory_space<vmem>>
      tpu.wait_dma2 semaphore(%run_scoped3A_161 : memref<!tpu.dma_semaphore, #tpu.memory_space<semaphore_mem>>) src(%dma_wait3A_185 : memref<80x128xf32, #tpu.memory_space<vmem>>) dst(%dma_wait3A_181 : memref<80x128xf32, #tpu.memory_space<vmem_shared>>)
      tpu.yield
    }) : () -> ()
    %add3A_28 = arith.constant 560 : i32
    %add3A_29 = arith.addi %multiple_of3A, %add3A_28 : i32
    %run_scoped3A_30 = arith.constant 0 : i32
    "tpu.region"() ({
      %run_scoped3A_161 = tpu.sem_alloc : memref<!tpu.dma_semaphore, #tpu.memory_space<semaphore_mem>>
      %dma_start3A_162 = arith.constant 0 : i32
      %dma_start3A_163 = arith.constant 0 : i32
      %dma_start3A_164 = tpu.memref_slice %arg5[%run_scoped3A_30, %dma_start3A_162, %dma_start3A_163] : memref<4x80x128xf32, #tpu.memory_space<vmem>> -> memref<1x64x128xf32, #tpu.memory_space<vmem>>
      %dma_start3A_165 = tpu.memref_squeeze %dma_start3A_164 : memref<1x64x128xf32, #tpu.memory_space<vmem>> -> memref<64x128xf32, #tpu.memory_space<vmem>>
      %dma_start3A_166 = arith.constant 0 : i32
      %dma_start3A_167 = tpu.memref_slice %arg22[%add3A_29, %dma_start3A_166] : memref<10000x128xf32, #tpu.memory_space<vmem_shared>> -> memref<64x128xf32, #tpu.memory_space<vmem_shared>>
      %dma_start3A_168 = arith.constant 0 : i32
      %dma_start3A_169 = tpu.memref_slice %arg22[%add3A_29, %dma_start3A_168] : memref<10000x128xf32, #tpu.memory_space<vmem_shared>> -> memref<64x128xf32, #tpu.memory_space<vmem_shared>>
      %dma_start3A_170 = arith.constant 0 : i32
      %dma_start3A_171 = arith.constant 0 : i32
      %dma_start3A_172 = tpu.memref_slice %arg5[%run_scoped3A_30, %dma_start3A_170, %dma_start3A_171] : memref<4x80x128xf32, #tpu.memory_space<vmem>> -> memref<1x64x128xf32, #tpu.memory_space<vmem>>
      %dma_start3A_173 = tpu.memref_squeeze %dma_start3A_172 : memref<1x64x128xf32, #tpu.memory_space<vmem>> -> memref<64x128xf32, #tpu.memory_space<vmem>>
      tpu.enqueue_dma source(%dma_start3A_173 : memref<64x128xf32, #tpu.memory_space<vmem>>) target(%dma_start3A_169 : memref<64x128xf32, #tpu.memory_space<vmem_shared>>) target_semaphore(%run_scoped3A_161 : memref<!tpu.dma_semaphore, #tpu.memory_space<semaphore_mem>>)
      %dma_wait3A_174 = arith.constant 0 : i32
      %dma_wait3A_175 = arith.constant 0 : i32
      %dma_wait3A_176 = tpu.memref_slice %arg5[%run_scoped3A_30, %dma_wait3A_174, %dma_wait3A_175] : memref<4x80x128xf32, #tpu.memory_space<vmem>> -> memref<1x64x128xf32, #tpu.memory_space<vmem>>
      %dma_wait3A_177 = tpu.memref_squeeze %dma_wait3A_176 : memref<1x64x128xf32, #tpu.memory_space<vmem>> -> memref<64x128xf32, #tpu.memory_space<vmem>>
      %dma_wait3A_178 = arith.constant 0 : i32
      %dma_wait3A_179 = tpu.memref_slice %arg22[%add3A_29, %dma_wait3A_178] : memref<10000x128xf32, #tpu.memory_space<vmem_shared>> -> memref<64x128xf32, #tpu.memory_space<vmem_shared>>
      %dma_wait3A_180 = arith.constant 0 : i32
      %dma_wait3A_181 = tpu.memref_slice %arg22[%add3A_29, %dma_wait3A_180] : memref<10000x128xf32, #tpu.memory_space<vmem_shared>> -> memref<64x128xf32, #tpu.memory_space<vmem_shared>>
      %dma_wait3A_182 = arith.constant 0 : i32
      %dma_wait3A_183 = arith.constant 0 : i32
      %dma_wait3A_184 = tpu.memref_slice %arg5[%run_scoped3A_30, %dma_wait3A_182, %dma_wait3A_183] : memref<4x80x128xf32, #tpu.memory_space<vmem>> -> memref<1x64x128xf32, #tpu.memory_space<vmem>>
      %dma_wait3A_185 = tpu.memref_squeeze %dma_wait3A_184 : memref<1x64x128xf32, #tpu.memory_space<vmem>> -> memref<64x128xf32, #tpu.memory_space<vmem>>
      tpu.wait_dma2 semaphore(%run_scoped3A_161 : memref<!tpu.dma_semaphore, #tpu.memory_space<semaphore_mem>>) src(%dma_wait3A_185 : memref<64x128xf32, #tpu.memory_space<vmem>>) dst(%dma_wait3A_181 : memref<64x128xf32, #tpu.memory_space<vmem_shared>>)
      tpu.yield
    }) : () -> ()
    %eq3A = arith.constant 0 : i32
    %eq3A_31 = arith.cmpi eq, %arg1, %eq3A : i32
    %convert_element_type3A = arith.extui %eq3A_31 : i1 to i32
    %cond3A = arith.constant 0 : i32
    %cond3A_32 = arith.cmpi ne, %convert_element_type3A, %cond3A : i32
    scf.if %cond3A_32 {
      %run_scoped3A_161 = arith.constant 0 : i32
      "tpu.region"() ({
        %run_scoped3A_162 = tpu.sem_alloc : memref<!tpu.dma_semaphore, #tpu.memory_space<semaphore_mem>>
        %dma_start3A_163 = arith.constant 0 : i32
        %dma_start3A_164 = arith.constant 0 : i32
        %dma_start3A_165 = tpu.memref_slice %arg5[%run_scoped3A_161, %dma_start3A_163, %dma_start3A_164] : memref<4x80x128xf32, #tpu.memory_space<vmem>> -> memref<1x16x128xf32, #tpu.memory_space<vmem>>
        %dma_start3A_166 = tpu.memref_squeeze %dma_start3A_165 : memref<1x16x128xf32, #tpu.memory_space<vmem>> -> memref<16x128xf32, #tpu.memory_space<vmem>>
        %dma_start3A_167 = arith.constant 9984 : i32
        %dma_start3A_168 = arith.constant 0 : i32
        %dma_start3A_169 = tpu.memref_slice %arg22[%dma_start3A_167, %dma_start3A_168] : memref<10000x128xf32, #tpu.memory_space<vmem_shared>> -> memref<16x128xf32, #tpu.memory_space<vmem_shared>>
        %dma_start3A_170 = arith.constant 9984 : i32
        %dma_start3A_171 = arith.constant 0 : i32
        %dma_start3A_172 = tpu.memref_slice %arg22[%dma_start3A_170, %dma_start3A_171] : memref<10000x128xf32, #tpu.memory_space<vmem_shared>> -> memref<16x128xf32, #tpu.memory_space<vmem_shared>>
        %dma_start3A_173 = arith.constant 0 : i32
        %dma_start3A_174 = arith.constant 0 : i32
        %dma_start3A_175 = tpu.memref_slice %arg5[%run_scoped3A_161, %dma_start3A_173, %dma_start3A_174] : memref<4x80x128xf32, #tpu.memory_space<vmem>> -> memref<1x16x128xf32, #tpu.memory_space<vmem>>
        %dma_start3A_176 = tpu.memref_squeeze %dma_start3A_175 : memref<1x16x128xf32, #tpu.memory_space<vmem>> -> memref<16x128xf32, #tpu.memory_space<vmem>>
        tpu.enqueue_dma source(%dma_start3A_176 : memref<16x128xf32, #tpu.memory_space<vmem>>) target(%dma_start3A_172 : memref<16x128xf32, #tpu.memory_space<vmem_shared>>) target_semaphore(%run_scoped3A_162 : memref<!tpu.dma_semaphore, #tpu.memory_space<semaphore_mem>>)
        %dma_wait3A_177 = arith.constant 0 : i32
        %dma_wait3A_178 = arith.constant 0 : i32
        %dma_wait3A_179 = tpu.memref_slice %arg5[%run_scoped3A_161, %dma_wait3A_177, %dma_wait3A_178] : memref<4x80x128xf32, #tpu.memory_space<vmem>> -> memref<1x16x128xf32, #tpu.memory_space<vmem>>
        %dma_wait3A_180 = tpu.memref_squeeze %dma_wait3A_179 : memref<1x16x128xf32, #tpu.memory_space<vmem>> -> memref<16x128xf32, #tpu.memory_space<vmem>>
        %dma_wait3A_181 = arith.constant 9984 : i32
        %dma_wait3A_182 = arith.constant 0 : i32
        %dma_wait3A_183 = tpu.memref_slice %arg22[%dma_wait3A_181, %dma_wait3A_182] : memref<10000x128xf32, #tpu.memory_space<vmem_shared>> -> memref<16x128xf32, #tpu.memory_space<vmem_shared>>
        %dma_wait3A_184 = arith.constant 9984 : i32
        %dma_wait3A_185 = arith.constant 0 : i32
        %dma_wait3A_186 = tpu.memref_slice %arg22[%dma_wait3A_184, %dma_wait3A_185] : memref<10000x128xf32, #tpu.memory_space<vmem_shared>> -> memref<16x128xf32, #tpu.memory_space<vmem_shared>>
        %dma_wait3A_187 = arith.constant 0 : i32
        %dma_wait3A_188 = arith.constant 0 : i32
        %dma_wait3A_189 = tpu.memref_slice %arg5[%run_scoped3A_161, %dma_wait3A_187, %dma_wait3A_188] : memref<4x80x128xf32, #tpu.memory_space<vmem>> -> memref<1x16x128xf32, #tpu.memory_space<vmem>>
        %dma_wait3A_190 = tpu.memref_squeeze %dma_wait3A_189 : memref<1x16x128xf32, #tpu.memory_space<vmem>> -> memref<16x128xf32, #tpu.memory_space<vmem>>
        tpu.wait_dma2 semaphore(%run_scoped3A_162 : memref<!tpu.dma_semaphore, #tpu.memory_space<semaphore_mem>>) src(%dma_wait3A_190 : memref<16x128xf32, #tpu.memory_space<vmem>>) dst(%dma_wait3A_186 : memref<16x128xf32, #tpu.memory_space<vmem_shared>>)
        tpu.yield
      }) : () -> ()
    } else {
    }
    %barrier3A = arith.constant 0 : index
    tpu.barrier barrier_id(%barrier3A)
    %mul3A_33 = arith.constant 10000 : i32
    %mul3A_34 = arith.muli %add3A, %mul3A_33 : i32
    %add3A_35 = arith.constant 0 : i32
    %add3A_36 = arith.addi %mul3A_34, %add3A_35 : i32
    %dma_start3A = tpu.memref_slice %arg3[%add3A_36] : memref<640000xi32, #tpu.memory_space<hbm>> -> memref<80xi32, #tpu.memory_space<hbm>>
    %dma_start3A_37 = tpu.memref_slice %arg3[%add3A_36] : memref<640000xi32, #tpu.memory_space<hbm>> -> memref<80xi32, #tpu.memory_space<hbm>>
    tpu.enqueue_dma source(%dma_start3A_37 : memref<80xi32, #tpu.memory_space<hbm>>) target(%arg6 : memref<80xi32, #tpu.memory_space<vmem>>) target_semaphore(%arg31 : memref<!tpu.dma_semaphore, #tpu.memory_space<semaphore_mem>>)
    %add3A_38 = arith.constant 320000 : i32
    %add3A_39 = arith.addi %add3A_38, %add3A_36 : i32
    %dma_start3A_40 = tpu.memref_slice %arg3[%add3A_39] : memref<640000xi32, #tpu.memory_space<hbm>> -> memref<80xi32, #tpu.memory_space<hbm>>
    %dma_start3A_41 = tpu.memref_slice %arg3[%add3A_39] : memref<640000xi32, #tpu.memory_space<hbm>> -> memref<80xi32, #tpu.memory_space<hbm>>
    tpu.enqueue_dma source(%dma_start3A_41 : memref<80xi32, #tpu.memory_space<hbm>>) target(%arg14 : memref<80xi32, #tpu.memory_space<vmem>>) target_semaphore(%arg39 : memref<!tpu.dma_semaphore, #tpu.memory_space<semaphore_mem>>)
    %add3A_42 = arith.constant 80 : i32
    %add3A_43 = arith.addi %mul3A_34, %add3A_42 : i32
    %dma_start3A_44 = tpu.memref_slice %arg3[%add3A_43] : memref<640000xi32, #tpu.memory_space<hbm>> -> memref<80xi32, #tpu.memory_space<hbm>>
    %dma_start3A_45 = tpu.memref_slice %arg3[%add3A_43] : memref<640000xi32, #tpu.memory_space<hbm>> -> memref<80xi32, #tpu.memory_space<hbm>>
    tpu.enqueue_dma source(%dma_start3A_45 : memref<80xi32, #tpu.memory_space<hbm>>) target(%arg7 : memref<80xi32, #tpu.memory_space<vmem>>) target_semaphore(%arg32 : memref<!tpu.dma_semaphore, #tpu.memory_space<semaphore_mem>>)
    %add3A_46 = arith.constant 320000 : i32
    %add3A_47 = arith.addi %add3A_46, %add3A_43 : i32
    %dma_start3A_48 = tpu.memref_slice %arg3[%add3A_47] : memref<640000xi32, #tpu.memory_space<hbm>> -> memref<80xi32, #tpu.memory_space<hbm>>
    %dma_start3A_49 = tpu.memref_slice %arg3[%add3A_47] : memref<640000xi32, #tpu.memory_space<hbm>> -> memref<80xi32, #tpu.memory_space<hbm>>
    tpu.enqueue_dma source(%dma_start3A_49 : memref<80xi32, #tpu.memory_space<hbm>>) target(%arg15 : memref<80xi32, #tpu.memory_space<vmem>>) target_semaphore(%arg40 : memref<!tpu.dma_semaphore, #tpu.memory_space<semaphore_mem>>)
    %add3A_50 = arith.constant 160 : i32
    %add3A_51 = arith.addi %mul3A_34, %add3A_50 : i32
    %dma_start3A_52 = tpu.memref_slice %arg3[%add3A_51] : memref<640000xi32, #tpu.memory_space<hbm>> -> memref<80xi32, #tpu.memory_space<hbm>>
    %dma_start3A_53 = tpu.memref_slice %arg3[%add3A_51] : memref<640000xi32, #tpu.memory_space<hbm>> -> memref<80xi32, #tpu.memory_space<hbm>>
    tpu.enqueue_dma source(%dma_start3A_53 : memref<80xi32, #tpu.memory_space<hbm>>) target(%arg8 : memref<80xi32, #tpu.memory_space<vmem>>) target_semaphore(%arg33 : memref<!tpu.dma_semaphore, #tpu.memory_space<semaphore_mem>>)
    %add3A_54 = arith.constant 320000 : i32
    %add3A_55 = arith.addi %add3A_54, %add3A_51 : i32
    %dma_start3A_56 = tpu.memref_slice %arg3[%add3A_55] : memref<640000xi32, #tpu.memory_space<hbm>> -> memref<80xi32, #tpu.memory_space<hbm>>
    %dma_start3A_57 = tpu.memref_slice %arg3[%add3A_55] : memref<640000xi32, #tpu.memory_space<hbm>> -> memref<80xi32, #tpu.memory_space<hbm>>
    tpu.enqueue_dma source(%dma_start3A_57 : memref<80xi32, #tpu.memory_space<hbm>>) target(%arg16 : memref<80xi32, #tpu.memory_space<vmem>>) target_semaphore(%arg41 : memref<!tpu.dma_semaphore, #tpu.memory_space<semaphore_mem>>)
    %add3A_58 = arith.constant 240 : i32
    %add3A_59 = arith.addi %mul3A_34, %add3A_58 : i32
    %dma_start3A_60 = tpu.memref_slice %arg3[%add3A_59] : memref<640000xi32, #tpu.memory_space<hbm>> -> memref<80xi32, #tpu.memory_space<hbm>>
    %dma_start3A_61 = tpu.memref_slice %arg3[%add3A_59] : memref<640000xi32, #tpu.memory_space<hbm>> -> memref<80xi32, #tpu.memory_space<hbm>>
    tpu.enqueue_dma source(%dma_start3A_61 : memref<80xi32, #tpu.memory_space<hbm>>) target(%arg9 : memref<80xi32, #tpu.memory_space<vmem>>) target_semaphore(%arg34 : memref<!tpu.dma_semaphore, #tpu.memory_space<semaphore_mem>>)
    %add3A_62 = arith.constant 320000 : i32
    %add3A_63 = arith.addi %add3A_62, %add3A_59 : i32
    %dma_start3A_64 = tpu.memref_slice %arg3[%add3A_63] : memref<640000xi32, #tpu.memory_space<hbm>> -> memref<80xi32, #tpu.memory_space<hbm>>
    %dma_start3A_65 = tpu.memref_slice %arg3[%add3A_63] : memref<640000xi32, #tpu.memory_space<hbm>> -> memref<80xi32, #tpu.memory_space<hbm>>
    tpu.enqueue_dma source(%dma_start3A_65 : memref<80xi32, #tpu.memory_space<hbm>>) target(%arg17 : memref<80xi32, #tpu.memory_space<vmem>>) target_semaphore(%arg42 : memref<!tpu.dma_semaphore, #tpu.memory_space<semaphore_mem>>)
    %add3A_66 = arith.constant 320 : i32
    %add3A_67 = arith.addi %mul3A_34, %add3A_66 : i32
    %dma_start3A_68 = tpu.memref_slice %arg3[%add3A_67] : memref<640000xi32, #tpu.memory_space<hbm>> -> memref<80xi32, #tpu.memory_space<hbm>>
    %dma_start3A_69 = tpu.memref_slice %arg3[%add3A_67] : memref<640000xi32, #tpu.memory_space<hbm>> -> memref<80xi32, #tpu.memory_space<hbm>>
    tpu.enqueue_dma source(%dma_start3A_69 : memref<80xi32, #tpu.memory_space<hbm>>) target(%arg10 : memref<80xi32, #tpu.memory_space<vmem>>) target_semaphore(%arg35 : memref<!tpu.dma_semaphore, #tpu.memory_space<semaphore_mem>>)
    %add3A_70 = arith.constant 320000 : i32
    %add3A_71 = arith.addi %add3A_70, %add3A_67 : i32
    %dma_start3A_72 = tpu.memref_slice %arg3[%add3A_71] : memref<640000xi32, #tpu.memory_space<hbm>> -> memref<80xi32, #tpu.memory_space<hbm>>
    %dma_start3A_73 = tpu.memref_slice %arg3[%add3A_71] : memref<640000xi32, #tpu.memory_space<hbm>> -> memref<80xi32, #tpu.memory_space<hbm>>
    tpu.enqueue_dma source(%dma_start3A_73 : memref<80xi32, #tpu.memory_space<hbm>>) target(%arg18 : memref<80xi32, #tpu.memory_space<vmem>>) target_semaphore(%arg43 : memref<!tpu.dma_semaphore, #tpu.memory_space<semaphore_mem>>)
    %add3A_74 = arith.constant 400 : i32
    %add3A_75 = arith.addi %mul3A_34, %add3A_74 : i32
    %dma_start3A_76 = tpu.memref_slice %arg3[%add3A_75] : memref<640000xi32, #tpu.memory_space<hbm>> -> memref<80xi32, #tpu.memory_space<hbm>>
    %dma_start3A_77 = tpu.memref_slice %arg3[%add3A_75] : memref<640000xi32, #tpu.memory_space<hbm>> -> memref<80xi32, #tpu.memory_space<hbm>>
    tpu.enqueue_dma source(%dma_start3A_77 : memref<80xi32, #tpu.memory_space<hbm>>) target(%arg11 : memref<80xi32, #tpu.memory_space<vmem>>) target_semaphore(%arg36 : memref<!tpu.dma_semaphore, #tpu.memory_space<semaphore_mem>>)
    %add3A_78 = arith.constant 320000 : i32
    %add3A_79 = arith.addi %add3A_78, %add3A_75 : i32
    %dma_start3A_80 = tpu.memref_slice %arg3[%add3A_79] : memref<640000xi32, #tpu.memory_space<hbm>> -> memref<80xi32, #tpu.memory_space<hbm>>
    %dma_start3A_81 = tpu.memref_slice %arg3[%add3A_79] : memref<640000xi32, #tpu.memory_space<hbm>> -> memref<80xi32, #tpu.memory_space<hbm>>
    tpu.enqueue_dma source(%dma_start3A_81 : memref<80xi32, #tpu.memory_space<hbm>>) target(%arg19 : memref<80xi32, #tpu.memory_space<vmem>>) target_semaphore(%arg44 : memref<!tpu.dma_semaphore, #tpu.memory_space<semaphore_mem>>)
    %add3A_82 = arith.constant 480 : i32
    %add3A_83 = arith.addi %mul3A_34, %add3A_82 : i32
    %dma_start3A_84 = tpu.memref_slice %arg3[%add3A_83] : memref<640000xi32, #tpu.memory_space<hbm>> -> memref<80xi32, #tpu.memory_space<hbm>>
    %dma_start3A_85 = tpu.memref_slice %arg3[%add3A_83] : memref<640000xi32, #tpu.memory_space<hbm>> -> memref<80xi32, #tpu.memory_space<hbm>>
    tpu.enqueue_dma source(%dma_start3A_85 : memref<80xi32, #tpu.memory_space<hbm>>) target(%arg12 : memref<80xi32, #tpu.memory_space<vmem>>) target_semaphore(%arg37 : memref<!tpu.dma_semaphore, #tpu.memory_space<semaphore_mem>>)
    %add3A_86 = arith.constant 320000 : i32
    %add3A_87 = arith.addi %add3A_86, %add3A_83 : i32
    %dma_start3A_88 = tpu.memref_slice %arg3[%add3A_87] : memref<640000xi32, #tpu.memory_space<hbm>> -> memref<80xi32, #tpu.memory_space<hbm>>
    %dma_start3A_89 = tpu.memref_slice %arg3[%add3A_87] : memref<640000xi32, #tpu.memory_space<hbm>> -> memref<80xi32, #tpu.memory_space<hbm>>
    tpu.enqueue_dma source(%dma_start3A_89 : memref<80xi32, #tpu.memory_space<hbm>>) target(%arg20 : memref<80xi32, #tpu.memory_space<vmem>>) target_semaphore(%arg45 : memref<!tpu.dma_semaphore, #tpu.memory_space<semaphore_mem>>)
    %add3A_90 = arith.constant 560 : i32
    %add3A_91 = arith.addi %mul3A_34, %add3A_90 : i32
    %dma_start3A_92 = tpu.memref_slice %arg3[%add3A_91] : memref<640000xi32, #tpu.memory_space<hbm>> -> memref<80xi32, #tpu.memory_space<hbm>>
    %dma_start3A_93 = tpu.memref_slice %arg3[%add3A_91] : memref<640000xi32, #tpu.memory_space<hbm>> -> memref<80xi32, #tpu.memory_space<hbm>>
    tpu.enqueue_dma source(%dma_start3A_93 : memref<80xi32, #tpu.memory_space<hbm>>) target(%arg13 : memref<80xi32, #tpu.memory_space<vmem>>) target_semaphore(%arg38 : memref<!tpu.dma_semaphore, #tpu.memory_space<semaphore_mem>>)
    %add3A_94 = arith.constant 320000 : i32
    %add3A_95 = arith.addi %add3A_94, %add3A_91 : i32
    %dma_start3A_96 = tpu.memref_slice %arg3[%add3A_95] : memref<640000xi32, #tpu.memory_space<hbm>> -> memref<80xi32, #tpu.memory_space<hbm>>
    %dma_start3A_97 = tpu.memref_slice %arg3[%add3A_95] : memref<640000xi32, #tpu.memory_space<hbm>> -> memref<80xi32, #tpu.memory_space<hbm>>
    tpu.enqueue_dma source(%dma_start3A_97 : memref<80xi32, #tpu.memory_space<hbm>>) target(%arg21 : memref<80xi32, #tpu.memory_space<vmem>>) target_semaphore(%arg46 : memref<!tpu.dma_semaphore, #tpu.memory_space<semaphore_mem>>)
    %add3A_98 = arith.constant 0 : i32
    %add3A_99 = arith.addi %mul3A_34, %add3A_98 : i32
    %dma_wait3A = tpu.memref_slice %arg3[%add3A_99] : memref<640000xi32, #tpu.memory_space<hbm>> -> memref<80xi32, #tpu.memory_space<hbm>>
    %dma_wait3A_100 = tpu.memref_slice %arg3[%add3A_99] : memref<640000xi32, #tpu.memory_space<hbm>> -> memref<80xi32, #tpu.memory_space<hbm>>
    tpu.wait_dma2 semaphore(%arg31 : memref<!tpu.dma_semaphore, #tpu.memory_space<semaphore_mem>>) src(%dma_wait3A_100 : memref<80xi32, #tpu.memory_space<hbm>>) dst(%arg6 : memref<80xi32, #tpu.memory_space<vmem>>)
    %dma_start3A_101 = arith.constant 0 : i32
    %dma_start3A_102 = arith.constant 0 : i32
    %dma_start3A_103 = arith.constant 0 : i32
    %dma_start3A_104 = tpu.memref_slice %arg5[%dma_start3A_101, %dma_start3A_102, %dma_start3A_103] : memref<4x80x128xf32, #tpu.memory_space<vmem>> -> memref<1x80x128xf32, #tpu.memory_space<vmem>>
    %dma_start3A_105 = tpu.memref_squeeze %dma_start3A_104 : memref<1x80x128xf32, #tpu.memory_space<vmem>> -> memref<80x128xf32, #tpu.memory_space<vmem>>
    %dma_start3A_106 = arith.constant 0 : i32
    %dma_start3A_107 = arith.constant 0 : i32
    %dma_start3A_108 = tpu.memref_slice %arg2[%dma_start3A_106, %dma_start3A_107] : memref<10000x128xf32, #tpu.memory_space<hbm>> -> memref<10000x128xf32, #tpu.memory_space<hbm>>
    tpu.enqueue_indirect_dma source(%dma_start3A_108 : memref<10000x128xf32, #tpu.memory_space<hbm>>) target(%dma_start3A_105 : memref<80x128xf32, #tpu.memory_space<vmem>>) offsets(%arg6 : memref<80xi32, #tpu.memory_space<vmem>>) semaphore(%arg23 : memref<!tpu.dma_semaphore, #tpu.memory_space<semaphore_mem>>)
    %add3A_109 = arith.constant 80 : i32
    %add3A_110 = arith.addi %mul3A_34, %add3A_109 : i32
    %dma_wait3A_111 = tpu.memref_slice %arg3[%add3A_110] : memref<640000xi32, #tpu.memory_space<hbm>> -> memref<80xi32, #tpu.memory_space<hbm>>
    %dma_wait3A_112 = tpu.memref_slice %arg3[%add3A_110] : memref<640000xi32, #tpu.memory_space<hbm>> -> memref<80xi32, #tpu.memory_space<hbm>>
    tpu.wait_dma2 semaphore(%arg32 : memref<!tpu.dma_semaphore, #tpu.memory_space<semaphore_mem>>) src(%dma_wait3A_112 : memref<80xi32, #tpu.memory_space<hbm>>) dst(%arg7 : memref<80xi32, #tpu.memory_space<vmem>>)
    %dma_start3A_113 = arith.constant 1 : i32
    %dma_start3A_114 = arith.constant 0 : i32
    %dma_start3A_115 = arith.constant 0 : i32
    %dma_start3A_116 = tpu.memref_slice %arg5[%dma_start3A_113, %dma_start3A_114, %dma_start3A_115] : memref<4x80x128xf32, #tpu.memory_space<vmem>> -> memref<1x80x128xf32, #tpu.memory_space<vmem>>
    %dma_start3A_117 = tpu.memref_squeeze %dma_start3A_116 : memref<1x80x128xf32, #tpu.memory_space<vmem>> -> memref<80x128xf32, #tpu.memory_space<vmem>>
    %dma_start3A_118 = arith.constant 0 : i32
    %dma_start3A_119 = arith.constant 0 : i32
    %dma_start3A_120 = tpu.memref_slice %arg2[%dma_start3A_118, %dma_start3A_119] : memref<10000x128xf32, #tpu.memory_space<hbm>> -> memref<10000x128xf32, #tpu.memory_space<hbm>>
    tpu.enqueue_indirect_dma source(%dma_start3A_120 : memref<10000x128xf32, #tpu.memory_space<hbm>>) target(%dma_start3A_117 : memref<80x128xf32, #tpu.memory_space<vmem>>) offsets(%arg7 : memref<80xi32, #tpu.memory_space<vmem>>) semaphore(%arg24 : memref<!tpu.dma_semaphore, #tpu.memory_space<semaphore_mem>>)
    %add3A_121 = arith.constant 160 : i32
    %add3A_122 = arith.addi %mul3A_34, %add3A_121 : i32
    %dma_wait3A_123 = tpu.memref_slice %arg3[%add3A_122] : memref<640000xi32, #tpu.memory_space<hbm>> -> memref<80xi32, #tpu.memory_space<hbm>>
    %dma_wait3A_124 = tpu.memref_slice %arg3[%add3A_122] : memref<640000xi32, #tpu.memory_space<hbm>> -> memref<80xi32, #tpu.memory_space<hbm>>
    tpu.wait_dma2 semaphore(%arg33 : memref<!tpu.dma_semaphore, #tpu.memory_space<semaphore_mem>>) src(%dma_wait3A_124 : memref<80xi32, #tpu.memory_space<hbm>>) dst(%arg8 : memref<80xi32, #tpu.memory_space<vmem>>)
    %dma_start3A_125 = arith.constant 2 : i32
    %dma_start3A_126 = arith.constant 0 : i32
    %dma_start3A_127 = arith.constant 0 : i32
    %dma_start3A_128 = tpu.memref_slice %arg5[%dma_start3A_125, %dma_start3A_126, %dma_start3A_127] : memref<4x80x128xf32, #tpu.memory_space<vmem>> -> memref<1x80x128xf32, #tpu.memory_space<vmem>>
    %dma_start3A_129 = tpu.memref_squeeze %dma_start3A_128 : memref<1x80x128xf32, #tpu.memory_space<vmem>> -> memref<80x128xf32, #tpu.memory_space<vmem>>
    %dma_start3A_130 = arith.constant 0 : i32
    %dma_start3A_131 = arith.constant 0 : i32
    %dma_start3A_132 = tpu.memref_slice %arg2[%dma_start3A_130, %dma_start3A_131] : memref<10000x128xf32, #tpu.memory_space<hbm>> -> memref<10000x128xf32, #tpu.memory_space<hbm>>
    tpu.enqueue_indirect_dma source(%dma_start3A_132 : memref<10000x128xf32, #tpu.memory_space<hbm>>) target(%dma_start3A_129 : memref<80x128xf32, #tpu.memory_space<vmem>>) offsets(%arg8 : memref<80xi32, #tpu.memory_space<vmem>>) semaphore(%arg25 : memref<!tpu.dma_semaphore, #tpu.memory_space<semaphore_mem>>)
    %add3A_133 = arith.constant 240 : i32
    %add3A_134 = arith.addi %mul3A_34, %add3A_133 : i32
    %dma_wait3A_135 = tpu.memref_slice %arg3[%add3A_134] : memref<640000xi32, #tpu.memory_space<hbm>> -> memref<80xi32, #tpu.memory_space<hbm>>
    %dma_wait3A_136 = tpu.memref_slice %arg3[%add3A_134] : memref<640000xi32, #tpu.memory_space<hbm>> -> memref<80xi32, #tpu.memory_space<hbm>>
    tpu.wait_dma2 semaphore(%arg34 : memref<!tpu.dma_semaphore, #tpu.memory_space<semaphore_mem>>) src(%dma_wait3A_136 : memref<80xi32, #tpu.memory_space<hbm>>) dst(%arg9 : memref<80xi32, #tpu.memory_space<vmem>>)
    %dma_start3A_137 = arith.constant 3 : i32
    %dma_start3A_138 = arith.constant 0 : i32
    %dma_start3A_139 = arith.constant 0 : i32
    %dma_start3A_140 = tpu.memref_slice %arg5[%dma_start3A_137, %dma_start3A_138, %dma_start3A_139] : memref<4x80x128xf32, #tpu.memory_space<vmem>> -> memref<1x80x128xf32, #tpu.memory_space<vmem>>
    %dma_start3A_141 = tpu.memref_squeeze %dma_start3A_140 : memref<1x80x128xf32, #tpu.memory_space<vmem>> -> memref<80x128xf32, #tpu.memory_space<vmem>>
    %dma_start3A_142 = arith.constant 0 : i32
    %dma_start3A_143 = arith.constant 0 : i32
    %dma_start3A_144 = tpu.memref_slice %arg2[%dma_start3A_142, %dma_start3A_143] : memref<10000x128xf32, #tpu.memory_space<hbm>> -> memref<10000x128xf32, #tpu.memory_space<hbm>>
    tpu.enqueue_indirect_dma source(%dma_start3A_144 : memref<10000x128xf32, #tpu.memory_space<hbm>>) target(%dma_start3A_141 : memref<80x128xf32, #tpu.memory_space<vmem>>) offsets(%arg9 : memref<80xi32, #tpu.memory_space<vmem>>) semaphore(%arg26 : memref<!tpu.dma_semaphore, #tpu.memory_space<semaphore_mem>>)
    %scan3A_145 = arith.constant 0 : i32
    %scan3A_146 = arith.constant 0 : i32
    %scan3A_147 = arith.constant 16 : i32
    %scan3A_148 = arith.addi %scan3A_146, %scan3A_147 : i32
    %scan3A_149 = arith.constant 1 : i32
    scf.for %scan3A_161 = %scan3A_146 to %scan3A_148 step %scan3A_149  : i32 {
      %mul3A_162 = arith.constant 8 : i32
      %mul3A_163 = arith.muli %scan3A_161, %mul3A_162 : i32
      %add3A_164 = arith.constant 0 : i32
      %add3A_165 = arith.addi %mul3A_163, %add3A_164 : i32
      %lt3A = arith.constant 125 : i32
      %lt3A_166 = arith.cmpi slt, %add3A_165, %lt3A : i32
      %convert_element_type3A_167 = arith.extui %lt3A_166 : i1 to i32
      %cond3A_168 = arith.constant 0 : i32
      %cond3A_169 = arith.cmpi ne, %convert_element_type3A_167, %cond3A_168 : i32
      scf.if %cond3A_169 {
        %dma_wait3A_233 = arith.constant 0 : i32
        %dma_wait3A_234 = arith.constant 0 : i32
        %dma_wait3A_235 = arith.constant 0 : i32
        %dma_wait3A_236 = tpu.memref_slice %arg5[%dma_wait3A_233, %dma_wait3A_234, %dma_wait3A_235] : memref<4x80x128xf32, #tpu.memory_space<vmem>> -> memref<1x80x128xf32, #tpu.memory_space<vmem>>
        %dma_wait3A_237 = tpu.memref_squeeze %dma_wait3A_236 : memref<1x80x128xf32, #tpu.memory_space<vmem>> -> memref<80x128xf32, #tpu.memory_space<vmem>>
        %dma_wait3A_238 = arith.constant 0 : i32
        %dma_wait3A_239 = arith.constant 0 : i32
        %dma_wait3A_240 = tpu.memref_slice %arg2[%dma_wait3A_238, %dma_wait3A_239] : memref<10000x128xf32, #tpu.memory_space<hbm>> -> memref<10000x128xf32, #tpu.memory_space<hbm>>
        tpu.wait_indirect_dma semaphore(%arg23 : memref<!tpu.dma_semaphore, #tpu.memory_space<semaphore_mem>>) src(%dma_wait3A_240 : memref<10000x128xf32, #tpu.memory_space<hbm>>) dst(%dma_wait3A_237 : memref<80x128xf32, #tpu.memory_space<vmem>>)
        %mul3A_241 = arith.constant 80 : i32
        %mul3A_242 = arith.muli %add3A_165, %mul3A_241 : i32
        %add3A_243 = arith.addi %mul3A_34, %mul3A_242 : i32
        %add3A_244 = arith.constant 320000 : i32
        %add3A_245 = arith.addi %add3A_244, %add3A_243 : i32
        %dma_wait3A_246 = tpu.memref_slice %arg3[%add3A_245] : memref<640000xi32, #tpu.memory_space<hbm>> -> memref<80xi32, #tpu.memory_space<hbm>>
        %dma_wait3A_247 = tpu.memref_slice %arg3[%add3A_245] : memref<640000xi32, #tpu.memory_space<hbm>> -> memref<80xi32, #tpu.memory_space<hbm>>
        tpu.wait_dma2 semaphore(%arg39 : memref<!tpu.dma_semaphore, #tpu.memory_space<semaphore_mem>>) src(%dma_wait3A_247 : memref<80xi32, #tpu.memory_space<hbm>>) dst(%arg14 : memref<80xi32, #tpu.memory_space<vmem>>)
        %dma_start3A_248 = arith.constant 0 : i32
        %dma_start3A_249 = arith.constant 0 : i32
        %dma_start3A_250 = arith.constant 0 : i32
        %dma_start3A_251 = tpu.memref_slice %arg5[%dma_start3A_248, %dma_start3A_249, %dma_start3A_250] : memref<4x80x128xf32, #tpu.memory_space<vmem>> -> memref<1x80x128xf32, #tpu.memory_space<vmem>>
        %dma_start3A_252 = tpu.memref_squeeze %dma_start3A_251 : memref<1x80x128xf32, #tpu.memory_space<vmem>> -> memref<80x128xf32, #tpu.memory_space<vmem>>
        %dma_start3A_253 = arith.constant 0 : i32
        %dma_start3A_254 = arith.constant 0 : i32
        %dma_start3A_255 = tpu.memref_slice %arg22[%dma_start3A_253, %dma_start3A_254] : memref<10000x128xf32, #tpu.memory_space<vmem_shared>> -> memref<10000x128xf32, #tpu.memory_space<vmem_shared>>
        tpu.enqueue_indirect_dma source(%dma_start3A_252 : memref<80x128xf32, #tpu.memory_space<vmem>>) target(%dma_start3A_255 : memref<10000x128xf32, #tpu.memory_space<vmem_shared>>) offsets(%arg14 : memref<80xi32, #tpu.memory_space<vmem>>) semaphore(%arg27 : memref<!tpu.dma_semaphore, #tpu.memory_space<semaphore_mem>>) {add = true}
        %dma_wait3A_256 = arith.constant 0 : i32
        %dma_wait3A_257 = arith.constant 0 : i32
        %dma_wait3A_258 = arith.constant 0 : i32
        %dma_wait3A_259 = tpu.memref_slice %arg5[%dma_wait3A_256, %dma_wait3A_257, %dma_wait3A_258] : memref<4x80x128xf32, #tpu.memory_space<vmem>> -> memref<1x80x128xf32, #tpu.memory_space<vmem>>
        %dma_wait3A_260 = tpu.memref_squeeze %dma_wait3A_259 : memref<1x80x128xf32, #tpu.memory_space<vmem>> -> memref<80x128xf32, #tpu.memory_space<vmem>>
        %dma_wait3A_261 = arith.constant 0 : i32
        %dma_wait3A_262 = arith.constant 0 : i32
        %dma_wait3A_263 = tpu.memref_slice %arg22[%dma_wait3A_261, %dma_wait3A_262] : memref<10000x128xf32, #tpu.memory_space<vmem_shared>> -> memref<10000x128xf32, #tpu.memory_space<vmem_shared>>
        tpu.wait_indirect_dma semaphore(%arg27 : memref<!tpu.dma_semaphore, #tpu.memory_space<semaphore_mem>>) src(%dma_wait3A_260 : memref<80x128xf32, #tpu.memory_space<vmem>>) dst(%dma_wait3A_263 : memref<10000x128xf32, #tpu.memory_space<vmem_shared>>)
        %add3A_264 = arith.constant 8 : i32
        %add3A_265 = arith.addi %add3A_165, %add3A_264 : i32
        %lt3A_266 = arith.constant 125 : i32
        %lt3A_267 = arith.cmpi slt, %add3A_265, %lt3A_266 : i32
        %convert_element_type3A_268 = arith.extui %lt3A_267 : i1 to i32
        %cond3A_269 = arith.constant 0 : i32
        %cond3A_270 = arith.cmpi ne, %convert_element_type3A_268, %cond3A_269 : i32
        scf.if %cond3A_270 {
          %add3A_278 = arith.constant 8 : i32
          %add3A_279 = arith.addi %add3A_165, %add3A_278 : i32
          %mul3A_280 = arith.constant 80 : i32
          %mul3A_281 = arith.muli %add3A_279, %mul3A_280 : i32
          %add3A_282 = arith.addi %mul3A_34, %mul3A_281 : i32
          %dma_start3A_283 = tpu.memref_slice %arg3[%add3A_282] : memref<640000xi32, #tpu.memory_space<hbm>> -> memref<80xi32, #tpu.memory_space<hbm>>
          %dma_start3A_284 = tpu.memref_slice %arg3[%add3A_282] : memref<640000xi32, #tpu.memory_space<hbm>> -> memref<80xi32, #tpu.memory_space<hbm>>
          tpu.enqueue_dma source(%dma_start3A_284 : memref<80xi32, #tpu.memory_space<hbm>>) target(%arg6 : memref<80xi32, #tpu.memory_space<vmem>>) target_semaphore(%arg31 : memref<!tpu.dma_semaphore, #tpu.memory_space<semaphore_mem>>)
          %add3A_285 = arith.constant 320000 : i32
          %add3A_286 = arith.addi %add3A_285, %add3A_282 : i32
          %dma_start3A_287 = tpu.memref_slice %arg3[%add3A_286] : memref<640000xi32, #tpu.memory_space<hbm>> -> memref<80xi32, #tpu.memory_space<hbm>>
          %dma_start3A_288 = tpu.memref_slice %arg3[%add3A_286] : memref<640000xi32, #tpu.memory_space<hbm>> -> memref<80xi32, #tpu.memory_space<hbm>>
          tpu.enqueue_dma source(%dma_start3A_288 : memref<80xi32, #tpu.memory_space<hbm>>) target(%arg14 : memref<80xi32, #tpu.memory_space<vmem>>) target_semaphore(%arg39 : memref<!tpu.dma_semaphore, #tpu.memory_space<semaphore_mem>>)
        } else {
        }
        %add3A_271 = arith.constant 4 : i32
        %add3A_272 = arith.addi %add3A_165, %add3A_271 : i32
        %lt3A_273 = arith.constant 125 : i32
        %lt3A_274 = arith.cmpi slt, %add3A_272, %lt3A_273 : i32
        %convert_element_type3A_275 = arith.extui %lt3A_274 : i1 to i32
        %cond3A_276 = arith.constant 0 : i32
        %cond3A_277 = arith.cmpi ne, %convert_element_type3A_275, %cond3A_276 : i32
        scf.if %cond3A_277 {
          %add3A_278 = arith.constant 4 : i32
          %add3A_279 = arith.addi %add3A_165, %add3A_278 : i32
          %mul3A_280 = arith.constant 80 : i32
          %mul3A_281 = arith.muli %add3A_279, %mul3A_280 : i32
          %add3A_282 = arith.addi %mul3A_34, %mul3A_281 : i32
          %dma_wait3A_283 = tpu.memref_slice %arg3[%add3A_282] : memref<640000xi32, #tpu.memory_space<hbm>> -> memref<80xi32, #tpu.memory_space<hbm>>
          %dma_wait3A_284 = tpu.memref_slice %arg3[%add3A_282] : memref<640000xi32, #tpu.memory_space<hbm>> -> memref<80xi32, #tpu.memory_space<hbm>>
          tpu.wait_dma2 semaphore(%arg35 : memref<!tpu.dma_semaphore, #tpu.memory_space<semaphore_mem>>) src(%dma_wait3A_284 : memref<80xi32, #tpu.memory_space<hbm>>) dst(%arg10 : memref<80xi32, #tpu.memory_space<vmem>>)
          %dma_start3A_285 = arith.constant 0 : i32
          %dma_start3A_286 = arith.constant 0 : i32
          %dma_start3A_287 = arith.constant 0 : i32
          %dma_start3A_288 = tpu.memref_slice %arg5[%dma_start3A_285, %dma_start3A_286, %dma_start3A_287] : memref<4x80x128xf32, #tpu.memory_space<vmem>> -> memref<1x80x128xf32, #tpu.memory_space<vmem>>
          %dma_start3A_289 = tpu.memref_squeeze %dma_start3A_288 : memref<1x80x128xf32, #tpu.memory_space<vmem>> -> memref<80x128xf32, #tpu.memory_space<vmem>>
          %dma_start3A_290 = arith.constant 0 : i32
          %dma_start3A_291 = arith.constant 0 : i32
          %dma_start3A_292 = tpu.memref_slice %arg2[%dma_start3A_290, %dma_start3A_291] : memref<10000x128xf32, #tpu.memory_space<hbm>> -> memref<10000x128xf32, #tpu.memory_space<hbm>>
          tpu.enqueue_indirect_dma source(%dma_start3A_292 : memref<10000x128xf32, #tpu.memory_space<hbm>>) target(%dma_start3A_289 : memref<80x128xf32, #tpu.memory_space<vmem>>) offsets(%arg10 : memref<80xi32, #tpu.memory_space<vmem>>) semaphore(%arg23 : memref<!tpu.dma_semaphore, #tpu.memory_space<semaphore_mem>>)
        } else {
        }
      } else {
      }
      %mul3A_170 = arith.constant 8 : i32
      %mul3A_171 = arith.muli %scan3A_161, %mul3A_170 : i32
      %add3A_172 = arith.constant 1 : i32
      %add3A_173 = arith.addi %mul3A_171, %add3A_172 : i32
      %lt3A_174 = arith.constant 125 : i32
      %lt3A_175 = arith.cmpi slt, %add3A_173, %lt3A_174 : i32
      %convert_element_type3A_176 = arith.extui %lt3A_175 : i1 to i32
      %cond3A_177 = arith.constant 0 : i32
      %cond3A_178 = arith.cmpi ne, %convert_element_type3A_176, %cond3A_177 : i32
      scf.if %cond3A_178 {
        %dma_wait3A_233 = arith.constant 1 : i32
        %dma_wait3A_234 = arith.constant 0 : i32
        %dma_wait3A_235 = arith.constant 0 : i32
        %dma_wait3A_236 = tpu.memref_slice %arg5[%dma_wait3A_233, %dma_wait3A_234, %dma_wait3A_235] : memref<4x80x128xf32, #tpu.memory_space<vmem>> -> memref<1x80x128xf32, #tpu.memory_space<vmem>>
        %dma_wait3A_237 = tpu.memref_squeeze %dma_wait3A_236 : memref<1x80x128xf32, #tpu.memory_space<vmem>> -> memref<80x128xf32, #tpu.memory_space<vmem>>
        %dma_wait3A_238 = arith.constant 0 : i32
        %dma_wait3A_239 = arith.constant 0 : i32
        %dma_wait3A_240 = tpu.memref_slice %arg2[%dma_wait3A_238, %dma_wait3A_239] : memref<10000x128xf32, #tpu.memory_space<hbm>> -> memref<10000x128xf32, #tpu.memory_space<hbm>>
        tpu.wait_indirect_dma semaphore(%arg24 : memref<!tpu.dma_semaphore, #tpu.memory_space<semaphore_mem>>) src(%dma_wait3A_240 : memref<10000x128xf32, #tpu.memory_space<hbm>>) dst(%dma_wait3A_237 : memref<80x128xf32, #tpu.memory_space<vmem>>)
        %mul3A_241 = arith.constant 80 : i32
        %mul3A_242 = arith.muli %add3A_173, %mul3A_241 : i32
        %add3A_243 = arith.addi %mul3A_34, %mul3A_242 : i32
        %add3A_244 = arith.constant 320000 : i32
        %add3A_245 = arith.addi %add3A_244, %add3A_243 : i32
        %dma_wait3A_246 = tpu.memref_slice %arg3[%add3A_245] : memref<640000xi32, #tpu.memory_space<hbm>> -> memref<80xi32, #tpu.memory_space<hbm>>
        %dma_wait3A_247 = tpu.memref_slice %arg3[%add3A_245] : memref<640000xi32, #tpu.memory_space<hbm>> -> memref<80xi32, #tpu.memory_space<hbm>>
        tpu.wait_dma2 semaphore(%arg40 : memref<!tpu.dma_semaphore, #tpu.memory_space<semaphore_mem>>) src(%dma_wait3A_247 : memref<80xi32, #tpu.memory_space<hbm>>) dst(%arg15 : memref<80xi32, #tpu.memory_space<vmem>>)
        %dma_start3A_248 = arith.constant 1 : i32
        %dma_start3A_249 = arith.constant 0 : i32
        %dma_start3A_250 = arith.constant 0 : i32
        %dma_start3A_251 = tpu.memref_slice %arg5[%dma_start3A_248, %dma_start3A_249, %dma_start3A_250] : memref<4x80x128xf32, #tpu.memory_space<vmem>> -> memref<1x80x128xf32, #tpu.memory_space<vmem>>
        %dma_start3A_252 = tpu.memref_squeeze %dma_start3A_251 : memref<1x80x128xf32, #tpu.memory_space<vmem>> -> memref<80x128xf32, #tpu.memory_space<vmem>>
        %dma_start3A_253 = arith.constant 0 : i32
        %dma_start3A_254 = arith.constant 0 : i32
        %dma_start3A_255 = tpu.memref_slice %arg22[%dma_start3A_253, %dma_start3A_254] : memref<10000x128xf32, #tpu.memory_space<vmem_shared>> -> memref<10000x128xf32, #tpu.memory_space<vmem_shared>>
        tpu.enqueue_indirect_dma source(%dma_start3A_252 : memref<80x128xf32, #tpu.memory_space<vmem>>) target(%dma_start3A_255 : memref<10000x128xf32, #tpu.memory_space<vmem_shared>>) offsets(%arg15 : memref<80xi32, #tpu.memory_space<vmem>>) semaphore(%arg28 : memref<!tpu.dma_semaphore, #tpu.memory_space<semaphore_mem>>) {add = true}
        %dma_wait3A_256 = arith.constant 1 : i32
        %dma_wait3A_257 = arith.constant 0 : i32
        %dma_wait3A_258 = arith.constant 0 : i32
        %dma_wait3A_259 = tpu.memref_slice %arg5[%dma_wait3A_256, %dma_wait3A_257, %dma_wait3A_258] : memref<4x80x128xf32, #tpu.memory_space<vmem>> -> memref<1x80x128xf32, #tpu.memory_space<vmem>>
        %dma_wait3A_260 = tpu.memref_squeeze %dma_wait3A_259 : memref<1x80x128xf32, #tpu.memory_space<vmem>> -> memref<80x128xf32, #tpu.memory_space<vmem>>
        %dma_wait3A_261 = arith.constant 0 : i32
        %dma_wait3A_262 = arith.constant 0 : i32
        %dma_wait3A_263 = tpu.memref_slice %arg22[%dma_wait3A_261, %dma_wait3A_262] : memref<10000x128xf32, #tpu.memory_space<vmem_shared>> -> memref<10000x128xf32, #tpu.memory_space<vmem_shared>>
        tpu.wait_indirect_dma semaphore(%arg28 : memref<!tpu.dma_semaphore, #tpu.memory_space<semaphore_mem>>) src(%dma_wait3A_260 : memref<80x128xf32, #tpu.memory_space<vmem>>) dst(%dma_wait3A_263 : memref<10000x128xf32, #tpu.memory_space<vmem_shared>>)
        %add3A_264 = arith.constant 8 : i32
        %add3A_265 = arith.addi %add3A_173, %add3A_264 : i32
        %lt3A_266 = arith.constant 125 : i32
        %lt3A_267 = arith.cmpi slt, %add3A_265, %lt3A_266 : i32
        %convert_element_type3A_268 = arith.extui %lt3A_267 : i1 to i32
        %cond3A_269 = arith.constant 0 : i32
        %cond3A_270 = arith.cmpi ne, %convert_element_type3A_268, %cond3A_269 : i32
        scf.if %cond3A_270 {
          %add3A_278 = arith.constant 8 : i32
          %add3A_279 = arith.addi %add3A_173, %add3A_278 : i32
          %mul3A_280 = arith.constant 80 : i32
          %mul3A_281 = arith.muli %add3A_279, %mul3A_280 : i32
          %add3A_282 = arith.addi %mul3A_34, %mul3A_281 : i32
          %dma_start3A_283 = tpu.memref_slice %arg3[%add3A_282] : memref<640000xi32, #tpu.memory_space<hbm>> -> memref<80xi32, #tpu.memory_space<hbm>>
          %dma_start3A_284 = tpu.memref_slice %arg3[%add3A_282] : memref<640000xi32, #tpu.memory_space<hbm>> -> memref<80xi32, #tpu.memory_space<hbm>>
          tpu.enqueue_dma source(%dma_start3A_284 : memref<80xi32, #tpu.memory_space<hbm>>) target(%arg7 : memref<80xi32, #tpu.memory_space<vmem>>) target_semaphore(%arg32 : memref<!tpu.dma_semaphore, #tpu.memory_space<semaphore_mem>>)
          %add3A_285 = arith.constant 320000 : i32
          %add3A_286 = arith.addi %add3A_285, %add3A_282 : i32
          %dma_start3A_287 = tpu.memref_slice %arg3[%add3A_286] : memref<640000xi32, #tpu.memory_space<hbm>> -> memref<80xi32, #tpu.memory_space<hbm>>
          %dma_start3A_288 = tpu.memref_slice %arg3[%add3A_286] : memref<640000xi32, #tpu.memory_space<hbm>> -> memref<80xi32, #tpu.memory_space<hbm>>
          tpu.enqueue_dma source(%dma_start3A_288 : memref<80xi32, #tpu.memory_space<hbm>>) target(%arg15 : memref<80xi32, #tpu.memory_space<vmem>>) target_semaphore(%arg40 : memref<!tpu.dma_semaphore, #tpu.memory_space<semaphore_mem>>)
        } else {
        }
        %add3A_271 = arith.constant 4 : i32
        %add3A_272 = arith.addi %add3A_173, %add3A_271 : i32
        %lt3A_273 = arith.constant 125 : i32
        %lt3A_274 = arith.cmpi slt, %add3A_272, %lt3A_273 : i32
        %convert_element_type3A_275 = arith.extui %lt3A_274 : i1 to i32
        %cond3A_276 = arith.constant 0 : i32
        %cond3A_277 = arith.cmpi ne, %convert_element_type3A_275, %cond3A_276 : i32
        scf.if %cond3A_277 {
          %add3A_278 = arith.constant 4 : i32
          %add3A_279 = arith.addi %add3A_173, %add3A_278 : i32
          %mul3A_280 = arith.constant 80 : i32
          %mul3A_281 = arith.muli %add3A_279, %mul3A_280 : i32
          %add3A_282 = arith.addi %mul3A_34, %mul3A_281 : i32
          %dma_wait3A_283 = tpu.memref_slice %arg3[%add3A_282] : memref<640000xi32, #tpu.memory_space<hbm>> -> memref<80xi32, #tpu.memory_space<hbm>>
          %dma_wait3A_284 = tpu.memref_slice %arg3[%add3A_282] : memref<640000xi32, #tpu.memory_space<hbm>> -> memref<80xi32, #tpu.memory_space<hbm>>
          tpu.wait_dma2 semaphore(%arg36 : memref<!tpu.dma_semaphore, #tpu.memory_space<semaphore_mem>>) src(%dma_wait3A_284 : memref<80xi32, #tpu.memory_space<hbm>>) dst(%arg11 : memref<80xi32, #tpu.memory_space<vmem>>)
          %dma_start3A_285 = arith.constant 1 : i32
          %dma_start3A_286 = arith.constant 0 : i32
          %dma_start3A_287 = arith.constant 0 : i32
          %dma_start3A_288 = tpu.memref_slice %arg5[%dma_start3A_285, %dma_start3A_286, %dma_start3A_287] : memref<4x80x128xf32, #tpu.memory_space<vmem>> -> memref<1x80x128xf32, #tpu.memory_space<vmem>>
          %dma_start3A_289 = tpu.memref_squeeze %dma_start3A_288 : memref<1x80x128xf32, #tpu.memory_space<vmem>> -> memref<80x128xf32, #tpu.memory_space<vmem>>
          %dma_start3A_290 = arith.constant 0 : i32
          %dma_start3A_291 = arith.constant 0 : i32
          %dma_start3A_292 = tpu.memref_slice %arg2[%dma_start3A_290, %dma_start3A_291] : memref<10000x128xf32, #tpu.memory_space<hbm>> -> memref<10000x128xf32, #tpu.memory_space<hbm>>
          tpu.enqueue_indirect_dma source(%dma_start3A_292 : memref<10000x128xf32, #tpu.memory_space<hbm>>) target(%dma_start3A_289 : memref<80x128xf32, #tpu.memory_space<vmem>>) offsets(%arg11 : memref<80xi32, #tpu.memory_space<vmem>>) semaphore(%arg24 : memref<!tpu.dma_semaphore, #tpu.memory_space<semaphore_mem>>)
        } else {
        }
      } else {
      }
      %mul3A_179 = arith.constant 8 : i32
      %mul3A_180 = arith.muli %scan3A_161, %mul3A_179 : i32
      %add3A_181 = arith.constant 2 : i32
      %add3A_182 = arith.addi %mul3A_180, %add3A_181 : i32
      %lt3A_183 = arith.constant 125 : i32
      %lt3A_184 = arith.cmpi slt, %add3A_182, %lt3A_183 : i32
      %convert_element_type3A_185 = arith.extui %lt3A_184 : i1 to i32
      %cond3A_186 = arith.constant 0 : i32
      %cond3A_187 = arith.cmpi ne, %convert_element_type3A_185, %cond3A_186 : i32
      scf.if %cond3A_187 {
        %dma_wait3A_233 = arith.constant 2 : i32
        %dma_wait3A_234 = arith.constant 0 : i32
        %dma_wait3A_235 = arith.constant 0 : i32
        %dma_wait3A_236 = tpu.memref_slice %arg5[%dma_wait3A_233, %dma_wait3A_234, %dma_wait3A_235] : memref<4x80x128xf32, #tpu.memory_space<vmem>> -> memref<1x80x128xf32, #tpu.memory_space<vmem>>
        %dma_wait3A_237 = tpu.memref_squeeze %dma_wait3A_236 : memref<1x80x128xf32, #tpu.memory_space<vmem>> -> memref<80x128xf32, #tpu.memory_space<vmem>>
        %dma_wait3A_238 = arith.constant 0 : i32
        %dma_wait3A_239 = arith.constant 0 : i32
        %dma_wait3A_240 = tpu.memref_slice %arg2[%dma_wait3A_238, %dma_wait3A_239] : memref<10000x128xf32, #tpu.memory_space<hbm>> -> memref<10000x128xf32, #tpu.memory_space<hbm>>
        tpu.wait_indirect_dma semaphore(%arg25 : memref<!tpu.dma_semaphore, #tpu.memory_space<semaphore_mem>>) src(%dma_wait3A_240 : memref<10000x128xf32, #tpu.memory_space<hbm>>) dst(%dma_wait3A_237 : memref<80x128xf32, #tpu.memory_space<vmem>>)
        %mul3A_241 = arith.constant 80 : i32
        %mul3A_242 = arith.muli %add3A_182, %mul3A_241 : i32
        %add3A_243 = arith.addi %mul3A_34, %mul3A_242 : i32
        %add3A_244 = arith.constant 320000 : i32
        %add3A_245 = arith.addi %add3A_244, %add3A_243 : i32
        %dma_wait3A_246 = tpu.memref_slice %arg3[%add3A_245] : memref<640000xi32, #tpu.memory_space<hbm>> -> memref<80xi32, #tpu.memory_space<hbm>>
        %dma_wait3A_247 = tpu.memref_slice %arg3[%add3A_245] : memref<640000xi32, #tpu.memory_space<hbm>> -> memref<80xi32, #tpu.memory_space<hbm>>
        tpu.wait_dma2 semaphore(%arg41 : memref<!tpu.dma_semaphore, #tpu.memory_space<semaphore_mem>>) src(%dma_wait3A_247 : memref<80xi32, #tpu.memory_space<hbm>>) dst(%arg16 : memref<80xi32, #tpu.memory_space<vmem>>)
        %dma_start3A_248 = arith.constant 2 : i32
        %dma_start3A_249 = arith.constant 0 : i32
        %dma_start3A_250 = arith.constant 0 : i32
        %dma_start3A_251 = tpu.memref_slice %arg5[%dma_start3A_248, %dma_start3A_249, %dma_start3A_250] : memref<4x80x128xf32, #tpu.memory_space<vmem>> -> memref<1x80x128xf32, #tpu.memory_space<vmem>>
        %dma_start3A_252 = tpu.memref_squeeze %dma_start3A_251 : memref<1x80x128xf32, #tpu.memory_space<vmem>> -> memref<80x128xf32, #tpu.memory_space<vmem>>
        %dma_start3A_253 = arith.constant 0 : i32
        %dma_start3A_254 = arith.constant 0 : i32
        %dma_start3A_255 = tpu.memref_slice %arg22[%dma_start3A_253, %dma_start3A_254] : memref<10000x128xf32, #tpu.memory_space<vmem_shared>> -> memref<10000x128xf32, #tpu.memory_space<vmem_shared>>
        tpu.enqueue_indirect_dma source(%dma_start3A_252 : memref<80x128xf32, #tpu.memory_space<vmem>>) target(%dma_start3A_255 : memref<10000x128xf32, #tpu.memory_space<vmem_shared>>) offsets(%arg16 : memref<80xi32, #tpu.memory_space<vmem>>) semaphore(%arg29 : memref<!tpu.dma_semaphore, #tpu.memory_space<semaphore_mem>>) {add = true}
        %dma_wait3A_256 = arith.constant 2 : i32
        %dma_wait3A_257 = arith.constant 0 : i32
        %dma_wait3A_258 = arith.constant 0 : i32
        %dma_wait3A_259 = tpu.memref_slice %arg5[%dma_wait3A_256, %dma_wait3A_257, %dma_wait3A_258] : memref<4x80x128xf32, #tpu.memory_space<vmem>> -> memref<1x80x128xf32, #tpu.memory_space<vmem>>
        %dma_wait3A_260 = tpu.memref_squeeze %dma_wait3A_259 : memref<1x80x128xf32, #tpu.memory_space<vmem>> -> memref<80x128xf32, #tpu.memory_space<vmem>>
        %dma_wait3A_261 = arith.constant 0 : i32
        %dma_wait3A_262 = arith.constant 0 : i32
        %dma_wait3A_263 = tpu.memref_slice %arg22[%dma_wait3A_261, %dma_wait3A_262] : memref<10000x128xf32, #tpu.memory_space<vmem_shared>> -> memref<10000x128xf32, #tpu.memory_space<vmem_shared>>
        tpu.wait_indirect_dma semaphore(%arg29 : memref<!tpu.dma_semaphore, #tpu.memory_space<semaphore_mem>>) src(%dma_wait3A_260 : memref<80x128xf32, #tpu.memory_space<vmem>>) dst(%dma_wait3A_263 : memref<10000x128xf32, #tpu.memory_space<vmem_shared>>)
        %add3A_264 = arith.constant 8 : i32
        %add3A_265 = arith.addi %add3A_182, %add3A_264 : i32
        %lt3A_266 = arith.constant 125 : i32
        %lt3A_267 = arith.cmpi slt, %add3A_265, %lt3A_266 : i32
        %convert_element_type3A_268 = arith.extui %lt3A_267 : i1 to i32
        %cond3A_269 = arith.constant 0 : i32
        %cond3A_270 = arith.cmpi ne, %convert_element_type3A_268, %cond3A_269 : i32
        scf.if %cond3A_270 {
          %add3A_278 = arith.constant 8 : i32
          %add3A_279 = arith.addi %add3A_182, %add3A_278 : i32
          %mul3A_280 = arith.constant 80 : i32
          %mul3A_281 = arith.muli %add3A_279, %mul3A_280 : i32
          %add3A_282 = arith.addi %mul3A_34, %mul3A_281 : i32
          %dma_start3A_283 = tpu.memref_slice %arg3[%add3A_282] : memref<640000xi32, #tpu.memory_space<hbm>> -> memref<80xi32, #tpu.memory_space<hbm>>
          %dma_start3A_284 = tpu.memref_slice %arg3[%add3A_282] : memref<640000xi32, #tpu.memory_space<hbm>> -> memref<80xi32, #tpu.memory_space<hbm>>
          tpu.enqueue_dma source(%dma_start3A_284 : memref<80xi32, #tpu.memory_space<hbm>>) target(%arg8 : memref<80xi32, #tpu.memory_space<vmem>>) target_semaphore(%arg33 : memref<!tpu.dma_semaphore, #tpu.memory_space<semaphore_mem>>)
          %add3A_285 = arith.constant 320000 : i32
          %add3A_286 = arith.addi %add3A_285, %add3A_282 : i32
          %dma_start3A_287 = tpu.memref_slice %arg3[%add3A_286] : memref<640000xi32, #tpu.memory_space<hbm>> -> memref<80xi32, #tpu.memory_space<hbm>>
          %dma_start3A_288 = tpu.memref_slice %arg3[%add3A_286] : memref<640000xi32, #tpu.memory_space<hbm>> -> memref<80xi32, #tpu.memory_space<hbm>>
          tpu.enqueue_dma source(%dma_start3A_288 : memref<80xi32, #tpu.memory_space<hbm>>) target(%arg16 : memref<80xi32, #tpu.memory_space<vmem>>) target_semaphore(%arg41 : memref<!tpu.dma_semaphore, #tpu.memory_space<semaphore_mem>>)
        } else {
        }
        %add3A_271 = arith.constant 4 : i32
        %add3A_272 = arith.addi %add3A_182, %add3A_271 : i32
        %lt3A_273 = arith.constant 125 : i32
        %lt3A_274 = arith.cmpi slt, %add3A_272, %lt3A_273 : i32
        %convert_element_type3A_275 = arith.extui %lt3A_274 : i1 to i32
        %cond3A_276 = arith.constant 0 : i32
        %cond3A_277 = arith.cmpi ne, %convert_element_type3A_275, %cond3A_276 : i32
        scf.if %cond3A_277 {
          %add3A_278 = arith.constant 4 : i32
          %add3A_279 = arith.addi %add3A_182, %add3A_278 : i32
          %mul3A_280 = arith.constant 80 : i32
          %mul3A_281 = arith.muli %add3A_279, %mul3A_280 : i32
          %add3A_282 = arith.addi %mul3A_34, %mul3A_281 : i32
          %dma_wait3A_283 = tpu.memref_slice %arg3[%add3A_282] : memref<640000xi32, #tpu.memory_space<hbm>> -> memref<80xi32, #tpu.memory_space<hbm>>
          %dma_wait3A_284 = tpu.memref_slice %arg3[%add3A_282] : memref<640000xi32, #tpu.memory_space<hbm>> -> memref<80xi32, #tpu.memory_space<hbm>>
          tpu.wait_dma2 semaphore(%arg37 : memref<!tpu.dma_semaphore, #tpu.memory_space<semaphore_mem>>) src(%dma_wait3A_284 : memref<80xi32, #tpu.memory_space<hbm>>) dst(%arg12 : memref<80xi32, #tpu.memory_space<vmem>>)
          %dma_start3A_285 = arith.constant 2 : i32
          %dma_start3A_286 = arith.constant 0 : i32
          %dma_start3A_287 = arith.constant 0 : i32
          %dma_start3A_288 = tpu.memref_slice %arg5[%dma_start3A_285, %dma_start3A_286, %dma_start3A_287] : memref<4x80x128xf32, #tpu.memory_space<vmem>> -> memref<1x80x128xf32, #tpu.memory_space<vmem>>
          %dma_start3A_289 = tpu.memref_squeeze %dma_start3A_288 : memref<1x80x128xf32, #tpu.memory_space<vmem>> -> memref<80x128xf32, #tpu.memory_space<vmem>>
          %dma_start3A_290 = arith.constant 0 : i32
          %dma_start3A_291 = arith.constant 0 : i32
          %dma_start3A_292 = tpu.memref_slice %arg2[%dma_start3A_290, %dma_start3A_291] : memref<10000x128xf32, #tpu.memory_space<hbm>> -> memref<10000x128xf32, #tpu.memory_space<hbm>>
          tpu.enqueue_indirect_dma source(%dma_start3A_292 : memref<10000x128xf32, #tpu.memory_space<hbm>>) target(%dma_start3A_289 : memref<80x128xf32, #tpu.memory_space<vmem>>) offsets(%arg12 : memref<80xi32, #tpu.memory_space<vmem>>) semaphore(%arg25 : memref<!tpu.dma_semaphore, #tpu.memory_space<semaphore_mem>>)
        } else {
        }
      } else {
      }
      %mul3A_188 = arith.constant 8 : i32
      %mul3A_189 = arith.muli %scan3A_161, %mul3A_188 : i32
      %add3A_190 = arith.constant 3 : i32
      %add3A_191 = arith.addi %mul3A_189, %add3A_190 : i32
      %lt3A_192 = arith.constant 125 : i32
      %lt3A_193 = arith.cmpi slt, %add3A_191, %lt3A_192 : i32
      %convert_element_type3A_194 = arith.extui %lt3A_193 : i1 to i32
      %cond3A_195 = arith.constant 0 : i32
      %cond3A_196 = arith.cmpi ne, %convert_element_type3A_194, %cond3A_195 : i32
      scf.if %cond3A_196 {
        %dma_wait3A_233 = arith.constant 3 : i32
        %dma_wait3A_234 = arith.constant 0 : i32
        %dma_wait3A_235 = arith.constant 0 : i32
        %dma_wait3A_236 = tpu.memref_slice %arg5[%dma_wait3A_233, %dma_wait3A_234, %dma_wait3A_235] : memref<4x80x128xf32, #tpu.memory_space<vmem>> -> memref<1x80x128xf32, #tpu.memory_space<vmem>>
        %dma_wait3A_237 = tpu.memref_squeeze %dma_wait3A_236 : memref<1x80x128xf32, #tpu.memory_space<vmem>> -> memref<80x128xf32, #tpu.memory_space<vmem>>
        %dma_wait3A_238 = arith.constant 0 : i32
        %dma_wait3A_239 = arith.constant 0 : i32
        %dma_wait3A_240 = tpu.memref_slice %arg2[%dma_wait3A_238, %dma_wait3A_239] : memref<10000x128xf32, #tpu.memory_space<hbm>> -> memref<10000x128xf32, #tpu.memory_space<hbm>>
        tpu.wait_indirect_dma semaphore(%arg26 : memref<!tpu.dma_semaphore, #tpu.memory_space<semaphore_mem>>) src(%dma_wait3A_240 : memref<10000x128xf32, #tpu.memory_space<hbm>>) dst(%dma_wait3A_237 : memref<80x128xf32, #tpu.memory_space<vmem>>)
        %mul3A_241 = arith.constant 80 : i32
        %mul3A_242 = arith.muli %add3A_191, %mul3A_241 : i32
        %add3A_243 = arith.addi %mul3A_34, %mul3A_242 : i32
        %add3A_244 = arith.constant 320000 : i32
        %add3A_245 = arith.addi %add3A_244, %add3A_243 : i32
        %dma_wait3A_246 = tpu.memref_slice %arg3[%add3A_245] : memref<640000xi32, #tpu.memory_space<hbm>> -> memref<80xi32, #tpu.memory_space<hbm>>
        %dma_wait3A_247 = tpu.memref_slice %arg3[%add3A_245] : memref<640000xi32, #tpu.memory_space<hbm>> -> memref<80xi32, #tpu.memory_space<hbm>>
        tpu.wait_dma2 semaphore(%arg42 : memref<!tpu.dma_semaphore, #tpu.memory_space<semaphore_mem>>) src(%dma_wait3A_247 : memref<80xi32, #tpu.memory_space<hbm>>) dst(%arg17 : memref<80xi32, #tpu.memory_space<vmem>>)
        %dma_start3A_248 = arith.constant 3 : i32
        %dma_start3A_249 = arith.constant 0 : i32
        %dma_start3A_250 = arith.constant 0 : i32
        %dma_start3A_251 = tpu.memref_slice %arg5[%dma_start3A_248, %dma_start3A_249, %dma_start3A_250] : memref<4x80x128xf32, #tpu.memory_space<vmem>> -> memref<1x80x128xf32, #tpu.memory_space<vmem>>
        %dma_start3A_252 = tpu.memref_squeeze %dma_start3A_251 : memref<1x80x128xf32, #tpu.memory_space<vmem>> -> memref<80x128xf32, #tpu.memory_space<vmem>>
        %dma_start3A_253 = arith.constant 0 : i32
        %dma_start3A_254 = arith.constant 0 : i32
        %dma_start3A_255 = tpu.memref_slice %arg22[%dma_start3A_253, %dma_start3A_254] : memref<10000x128xf32, #tpu.memory_space<vmem_shared>> -> memref<10000x128xf32, #tpu.memory_space<vmem_shared>>
        tpu.enqueue_indirect_dma source(%dma_start3A_252 : memref<80x128xf32, #tpu.memory_space<vmem>>) target(%dma_start3A_255 : memref<10000x128xf32, #tpu.memory_space<vmem_shared>>) offsets(%arg17 : memref<80xi32, #tpu.memory_space<vmem>>) semaphore(%arg30 : memref<!tpu.dma_semaphore, #tpu.memory_space<semaphore_mem>>) {add = true}
        %dma_wait3A_256 = arith.constant 3 : i32
        %dma_wait3A_257 = arith.constant 0 : i32
        %dma_wait3A_258 = arith.constant 0 : i32
        %dma_wait3A_259 = tpu.memref_slice %arg5[%dma_wait3A_256, %dma_wait3A_257, %dma_wait3A_258] : memref<4x80x128xf32, #tpu.memory_space<vmem>> -> memref<1x80x128xf32, #tpu.memory_space<vmem>>
        %dma_wait3A_260 = tpu.memref_squeeze %dma_wait3A_259 : memref<1x80x128xf32, #tpu.memory_space<vmem>> -> memref<80x128xf32, #tpu.memory_space<vmem>>
        %dma_wait3A_261 = arith.constant 0 : i32
        %dma_wait3A_262 = arith.constant 0 : i32
        %dma_wait3A_263 = tpu.memref_slice %arg22[%dma_wait3A_261, %dma_wait3A_262] : memref<10000x128xf32, #tpu.memory_space<vmem_shared>> -> memref<10000x128xf32, #tpu.memory_space<vmem_shared>>
        tpu.wait_indirect_dma semaphore(%arg30 : memref<!tpu.dma_semaphore, #tpu.memory_space<semaphore_mem>>) src(%dma_wait3A_260 : memref<80x128xf32, #tpu.memory_space<vmem>>) dst(%dma_wait3A_263 : memref<10000x128xf32, #tpu.memory_space<vmem_shared>>)
        %add3A_264 = arith.constant 8 : i32
        %add3A_265 = arith.addi %add3A_191, %add3A_264 : i32
        %lt3A_266 = arith.constant 125 : i32
        %lt3A_267 = arith.cmpi slt, %add3A_265, %lt3A_266 : i32
        %convert_element_type3A_268 = arith.extui %lt3A_267 : i1 to i32
        %cond3A_269 = arith.constant 0 : i32
        %cond3A_270 = arith.cmpi ne, %convert_element_type3A_268, %cond3A_269 : i32
        scf.if %cond3A_270 {
          %add3A_278 = arith.constant 8 : i32
          %add3A_279 = arith.addi %add3A_191, %add3A_278 : i32
          %mul3A_280 = arith.constant 80 : i32
          %mul3A_281 = arith.muli %add3A_279, %mul3A_280 : i32
          %add3A_282 = arith.addi %mul3A_34, %mul3A_281 : i32
          %dma_start3A_283 = tpu.memref_slice %arg3[%add3A_282] : memref<640000xi32, #tpu.memory_space<hbm>> -> memref<80xi32, #tpu.memory_space<hbm>>
          %dma_start3A_284 = tpu.memref_slice %arg3[%add3A_282] : memref<640000xi32, #tpu.memory_space<hbm>> -> memref<80xi32, #tpu.memory_space<hbm>>
          tpu.enqueue_dma source(%dma_start3A_284 : memref<80xi32, #tpu.memory_space<hbm>>) target(%arg9 : memref<80xi32, #tpu.memory_space<vmem>>) target_semaphore(%arg34 : memref<!tpu.dma_semaphore, #tpu.memory_space<semaphore_mem>>)
          %add3A_285 = arith.constant 320000 : i32
          %add3A_286 = arith.addi %add3A_285, %add3A_282 : i32
          %dma_start3A_287 = tpu.memref_slice %arg3[%add3A_286] : memref<640000xi32, #tpu.memory_space<hbm>> -> memref<80xi32, #tpu.memory_space<hbm>>
          %dma_start3A_288 = tpu.memref_slice %arg3[%add3A_286] : memref<640000xi32, #tpu.memory_space<hbm>> -> memref<80xi32, #tpu.memory_space<hbm>>
          tpu.enqueue_dma source(%dma_start3A_288 : memref<80xi32, #tpu.memory_space<hbm>>) target(%arg17 : memref<80xi32, #tpu.memory_space<vmem>>) target_semaphore(%arg42 : memref<!tpu.dma_semaphore, #tpu.memory_space<semaphore_mem>>)
        } else {
        }
        %add3A_271 = arith.constant 4 : i32
        %add3A_272 = arith.addi %add3A_191, %add3A_271 : i32
        %lt3A_273 = arith.constant 125 : i32
        %lt3A_274 = arith.cmpi slt, %add3A_272, %lt3A_273 : i32
        %convert_element_type3A_275 = arith.extui %lt3A_274 : i1 to i32
        %cond3A_276 = arith.constant 0 : i32
        %cond3A_277 = arith.cmpi ne, %convert_element_type3A_275, %cond3A_276 : i32
        scf.if %cond3A_277 {
          %add3A_278 = arith.constant 4 : i32
          %add3A_279 = arith.addi %add3A_191, %add3A_278 : i32
          %mul3A_280 = arith.constant 80 : i32
          %mul3A_281 = arith.muli %add3A_279, %mul3A_280 : i32
          %add3A_282 = arith.addi %mul3A_34, %mul3A_281 : i32
          %dma_wait3A_283 = tpu.memref_slice %arg3[%add3A_282] : memref<640000xi32, #tpu.memory_space<hbm>> -> memref<80xi32, #tpu.memory_space<hbm>>
          %dma_wait3A_284 = tpu.memref_slice %arg3[%add3A_282] : memref<640000xi32, #tpu.memory_space<hbm>> -> memref<80xi32, #tpu.memory_space<hbm>>
          tpu.wait_dma2 semaphore(%arg38 : memref<!tpu.dma_semaphore, #tpu.memory_space<semaphore_mem>>) src(%dma_wait3A_284 : memref<80xi32, #tpu.memory_space<hbm>>) dst(%arg13 : memref<80xi32, #tpu.memory_space<vmem>>)
          %dma_start3A_285 = arith.constant 3 : i32
          %dma_start3A_286 = arith.constant 0 : i32
          %dma_start3A_287 = arith.constant 0 : i32
          %dma_start3A_288 = tpu.memref_slice %arg5[%dma_start3A_285, %dma_start3A_286, %dma_start3A_287] : memref<4x80x128xf32, #tpu.memory_space<vmem>> -> memref<1x80x128xf32, #tpu.memory_space<vmem>>
          %dma_start3A_289 = tpu.memref_squeeze %dma_start3A_288 : memref<1x80x128xf32, #tpu.memory_space<vmem>> -> memref<80x128xf32, #tpu.memory_space<vmem>>
          %dma_start3A_290 = arith.constant 0 : i32
          %dma_start3A_291 = arith.constant 0 : i32
          %dma_start3A_292 = tpu.memref_slice %arg2[%dma_start3A_290, %dma_start3A_291] : memref<10000x128xf32, #tpu.memory_space<hbm>> -> memref<10000x128xf32, #tpu.memory_space<hbm>>
          tpu.enqueue_indirect_dma source(%dma_start3A_292 : memref<10000x128xf32, #tpu.memory_space<hbm>>) target(%dma_start3A_289 : memref<80x128xf32, #tpu.memory_space<vmem>>) offsets(%arg13 : memref<80xi32, #tpu.memory_space<vmem>>) semaphore(%arg26 : memref<!tpu.dma_semaphore, #tpu.memory_space<semaphore_mem>>)
        } else {
        }
      } else {
      }
      %mul3A_197 = arith.constant 8 : i32
      %mul3A_198 = arith.muli %scan3A_161, %mul3A_197 : i32
      %add3A_199 = arith.constant 4 : i32
      %add3A_200 = arith.addi %mul3A_198, %add3A_199 : i32
      %lt3A_201 = arith.constant 125 : i32
      %lt3A_202 = arith.cmpi slt, %add3A_200, %lt3A_201 : i32
      %convert_element_type3A_203 = arith.extui %lt3A_202 : i1 to i32
      %cond3A_204 = arith.constant 0 : i32
      %cond3A_205 = arith.cmpi ne, %convert_element_type3A_203, %cond3A_204 : i32
      scf.if %cond3A_205 {
        %dma_wait3A_233 = arith.constant 0 : i32
        %dma_wait3A_234 = arith.constant 0 : i32
        %dma_wait3A_235 = arith.constant 0 : i32
        %dma_wait3A_236 = tpu.memref_slice %arg5[%dma_wait3A_233, %dma_wait3A_234, %dma_wait3A_235] : memref<4x80x128xf32, #tpu.memory_space<vmem>> -> memref<1x80x128xf32, #tpu.memory_space<vmem>>
        %dma_wait3A_237 = tpu.memref_squeeze %dma_wait3A_236 : memref<1x80x128xf32, #tpu.memory_space<vmem>> -> memref<80x128xf32, #tpu.memory_space<vmem>>
        %dma_wait3A_238 = arith.constant 0 : i32
        %dma_wait3A_239 = arith.constant 0 : i32
        %dma_wait3A_240 = tpu.memref_slice %arg2[%dma_wait3A_238, %dma_wait3A_239] : memref<10000x128xf32, #tpu.memory_space<hbm>> -> memref<10000x128xf32, #tpu.memory_space<hbm>>
        tpu.wait_indirect_dma semaphore(%arg23 : memref<!tpu.dma_semaphore, #tpu.memory_space<semaphore_mem>>) src(%dma_wait3A_240 : memref<10000x128xf32, #tpu.memory_space<hbm>>) dst(%dma_wait3A_237 : memref<80x128xf32, #tpu.memory_space<vmem>>)
        %mul3A_241 = arith.constant 80 : i32
        %mul3A_242 = arith.muli %add3A_200, %mul3A_241 : i32
        %add3A_243 = arith.addi %mul3A_34, %mul3A_242 : i32
        %add3A_244 = arith.constant 320000 : i32
        %add3A_245 = arith.addi %add3A_244, %add3A_243 : i32
        %dma_wait3A_246 = tpu.memref_slice %arg3[%add3A_245] : memref<640000xi32, #tpu.memory_space<hbm>> -> memref<80xi32, #tpu.memory_space<hbm>>
        %dma_wait3A_247 = tpu.memref_slice %arg3[%add3A_245] : memref<640000xi32, #tpu.memory_space<hbm>> -> memref<80xi32, #tpu.memory_space<hbm>>
        tpu.wait_dma2 semaphore(%arg43 : memref<!tpu.dma_semaphore, #tpu.memory_space<semaphore_mem>>) src(%dma_wait3A_247 : memref<80xi32, #tpu.memory_space<hbm>>) dst(%arg18 : memref<80xi32, #tpu.memory_space<vmem>>)
        %dma_start3A_248 = arith.constant 0 : i32
        %dma_start3A_249 = arith.constant 0 : i32
        %dma_start3A_250 = arith.constant 0 : i32
        %dma_start3A_251 = tpu.memref_slice %arg5[%dma_start3A_248, %dma_start3A_249, %dma_start3A_250] : memref<4x80x128xf32, #tpu.memory_space<vmem>> -> memref<1x80x128xf32, #tpu.memory_space<vmem>>
        %dma_start3A_252 = tpu.memref_squeeze %dma_start3A_251 : memref<1x80x128xf32, #tpu.memory_space<vmem>> -> memref<80x128xf32, #tpu.memory_space<vmem>>
        %dma_start3A_253 = arith.constant 0 : i32
        %dma_start3A_254 = arith.constant 0 : i32
        %dma_start3A_255 = tpu.memref_slice %arg22[%dma_start3A_253, %dma_start3A_254] : memref<10000x128xf32, #tpu.memory_space<vmem_shared>> -> memref<10000x128xf32, #tpu.memory_space<vmem_shared>>
        tpu.enqueue_indirect_dma source(%dma_start3A_252 : memref<80x128xf32, #tpu.memory_space<vmem>>) target(%dma_start3A_255 : memref<10000x128xf32, #tpu.memory_space<vmem_shared>>) offsets(%arg18 : memref<80xi32, #tpu.memory_space<vmem>>) semaphore(%arg27 : memref<!tpu.dma_semaphore, #tpu.memory_space<semaphore_mem>>) {add = true}
        %dma_wait3A_256 = arith.constant 0 : i32
        %dma_wait3A_257 = arith.constant 0 : i32
        %dma_wait3A_258 = arith.constant 0 : i32
        %dma_wait3A_259 = tpu.memref_slice %arg5[%dma_wait3A_256, %dma_wait3A_257, %dma_wait3A_258] : memref<4x80x128xf32, #tpu.memory_space<vmem>> -> memref<1x80x128xf32, #tpu.memory_space<vmem>>
        %dma_wait3A_260 = tpu.memref_squeeze %dma_wait3A_259 : memref<1x80x128xf32, #tpu.memory_space<vmem>> -> memref<80x128xf32, #tpu.memory_space<vmem>>
        %dma_wait3A_261 = arith.constant 0 : i32
        %dma_wait3A_262 = arith.constant 0 : i32
        %dma_wait3A_263 = tpu.memref_slice %arg22[%dma_wait3A_261, %dma_wait3A_262] : memref<10000x128xf32, #tpu.memory_space<vmem_shared>> -> memref<10000x128xf32, #tpu.memory_space<vmem_shared>>
        tpu.wait_indirect_dma semaphore(%arg27 : memref<!tpu.dma_semaphore, #tpu.memory_space<semaphore_mem>>) src(%dma_wait3A_260 : memref<80x128xf32, #tpu.memory_space<vmem>>) dst(%dma_wait3A_263 : memref<10000x128xf32, #tpu.memory_space<vmem_shared>>)
        %add3A_264 = arith.constant 8 : i32
        %add3A_265 = arith.addi %add3A_200, %add3A_264 : i32
        %lt3A_266 = arith.constant 125 : i32
        %lt3A_267 = arith.cmpi slt, %add3A_265, %lt3A_266 : i32
        %convert_element_type3A_268 = arith.extui %lt3A_267 : i1 to i32
        %cond3A_269 = arith.constant 0 : i32
        %cond3A_270 = arith.cmpi ne, %convert_element_type3A_268, %cond3A_269 : i32
        scf.if %cond3A_270 {
          %add3A_278 = arith.constant 8 : i32
          %add3A_279 = arith.addi %add3A_200, %add3A_278 : i32
          %mul3A_280 = arith.constant 80 : i32
          %mul3A_281 = arith.muli %add3A_279, %mul3A_280 : i32
          %add3A_282 = arith.addi %mul3A_34, %mul3A_281 : i32
          %dma_start3A_283 = tpu.memref_slice %arg3[%add3A_282] : memref<640000xi32, #tpu.memory_space<hbm>> -> memref<80xi32, #tpu.memory_space<hbm>>
          %dma_start3A_284 = tpu.memref_slice %arg3[%add3A_282] : memref<640000xi32, #tpu.memory_space<hbm>> -> memref<80xi32, #tpu.memory_space<hbm>>
          tpu.enqueue_dma source(%dma_start3A_284 : memref<80xi32, #tpu.memory_space<hbm>>) target(%arg10 : memref<80xi32, #tpu.memory_space<vmem>>) target_semaphore(%arg35 : memref<!tpu.dma_semaphore, #tpu.memory_space<semaphore_mem>>)
          %add3A_285 = arith.constant 320000 : i32
          %add3A_286 = arith.addi %add3A_285, %add3A_282 : i32
          %dma_start3A_287 = tpu.memref_slice %arg3[%add3A_286] : memref<640000xi32, #tpu.memory_space<hbm>> -> memref<80xi32, #tpu.memory_space<hbm>>
          %dma_start3A_288 = tpu.memref_slice %arg3[%add3A_286] : memref<640000xi32, #tpu.memory_space<hbm>> -> memref<80xi32, #tpu.memory_space<hbm>>
          tpu.enqueue_dma source(%dma_start3A_288 : memref<80xi32, #tpu.memory_space<hbm>>) target(%arg18 : memref<80xi32, #tpu.memory_space<vmem>>) target_semaphore(%arg43 : memref<!tpu.dma_semaphore, #tpu.memory_space<semaphore_mem>>)
        } else {
        }
        %add3A_271 = arith.constant 4 : i32
        %add3A_272 = arith.addi %add3A_200, %add3A_271 : i32
        %lt3A_273 = arith.constant 125 : i32
        %lt3A_274 = arith.cmpi slt, %add3A_272, %lt3A_273 : i32
        %convert_element_type3A_275 = arith.extui %lt3A_274 : i1 to i32
        %cond3A_276 = arith.constant 0 : i32
        %cond3A_277 = arith.cmpi ne, %convert_element_type3A_275, %cond3A_276 : i32
        scf.if %cond3A_277 {
          %add3A_278 = arith.constant 4 : i32
          %add3A_279 = arith.addi %add3A_200, %add3A_278 : i32
          %mul3A_280 = arith.constant 80 : i32
          %mul3A_281 = arith.muli %add3A_279, %mul3A_280 : i32
          %add3A_282 = arith.addi %mul3A_34, %mul3A_281 : i32
          %dma_wait3A_283 = tpu.memref_slice %arg3[%add3A_282] : memref<640000xi32, #tpu.memory_space<hbm>> -> memref<80xi32, #tpu.memory_space<hbm>>
          %dma_wait3A_284 = tpu.memref_slice %arg3[%add3A_282] : memref<640000xi32, #tpu.memory_space<hbm>> -> memref<80xi32, #tpu.memory_space<hbm>>
          tpu.wait_dma2 semaphore(%arg31 : memref<!tpu.dma_semaphore, #tpu.memory_space<semaphore_mem>>) src(%dma_wait3A_284 : memref<80xi32, #tpu.memory_space<hbm>>) dst(%arg6 : memref<80xi32, #tpu.memory_space<vmem>>)
          %dma_start3A_285 = arith.constant 0 : i32
          %dma_start3A_286 = arith.constant 0 : i32
          %dma_start3A_287 = arith.constant 0 : i32
          %dma_start3A_288 = tpu.memref_slice %arg5[%dma_start3A_285, %dma_start3A_286, %dma_start3A_287] : memref<4x80x128xf32, #tpu.memory_space<vmem>> -> memref<1x80x128xf32, #tpu.memory_space<vmem>>
          %dma_start3A_289 = tpu.memref_squeeze %dma_start3A_288 : memref<1x80x128xf32, #tpu.memory_space<vmem>> -> memref<80x128xf32, #tpu.memory_space<vmem>>
          %dma_start3A_290 = arith.constant 0 : i32
          %dma_start3A_291 = arith.constant 0 : i32
          %dma_start3A_292 = tpu.memref_slice %arg2[%dma_start3A_290, %dma_start3A_291] : memref<10000x128xf32, #tpu.memory_space<hbm>> -> memref<10000x128xf32, #tpu.memory_space<hbm>>
          tpu.enqueue_indirect_dma source(%dma_start3A_292 : memref<10000x128xf32, #tpu.memory_space<hbm>>) target(%dma_start3A_289 : memref<80x128xf32, #tpu.memory_space<vmem>>) offsets(%arg6 : memref<80xi32, #tpu.memory_space<vmem>>) semaphore(%arg23 : memref<!tpu.dma_semaphore, #tpu.memory_space<semaphore_mem>>)
        } else {
        }
      } else {
      }
      %mul3A_206 = arith.constant 8 : i32
      %mul3A_207 = arith.muli %scan3A_161, %mul3A_206 : i32
      %add3A_208 = arith.constant 5 : i32
      %add3A_209 = arith.addi %mul3A_207, %add3A_208 : i32
      %lt3A_210 = arith.constant 125 : i32
      %lt3A_211 = arith.cmpi slt, %add3A_209, %lt3A_210 : i32
      %convert_element_type3A_212 = arith.extui %lt3A_211 : i1 to i32
      %cond3A_213 = arith.constant 0 : i32
      %cond3A_214 = arith.cmpi ne, %convert_element_type3A_212, %cond3A_213 : i32
      scf.if %cond3A_214 {
        %dma_wait3A_233 = arith.constant 1 : i32
        %dma_wait3A_234 = arith.constant 0 : i32
        %dma_wait3A_235 = arith.constant 0 : i32
        %dma_wait3A_236 = tpu.memref_slice %arg5[%dma_wait3A_233, %dma_wait3A_234, %dma_wait3A_235] : memref<4x80x128xf32, #tpu.memory_space<vmem>> -> memref<1x80x128xf32, #tpu.memory_space<vmem>>
        %dma_wait3A_237 = tpu.memref_squeeze %dma_wait3A_236 : memref<1x80x128xf32, #tpu.memory_space<vmem>> -> memref<80x128xf32, #tpu.memory_space<vmem>>
        %dma_wait3A_238 = arith.constant 0 : i32
        %dma_wait3A_239 = arith.constant 0 : i32
        %dma_wait3A_240 = tpu.memref_slice %arg2[%dma_wait3A_238, %dma_wait3A_239] : memref<10000x128xf32, #tpu.memory_space<hbm>> -> memref<10000x128xf32, #tpu.memory_space<hbm>>
        tpu.wait_indirect_dma semaphore(%arg24 : memref<!tpu.dma_semaphore, #tpu.memory_space<semaphore_mem>>) src(%dma_wait3A_240 : memref<10000x128xf32, #tpu.memory_space<hbm>>) dst(%dma_wait3A_237 : memref<80x128xf32, #tpu.memory_space<vmem>>)
        %mul3A_241 = arith.constant 80 : i32
        %mul3A_242 = arith.muli %add3A_209, %mul3A_241 : i32
        %add3A_243 = arith.addi %mul3A_34, %mul3A_242 : i32
        %add3A_244 = arith.constant 320000 : i32
        %add3A_245 = arith.addi %add3A_244, %add3A_243 : i32
        %dma_wait3A_246 = tpu.memref_slice %arg3[%add3A_245] : memref<640000xi32, #tpu.memory_space<hbm>> -> memref<80xi32, #tpu.memory_space<hbm>>
        %dma_wait3A_247 = tpu.memref_slice %arg3[%add3A_245] : memref<640000xi32, #tpu.memory_space<hbm>> -> memref<80xi32, #tpu.memory_space<hbm>>
        tpu.wait_dma2 semaphore(%arg44 : memref<!tpu.dma_semaphore, #tpu.memory_space<semaphore_mem>>) src(%dma_wait3A_247 : memref<80xi32, #tpu.memory_space<hbm>>) dst(%arg19 : memref<80xi32, #tpu.memory_space<vmem>>)
        %dma_start3A_248 = arith.constant 1 : i32
        %dma_start3A_249 = arith.constant 0 : i32
        %dma_start3A_250 = arith.constant 0 : i32
        %dma_start3A_251 = tpu.memref_slice %arg5[%dma_start3A_248, %dma_start3A_249, %dma_start3A_250] : memref<4x80x128xf32, #tpu.memory_space<vmem>> -> memref<1x80x128xf32, #tpu.memory_space<vmem>>
        %dma_start3A_252 = tpu.memref_squeeze %dma_start3A_251 : memref<1x80x128xf32, #tpu.memory_space<vmem>> -> memref<80x128xf32, #tpu.memory_space<vmem>>
        %dma_start3A_253 = arith.constant 0 : i32
        %dma_start3A_254 = arith.constant 0 : i32
        %dma_start3A_255 = tpu.memref_slice %arg22[%dma_start3A_253, %dma_start3A_254] : memref<10000x128xf32, #tpu.memory_space<vmem_shared>> -> memref<10000x128xf32, #tpu.memory_space<vmem_shared>>
        tpu.enqueue_indirect_dma source(%dma_start3A_252 : memref<80x128xf32, #tpu.memory_space<vmem>>) target(%dma_start3A_255 : memref<10000x128xf32, #tpu.memory_space<vmem_shared>>) offsets(%arg19 : memref<80xi32, #tpu.memory_space<vmem>>) semaphore(%arg28 : memref<!tpu.dma_semaphore, #tpu.memory_space<semaphore_mem>>) {add = true}
        %dma_wait3A_256 = arith.constant 1 : i32
        %dma_wait3A_257 = arith.constant 0 : i32
        %dma_wait3A_258 = arith.constant 0 : i32
        %dma_wait3A_259 = tpu.memref_slice %arg5[%dma_wait3A_256, %dma_wait3A_257, %dma_wait3A_258] : memref<4x80x128xf32, #tpu.memory_space<vmem>> -> memref<1x80x128xf32, #tpu.memory_space<vmem>>
        %dma_wait3A_260 = tpu.memref_squeeze %dma_wait3A_259 : memref<1x80x128xf32, #tpu.memory_space<vmem>> -> memref<80x128xf32, #tpu.memory_space<vmem>>
        %dma_wait3A_261 = arith.constant 0 : i32
        %dma_wait3A_262 = arith.constant 0 : i32
        %dma_wait3A_263 = tpu.memref_slice %arg22[%dma_wait3A_261, %dma_wait3A_262] : memref<10000x128xf32, #tpu.memory_space<vmem_shared>> -> memref<10000x128xf32, #tpu.memory_space<vmem_shared>>
        tpu.wait_indirect_dma semaphore(%arg28 : memref<!tpu.dma_semaphore, #tpu.memory_space<semaphore_mem>>) src(%dma_wait3A_260 : memref<80x128xf32, #tpu.memory_space<vmem>>) dst(%dma_wait3A_263 : memref<10000x128xf32, #tpu.memory_space<vmem_shared>>)
        %add3A_264 = arith.constant 8 : i32
        %add3A_265 = arith.addi %add3A_209, %add3A_264 : i32
        %lt3A_266 = arith.constant 125 : i32
        %lt3A_267 = arith.cmpi slt, %add3A_265, %lt3A_266 : i32
        %convert_element_type3A_268 = arith.extui %lt3A_267 : i1 to i32
        %cond3A_269 = arith.constant 0 : i32
        %cond3A_270 = arith.cmpi ne, %convert_element_type3A_268, %cond3A_269 : i32
        scf.if %cond3A_270 {
          %add3A_278 = arith.constant 8 : i32
          %add3A_279 = arith.addi %add3A_209, %add3A_278 : i32
          %mul3A_280 = arith.constant 80 : i32
          %mul3A_281 = arith.muli %add3A_279, %mul3A_280 : i32
          %add3A_282 = arith.addi %mul3A_34, %mul3A_281 : i32
          %dma_start3A_283 = tpu.memref_slice %arg3[%add3A_282] : memref<640000xi32, #tpu.memory_space<hbm>> -> memref<80xi32, #tpu.memory_space<hbm>>
          %dma_start3A_284 = tpu.memref_slice %arg3[%add3A_282] : memref<640000xi32, #tpu.memory_space<hbm>> -> memref<80xi32, #tpu.memory_space<hbm>>
          tpu.enqueue_dma source(%dma_start3A_284 : memref<80xi32, #tpu.memory_space<hbm>>) target(%arg11 : memref<80xi32, #tpu.memory_space<vmem>>) target_semaphore(%arg36 : memref<!tpu.dma_semaphore, #tpu.memory_space<semaphore_mem>>)
          %add3A_285 = arith.constant 320000 : i32
          %add3A_286 = arith.addi %add3A_285, %add3A_282 : i32
          %dma_start3A_287 = tpu.memref_slice %arg3[%add3A_286] : memref<640000xi32, #tpu.memory_space<hbm>> -> memref<80xi32, #tpu.memory_space<hbm>>
          %dma_start3A_288 = tpu.memref_slice %arg3[%add3A_286] : memref<640000xi32, #tpu.memory_space<hbm>> -> memref<80xi32, #tpu.memory_space<hbm>>
          tpu.enqueue_dma source(%dma_start3A_288 : memref<80xi32, #tpu.memory_space<hbm>>) target(%arg19 : memref<80xi32, #tpu.memory_space<vmem>>) target_semaphore(%arg44 : memref<!tpu.dma_semaphore, #tpu.memory_space<semaphore_mem>>)
        } else {
        }
        %add3A_271 = arith.constant 4 : i32
        %add3A_272 = arith.addi %add3A_209, %add3A_271 : i32
        %lt3A_273 = arith.constant 125 : i32
        %lt3A_274 = arith.cmpi slt, %add3A_272, %lt3A_273 : i32
        %convert_element_type3A_275 = arith.extui %lt3A_274 : i1 to i32
        %cond3A_276 = arith.constant 0 : i32
        %cond3A_277 = arith.cmpi ne, %convert_element_type3A_275, %cond3A_276 : i32
        scf.if %cond3A_277 {
          %add3A_278 = arith.constant 4 : i32
          %add3A_279 = arith.addi %add3A_209, %add3A_278 : i32
          %mul3A_280 = arith.constant 80 : i32
          %mul3A_281 = arith.muli %add3A_279, %mul3A_280 : i32
          %add3A_282 = arith.addi %mul3A_34, %mul3A_281 : i32
          %dma_wait3A_283 = tpu.memref_slice %arg3[%add3A_282] : memref<640000xi32, #tpu.memory_space<hbm>> -> memref<80xi32, #tpu.memory_space<hbm>>
          %dma_wait3A_284 = tpu.memref_slice %arg3[%add3A_282] : memref<640000xi32, #tpu.memory_space<hbm>> -> memref<80xi32, #tpu.memory_space<hbm>>
          tpu.wait_dma2 semaphore(%arg32 : memref<!tpu.dma_semaphore, #tpu.memory_space<semaphore_mem>>) src(%dma_wait3A_284 : memref<80xi32, #tpu.memory_space<hbm>>) dst(%arg7 : memref<80xi32, #tpu.memory_space<vmem>>)
          %dma_start3A_285 = arith.constant 1 : i32
          %dma_start3A_286 = arith.constant 0 : i32
          %dma_start3A_287 = arith.constant 0 : i32
          %dma_start3A_288 = tpu.memref_slice %arg5[%dma_start3A_285, %dma_start3A_286, %dma_start3A_287] : memref<4x80x128xf32, #tpu.memory_space<vmem>> -> memref<1x80x128xf32, #tpu.memory_space<vmem>>
          %dma_start3A_289 = tpu.memref_squeeze %dma_start3A_288 : memref<1x80x128xf32, #tpu.memory_space<vmem>> -> memref<80x128xf32, #tpu.memory_space<vmem>>
          %dma_start3A_290 = arith.constant 0 : i32
          %dma_start3A_291 = arith.constant 0 : i32
          %dma_start3A_292 = tpu.memref_slice %arg2[%dma_start3A_290, %dma_start3A_291] : memref<10000x128xf32, #tpu.memory_space<hbm>> -> memref<10000x128xf32, #tpu.memory_space<hbm>>
          tpu.enqueue_indirect_dma source(%dma_start3A_292 : memref<10000x128xf32, #tpu.memory_space<hbm>>) target(%dma_start3A_289 : memref<80x128xf32, #tpu.memory_space<vmem>>) offsets(%arg7 : memref<80xi32, #tpu.memory_space<vmem>>) semaphore(%arg24 : memref<!tpu.dma_semaphore, #tpu.memory_space<semaphore_mem>>)
        } else {
        }
      } else {
      }
      %mul3A_215 = arith.constant 8 : i32
      %mul3A_216 = arith.muli %scan3A_161, %mul3A_215 : i32
      %add3A_217 = arith.constant 6 : i32
      %add3A_218 = arith.addi %mul3A_216, %add3A_217 : i32
      %lt3A_219 = arith.constant 125 : i32
      %lt3A_220 = arith.cmpi slt, %add3A_218, %lt3A_219 : i32
      %convert_element_type3A_221 = arith.extui %lt3A_220 : i1 to i32
      %cond3A_222 = arith.constant 0 : i32
      %cond3A_223 = arith.cmpi ne, %convert_element_type3A_221, %cond3A_222 : i32
      scf.if %cond3A_223 {
        %dma_wait3A_233 = arith.constant 2 : i32
        %dma_wait3A_234 = arith.constant 0 : i32
        %dma_wait3A_235 = arith.constant 0 : i32
        %dma_wait3A_236 = tpu.memref_slice %arg5[%dma_wait3A_233, %dma_wait3A_234, %dma_wait3A_235] : memref<4x80x128xf32, #tpu.memory_space<vmem>> -> memref<1x80x128xf32, #tpu.memory_space<vmem>>
        %dma_wait3A_237 = tpu.memref_squeeze %dma_wait3A_236 : memref<1x80x128xf32, #tpu.memory_space<vmem>> -> memref<80x128xf32, #tpu.memory_space<vmem>>
        %dma_wait3A_238 = arith.constant 0 : i32
        %dma_wait3A_239 = arith.constant 0 : i32
        %dma_wait3A_240 = tpu.memref_slice %arg2[%dma_wait3A_238, %dma_wait3A_239] : memref<10000x128xf32, #tpu.memory_space<hbm>> -> memref<10000x128xf32, #tpu.memory_space<hbm>>
        tpu.wait_indirect_dma semaphore(%arg25 : memref<!tpu.dma_semaphore, #tpu.memory_space<semaphore_mem>>) src(%dma_wait3A_240 : memref<10000x128xf32, #tpu.memory_space<hbm>>) dst(%dma_wait3A_237 : memref<80x128xf32, #tpu.memory_space<vmem>>)
        %mul3A_241 = arith.constant 80 : i32
        %mul3A_242 = arith.muli %add3A_218, %mul3A_241 : i32
        %add3A_243 = arith.addi %mul3A_34, %mul3A_242 : i32
        %add3A_244 = arith.constant 320000 : i32
        %add3A_245 = arith.addi %add3A_244, %add3A_243 : i32
        %dma_wait3A_246 = tpu.memref_slice %arg3[%add3A_245] : memref<640000xi32, #tpu.memory_space<hbm>> -> memref<80xi32, #tpu.memory_space<hbm>>
        %dma_wait3A_247 = tpu.memref_slice %arg3[%add3A_245] : memref<640000xi32, #tpu.memory_space<hbm>> -> memref<80xi32, #tpu.memory_space<hbm>>
        tpu.wait_dma2 semaphore(%arg45 : memref<!tpu.dma_semaphore, #tpu.memory_space<semaphore_mem>>) src(%dma_wait3A_247 : memref<80xi32, #tpu.memory_space<hbm>>) dst(%arg20 : memref<80xi32, #tpu.memory_space<vmem>>)
        %dma_start3A_248 = arith.constant 2 : i32
        %dma_start3A_249 = arith.constant 0 : i32
        %dma_start3A_250 = arith.constant 0 : i32
        %dma_start3A_251 = tpu.memref_slice %arg5[%dma_start3A_248, %dma_start3A_249, %dma_start3A_250] : memref<4x80x128xf32, #tpu.memory_space<vmem>> -> memref<1x80x128xf32, #tpu.memory_space<vmem>>
        %dma_start3A_252 = tpu.memref_squeeze %dma_start3A_251 : memref<1x80x128xf32, #tpu.memory_space<vmem>> -> memref<80x128xf32, #tpu.memory_space<vmem>>
        %dma_start3A_253 = arith.constant 0 : i32
        %dma_start3A_254 = arith.constant 0 : i32
        %dma_start3A_255 = tpu.memref_slice %arg22[%dma_start3A_253, %dma_start3A_254] : memref<10000x128xf32, #tpu.memory_space<vmem_shared>> -> memref<10000x128xf32, #tpu.memory_space<vmem_shared>>
        tpu.enqueue_indirect_dma source(%dma_start3A_252 : memref<80x128xf32, #tpu.memory_space<vmem>>) target(%dma_start3A_255 : memref<10000x128xf32, #tpu.memory_space<vmem_shared>>) offsets(%arg20 : memref<80xi32, #tpu.memory_space<vmem>>) semaphore(%arg29 : memref<!tpu.dma_semaphore, #tpu.memory_space<semaphore_mem>>) {add = true}
        %dma_wait3A_256 = arith.constant 2 : i32
        %dma_wait3A_257 = arith.constant 0 : i32
        %dma_wait3A_258 = arith.constant 0 : i32
        %dma_wait3A_259 = tpu.memref_slice %arg5[%dma_wait3A_256, %dma_wait3A_257, %dma_wait3A_258] : memref<4x80x128xf32, #tpu.memory_space<vmem>> -> memref<1x80x128xf32, #tpu.memory_space<vmem>>
        %dma_wait3A_260 = tpu.memref_squeeze %dma_wait3A_259 : memref<1x80x128xf32, #tpu.memory_space<vmem>> -> memref<80x128xf32, #tpu.memory_space<vmem>>
        %dma_wait3A_261 = arith.constant 0 : i32
        %dma_wait3A_262 = arith.constant 0 : i32
        %dma_wait3A_263 = tpu.memref_slice %arg22[%dma_wait3A_261, %dma_wait3A_262] : memref<10000x128xf32, #tpu.memory_space<vmem_shared>> -> memref<10000x128xf32, #tpu.memory_space<vmem_shared>>
        tpu.wait_indirect_dma semaphore(%arg29 : memref<!tpu.dma_semaphore, #tpu.memory_space<semaphore_mem>>) src(%dma_wait3A_260 : memref<80x128xf32, #tpu.memory_space<vmem>>) dst(%dma_wait3A_263 : memref<10000x128xf32, #tpu.memory_space<vmem_shared>>)
        %add3A_264 = arith.constant 8 : i32
        %add3A_265 = arith.addi %add3A_218, %add3A_264 : i32
        %lt3A_266 = arith.constant 125 : i32
        %lt3A_267 = arith.cmpi slt, %add3A_265, %lt3A_266 : i32
        %convert_element_type3A_268 = arith.extui %lt3A_267 : i1 to i32
        %cond3A_269 = arith.constant 0 : i32
        %cond3A_270 = arith.cmpi ne, %convert_element_type3A_268, %cond3A_269 : i32
        scf.if %cond3A_270 {
          %add3A_278 = arith.constant 8 : i32
          %add3A_279 = arith.addi %add3A_218, %add3A_278 : i32
          %mul3A_280 = arith.constant 80 : i32
          %mul3A_281 = arith.muli %add3A_279, %mul3A_280 : i32
          %add3A_282 = arith.addi %mul3A_34, %mul3A_281 : i32
          %dma_start3A_283 = tpu.memref_slice %arg3[%add3A_282] : memref<640000xi32, #tpu.memory_space<hbm>> -> memref<80xi32, #tpu.memory_space<hbm>>
          %dma_start3A_284 = tpu.memref_slice %arg3[%add3A_282] : memref<640000xi32, #tpu.memory_space<hbm>> -> memref<80xi32, #tpu.memory_space<hbm>>
          tpu.enqueue_dma source(%dma_start3A_284 : memref<80xi32, #tpu.memory_space<hbm>>) target(%arg12 : memref<80xi32, #tpu.memory_space<vmem>>) target_semaphore(%arg37 : memref<!tpu.dma_semaphore, #tpu.memory_space<semaphore_mem>>)
          %add3A_285 = arith.constant 320000 : i32
          %add3A_286 = arith.addi %add3A_285, %add3A_282 : i32
          %dma_start3A_287 = tpu.memref_slice %arg3[%add3A_286] : memref<640000xi32, #tpu.memory_space<hbm>> -> memref<80xi32, #tpu.memory_space<hbm>>
          %dma_start3A_288 = tpu.memref_slice %arg3[%add3A_286] : memref<640000xi32, #tpu.memory_space<hbm>> -> memref<80xi32, #tpu.memory_space<hbm>>
          tpu.enqueue_dma source(%dma_start3A_288 : memref<80xi32, #tpu.memory_space<hbm>>) target(%arg20 : memref<80xi32, #tpu.memory_space<vmem>>) target_semaphore(%arg45 : memref<!tpu.dma_semaphore, #tpu.memory_space<semaphore_mem>>)
        } else {
        }
        %add3A_271 = arith.constant 4 : i32
        %add3A_272 = arith.addi %add3A_218, %add3A_271 : i32
        %lt3A_273 = arith.constant 125 : i32
        %lt3A_274 = arith.cmpi slt, %add3A_272, %lt3A_273 : i32
        %convert_element_type3A_275 = arith.extui %lt3A_274 : i1 to i32
        %cond3A_276 = arith.constant 0 : i32
        %cond3A_277 = arith.cmpi ne, %convert_element_type3A_275, %cond3A_276 : i32
        scf.if %cond3A_277 {
          %add3A_278 = arith.constant 4 : i32
          %add3A_279 = arith.addi %add3A_218, %add3A_278 : i32
          %mul3A_280 = arith.constant 80 : i32
          %mul3A_281 = arith.muli %add3A_279, %mul3A_280 : i32
          %add3A_282 = arith.addi %mul3A_34, %mul3A_281 : i32
          %dma_wait3A_283 = tpu.memref_slice %arg3[%add3A_282] : memref<640000xi32, #tpu.memory_space<hbm>> -> memref<80xi32, #tpu.memory_space<hbm>>
          %dma_wait3A_284 = tpu.memref_slice %arg3[%add3A_282] : memref<640000xi32, #tpu.memory_space<hbm>> -> memref<80xi32, #tpu.memory_space<hbm>>
          tpu.wait_dma2 semaphore(%arg33 : memref<!tpu.dma_semaphore, #tpu.memory_space<semaphore_mem>>) src(%dma_wait3A_284 : memref<80xi32, #tpu.memory_space<hbm>>) dst(%arg8 : memref<80xi32, #tpu.memory_space<vmem>>)
          %dma_start3A_285 = arith.constant 2 : i32
          %dma_start3A_286 = arith.constant 0 : i32
          %dma_start3A_287 = arith.constant 0 : i32
          %dma_start3A_288 = tpu.memref_slice %arg5[%dma_start3A_285, %dma_start3A_286, %dma_start3A_287] : memref<4x80x128xf32, #tpu.memory_space<vmem>> -> memref<1x80x128xf32, #tpu.memory_space<vmem>>
          %dma_start3A_289 = tpu.memref_squeeze %dma_start3A_288 : memref<1x80x128xf32, #tpu.memory_space<vmem>> -> memref<80x128xf32, #tpu.memory_space<vmem>>
          %dma_start3A_290 = arith.constant 0 : i32
          %dma_start3A_291 = arith.constant 0 : i32
          %dma_start3A_292 = tpu.memref_slice %arg2[%dma_start3A_290, %dma_start3A_291] : memref<10000x128xf32, #tpu.memory_space<hbm>> -> memref<10000x128xf32, #tpu.memory_space<hbm>>
          tpu.enqueue_indirect_dma source(%dma_start3A_292 : memref<10000x128xf32, #tpu.memory_space<hbm>>) target(%dma_start3A_289 : memref<80x128xf32, #tpu.memory_space<vmem>>) offsets(%arg8 : memref<80xi32, #tpu.memory_space<vmem>>) semaphore(%arg25 : memref<!tpu.dma_semaphore, #tpu.memory_space<semaphore_mem>>)
        } else {
        }
      } else {
      }
      %mul3A_224 = arith.constant 8 : i32
      %mul3A_225 = arith.muli %scan3A_161, %mul3A_224 : i32
      %add3A_226 = arith.constant 7 : i32
      %add3A_227 = arith.addi %mul3A_225, %add3A_226 : i32
      %lt3A_228 = arith.constant 125 : i32
      %lt3A_229 = arith.cmpi slt, %add3A_227, %lt3A_228 : i32
      %convert_element_type3A_230 = arith.extui %lt3A_229 : i1 to i32
      %cond3A_231 = arith.constant 0 : i32
      %cond3A_232 = arith.cmpi ne, %convert_element_type3A_230, %cond3A_231 : i32
      scf.if %cond3A_232 {
        %dma_wait3A_233 = arith.constant 3 : i32
        %dma_wait3A_234 = arith.constant 0 : i32
        %dma_wait3A_235 = arith.constant 0 : i32
        %dma_wait3A_236 = tpu.memref_slice %arg5[%dma_wait3A_233, %dma_wait3A_234, %dma_wait3A_235] : memref<4x80x128xf32, #tpu.memory_space<vmem>> -> memref<1x80x128xf32, #tpu.memory_space<vmem>>
        %dma_wait3A_237 = tpu.memref_squeeze %dma_wait3A_236 : memref<1x80x128xf32, #tpu.memory_space<vmem>> -> memref<80x128xf32, #tpu.memory_space<vmem>>
        %dma_wait3A_238 = arith.constant 0 : i32
        %dma_wait3A_239 = arith.constant 0 : i32
        %dma_wait3A_240 = tpu.memref_slice %arg2[%dma_wait3A_238, %dma_wait3A_239] : memref<10000x128xf32, #tpu.memory_space<hbm>> -> memref<10000x128xf32, #tpu.memory_space<hbm>>
        tpu.wait_indirect_dma semaphore(%arg26 : memref<!tpu.dma_semaphore, #tpu.memory_space<semaphore_mem>>) src(%dma_wait3A_240 : memref<10000x128xf32, #tpu.memory_space<hbm>>) dst(%dma_wait3A_237 : memref<80x128xf32, #tpu.memory_space<vmem>>)
        %mul3A_241 = arith.constant 80 : i32
        %mul3A_242 = arith.muli %add3A_227, %mul3A_241 : i32
        %add3A_243 = arith.addi %mul3A_34, %mul3A_242 : i32
        %add3A_244 = arith.constant 320000 : i32
        %add3A_245 = arith.addi %add3A_244, %add3A_243 : i32
        %dma_wait3A_246 = tpu.memref_slice %arg3[%add3A_245] : memref<640000xi32, #tpu.memory_space<hbm>> -> memref<80xi32, #tpu.memory_space<hbm>>
        %dma_wait3A_247 = tpu.memref_slice %arg3[%add3A_245] : memref<640000xi32, #tpu.memory_space<hbm>> -> memref<80xi32, #tpu.memory_space<hbm>>
        tpu.wait_dma2 semaphore(%arg46 : memref<!tpu.dma_semaphore, #tpu.memory_space<semaphore_mem>>) src(%dma_wait3A_247 : memref<80xi32, #tpu.memory_space<hbm>>) dst(%arg21 : memref<80xi32, #tpu.memory_space<vmem>>)
        %dma_start3A_248 = arith.constant 3 : i32
        %dma_start3A_249 = arith.constant 0 : i32
        %dma_start3A_250 = arith.constant 0 : i32
        %dma_start3A_251 = tpu.memref_slice %arg5[%dma_start3A_248, %dma_start3A_249, %dma_start3A_250] : memref<4x80x128xf32, #tpu.memory_space<vmem>> -> memref<1x80x128xf32, #tpu.memory_space<vmem>>
        %dma_start3A_252 = tpu.memref_squeeze %dma_start3A_251 : memref<1x80x128xf32, #tpu.memory_space<vmem>> -> memref<80x128xf32, #tpu.memory_space<vmem>>
        %dma_start3A_253 = arith.constant 0 : i32
        %dma_start3A_254 = arith.constant 0 : i32
        %dma_start3A_255 = tpu.memref_slice %arg22[%dma_start3A_253, %dma_start3A_254] : memref<10000x128xf32, #tpu.memory_space<vmem_shared>> -> memref<10000x128xf32, #tpu.memory_space<vmem_shared>>
        tpu.enqueue_indirect_dma source(%dma_start3A_252 : memref<80x128xf32, #tpu.memory_space<vmem>>) target(%dma_start3A_255 : memref<10000x128xf32, #tpu.memory_space<vmem_shared>>) offsets(%arg21 : memref<80xi32, #tpu.memory_space<vmem>>) semaphore(%arg30 : memref<!tpu.dma_semaphore, #tpu.memory_space<semaphore_mem>>) {add = true}
        %dma_wait3A_256 = arith.constant 3 : i32
        %dma_wait3A_257 = arith.constant 0 : i32
        %dma_wait3A_258 = arith.constant 0 : i32
        %dma_wait3A_259 = tpu.memref_slice %arg5[%dma_wait3A_256, %dma_wait3A_257, %dma_wait3A_258] : memref<4x80x128xf32, #tpu.memory_space<vmem>> -> memref<1x80x128xf32, #tpu.memory_space<vmem>>
        %dma_wait3A_260 = tpu.memref_squeeze %dma_wait3A_259 : memref<1x80x128xf32, #tpu.memory_space<vmem>> -> memref<80x128xf32, #tpu.memory_space<vmem>>
        %dma_wait3A_261 = arith.constant 0 : i32
        %dma_wait3A_262 = arith.constant 0 : i32
        %dma_wait3A_263 = tpu.memref_slice %arg22[%dma_wait3A_261, %dma_wait3A_262] : memref<10000x128xf32, #tpu.memory_space<vmem_shared>> -> memref<10000x128xf32, #tpu.memory_space<vmem_shared>>
        tpu.wait_indirect_dma semaphore(%arg30 : memref<!tpu.dma_semaphore, #tpu.memory_space<semaphore_mem>>) src(%dma_wait3A_260 : memref<80x128xf32, #tpu.memory_space<vmem>>) dst(%dma_wait3A_263 : memref<10000x128xf32, #tpu.memory_space<vmem_shared>>)
        %add3A_264 = arith.constant 8 : i32
        %add3A_265 = arith.addi %add3A_227, %add3A_264 : i32
        %lt3A_266 = arith.constant 125 : i32
        %lt3A_267 = arith.cmpi slt, %add3A_265, %lt3A_266 : i32
        %convert_element_type3A_268 = arith.extui %lt3A_267 : i1 to i32
        %cond3A_269 = arith.constant 0 : i32
        %cond3A_270 = arith.cmpi ne, %convert_element_type3A_268, %cond3A_269 : i32
        scf.if %cond3A_270 {
          %add3A_278 = arith.constant 8 : i32
          %add3A_279 = arith.addi %add3A_227, %add3A_278 : i32
          %mul3A_280 = arith.constant 80 : i32
          %mul3A_281 = arith.muli %add3A_279, %mul3A_280 : i32
          %add3A_282 = arith.addi %mul3A_34, %mul3A_281 : i32
          %dma_start3A_283 = tpu.memref_slice %arg3[%add3A_282] : memref<640000xi32, #tpu.memory_space<hbm>> -> memref<80xi32, #tpu.memory_space<hbm>>
          %dma_start3A_284 = tpu.memref_slice %arg3[%add3A_282] : memref<640000xi32, #tpu.memory_space<hbm>> -> memref<80xi32, #tpu.memory_space<hbm>>
          tpu.enqueue_dma source(%dma_start3A_284 : memref<80xi32, #tpu.memory_space<hbm>>) target(%arg13 : memref<80xi32, #tpu.memory_space<vmem>>) target_semaphore(%arg38 : memref<!tpu.dma_semaphore, #tpu.memory_space<semaphore_mem>>)
          %add3A_285 = arith.constant 320000 : i32
          %add3A_286 = arith.addi %add3A_285, %add3A_282 : i32
          %dma_start3A_287 = tpu.memref_slice %arg3[%add3A_286] : memref<640000xi32, #tpu.memory_space<hbm>> -> memref<80xi32, #tpu.memory_space<hbm>>
          %dma_start3A_288 = tpu.memref_slice %arg3[%add3A_286] : memref<640000xi32, #tpu.memory_space<hbm>> -> memref<80xi32, #tpu.memory_space<hbm>>
          tpu.enqueue_dma source(%dma_start3A_288 : memref<80xi32, #tpu.memory_space<hbm>>) target(%arg21 : memref<80xi32, #tpu.memory_space<vmem>>) target_semaphore(%arg46 : memref<!tpu.dma_semaphore, #tpu.memory_space<semaphore_mem>>)
        } else {
        }
        %add3A_271 = arith.constant 4 : i32
        %add3A_272 = arith.addi %add3A_227, %add3A_271 : i32
        %lt3A_273 = arith.constant 125 : i32
        %lt3A_274 = arith.cmpi slt, %add3A_272, %lt3A_273 : i32
        %convert_element_type3A_275 = arith.extui %lt3A_274 : i1 to i32
        %cond3A_276 = arith.constant 0 : i32
        %cond3A_277 = arith.cmpi ne, %convert_element_type3A_275, %cond3A_276 : i32
        scf.if %cond3A_277 {
          %add3A_278 = arith.constant 4 : i32
          %add3A_279 = arith.addi %add3A_227, %add3A_278 : i32
          %mul3A_280 = arith.constant 80 : i32
          %mul3A_281 = arith.muli %add3A_279, %mul3A_280 : i32
          %add3A_282 = arith.addi %mul3A_34, %mul3A_281 : i32
          %dma_wait3A_283 = tpu.memref_slice %arg3[%add3A_282] : memref<640000xi32, #tpu.memory_space<hbm>> -> memref<80xi32, #tpu.memory_space<hbm>>
          %dma_wait3A_284 = tpu.memref_slice %arg3[%add3A_282] : memref<640000xi32, #tpu.memory_space<hbm>> -> memref<80xi32, #tpu.memory_space<hbm>>
          tpu.wait_dma2 semaphore(%arg34 : memref<!tpu.dma_semaphore, #tpu.memory_space<semaphore_mem>>) src(%dma_wait3A_284 : memref<80xi32, #tpu.memory_space<hbm>>) dst(%arg9 : memref<80xi32, #tpu.memory_space<vmem>>)
          %dma_start3A_285 = arith.constant 3 : i32
          %dma_start3A_286 = arith.constant 0 : i32
          %dma_start3A_287 = arith.constant 0 : i32
          %dma_start3A_288 = tpu.memref_slice %arg5[%dma_start3A_285, %dma_start3A_286, %dma_start3A_287] : memref<4x80x128xf32, #tpu.memory_space<vmem>> -> memref<1x80x128xf32, #tpu.memory_space<vmem>>
          %dma_start3A_289 = tpu.memref_squeeze %dma_start3A_288 : memref<1x80x128xf32, #tpu.memory_space<vmem>> -> memref<80x128xf32, #tpu.memory_space<vmem>>
          %dma_start3A_290 = arith.constant 0 : i32
          %dma_start3A_291 = arith.constant 0 : i32
          %dma_start3A_292 = tpu.memref_slice %arg2[%dma_start3A_290, %dma_start3A_291] : memref<10000x128xf32, #tpu.memory_space<hbm>> -> memref<10000x128xf32, #tpu.memory_space<hbm>>
          tpu.enqueue_indirect_dma source(%dma_start3A_292 : memref<10000x128xf32, #tpu.memory_space<hbm>>) target(%dma_start3A_289 : memref<80x128xf32, #tpu.memory_space<vmem>>) offsets(%arg9 : memref<80xi32, #tpu.memory_space<vmem>>) semaphore(%arg26 : memref<!tpu.dma_semaphore, #tpu.memory_space<semaphore_mem>>)
        } else {
        }
      } else {
      }
    }
    %scan3A_150 = arith.constant 16 : i32
    %barrier3A_151 = arith.constant 0 : index
    tpu.barrier barrier_id(%barrier3A_151)
    %mul3A_152 = arith.constant 10000 : i32
    %mul3A_153 = arith.muli %arg0, %mul3A_152 : i32
    %add3A_154 = arith.addi %mul3A_153, %multiple_of3A : i32
    %multiple_of3A_155 = tpu.assume_multiple %add3A_154, 8 : i32
    "tpu.region"() ({
      %run_scoped3A_161 = tpu.sem_alloc : memref<!tpu.dma_semaphore, #tpu.memory_space<semaphore_mem>>
      %dma_start3A_162 = arith.constant 0 : i32
      %dma_start3A_163 = tpu.memref_slice %arg4[%multiple_of3A_155, %dma_start3A_162] : memref<20000x128xf32, #tpu.memory_space<hbm>> -> memref<624x128xf32, #tpu.memory_space<hbm>>
      %dma_start3A_164 = arith.constant 0 : i32
      %dma_start3A_165 = tpu.memref_slice %arg22[%multiple_of3A, %dma_start3A_164] : memref<10000x128xf32, #tpu.memory_space<vmem_shared>> -> memref<624x128xf32, #tpu.memory_space<vmem_shared>>
      tpu.enqueue_dma source(%dma_start3A_165 : memref<624x128xf32, #tpu.memory_space<vmem_shared>>) target(%dma_start3A_163 : memref<624x128xf32, #tpu.memory_space<hbm>>) target_semaphore(%run_scoped3A_161 : memref<!tpu.dma_semaphore, #tpu.memory_space<semaphore_mem>>)
      %dma_wait3A_166 = arith.constant 0 : i32
      %dma_wait3A_167 = tpu.memref_slice %arg4[%multiple_of3A_155, %dma_wait3A_166] : memref<20000x128xf32, #tpu.memory_space<hbm>> -> memref<624x128xf32, #tpu.memory_space<hbm>>
      %dma_wait3A_168 = arith.constant 0 : i32
      %dma_wait3A_169 = tpu.memref_slice %arg22[%multiple_of3A, %dma_wait3A_168] : memref<10000x128xf32, #tpu.memory_space<vmem_shared>> -> memref<624x128xf32, #tpu.memory_space<vmem_shared>>
      tpu.wait_dma2 semaphore(%run_scoped3A_161 : memref<!tpu.dma_semaphore, #tpu.memory_space<semaphore_mem>>) src(%dma_wait3A_169 : memref<624x128xf32, #tpu.memory_space<vmem_shared>>) dst(%dma_wait3A_167 : memref<624x128xf32, #tpu.memory_space<hbm>>)
      tpu.yield
    }) : () -> ()
    %eq3A_156 = arith.constant 0 : i32
    %eq3A_157 = arith.cmpi eq, %arg1, %eq3A_156 : i32
    %convert_element_type3A_158 = arith.extui %eq3A_157 : i1 to i32
    %cond3A_159 = arith.constant 0 : i32
    %cond3A_160 = arith.cmpi ne, %convert_element_type3A_158, %cond3A_159 : i32
    scf.if %cond3A_160 {
      %mul3A_161 = arith.constant 10000 : i32
      %mul3A_162 = arith.muli %arg0, %mul3A_161 : i32
      %add3A_163 = arith.constant 9984 : i32
      %add3A_164 = arith.addi %mul3A_162, %add3A_163 : i32
      %multiple_of3A_165 = tpu.assume_multiple %add3A_164, 8 : i32
      "tpu.region"() ({
        %run_scoped3A_166 = tpu.sem_alloc : memref<!tpu.dma_semaphore, #tpu.memory_space<semaphore_mem>>
        %dma_start3A_167 = arith.constant 0 : i32
        %dma_start3A_168 = tpu.memref_slice %arg4[%multiple_of3A_165, %dma_start3A_167] : memref<20000x128xf32, #tpu.memory_space<hbm>> -> memref<16x128xf32, #tpu.memory_space<hbm>>
        %dma_start3A_169 = arith.constant 9984 : i32
        %dma_start3A_170 = arith.constant 0 : i32
        %dma_start3A_171 = tpu.memref_slice %arg22[%dma_start3A_169, %dma_start3A_170] : memref<10000x128xf32, #tpu.memory_space<vmem_shared>> -> memref<16x128xf32, #tpu.memory_space<vmem_shared>>
        tpu.enqueue_dma source(%dma_start3A_171 : memref<16x128xf32, #tpu.memory_space<vmem_shared>>) target(%dma_start3A_168 : memref<16x128xf32, #tpu.memory_space<hbm>>) target_semaphore(%run_scoped3A_166 : memref<!tpu.dma_semaphore, #tpu.memory_space<semaphore_mem>>)
        %dma_wait3A_172 = arith.constant 0 : i32
        %dma_wait3A_173 = tpu.memref_slice %arg4[%multiple_of3A_165, %dma_wait3A_172] : memref<20000x128xf32, #tpu.memory_space<hbm>> -> memref<16x128xf32, #tpu.memory_space<hbm>>
        %dma_wait3A_174 = arith.constant 9984 : i32
        %dma_wait3A_175 = arith.constant 0 : i32
        %dma_wait3A_176 = tpu.memref_slice %arg22[%dma_wait3A_174, %dma_wait3A_175] : memref<10000x128xf32, #tpu.memory_space<vmem_shared>> -> memref<16x128xf32, #tpu.memory_space<vmem_shared>>
        tpu.wait_dma2 semaphore(%run_scoped3A_166 : memref<!tpu.dma_semaphore, #tpu.memory_space<semaphore_mem>>) src(%dma_wait3A_176 : memref<16x128xf32, #tpu.memory_space<vmem_shared>>) dst(%dma_wait3A_173 : memref<16x128xf32, #tpu.memory_space<hbm>>)
        tpu.yield
      }) : () -> ()
    } else {
    }
    return
  }
}

#map = affine_map<(d0, d1) -> (0, 0)>
#map1 = affine_map<(d0, d1) -> (0)>
module attributes {stable_mosaic.version = 14 : i64} {
  func.func @agg_kernel(%arg0: i32, %arg1: i32, %arg2: memref<10000x128xf32, #tpu.memory_space<hbm>>, %arg3: memref<640000xi32, #tpu.memory_space<hbm>>, %arg4: memref<20000x128xf32, #tpu.memory_space<hbm>>, %arg5: memref<4x80x128xf32, #tpu.memory_space<vmem>>, %arg6: memref<80xi32, #tpu.memory_space<vmem>>, %arg7: memref<80xi32, #tpu.memory_space<vmem>>, %arg8: memref<80xi32, #tpu.memory_space<vmem>>, %arg9: memref<80xi32, #tpu.memory_space<vmem>>, %arg10: memref<80xi32, #tpu.memory_space<vmem>>, %arg11: memref<80xi32, #tpu.memory_space<vmem>>, %arg12: memref<80xi32, #tpu.memory_space<vmem>>, %arg13: memref<80xi32, #tpu.memory_space<vmem>>, %arg14: memref<80xi32, #tpu.memory_space<vmem>>, %arg15: memref<80xi32, #tpu.memory_space<vmem>>, %arg16: memref<80xi32, #tpu.memory_space<vmem>>, %arg17: memref<80xi32, #tpu.memory_space<vmem>>, %arg18: memref<80xi32, #tpu.memory_space<vmem>>, %arg19: memref<80xi32, #tpu.memory_space<vmem>>, %arg20: memref<80xi32, #tpu.memory_space<vmem>>, %arg21: memref<80xi32, #tpu.memory_space<vmem>>, %arg22: memref<10000x128xf32, #tpu.memory_space<vmem_shared>>, %arg23: memref<!tpu.dma_semaphore, #tpu.memory_space<semaphore_mem>>, %arg24: memref<!tpu.dma_semaphore, #tpu.memory_space<semaphore_mem>>, %arg25: memref<!tpu.dma_semaphore, #tpu.memory_space<semaphore_mem>>, %arg26: memref<!tpu.dma_semaphore, #tpu.memory_space<semaphore_mem>>, %arg27: memref<!tpu.dma_semaphore, #tpu.memory_space<semaphore_mem>>, %arg28: memref<!tpu.dma_semaphore, #tpu.memory_space<semaphore_mem>>, %arg29: memref<!tpu.dma_semaphore, #tpu.memory_space<semaphore_mem>>, %arg30: memref<!tpu.dma_semaphore, #tpu.memory_space<semaphore_mem>>, %arg31: memref<!tpu.dma_semaphore, #tpu.memory_space<semaphore_mem>>, %arg32: memref<!tpu.dma_semaphore, #tpu.memory_space<semaphore_mem>>, %arg33: memref<!tpu.dma_semaphore, #tpu.memory_space<semaphore_mem>>, %arg34: memref<!tpu.dma_semaphore, #tpu.memory_space<semaphore_mem>>, %arg35: memref<!tpu.dma_semaphore, #tpu.memory_space<semaphore_mem>>, %arg36: memref<!tpu.dma_semaphore, #tpu.memory_space<semaphore_mem>>, %arg37: memref<!tpu.dma_semaphore, #tpu.memory_space<semaphore_mem>>, %arg38: memref<!tpu.dma_semaphore, #tpu.memory_space<semaphore_mem>>, %arg39: memref<!tpu.dma_semaphore, #tpu.memory_space<semaphore_mem>>, %arg40: memref<!tpu.dma_semaphore, #tpu.memory_space<semaphore_mem>>, %arg41: memref<!tpu.dma_semaphore, #tpu.memory_space<semaphore_mem>>, %arg42: memref<!tpu.dma_semaphore, #tpu.memory_space<semaphore_mem>>, %arg43: memref<!tpu.dma_semaphore, #tpu.memory_space<semaphore_mem>>, %arg44: memref<!tpu.dma_semaphore, #tpu.memory_space<semaphore_mem>>, %arg45: memref<!tpu.dma_semaphore, #tpu.memory_space<semaphore_mem>>, %arg46: memref<!tpu.dma_semaphore, #tpu.memory_space<semaphore_mem>>) attributes {dimension_semantics = [#tpu.dimension_semantics<core_parallel>, #tpu.dimension_semantics<subcore_parallel>], iteration_bounds = array<i64: 2, 16>, scalar_prefetch = 0 : i64, scratch_operands = 42 : i64, tpu.core_type = #tpu.core_type<sc_vector_subcore>, window_params = [{transform_indices = #map}, {transform_indices = #map1}, {transform_indices = #map}]} {
    %mul3A = arith.constant 2 : i32
    %mul3A_0 = arith.muli %arg1, %mul3A : i32
    %add3A = arith.addi %mul3A_0, %arg0 : i32
    %mul3A_1 = arith.constant 624 : i32
    %mul3A_2 = arith.muli %arg1, %mul3A_1 : i32
    %multiple_of3A = tpu.assume_multiple %mul3A_2, 8 : i32
    %scan3A = arith.constant 0 : i32
    %scan3A_3 = arith.constant 0 : i32
    %scan3A_4 = arith.constant 80 : i32
    %scan3A_5 = arith.addi %scan3A_3, %scan3A_4 : i32
    %scan3A_6 = arith.constant 1 : i32
    scf.for %scan3A_161 = %scan3A_3 to %scan3A_5 step %scan3A_6  : i32 {
      %broadcast_in_dim3A = arith.constant 0.000000e+00 : f32
      %broadcast_in_dim3A_162 = vector.broadcast %broadcast_in_dim3A : f32 to vector<16xf32>
      %swap3A = arith.constant 0 : i32
      %swap3A_163 = arith.index_cast %swap3A : i32 to index
      %swap3A_164 = arith.index_cast %scan3A_161 : i32 to index
      %swap3A_165 = arith.constant 0 : index
      %swap3A_166 = tpu.vector_load %arg5[%swap3A_163, %swap3A_164, %swap3A_165] {strides = array<i32>} : memref<4x80x128xf32, #tpu.memory_space<vmem>>, vector<1x1x16xf32>,
      %swap3A_167 = vector.shape_cast %swap3A_166 : vector<1x1x16xf32> to vector<16xf32>
      %swap3A_168 = vector.shape_cast %broadcast_in_dim3A_162 : vector<16xf32> to vector<1x1x16xf32>
      tpu.vector_store %arg5[%swap3A_163, %swap3A_164, %swap3A_165], %swap3A_168 {strides = array<i32>} : memref<4x80x128xf32, #tpu.memory_space<vmem>>, vector<1x1x16xf32>,
      %broadcast_in_dim3A_169 = arith.constant 0.000000e+00 : f32
      %broadcast_in_dim3A_170 = vector.broadcast %broadcast_in_dim3A_169 : f32 to vector<16xf32>
      %swap3A_171 = arith.constant 0 : i32
      %swap3A_172 = arith.index_cast %swap3A_171 : i32 to index
      %swap3A_173 = arith.index_cast %scan3A_161 : i32 to index
      %swap3A_174 = arith.constant 16 : index
      %swap3A_175 = tpu.vector_load %arg5[%swap3A_172, %swap3A_173, %swap3A_174] {strides = array<i32>} : memref<4x80x128xf32, #tpu.memory_space<vmem>>, vector<1x1x16xf32>,
      %swap3A_176 = vector.shape_cast %swap3A_175 : vector<1x1x16xf32> to vector<16xf32>
      %swap3A_177 = vector.shape_cast %broadcast_in_dim3A_170 : vector<16xf32> to vector<1x1x16xf32>
      tpu.vector_store %arg5[%swap3A_172, %swap3A_173, %swap3A_174], %swap3A_177 {strides = array<i32>} : memref<4x80x128xf32, #tpu.memory_space<vmem>>, vector<1x1x16xf32>,
      %broadcast_in_dim3A_178 = arith.constant 0.000000e+00 : f32
      %broadcast_in_dim3A_179 = vector.broadcast %broadcast_in_dim3A_178 : f32 to vector<16xf32>
      %swap3A_180 = arith.constant 0 : i32
      %swap3A_181 = arith.index_cast %swap3A_180 : i32 to index
      %swap3A_182 = arith.index_cast %scan3A_161 : i32 to index
      %swap3A_183 = arith.constant 32 : index
      %swap3A_184 = tpu.vector_load %arg5[%swap3A_181, %swap3A_182, %swap3A_183] {strides = array<i32>} : memref<4x80x128xf32, #tpu.memory_space<vmem>>, vector<1x1x16xf32>,
      %swap3A_185 = vector.shape_cast %swap3A_184 : vector<1x1x16xf32> to vector<16xf32>
      %swap3A_186 = vector.shape_cast %broadcast_in_dim3A_179 : vector<16xf32> to vector<1x1x16xf32>
      tpu.vector_store %arg5[%swap3A_181, %swap3A_182, %swap3A_183], %swap3A_186 {strides = array<i32>} : memref<4x80x128xf32, #tpu.memory_space<vmem>>, vector<1x1x16xf32>,
      %broadcast_in_dim3A_187 = arith.constant 0.000000e+00 : f32
      %broadcast_in_dim3A_188 = vector.broadcast %broadcast_in_dim3A_187 : f32 to vector<16xf32>
      %swap3A_189 = arith.constant 0 : i32
      %swap3A_190 = arith.index_cast %swap3A_189 : i32 to index
      %swap3A_191 = arith.index_cast %scan3A_161 : i32 to index
      %swap3A_192 = arith.constant 48 : index
      %swap3A_193 = tpu.vector_load %arg5[%swap3A_190, %swap3A_191, %swap3A_192] {strides = array<i32>} : memref<4x80x128xf32, #tpu.memory_space<vmem>>, vector<1x1x16xf32>,
      %swap3A_194 = vector.shape_cast %swap3A_193 : vector<1x1x16xf32> to vector<16xf32>
      %swap3A_195 = vector.shape_cast %broadcast_in_dim3A_188 : vector<16xf32> to vector<1x1x16xf32>
      tpu.vector_store %arg5[%swap3A_190, %swap3A_191, %swap3A_192], %swap3A_195 {strides = array<i32>} : memref<4x80x128xf32, #tpu.memory_space<vmem>>, vector<1x1x16xf32>,
      %broadcast_in_dim3A_196 = arith.constant 0.000000e+00 : f32
      %broadcast_in_dim3A_197 = vector.broadcast %broadcast_in_dim3A_196 : f32 to vector<16xf32>
      %swap3A_198 = arith.constant 0 : i32
      %swap3A_199 = arith.index_cast %swap3A_198 : i32 to index
      %swap3A_200 = arith.index_cast %scan3A_161 : i32 to index
      %swap3A_201 = arith.constant 64 : index
      %swap3A_202 = tpu.vector_load %arg5[%swap3A_199, %swap3A_200, %swap3A_201] {strides = array<i32>} : memref<4x80x128xf32, #tpu.memory_space<vmem>>, vector<1x1x16xf32>,
      %swap3A_203 = vector.shape_cast %swap3A_202 : vector<1x1x16xf32> to vector<16xf32>
      %swap3A_204 = vector.shape_cast %broadcast_in_dim3A_197 : vector<16xf32> to vector<1x1x16xf32>
      tpu.vector_store %arg5[%swap3A_199, %swap3A_200, %swap3A_201], %swap3A_204 {strides = array<i32>} : memref<4x80x128xf32, #tpu.memory_space<vmem>>, vector<1x1x16xf32>,
      %broadcast_in_dim3A_205 = arith.constant 0.000000e+00 : f32
      %broadcast_in_dim3A_206 = vector.broadcast %broadcast_in_dim3A_205 : f32 to vector<16xf32>
      %swap3A_207 = arith.constant 0 : i32
      %swap3A_208 = arith.index_cast %swap3A_207 : i32 to index
      %swap3A_209 = arith.index_cast %scan3A_161 : i32 to index
      %swap3A_210 = arith.constant 80 : index
      %swap3A_211 = tpu.vector_load %arg5[%swap3A_208, %swap3A_209, %swap3A_210] {strides = array<i32>} : memref<4x80x128xf32, #tpu.memory_space<vmem>>, vector<1x1x16xf32>,
      %swap3A_212 = vector.shape_cast %swap3A_211 : vector<1x1x16xf32> to vector<16xf32>
      %swap3A_213 = vector.shape_cast %broadcast_in_dim3A_206 : vector<16xf32> to vector<1x1x16xf32>
      tpu.vector_store %arg5[%swap3A_208, %swap3A_209, %swap3A_210], %swap3A_213 {strides = array<i32>} : memref<4x80x128xf32, #tpu.memory_space<vmem>>, vector<1x1x16xf32>,
      %broadcast_in_dim3A_214 = arith.constant 0.000000e+00 : f32
      %broadcast_in_dim3A_215 = vector.broadcast %broadcast_in_dim3A_214 : f32 to vector<16xf32>
      %swap3A_216 = arith.constant 0 : i32
      %swap3A_217 = arith.index_cast %swap3A_216 : i32 to index
      %swap3A_218 = arith.index_cast %scan3A_161 : i32 to index
      %swap3A_219 = arith.constant 96 : index
      %swap3A_220 = tpu.vector_load %arg5[%swap3A_217, %swap3A_218, %swap3A_219] {strides = array<i32>} : memref<4x80x128xf32, #tpu.memory_space<vmem>>, vector<1x1x16xf32>,
      %swap3A_221 = vector.shape_cast %swap3A_220 : vector<1x1x16xf32> to vector<16xf32>
      %swap3A_222 = vector.shape_cast %broadcast_in_dim3A_215 : vector<16xf32> to vector<1x1x16xf32>
      tpu.vector_store %arg5[%swap3A_217, %swap3A_218, %swap3A_219], %swap3A_222 {strides = array<i32>} : memref<4x80x128xf32, #tpu.memory_space<vmem>>, vector<1x1x16xf32>,
      %broadcast_in_dim3A_223 = arith.constant 0.000000e+00 : f32
      %broadcast_in_dim3A_224 = vector.broadcast %broadcast_in_dim3A_223 : f32 to vector<16xf32>
      %swap3A_225 = arith.constant 0 : i32
      %swap3A_226 = arith.index_cast %swap3A_225 : i32 to index
      %swap3A_227 = arith.index_cast %scan3A_161 : i32 to index
      %swap3A_228 = arith.constant 112 : index
      %swap3A_229 = tpu.vector_load %arg5[%swap3A_226, %swap3A_227, %swap3A_228] {strides = array<i32>} : memref<4x80x128xf32, #tpu.memory_space<vmem>>, vector<1x1x16xf32>,
      %swap3A_230 = vector.shape_cast %swap3A_229 : vector<1x1x16xf32> to vector<16xf32>
      %swap3A_231 = vector.shape_cast %broadcast_in_dim3A_224 : vector<16xf32> to vector<1x1x16xf32>
      tpu.vector_store %arg5[%swap3A_226, %swap3A_227, %swap3A_228], %swap3A_231 {strides = array<i32>} : memref<4x80x128xf32, #tpu.memory_space<vmem>>, vector<1x1x16xf32>,
    }
    %scan3A_7 = arith.constant 80 : i32
    %add3A_8 = arith.constant 0 : i32
    %add3A_9 = arith.addi %multiple_of3A, %add3A_8 : i32
    %run_scoped3A = arith.constant 0 : i32
    "tpu.region"() ({
      %run_scoped3A_161 = tpu.sem_alloc : memref<!tpu.dma_semaphore, #tpu.memory_space<semaphore_mem>>
      %dma_start3A_162 = arith.constant 0 : i32
      %dma_start3A_163 = arith.constant 0 : i32
      %dma_start3A_164 = tpu.memref_slice %arg5[%run_scoped3A, %dma_start3A_162, %dma_start3A_163] : memref<4x80x128xf32, #tpu.memory_space<vmem>> -> memref<1x80x128xf32, #tpu.memory_space<vmem>>
      %dma_start3A_165 = tpu.memref_squeeze %dma_start3A_164 : memref<1x80x128xf32, #tpu.memory_space<vmem>> -> memref<80x128xf32, #tpu.memory_space<vmem>>
      %dma_start3A_166 = arith.constant 0 : i32
      %dma_start3A_167 = tpu.memref_slice %arg22[%add3A_9, %dma_start3A_166] : memref<10000x128xf32, #tpu.memory_space<vmem_shared>> -> memref<80x128xf32, #tpu.memory_space<vmem_shared>>
      %dma_start3A_168 = arith.constant 0 : i32
      %dma_start3A_169 = tpu.memref_slice %arg22[%add3A_9, %dma_start3A_168] : memref<10000x128xf32, #tpu.memory_space<vmem_shared>> -> memref<80x128xf32, #tpu.memory_space<vmem_shared>>
      %dma_start3A_170 = arith.constant 0 : i32
      %dma_start3A_171 = arith.constant 0 : i32
      %dma_start3A_172 = tpu.memref_slice %arg5[%run_scoped3A, %dma_start3A_170, %dma_start3A_171] : memref<4x80x128xf32, #tpu.memory_space<vmem>> -> memref<1x80x128xf32, #tpu.memory_space<vmem>>
      %dma_start3A_173 = tpu.memref_squeeze %dma_start3A_172 : memref<1x80x128xf32, #tpu.memory_space<vmem>> -> memref<80x128xf32, #tpu.memory_space<vmem>>
      tpu.enqueue_dma source(%dma_start3A_173 : memref<80x128xf32, #tpu.memory_space<vmem>>) target(%dma_start3A_169 : memref<80x128xf32, #tpu.memory_space<vmem_shared>>) target_semaphore(%run_scoped3A_161 : memref<!tpu.dma_semaphore, #tpu.memory_space<semaphore_mem>>)
      %dma_wait3A_174 = arith.constant 0 : i32
      %dma_wait3A_175 = arith.constant 0 : i32
      %dma_wait3A_176 = tpu.memref_slice %arg5[%run_scoped3A, %dma_wait3A_174, %dma_wait3A_175] : memref<4x80x128xf32, #tpu.memory_space<vmem>> -> memref<1x80x128xf32, #tpu.memory_space<vmem>>
      %dma_wait3A_177 = tpu.memref_squeeze %dma_wait3A_176 : memref<1x80x128xf32, #tpu.memory_space<vmem>> -> memref<80x128xf32, #tpu.memory_space<vmem>>
      %dma_wait3A_178 = arith.constant 0 : i32
      %dma_wait3A_179 = tpu.memref_slice %arg22[%add3A_9, %dma_wait3A_178] : memref<10000x128xf32, #tpu.memory_space<vmem_shared>> -> memref<80x128xf32, #tpu.memory_space<vmem_shared>>
      %dma_wait3A_180 = arith.constant 0 : i32
      %dma_wait3A_181 = tpu.memref_slice %arg22[%add3A_9, %dma_wait3A_180] : memref<10000x128xf32, #tpu.memory_space<vmem_shared>> -> memref<80x128xf32, #tpu.memory_space<vmem_shared>>
      %dma_wait3A_182 = arith.constant 0 : i32
      %dma_wait3A_183 = arith.constant 0 : i32
      %dma_wait3A_184 = tpu.memref_slice %arg5[%run_scoped3A, %dma_wait3A_182, %dma_wait3A_183] : memref<4x80x128xf32, #tpu.memory_space<vmem>> -> memref<1x80x128xf32, #tpu.memory_space<vmem>>
      %dma_wait3A_185 = tpu.memref_squeeze %dma_wait3A_184 : memref<1x80x128xf32, #tpu.memory_space<vmem>> -> memref<80x128xf32, #tpu.memory_space<vmem>>
      tpu.wait_dma2 semaphore(%run_scoped3A_161 : memref<!tpu.dma_semaphore, #tpu.memory_space<semaphore_mem>>) src(%dma_wait3A_185 : memref<80x128xf32, #tpu.memory_space<vmem>>) dst(%dma_wait3A_181 : memref<80x128xf32, #tpu.memory_space<vmem_shared>>)
      tpu.yield
    }) : () -> ()
    %add3A_10 = arith.constant 80 : i32
    %add3A_11 = arith.addi %multiple_of3A, %add3A_10 : i32
    %run_scoped3A_12 = arith.constant 0 : i32
    "tpu.region"() ({
      %run_scoped3A_161 = tpu.sem_alloc : memref<!tpu.dma_semaphore, #tpu.memory_space<semaphore_mem>>
      %dma_start3A_162 = arith.constant 0 : i32
      %dma_start3A_163 = arith.constant 0 : i32
      %dma_start3A_164 = tpu.memref_slice %arg5[%run_scoped3A_12, %dma_start3A_162, %dma_start3A_163] : memref<4x80x128xf32, #tpu.memory_space<vmem>> -> memref<1x80x128xf32, #tpu.memory_space<vmem>>
      %dma_start3A_165 = tpu.memref_squeeze %dma_start3A_164 : memref<1x80x128xf32, #tpu.memory_space<vmem>> -> memref<80x128xf32, #tpu.memory_space<vmem>>
      %dma_start3A_166 = arith.constant 0 : i32
      %dma_start3A_167 = tpu.memref_slice %arg22[%add3A_11, %dma_start3A_166] : memref<10000x128xf32, #tpu.memory_space<vmem_shared>> -> memref<80x128xf32, #tpu.memory_space<vmem_shared>>
      %dma_start3A_168 = arith.constant 0 : i32
      %dma_start3A_169 = tpu.memref_slice %arg22[%add3A_11, %dma_start3A_168] : memref<10000x128xf32, #tpu.memory_space<vmem_shared>> -> memref<80x128xf32, #tpu.memory_space<vmem_shared>>
      %dma_start3A_170 = arith.constant 0 : i32
      %dma_start3A_171 = arith.constant 0 : i32
      %dma_start3A_172 = tpu.memref_slice %arg5[%run_scoped3A_12, %dma_start3A_170, %dma_start3A_171] : memref<4x80x128xf32, #tpu.memory_space<vmem>> -> memref<1x80x128xf32, #tpu.memory_space<vmem>>
      %dma_start3A_173 = tpu.memref_squeeze %dma_start3A_172 : memref<1x80x128xf32, #tpu.memory_space<vmem>> -> memref<80x128xf32, #tpu.memory_space<vmem>>
      tpu.enqueue_dma source(%dma_start3A_173 : memref<80x128xf32, #tpu.memory_space<vmem>>) target(%dma_start3A_169 : memref<80x128xf32, #tpu.memory_space<vmem_shared>>) target_semaphore(%run_scoped3A_161 : memref<!tpu.dma_semaphore, #tpu.memory_space<semaphore_mem>>)
      %dma_wait3A_174 = arith.constant 0 : i32
      %dma_wait3A_175 = arith.constant 0 : i32
      %dma_wait3A_176 = tpu.memref_slice %arg5[%run_scoped3A_12, %dma_wait3A_174, %dma_wait3A_175] : memref<4x80x128xf32, #tpu.memory_space<vmem>> -> memref<1x80x128xf32, #tpu.memory_space<vmem>>
      %dma_wait3A_177 = tpu.memref_squeeze %dma_wait3A_176 : memref<1x80x128xf32, #tpu.memory_space<vmem>> -> memref<80x128xf32, #tpu.memory_space<vmem>>
      %dma_wait3A_178 = arith.constant 0 : i32
      %dma_wait3A_179 = tpu.memref_slice %arg22[%add3A_11, %dma_wait3A_178] : memref<10000x128xf32, #tpu.memory_space<vmem_shared>> -> memref<80x128xf32, #tpu.memory_space<vmem_shared>>
      %dma_wait3A_180 = arith.constant 0 : i32
      %dma_wait3A_181 = tpu.memref_slice %arg22[%add3A_11, %dma_wait3A_180] : memref<10000x128xf32, #tpu.memory_space<vmem_shared>> -> memref<80x128xf32, #tpu.memory_space<vmem_shared>>
      %dma_wait3A_182 = arith.constant 0 : i32
      %dma_wait3A_183 = arith.constant 0 : i32
      %dma_wait3A_184 = tpu.memref_slice %arg5[%run_scoped3A_12, %dma_wait3A_182, %dma_wait3A_183] : memref<4x80x128xf32, #tpu.memory_space<vmem>> -> memref<1x80x128xf32, #tpu.memory_space<vmem>>
      %dma_wait3A_185 = tpu.memref_squeeze %dma_wait3A_184 : memref<1x80x128xf32, #tpu.memory_space<vmem>> -> memref<80x128xf32, #tpu.memory_space<vmem>>
      tpu.wait_dma2 semaphore(%run_scoped3A_161 : memref<!tpu.dma_semaphore, #tpu.memory_space<semaphore_mem>>) src(%dma_wait3A_185 : memref<80x128xf32, #tpu.memory_space<vmem>>) dst(%dma_wait3A_181 : memref<80x128xf32, #tpu.memory_space<vmem_shared>>)
      tpu.yield
    }) : () -> ()
    %add3A_13 = arith.constant 160 : i32
    %add3A_14 = arith.addi %multiple_of3A, %add3A_13 : i32
    %run_scoped3A_15 = arith.constant 0 : i32
    "tpu.region"() ({
      %run_scoped3A_161 = tpu.sem_alloc : memref<!tpu.dma_semaphore, #tpu.memory_space<semaphore_mem>>
      %dma_start3A_162 = arith.constant 0 : i32
      %dma_start3A_163 = arith.constant 0 : i32
      %dma_start3A_164 = tpu.memref_slice %arg5[%run_scoped3A_15, %dma_start3A_162, %dma_start3A_163] : memref<4x80x128xf32, #tpu.memory_space<vmem>> -> memref<1x80x128xf32, #tpu.memory_space<vmem>>
      %dma_start3A_165 = tpu.memref_squeeze %dma_start3A_164 : memref<1x80x128xf32, #tpu.memory_space<vmem>> -> memref<80x128xf32, #tpu.memory_space<vmem>>
      %dma_start3A_166 = arith.constant 0 : i32
      %dma_start3A_167 = tpu.memref_slice %arg22[%add3A_14, %dma_start3A_166] : memref<10000x128xf32, #tpu.memory_space<vmem_shared>> -> memref<80x128xf32, #tpu.memory_space<vmem_shared>>
      %dma_start3A_168 = arith.constant 0 : i32
      %dma_start3A_169 = tpu.memref_slice %arg22[%add3A_14, %dma_start3A_168] : memref<10000x128xf32, #tpu.memory_space<vmem_shared>> -> memref<80x128xf32, #tpu.memory_space<vmem_shared>>
      %dma_start3A_170 = arith.constant 0 : i32
      %dma_start3A_171 = arith.constant 0 : i32
      %dma_start3A_172 = tpu.memref_slice %arg5[%run_scoped3A_15, %dma_start3A_170, %dma_start3A_171] : memref<4x80x128xf32, #tpu.memory_space<vmem>> -> memref<1x80x128xf32, #tpu.memory_space<vmem>>
      %dma_start3A_173 = tpu.memref_squeeze %dma_start3A_172 : memref<1x80x128xf32, #tpu.memory_space<vmem>> -> memref<80x128xf32, #tpu.memory_space<vmem>>
      tpu.enqueue_dma source(%dma_start3A_173 : memref<80x128xf32, #tpu.memory_space<vmem>>) target(%dma_start3A_169 : memref<80x128xf32, #tpu.memory_space<vmem_shared>>) target_semaphore(%run_scoped3A_161 : memref<!tpu.dma_semaphore, #tpu.memory_space<semaphore_mem>>)
      %dma_wait3A_174 = arith.constant 0 : i32
      %dma_wait3A_175 = arith.constant 0 : i32
      %dma_wait3A_176 = tpu.memref_slice %arg5[%run_scoped3A_15, %dma_wait3A_174, %dma_wait3A_175] : memref<4x80x128xf32, #tpu.memory_space<vmem>> -> memref<1x80x128xf32, #tpu.memory_space<vmem>>
      %dma_wait3A_177 = tpu.memref_squeeze %dma_wait3A_176 : memref<1x80x128xf32, #tpu.memory_space<vmem>> -> memref<80x128xf32, #tpu.memory_space<vmem>>
      %dma_wait3A_178 = arith.constant 0 : i32
      %dma_wait3A_179 = tpu.memref_slice %arg22[%add3A_14, %dma_wait3A_178] : memref<10000x128xf32, #tpu.memory_space<vmem_shared>> -> memref<80x128xf32, #tpu.memory_space<vmem_shared>>
      %dma_wait3A_180 = arith.constant 0 : i32
      %dma_wait3A_181 = tpu.memref_slice %arg22[%add3A_14, %dma_wait3A_180] : memref<10000x128xf32, #tpu.memory_space<vmem_shared>> -> memref<80x128xf32, #tpu.memory_space<vmem_shared>>
      %dma_wait3A_182 = arith.constant 0 : i32
      %dma_wait3A_183 = arith.constant 0 : i32
      %dma_wait3A_184 = tpu.memref_slice %arg5[%run_scoped3A_15, %dma_wait3A_182, %dma_wait3A_183] : memref<4x80x128xf32, #tpu.memory_space<vmem>> -> memref<1x80x128xf32, #tpu.memory_space<vmem>>
      %dma_wait3A_185 = tpu.memref_squeeze %dma_wait3A_184 : memref<1x80x128xf32, #tpu.memory_space<vmem>> -> memref<80x128xf32, #tpu.memory_space<vmem>>
      tpu.wait_dma2 semaphore(%run_scoped3A_161 : memref<!tpu.dma_semaphore, #tpu.memory_space<semaphore_mem>>) src(%dma_wait3A_185 : memref<80x128xf32, #tpu.memory_space<vmem>>) dst(%dma_wait3A_181 : memref<80x128xf32, #tpu.memory_space<vmem_shared>>)
      tpu.yield
    }) : () -> ()
    %add3A_16 = arith.constant 240 : i32
    %add3A_17 = arith.addi %multiple_of3A, %add3A_16 : i32
    %run_scoped3A_18 = arith.constant 0 : i32
    "tpu.region"() ({
      %run_scoped3A_161 = tpu.sem_alloc : memref<!tpu.dma_semaphore, #tpu.memory_space<semaphore_mem>>
      %dma_start3A_162 = arith.constant 0 : i32
      %dma_start3A_163 = arith.constant 0 : i32
      %dma_start3A_164 = tpu.memref_slice %arg5[%run_scoped3A_18, %dma_start3A_162, %dma_start3A_163] : memref<4x80x128xf32, #tpu.memory_space<vmem>> -> memref<1x80x128xf32, #tpu.memory_space<vmem>>
      %dma_start3A_165 = tpu.memref_squeeze %dma_start3A_164 : memref<1x80x128xf32, #tpu.memory_space<vmem>> -> memref<80x128xf32, #tpu.memory_space<vmem>>
      %dma_start3A_166 = arith.constant 0 : i32
      %dma_start3A_167 = tpu.memref_slice %arg22[%add3A_17, %dma_start3A_166] : memref<10000x128xf32, #tpu.memory_space<vmem_shared>> -> memref<80x128xf32, #tpu.memory_space<vmem_shared>>
      %dma_start3A_168 = arith.constant 0 : i32
      %dma_start3A_169 = tpu.memref_slice %arg22[%add3A_17, %dma_start3A_168] : memref<10000x128xf32, #tpu.memory_space<vmem_shared>> -> memref<80x128xf32, #tpu.memory_space<vmem_shared>>
      %dma_start3A_170 = arith.constant 0 : i32
      %dma_start3A_171 = arith.constant 0 : i32
      %dma_start3A_172 = tpu.memref_slice %arg5[%run_scoped3A_18, %dma_start3A_170, %dma_start3A_171] : memref<4x80x128xf32, #tpu.memory_space<vmem>> -> memref<1x80x128xf32, #tpu.memory_space<vmem>>
      %dma_start3A_173 = tpu.memref_squeeze %dma_start3A_172 : memref<1x80x128xf32, #tpu.memory_space<vmem>> -> memref<80x128xf32, #tpu.memory_space<vmem>>
      tpu.enqueue_dma source(%dma_start3A_173 : memref<80x128xf32, #tpu.memory_space<vmem>>) target(%dma_start3A_169 : memref<80x128xf32, #tpu.memory_space<vmem_shared>>) target_semaphore(%run_scoped3A_161 : memref<!tpu.dma_semaphore, #tpu.memory_space<semaphore_mem>>)
      %dma_wait3A_174 = arith.constant 0 : i32
      %dma_wait3A_175 = arith.constant 0 : i32
      %dma_wait3A_176 = tpu.memref_slice %arg5[%run_scoped3A_18, %dma_wait3A_174, %dma_wait3A_175] : memref<4x80x128xf32, #tpu.memory_space<vmem>> -> memref<1x80x128xf32, #tpu.memory_space<vmem>>
      %dma_wait3A_177 = tpu.memref_squeeze %dma_wait3A_176 : memref<1x80x128xf32, #tpu.memory_space<vmem>> -> memref<80x128xf32, #tpu.memory_space<vmem>>
      %dma_wait3A_178 = arith.constant 0 : i32
      %dma_wait3A_179 = tpu.memref_slice %arg22[%add3A_17, %dma_wait3A_178] : memref<10000x128xf32, #tpu.memory_space<vmem_shared>> -> memref<80x128xf32, #tpu.memory_space<vmem_shared>>
      %dma_wait3A_180 = arith.constant 0 : i32
      %dma_wait3A_181 = tpu.memref_slice %arg22[%add3A_17, %dma_wait3A_180] : memref<10000x128xf32, #tpu.memory_space<vmem_shared>> -> memref<80x128xf32, #tpu.memory_space<vmem_shared>>
      %dma_wait3A_182 = arith.constant 0 : i32
      %dma_wait3A_183 = arith.constant 0 : i32
      %dma_wait3A_184 = tpu.memref_slice %arg5[%run_scoped3A_18, %dma_wait3A_182, %dma_wait3A_183] : memref<4x80x128xf32, #tpu.memory_space<vmem>> -> memref<1x80x128xf32, #tpu.memory_space<vmem>>
      %dma_wait3A_185 = tpu.memref_squeeze %dma_wait3A_184 : memref<1x80x128xf32, #tpu.memory_space<vmem>> -> memref<80x128xf32, #tpu.memory_space<vmem>>
      tpu.wait_dma2 semaphore(%run_scoped3A_161 : memref<!tpu.dma_semaphore, #tpu.memory_space<semaphore_mem>>) src(%dma_wait3A_185 : memref<80x128xf32, #tpu.memory_space<vmem>>) dst(%dma_wait3A_181 : memref<80x128xf32, #tpu.memory_space<vmem_shared>>)
      tpu.yield
    }) : () -> ()
    %add3A_19 = arith.constant 320 : i32
    %add3A_20 = arith.addi %multiple_of3A, %add3A_19 : i32
    %run_scoped3A_21 = arith.constant 0 : i32
    "tpu.region"() ({
      %run_scoped3A_161 = tpu.sem_alloc : memref<!tpu.dma_semaphore, #tpu.memory_space<semaphore_mem>>
      %dma_start3A_162 = arith.constant 0 : i32
      %dma_start3A_163 = arith.constant 0 : i32
      %dma_start3A_164 = tpu.memref_slice %arg5[%run_scoped3A_21, %dma_start3A_162, %dma_start3A_163] : memref<4x80x128xf32, #tpu.memory_space<vmem>> -> memref<1x80x128xf32, #tpu.memory_space<vmem>>
      %dma_start3A_165 = tpu.memref_squeeze %dma_start3A_164 : memref<1x80x128xf32, #tpu.memory_space<vmem>> -> memref<80x128xf32, #tpu.memory_space<vmem>>
      %dma_start3A_166 = arith.constant 0 : i32
      %dma_start3A_167 = tpu.memref_slice %arg22[%add3A_20, %dma_start3A_166] : memref<10000x128xf32, #tpu.memory_space<vmem_shared>> -> memref<80x128xf32, #tpu.memory_space<vmem_shared>>
      %dma_start3A_168 = arith.constant 0 : i32
      %dma_start3A_169 = tpu.memref_slice %arg22[%add3A_20, %dma_start3A_168] : memref<10000x128xf32, #tpu.memory_space<vmem_shared>> -> memref<80x128xf32, #tpu.memory_space<vmem_shared>>
      %dma_start3A_170 = arith.constant 0 : i32
      %dma_start3A_171 = arith.constant 0 : i32
      %dma_start3A_172 = tpu.memref_slice %arg5[%run_scoped3A_21, %dma_start3A_170, %dma_start3A_171] : memref<4x80x128xf32, #tpu.memory_space<vmem>> -> memref<1x80x128xf32, #tpu.memory_space<vmem>>
      %dma_start3A_173 = tpu.memref_squeeze %dma_start3A_172 : memref<1x80x128xf32, #tpu.memory_space<vmem>> -> memref<80x128xf32, #tpu.memory_space<vmem>>
      tpu.enqueue_dma source(%dma_start3A_173 : memref<80x128xf32, #tpu.memory_space<vmem>>) target(%dma_start3A_169 : memref<80x128xf32, #tpu.memory_space<vmem_shared>>) target_semaphore(%run_scoped3A_161 : memref<!tpu.dma_semaphore, #tpu.memory_space<semaphore_mem>>)
      %dma_wait3A_174 = arith.constant 0 : i32
      %dma_wait3A_175 = arith.constant 0 : i32
      %dma_wait3A_176 = tpu.memref_slice %arg5[%run_scoped3A_21, %dma_wait3A_174, %dma_wait3A_175] : memref<4x80x128xf32, #tpu.memory_space<vmem>> -> memref<1x80x128xf32, #tpu.memory_space<vmem>>
      %dma_wait3A_177 = tpu.memref_squeeze %dma_wait3A_176 : memref<1x80x128xf32, #tpu.memory_space<vmem>> -> memref<80x128xf32, #tpu.memory_space<vmem>>
      %dma_wait3A_178 = arith.constant 0 : i32
      %dma_wait3A_179 = tpu.memref_slice %arg22[%add3A_20, %dma_wait3A_178] : memref<10000x128xf32, #tpu.memory_space<vmem_shared>> -> memref<80x128xf32, #tpu.memory_space<vmem_shared>>
      %dma_wait3A_180 = arith.constant 0 : i32
      %dma_wait3A_181 = tpu.memref_slice %arg22[%add3A_20, %dma_wait3A_180] : memref<10000x128xf32, #tpu.memory_space<vmem_shared>> -> memref<80x128xf32, #tpu.memory_space<vmem_shared>>
      %dma_wait3A_182 = arith.constant 0 : i32
      %dma_wait3A_183 = arith.constant 0 : i32
      %dma_wait3A_184 = tpu.memref_slice %arg5[%run_scoped3A_21, %dma_wait3A_182, %dma_wait3A_183] : memref<4x80x128xf32, #tpu.memory_space<vmem>> -> memref<1x80x128xf32, #tpu.memory_space<vmem>>
      %dma_wait3A_185 = tpu.memref_squeeze %dma_wait3A_184 : memref<1x80x128xf32, #tpu.memory_space<vmem>> -> memref<80x128xf32, #tpu.memory_space<vmem>>
      tpu.wait_dma2 semaphore(%run_scoped3A_161 : memref<!tpu.dma_semaphore, #tpu.memory_space<semaphore_mem>>) src(%dma_wait3A_185 : memref<80x128xf32, #tpu.memory_space<vmem>>) dst(%dma_wait3A_181 : memref<80x128xf32, #tpu.memory_space<vmem_shared>>)
      tpu.yield
    }) : () -> ()
    %add3A_22 = arith.constant 400 : i32
    %add3A_23 = arith.addi %multiple_of3A, %add3A_22 : i32
    %run_scoped3A_24 = arith.constant 0 : i32
    "tpu.region"() ({
      %run_scoped3A_161 = tpu.sem_alloc : memref<!tpu.dma_semaphore, #tpu.memory_space<semaphore_mem>>
      %dma_start3A_162 = arith.constant 0 : i32
      %dma_start3A_163 = arith.constant 0 : i32
      %dma_start3A_164 = tpu.memref_slice %arg5[%run_scoped3A_24, %dma_start3A_162, %dma_start3A_163] : memref<4x80x128xf32, #tpu.memory_space<vmem>> -> memref<1x80x128xf32, #tpu.memory_space<vmem>>
      %dma_start3A_165 = tpu.memref_squeeze %dma_start3A_164 : memref<1x80x128xf32, #tpu.memory_space<vmem>> -> memref<80x128xf32, #tpu.memory_space<vmem>>
      %dma_start3A_166 = arith.constant 0 : i32
      %dma_start3A_167 = tpu.memref_slice %arg22[%add3A_23, %dma_start3A_166] : memref<10000x128xf32, #tpu.memory_space<vmem_shared>> -> memref<80x128xf32, #tpu.memory_space<vmem_shared>>
      %dma_start3A_168 = arith.constant 0 : i32
      %dma_start3A_169 = tpu.memref_slice %arg22[%add3A_23, %dma_start3A_168] : memref<10000x128xf32, #tpu.memory_space<vmem_shared>> -> memref<80x128xf32, #tpu.memory_space<vmem_shared>>
      %dma_start3A_170 = arith.constant 0 : i32
      %dma_start3A_171 = arith.constant 0 : i32
      %dma_start3A_172 = tpu.memref_slice %arg5[%run_scoped3A_24, %dma_start3A_170, %dma_start3A_171] : memref<4x80x128xf32, #tpu.memory_space<vmem>> -> memref<1x80x128xf32, #tpu.memory_space<vmem>>
      %dma_start3A_173 = tpu.memref_squeeze %dma_start3A_172 : memref<1x80x128xf32, #tpu.memory_space<vmem>> -> memref<80x128xf32, #tpu.memory_space<vmem>>
      tpu.enqueue_dma source(%dma_start3A_173 : memref<80x128xf32, #tpu.memory_space<vmem>>) target(%dma_start3A_169 : memref<80x128xf32, #tpu.memory_space<vmem_shared>>) target_semaphore(%run_scoped3A_161 : memref<!tpu.dma_semaphore, #tpu.memory_space<semaphore_mem>>)
      %dma_wait3A_174 = arith.constant 0 : i32
      %dma_wait3A_175 = arith.constant 0 : i32
      %dma_wait3A_176 = tpu.memref_slice %arg5[%run_scoped3A_24, %dma_wait3A_174, %dma_wait3A_175] : memref<4x80x128xf32, #tpu.memory_space<vmem>> -> memref<1x80x128xf32, #tpu.memory_space<vmem>>
      %dma_wait3A_177 = tpu.memref_squeeze %dma_wait3A_176 : memref<1x80x128xf32, #tpu.memory_space<vmem>> -> memref<80x128xf32, #tpu.memory_space<vmem>>
      %dma_wait3A_178 = arith.constant 0 : i32
      %dma_wait3A_179 = tpu.memref_slice %arg22[%add3A_23, %dma_wait3A_178] : memref<10000x128xf32, #tpu.memory_space<vmem_shared>> -> memref<80x128xf32, #tpu.memory_space<vmem_shared>>
      %dma_wait3A_180 = arith.constant 0 : i32
      %dma_wait3A_181 = tpu.memref_slice %arg22[%add3A_23, %dma_wait3A_180] : memref<10000x128xf32, #tpu.memory_space<vmem_shared>> -> memref<80x128xf32, #tpu.memory_space<vmem_shared>>
      %dma_wait3A_182 = arith.constant 0 : i32
      %dma_wait3A_183 = arith.constant 0 : i32
      %dma_wait3A_184 = tpu.memref_slice %arg5[%run_scoped3A_24, %dma_wait3A_182, %dma_wait3A_183] : memref<4x80x128xf32, #tpu.memory_space<vmem>> -> memref<1x80x128xf32, #tpu.memory_space<vmem>>
      %dma_wait3A_185 = tpu.memref_squeeze %dma_wait3A_184 : memref<1x80x128xf32, #tpu.memory_space<vmem>> -> memref<80x128xf32, #tpu.memory_space<vmem>>
      tpu.wait_dma2 semaphore(%run_scoped3A_161 : memref<!tpu.dma_semaphore, #tpu.memory_space<semaphore_mem>>) src(%dma_wait3A_185 : memref<80x128xf32, #tpu.memory_space<vmem>>) dst(%dma_wait3A_181 : memref<80x128xf32, #tpu.memory_space<vmem_shared>>)
      tpu.yield
    }) : () -> ()
    %add3A_25 = arith.constant 480 : i32
    %add3A_26 = arith.addi %multiple_of3A, %add3A_25 : i32
    %run_scoped3A_27 = arith.constant 0 : i32
    "tpu.region"() ({
      %run_scoped3A_161 = tpu.sem_alloc : memref<!tpu.dma_semaphore, #tpu.memory_space<semaphore_mem>>
      %dma_start3A_162 = arith.constant 0 : i32
      %dma_start3A_163 = arith.constant 0 : i32
      %dma_start3A_164 = tpu.memref_slice %arg5[%run_scoped3A_27, %dma_start3A_162, %dma_start3A_163] : memref<4x80x128xf32, #tpu.memory_space<vmem>> -> memref<1x80x128xf32, #tpu.memory_space<vmem>>
      %dma_start3A_165 = tpu.memref_squeeze %dma_start3A_164 : memref<1x80x128xf32, #tpu.memory_space<vmem>> -> memref<80x128xf32, #tpu.memory_space<vmem>>
      %dma_start3A_166 = arith.constant 0 : i32
      %dma_start3A_167 = tpu.memref_slice %arg22[%add3A_26, %dma_start3A_166] : memref<10000x128xf32, #tpu.memory_space<vmem_shared>> -> memref<80x128xf32, #tpu.memory_space<vmem_shared>>
      %dma_start3A_168 = arith.constant 0 : i32
      %dma_start3A_169 = tpu.memref_slice %arg22[%add3A_26, %dma_start3A_168] : memref<10000x128xf32, #tpu.memory_space<vmem_shared>> -> memref<80x128xf32, #tpu.memory_space<vmem_shared>>
      %dma_start3A_170 = arith.constant 0 : i32
      %dma_start3A_171 = arith.constant 0 : i32
      %dma_start3A_172 = tpu.memref_slice %arg5[%run_scoped3A_27, %dma_start3A_170, %dma_start3A_171] : memref<4x80x128xf32, #tpu.memory_space<vmem>> -> memref<1x80x128xf32, #tpu.memory_space<vmem>>
      %dma_start3A_173 = tpu.memref_squeeze %dma_start3A_172 : memref<1x80x128xf32, #tpu.memory_space<vmem>> -> memref<80x128xf32, #tpu.memory_space<vmem>>
      tpu.enqueue_dma source(%dma_start3A_173 : memref<80x128xf32, #tpu.memory_space<vmem>>) target(%dma_start3A_169 : memref<80x128xf32, #tpu.memory_space<vmem_shared>>) target_semaphore(%run_scoped3A_161 : memref<!tpu.dma_semaphore, #tpu.memory_space<semaphore_mem>>)
      %dma_wait3A_174 = arith.constant 0 : i32
      %dma_wait3A_175 = arith.constant 0 : i32
      %dma_wait3A_176 = tpu.memref_slice %arg5[%run_scoped3A_27, %dma_wait3A_174, %dma_wait3A_175] : memref<4x80x128xf32, #tpu.memory_space<vmem>> -> memref<1x80x128xf32, #tpu.memory_space<vmem>>
      %dma_wait3A_177 = tpu.memref_squeeze %dma_wait3A_176 : memref<1x80x128xf32, #tpu.memory_space<vmem>> -> memref<80x128xf32, #tpu.memory_space<vmem>>
      %dma_wait3A_178 = arith.constant 0 : i32
      %dma_wait3A_179 = tpu.memref_slice %arg22[%add3A_26, %dma_wait3A_178] : memref<10000x128xf32, #tpu.memory_space<vmem_shared>> -> memref<80x128xf32, #tpu.memory_space<vmem_shared>>
      %dma_wait3A_180 = arith.constant 0 : i32
      %dma_wait3A_181 = tpu.memref_slice %arg22[%add3A_26, %dma_wait3A_180] : memref<10000x128xf32, #tpu.memory_space<vmem_shared>> -> memref<80x128xf32, #tpu.memory_space<vmem_shared>>
      %dma_wait3A_182 = arith.constant 0 : i32
      %dma_wait3A_183 = arith.constant 0 : i32
      %dma_wait3A_184 = tpu.memref_slice %arg5[%run_scoped3A_27, %dma_wait3A_182, %dma_wait3A_183] : memref<4x80x128xf32, #tpu.memory_space<vmem>> -> memref<1x80x128xf32, #tpu.memory_space<vmem>>
      %dma_wait3A_185 = tpu.memref_squeeze %dma_wait3A_184 : memref<1x80x128xf32, #tpu.memory_space<vmem>> -> memref<80x128xf32, #tpu.memory_space<vmem>>
      tpu.wait_dma2 semaphore(%run_scoped3A_161 : memref<!tpu.dma_semaphore, #tpu.memory_space<semaphore_mem>>) src(%dma_wait3A_185 : memref<80x128xf32, #tpu.memory_space<vmem>>) dst(%dma_wait3A_181 : memref<80x128xf32, #tpu.memory_space<vmem_shared>>)
      tpu.yield
    }) : () -> ()
    %add3A_28 = arith.constant 560 : i32
    %add3A_29 = arith.addi %multiple_of3A, %add3A_28 : i32
    %run_scoped3A_30 = arith.constant 0 : i32
    "tpu.region"() ({
      %run_scoped3A_161 = tpu.sem_alloc : memref<!tpu.dma_semaphore, #tpu.memory_space<semaphore_mem>>
      %dma_start3A_162 = arith.constant 0 : i32
      %dma_start3A_163 = arith.constant 0 : i32
      %dma_start3A_164 = tpu.memref_slice %arg5[%run_scoped3A_30, %dma_start3A_162, %dma_start3A_163] : memref<4x80x128xf32, #tpu.memory_space<vmem>> -> memref<1x64x128xf32, #tpu.memory_space<vmem>>
      %dma_start3A_165 = tpu.memref_squeeze %dma_start3A_164 : memref<1x64x128xf32, #tpu.memory_space<vmem>> -> memref<64x128xf32, #tpu.memory_space<vmem>>
      %dma_start3A_166 = arith.constant 0 : i32
      %dma_start3A_167 = tpu.memref_slice %arg22[%add3A_29, %dma_start3A_166] : memref<10000x128xf32, #tpu.memory_space<vmem_shared>> -> memref<64x128xf32, #tpu.memory_space<vmem_shared>>
      %dma_start3A_168 = arith.constant 0 : i32
      %dma_start3A_169 = tpu.memref_slice %arg22[%add3A_29, %dma_start3A_168] : memref<10000x128xf32, #tpu.memory_space<vmem_shared>> -> memref<64x128xf32, #tpu.memory_space<vmem_shared>>
      %dma_start3A_170 = arith.constant 0 : i32
      %dma_start3A_171 = arith.constant 0 : i32
      %dma_start3A_172 = tpu.memref_slice %arg5[%run_scoped3A_30, %dma_start3A_170, %dma_start3A_171] : memref<4x80x128xf32, #tpu.memory_space<vmem>> -> memref<1x64x128xf32, #tpu.memory_space<vmem>>
      %dma_start3A_173 = tpu.memref_squeeze %dma_start3A_172 : memref<1x64x128xf32, #tpu.memory_space<vmem>> -> memref<64x128xf32, #tpu.memory_space<vmem>>
      tpu.enqueue_dma source(%dma_start3A_173 : memref<64x128xf32, #tpu.memory_space<vmem>>) target(%dma_start3A_169 : memref<64x128xf32, #tpu.memory_space<vmem_shared>>) target_semaphore(%run_scoped3A_161 : memref<!tpu.dma_semaphore, #tpu.memory_space<semaphore_mem>>)
      %dma_wait3A_174 = arith.constant 0 : i32
      %dma_wait3A_175 = arith.constant 0 : i32
      %dma_wait3A_176 = tpu.memref_slice %arg5[%run_scoped3A_30, %dma_wait3A_174, %dma_wait3A_175] : memref<4x80x128xf32, #tpu.memory_space<vmem>> -> memref<1x64x128xf32, #tpu.memory_space<vmem>>
      %dma_wait3A_177 = tpu.memref_squeeze %dma_wait3A_176 : memref<1x64x128xf32, #tpu.memory_space<vmem>> -> memref<64x128xf32, #tpu.memory_space<vmem>>
      %dma_wait3A_178 = arith.constant 0 : i32
      %dma_wait3A_179 = tpu.memref_slice %arg22[%add3A_29, %dma_wait3A_178] : memref<10000x128xf32, #tpu.memory_space<vmem_shared>> -> memref<64x128xf32, #tpu.memory_space<vmem_shared>>
      %dma_wait3A_180 = arith.constant 0 : i32
      %dma_wait3A_181 = tpu.memref_slice %arg22[%add3A_29, %dma_wait3A_180] : memref<10000x128xf32, #tpu.memory_space<vmem_shared>> -> memref<64x128xf32, #tpu.memory_space<vmem_shared>>
      %dma_wait3A_182 = arith.constant 0 : i32
      %dma_wait3A_183 = arith.constant 0 : i32
      %dma_wait3A_184 = tpu.memref_slice %arg5[%run_scoped3A_30, %dma_wait3A_182, %dma_wait3A_183] : memref<4x80x128xf32, #tpu.memory_space<vmem>> -> memref<1x64x128xf32, #tpu.memory_space<vmem>>
      %dma_wait3A_185 = tpu.memref_squeeze %dma_wait3A_184 : memref<1x64x128xf32, #tpu.memory_space<vmem>> -> memref<64x128xf32, #tpu.memory_space<vmem>>
      tpu.wait_dma2 semaphore(%run_scoped3A_161 : memref<!tpu.dma_semaphore, #tpu.memory_space<semaphore_mem>>) src(%dma_wait3A_185 : memref<64x128xf32, #tpu.memory_space<vmem>>) dst(%dma_wait3A_181 : memref<64x128xf32, #tpu.memory_space<vmem_shared>>)
      tpu.yield
    }) : () -> ()
    %eq3A = arith.constant 0 : i32
    %eq3A_31 = arith.cmpi eq, %arg1, %eq3A : i32
    %convert_element_type3A = arith.extui %eq3A_31 : i1 to i32
    %cond3A = arith.constant 0 : i32
    %cond3A_32 = arith.cmpi ne, %convert_element_type3A, %cond3A : i32
    scf.if %cond3A_32 {
      %run_scoped3A_161 = arith.constant 0 : i32
      "tpu.region"() ({
        %run_scoped3A_162 = tpu.sem_alloc : memref<!tpu.dma_semaphore, #tpu.memory_space<semaphore_mem>>
        %dma_start3A_163 = arith.constant 0 : i32
        %dma_start3A_164 = arith.constant 0 : i32
        %dma_start3A_165 = tpu.memref_slice %arg5[%run_scoped3A_161, %dma_start3A_163, %dma_start3A_164] : memref<4x80x128xf32, #tpu.memory_space<vmem>> -> memref<1x16x128xf32, #tpu.memory_space<vmem>>
        %dma_start3A_166 = tpu.memref_squeeze %dma_start3A_165 : memref<1x16x128xf32, #tpu.memory_space<vmem>> -> memref<16x128xf32, #tpu.memory_space<vmem>>
        %dma_start3A_167 = arith.constant 9984 : i32
        %dma_start3A_168 = arith.constant 0 : i32
        %dma_start3A_169 = tpu.memref_slice %arg22[%dma_start3A_167, %dma_start3A_168] : memref<10000x128xf32, #tpu.memory_space<vmem_shared>> -> memref<16x128xf32, #tpu.memory_space<vmem_shared>>
        %dma_start3A_170 = arith.constant 9984 : i32
        %dma_start3A_171 = arith.constant 0 : i32
        %dma_start3A_172 = tpu.memref_slice %arg22[%dma_start3A_170, %dma_start3A_171] : memref<10000x128xf32, #tpu.memory_space<vmem_shared>> -> memref<16x128xf32, #tpu.memory_space<vmem_shared>>
        %dma_start3A_173 = arith.constant 0 : i32
        %dma_start3A_174 = arith.constant 0 : i32
        %dma_start3A_175 = tpu.memref_slice %arg5[%run_scoped3A_161, %dma_start3A_173, %dma_start3A_174] : memref<4x80x128xf32, #tpu.memory_space<vmem>> -> memref<1x16x128xf32, #tpu.memory_space<vmem>>
        %dma_start3A_176 = tpu.memref_squeeze %dma_start3A_175 : memref<1x16x128xf32, #tpu.memory_space<vmem>> -> memref<16x128xf32, #tpu.memory_space<vmem>>
        tpu.enqueue_dma source(%dma_start3A_176 : memref<16x128xf32, #tpu.memory_space<vmem>>) target(%dma_start3A_172 : memref<16x128xf32, #tpu.memory_space<vmem_shared>>) target_semaphore(%run_scoped3A_162 : memref<!tpu.dma_semaphore, #tpu.memory_space<semaphore_mem>>)
        %dma_wait3A_177 = arith.constant 0 : i32
        %dma_wait3A_178 = arith.constant 0 : i32
        %dma_wait3A_179 = tpu.memref_slice %arg5[%run_scoped3A_161, %dma_wait3A_177, %dma_wait3A_178] : memref<4x80x128xf32, #tpu.memory_space<vmem>> -> memref<1x16x128xf32, #tpu.memory_space<vmem>>
        %dma_wait3A_180 = tpu.memref_squeeze %dma_wait3A_179 : memref<1x16x128xf32, #tpu.memory_space<vmem>> -> memref<16x128xf32, #tpu.memory_space<vmem>>
        %dma_wait3A_181 = arith.constant 9984 : i32
        %dma_wait3A_182 = arith.constant 0 : i32
        %dma_wait3A_183 = tpu.memref_slice %arg22[%dma_wait3A_181, %dma_wait3A_182] : memref<10000x128xf32, #tpu.memory_space<vmem_shared>> -> memref<16x128xf32, #tpu.memory_space<vmem_shared>>
        %dma_wait3A_184 = arith.constant 9984 : i32
        %dma_wait3A_185 = arith.constant 0 : i32
        %dma_wait3A_186 = tpu.memref_slice %arg22[%dma_wait3A_184, %dma_wait3A_185] : memref<10000x128xf32, #tpu.memory_space<vmem_shared>> -> memref<16x128xf32, #tpu.memory_space<vmem_shared>>
        %dma_wait3A_187 = arith.constant 0 : i32
        %dma_wait3A_188 = arith.constant 0 : i32
        %dma_wait3A_189 = tpu.memref_slice %arg5[%run_scoped3A_161, %dma_wait3A_187, %dma_wait3A_188] : memref<4x80x128xf32, #tpu.memory_space<vmem>> -> memref<1x16x128xf32, #tpu.memory_space<vmem>>
        %dma_wait3A_190 = tpu.memref_squeeze %dma_wait3A_189 : memref<1x16x128xf32, #tpu.memory_space<vmem>> -> memref<16x128xf32, #tpu.memory_space<vmem>>
        tpu.wait_dma2 semaphore(%run_scoped3A_162 : memref<!tpu.dma_semaphore, #tpu.memory_space<semaphore_mem>>) src(%dma_wait3A_190 : memref<16x128xf32, #tpu.memory_space<vmem>>) dst(%dma_wait3A_186 : memref<16x128xf32, #tpu.memory_space<vmem_shared>>)
        tpu.yield
      }) : () -> ()
    } else {
    }
    %barrier3A = arith.constant 0 : index
    tpu.barrier barrier_id(%barrier3A)
    %mul3A_33 = arith.constant 10000 : i32
    %mul3A_34 = arith.muli %add3A, %mul3A_33 : i32
    %add3A_35 = arith.constant 0 : i32
    %add3A_36 = arith.addi %mul3A_34, %add3A_35 : i32
    %dma_start3A = tpu.memref_slice %arg3[%add3A_36] : memref<640000xi32, #tpu.memory_space<hbm>> -> memref<80xi32, #tpu.memory_space<hbm>>
    %dma_start3A_37 = tpu.memref_slice %arg3[%add3A_36] : memref<640000xi32, #tpu.memory_space<hbm>> -> memref<80xi32, #tpu.memory_space<hbm>>
    tpu.enqueue_dma source(%dma_start3A_37 : memref<80xi32, #tpu.memory_space<hbm>>) target(%arg6 : memref<80xi32, #tpu.memory_space<vmem>>) target_semaphore(%arg31 : memref<!tpu.dma_semaphore, #tpu.memory_space<semaphore_mem>>)
    %add3A_38 = arith.constant 320000 : i32
    %add3A_39 = arith.addi %add3A_38, %add3A_36 : i32
    %dma_start3A_40 = tpu.memref_slice %arg3[%add3A_39] : memref<640000xi32, #tpu.memory_space<hbm>> -> memref<80xi32, #tpu.memory_space<hbm>>
    %dma_start3A_41 = tpu.memref_slice %arg3[%add3A_39] : memref<640000xi32, #tpu.memory_space<hbm>> -> memref<80xi32, #tpu.memory_space<hbm>>
    tpu.enqueue_dma source(%dma_start3A_41 : memref<80xi32, #tpu.memory_space<hbm>>) target(%arg14 : memref<80xi32, #tpu.memory_space<vmem>>) target_semaphore(%arg39 : memref<!tpu.dma_semaphore, #tpu.memory_space<semaphore_mem>>)
    %add3A_42 = arith.constant 80 : i32
    %add3A_43 = arith.addi %mul3A_34, %add3A_42 : i32
    %dma_start3A_44 = tpu.memref_slice %arg3[%add3A_43] : memref<640000xi32, #tpu.memory_space<hbm>> -> memref<80xi32, #tpu.memory_space<hbm>>
    %dma_start3A_45 = tpu.memref_slice %arg3[%add3A_43] : memref<640000xi32, #tpu.memory_space<hbm>> -> memref<80xi32, #tpu.memory_space<hbm>>
    tpu.enqueue_dma source(%dma_start3A_45 : memref<80xi32, #tpu.memory_space<hbm>>) target(%arg7 : memref<80xi32, #tpu.memory_space<vmem>>) target_semaphore(%arg32 : memref<!tpu.dma_semaphore, #tpu.memory_space<semaphore_mem>>)
    %add3A_46 = arith.constant 320000 : i32
    %add3A_47 = arith.addi %add3A_46, %add3A_43 : i32
    %dma_start3A_48 = tpu.memref_slice %arg3[%add3A_47] : memref<640000xi32, #tpu.memory_space<hbm>> -> memref<80xi32, #tpu.memory_space<hbm>>
    %dma_start3A_49 = tpu.memref_slice %arg3[%add3A_47] : memref<640000xi32, #tpu.memory_space<hbm>> -> memref<80xi32, #tpu.memory_space<hbm>>
    tpu.enqueue_dma source(%dma_start3A_49 : memref<80xi32, #tpu.memory_space<hbm>>) target(%arg15 : memref<80xi32, #tpu.memory_space<vmem>>) target_semaphore(%arg40 : memref<!tpu.dma_semaphore, #tpu.memory_space<semaphore_mem>>)
    %add3A_50 = arith.constant 160 : i32
    %add3A_51 = arith.addi %mul3A_34, %add3A_50 : i32
    %dma_start3A_52 = tpu.memref_slice %arg3[%add3A_51] : memref<640000xi32, #tpu.memory_space<hbm>> -> memref<80xi32, #tpu.memory_space<hbm>>
    %dma_start3A_53 = tpu.memref_slice %arg3[%add3A_51] : memref<640000xi32, #tpu.memory_space<hbm>> -> memref<80xi32, #tpu.memory_space<hbm>>
    tpu.enqueue_dma source(%dma_start3A_53 : memref<80xi32, #tpu.memory_space<hbm>>) target(%arg8 : memref<80xi32, #tpu.memory_space<vmem>>) target_semaphore(%arg33 : memref<!tpu.dma_semaphore, #tpu.memory_space<semaphore_mem>>)
    %add3A_54 = arith.constant 320000 : i32
    %add3A_55 = arith.addi %add3A_54, %add3A_51 : i32
    %dma_start3A_56 = tpu.memref_slice %arg3[%add3A_55] : memref<640000xi32, #tpu.memory_space<hbm>> -> memref<80xi32, #tpu.memory_space<hbm>>
    %dma_start3A_57 = tpu.memref_slice %arg3[%add3A_55] : memref<640000xi32, #tpu.memory_space<hbm>> -> memref<80xi32, #tpu.memory_space<hbm>>
    tpu.enqueue_dma source(%dma_start3A_57 : memref<80xi32, #tpu.memory_space<hbm>>) target(%arg16 : memref<80xi32, #tpu.memory_space<vmem>>) target_semaphore(%arg41 : memref<!tpu.dma_semaphore, #tpu.memory_space<semaphore_mem>>)
    %add3A_58 = arith.constant 240 : i32
    %add3A_59 = arith.addi %mul3A_34, %add3A_58 : i32
    %dma_start3A_60 = tpu.memref_slice %arg3[%add3A_59] : memref<640000xi32, #tpu.memory_space<hbm>> -> memref<80xi32, #tpu.memory_space<hbm>>
    %dma_start3A_61 = tpu.memref_slice %arg3[%add3A_59] : memref<640000xi32, #tpu.memory_space<hbm>> -> memref<80xi32, #tpu.memory_space<hbm>>
    tpu.enqueue_dma source(%dma_start3A_61 : memref<80xi32, #tpu.memory_space<hbm>>) target(%arg9 : memref<80xi32, #tpu.memory_space<vmem>>) target_semaphore(%arg34 : memref<!tpu.dma_semaphore, #tpu.memory_space<semaphore_mem>>)
    %add3A_62 = arith.constant 320000 : i32
    %add3A_63 = arith.addi %add3A_62, %add3A_59 : i32
    %dma_start3A_64 = tpu.memref_slice %arg3[%add3A_63] : memref<640000xi32, #tpu.memory_space<hbm>> -> memref<80xi32, #tpu.memory_space<hbm>>
    %dma_start3A_65 = tpu.memref_slice %arg3[%add3A_63] : memref<640000xi32, #tpu.memory_space<hbm>> -> memref<80xi32, #tpu.memory_space<hbm>>
    tpu.enqueue_dma source(%dma_start3A_65 : memref<80xi32, #tpu.memory_space<hbm>>) target(%arg17 : memref<80xi32, #tpu.memory_space<vmem>>) target_semaphore(%arg42 : memref<!tpu.dma_semaphore, #tpu.memory_space<semaphore_mem>>)
    %add3A_66 = arith.constant 320 : i32
    %add3A_67 = arith.addi %mul3A_34, %add3A_66 : i32
    %dma_start3A_68 = tpu.memref_slice %arg3[%add3A_67] : memref<640000xi32, #tpu.memory_space<hbm>> -> memref<80xi32, #tpu.memory_space<hbm>>
    %dma_start3A_69 = tpu.memref_slice %arg3[%add3A_67] : memref<640000xi32, #tpu.memory_space<hbm>> -> memref<80xi32, #tpu.memory_space<hbm>>
    tpu.enqueue_dma source(%dma_start3A_69 : memref<80xi32, #tpu.memory_space<hbm>>) target(%arg10 : memref<80xi32, #tpu.memory_space<vmem>>) target_semaphore(%arg35 : memref<!tpu.dma_semaphore, #tpu.memory_space<semaphore_mem>>)
    %add3A_70 = arith.constant 320000 : i32
    %add3A_71 = arith.addi %add3A_70, %add3A_67 : i32
    %dma_start3A_72 = tpu.memref_slice %arg3[%add3A_71] : memref<640000xi32, #tpu.memory_space<hbm>> -> memref<80xi32, #tpu.memory_space<hbm>>
    %dma_start3A_73 = tpu.memref_slice %arg3[%add3A_71] : memref<640000xi32, #tpu.memory_space<hbm>> -> memref<80xi32, #tpu.memory_space<hbm>>
    tpu.enqueue_dma source(%dma_start3A_73 : memref<80xi32, #tpu.memory_space<hbm>>) target(%arg18 : memref<80xi32, #tpu.memory_space<vmem>>) target_semaphore(%arg43 : memref<!tpu.dma_semaphore, #tpu.memory_space<semaphore_mem>>)
    %add3A_74 = arith.constant 400 : i32
    %add3A_75 = arith.addi %mul3A_34, %add3A_74 : i32
    %dma_start3A_76 = tpu.memref_slice %arg3[%add3A_75] : memref<640000xi32, #tpu.memory_space<hbm>> -> memref<80xi32, #tpu.memory_space<hbm>>
    %dma_start3A_77 = tpu.memref_slice %arg3[%add3A_75] : memref<640000xi32, #tpu.memory_space<hbm>> -> memref<80xi32, #tpu.memory_space<hbm>>
    tpu.enqueue_dma source(%dma_start3A_77 : memref<80xi32, #tpu.memory_space<hbm>>) target(%arg11 : memref<80xi32, #tpu.memory_space<vmem>>) target_semaphore(%arg36 : memref<!tpu.dma_semaphore, #tpu.memory_space<semaphore_mem>>)
    %add3A_78 = arith.constant 320000 : i32
    %add3A_79 = arith.addi %add3A_78, %add3A_75 : i32
    %dma_start3A_80 = tpu.memref_slice %arg3[%add3A_79] : memref<640000xi32, #tpu.memory_space<hbm>> -> memref<80xi32, #tpu.memory_space<hbm>>
    %dma_start3A_81 = tpu.memref_slice %arg3[%add3A_79] : memref<640000xi32, #tpu.memory_space<hbm>> -> memref<80xi32, #tpu.memory_space<hbm>>
    tpu.enqueue_dma source(%dma_start3A_81 : memref<80xi32, #tpu.memory_space<hbm>>) target(%arg19 : memref<80xi32, #tpu.memory_space<vmem>>) target_semaphore(%arg44 : memref<!tpu.dma_semaphore, #tpu.memory_space<semaphore_mem>>)
    %add3A_82 = arith.constant 480 : i32
    %add3A_83 = arith.addi %mul3A_34, %add3A_82 : i32
    %dma_start3A_84 = tpu.memref_slice %arg3[%add3A_83] : memref<640000xi32, #tpu.memory_space<hbm>> -> memref<80xi32, #tpu.memory_space<hbm>>
    %dma_start3A_85 = tpu.memref_slice %arg3[%add3A_83] : memref<640000xi32, #tpu.memory_space<hbm>> -> memref<80xi32, #tpu.memory_space<hbm>>
    tpu.enqueue_dma source(%dma_start3A_85 : memref<80xi32, #tpu.memory_space<hbm>>) target(%arg12 : memref<80xi32, #tpu.memory_space<vmem>>) target_semaphore(%arg37 : memref<!tpu.dma_semaphore, #tpu.memory_space<semaphore_mem>>)
    %add3A_86 = arith.constant 320000 : i32
    %add3A_87 = arith.addi %add3A_86, %add3A_83 : i32
    %dma_start3A_88 = tpu.memref_slice %arg3[%add3A_87] : memref<640000xi32, #tpu.memory_space<hbm>> -> memref<80xi32, #tpu.memory_space<hbm>>
    %dma_start3A_89 = tpu.memref_slice %arg3[%add3A_87] : memref<640000xi32, #tpu.memory_space<hbm>> -> memref<80xi32, #tpu.memory_space<hbm>>
    tpu.enqueue_dma source(%dma_start3A_89 : memref<80xi32, #tpu.memory_space<hbm>>) target(%arg20 : memref<80xi32, #tpu.memory_space<vmem>>) target_semaphore(%arg45 : memref<!tpu.dma_semaphore, #tpu.memory_space<semaphore_mem>>)
    %add3A_90 = arith.constant 560 : i32
    %add3A_91 = arith.addi %mul3A_34, %add3A_90 : i32
    %dma_start3A_92 = tpu.memref_slice %arg3[%add3A_91] : memref<640000xi32, #tpu.memory_space<hbm>> -> memref<80xi32, #tpu.memory_space<hbm>>
    %dma_start3A_93 = tpu.memref_slice %arg3[%add3A_91] : memref<640000xi32, #tpu.memory_space<hbm>> -> memref<80xi32, #tpu.memory_space<hbm>>
    tpu.enqueue_dma source(%dma_start3A_93 : memref<80xi32, #tpu.memory_space<hbm>>) target(%arg13 : memref<80xi32, #tpu.memory_space<vmem>>) target_semaphore(%arg38 : memref<!tpu.dma_semaphore, #tpu.memory_space<semaphore_mem>>)
    %add3A_94 = arith.constant 320000 : i32
    %add3A_95 = arith.addi %add3A_94, %add3A_91 : i32
    %dma_start3A_96 = tpu.memref_slice %arg3[%add3A_95] : memref<640000xi32, #tpu.memory_space<hbm>> -> memref<80xi32, #tpu.memory_space<hbm>>
    %dma_start3A_97 = tpu.memref_slice %arg3[%add3A_95] : memref<640000xi32, #tpu.memory_space<hbm>> -> memref<80xi32, #tpu.memory_space<hbm>>
    tpu.enqueue_dma source(%dma_start3A_97 : memref<80xi32, #tpu.memory_space<hbm>>) target(%arg21 : memref<80xi32, #tpu.memory_space<vmem>>) target_semaphore(%arg46 : memref<!tpu.dma_semaphore, #tpu.memory_space<semaphore_mem>>)
    %add3A_98 = arith.constant 0 : i32
    %add3A_99 = arith.addi %mul3A_34, %add3A_98 : i32
    %dma_wait3A = tpu.memref_slice %arg3[%add3A_99] : memref<640000xi32, #tpu.memory_space<hbm>> -> memref<80xi32, #tpu.memory_space<hbm>>
    %dma_wait3A_100 = tpu.memref_slice %arg3[%add3A_99] : memref<640000xi32, #tpu.memory_space<hbm>> -> memref<80xi32, #tpu.memory_space<hbm>>
    tpu.wait_dma2 semaphore(%arg31 : memref<!tpu.dma_semaphore, #tpu.memory_space<semaphore_mem>>) src(%dma_wait3A_100 : memref<80xi32, #tpu.memory_space<hbm>>) dst(%arg6 : memref<80xi32, #tpu.memory_space<vmem>>)
    %dma_start3A_101 = arith.constant 0 : i32
    %dma_start3A_102 = arith.constant 0 : i32
    %dma_start3A_103 = arith.constant 0 : i32
    %dma_start3A_104 = tpu.memref_slice %arg5[%dma_start3A_101, %dma_start3A_102, %dma_start3A_103] : memref<4x80x128xf32, #tpu.memory_space<vmem>> -> memref<1x80x128xf32, #tpu.memory_space<vmem>>
    %dma_start3A_105 = tpu.memref_squeeze %dma_start3A_104 : memref<1x80x128xf32, #tpu.memory_space<vmem>> -> memref<80x128xf32, #tpu.memory_space<vmem>>
    %dma_start3A_106 = arith.constant 0 : i32
    %dma_start3A_107 = arith.constant 0 : i32
    %dma_start3A_108 = tpu.memref_slice %arg2[%dma_start3A_106, %dma_start3A_107] : memref<10000x128xf32, #tpu.memory_space<hbm>> -> memref<10000x128xf32, #tpu.memory_space<hbm>>
    tpu.enqueue_indirect_dma source(%dma_start3A_108 : memref<10000x128xf32, #tpu.memory_space<hbm>>) target(%dma_start3A_105 : memref<80x128xf32, #tpu.memory_space<vmem>>) offsets(%arg6 : memref<80xi32, #tpu.memory_space<vmem>>) semaphore(%arg23 : memref<!tpu.dma_semaphore, #tpu.memory_space<semaphore_mem>>)
    %add3A_109 = arith.constant 80 : i32
    %add3A_110 = arith.addi %mul3A_34, %add3A_109 : i32
    %dma_wait3A_111 = tpu.memref_slice %arg3[%add3A_110] : memref<640000xi32, #tpu.memory_space<hbm>> -> memref<80xi32, #tpu.memory_space<hbm>>
    %dma_wait3A_112 = tpu.memref_slice %arg3[%add3A_110] : memref<640000xi32, #tpu.memory_space<hbm>> -> memref<80xi32, #tpu.memory_space<hbm>>
    tpu.wait_dma2 semaphore(%arg32 : memref<!tpu.dma_semaphore, #tpu.memory_space<semaphore_mem>>) src(%dma_wait3A_112 : memref<80xi32, #tpu.memory_space<hbm>>) dst(%arg7 : memref<80xi32, #tpu.memory_space<vmem>>)
    %dma_start3A_113 = arith.constant 1 : i32
    %dma_start3A_114 = arith.constant 0 : i32
    %dma_start3A_115 = arith.constant 0 : i32
    %dma_start3A_116 = tpu.memref_slice %arg5[%dma_start3A_113, %dma_start3A_114, %dma_start3A_115] : memref<4x80x128xf32, #tpu.memory_space<vmem>> -> memref<1x80x128xf32, #tpu.memory_space<vmem>>
    %dma_start3A_117 = tpu.memref_squeeze %dma_start3A_116 : memref<1x80x128xf32, #tpu.memory_space<vmem>> -> memref<80x128xf32, #tpu.memory_space<vmem>>
    %dma_start3A_118 = arith.constant 0 : i32
    %dma_start3A_119 = arith.constant 0 : i32
    %dma_start3A_120 = tpu.memref_slice %arg2[%dma_start3A_118, %dma_start3A_119] : memref<10000x128xf32, #tpu.memory_space<hbm>> -> memref<10000x128xf32, #tpu.memory_space<hbm>>
    tpu.enqueue_indirect_dma source(%dma_start3A_120 : memref<10000x128xf32, #tpu.memory_space<hbm>>) target(%dma_start3A_117 : memref<80x128xf32, #tpu.memory_space<vmem>>) offsets(%arg7 : memref<80xi32, #tpu.memory_space<vmem>>) semaphore(%arg24 : memref<!tpu.dma_semaphore, #tpu.memory_space<semaphore_mem>>)
    %add3A_121 = arith.constant 160 : i32
    %add3A_122 = arith.addi %mul3A_34, %add3A_121 : i32
    %dma_wait3A_123 = tpu.memref_slice %arg3[%add3A_122] : memref<640000xi32, #tpu.memory_space<hbm>> -> memref<80xi32, #tpu.memory_space<hbm>>
    %dma_wait3A_124 = tpu.memref_slice %arg3[%add3A_122] : memref<640000xi32, #tpu.memory_space<hbm>> -> memref<80xi32, #tpu.memory_space<hbm>>
    tpu.wait_dma2 semaphore(%arg33 : memref<!tpu.dma_semaphore, #tpu.memory_space<semaphore_mem>>) src(%dma_wait3A_124 : memref<80xi32, #tpu.memory_space<hbm>>) dst(%arg8 : memref<80xi32, #tpu.memory_space<vmem>>)
    %dma_start3A_125 = arith.constant 2 : i32
    %dma_start3A_126 = arith.constant 0 : i32
    %dma_start3A_127 = arith.constant 0 : i32
    %dma_start3A_128 = tpu.memref_slice %arg5[%dma_start3A_125, %dma_start3A_126, %dma_start3A_127] : memref<4x80x128xf32, #tpu.memory_space<vmem>> -> memref<1x80x128xf32, #tpu.memory_space<vmem>>
    %dma_start3A_129 = tpu.memref_squeeze %dma_start3A_128 : memref<1x80x128xf32, #tpu.memory_space<vmem>> -> memref<80x128xf32, #tpu.memory_space<vmem>>
    %dma_start3A_130 = arith.constant 0 : i32
    %dma_start3A_131 = arith.constant 0 : i32
    %dma_start3A_132 = tpu.memref_slice %arg2[%dma_start3A_130, %dma_start3A_131] : memref<10000x128xf32, #tpu.memory_space<hbm>> -> memref<10000x128xf32, #tpu.memory_space<hbm>>
    tpu.enqueue_indirect_dma source(%dma_start3A_132 : memref<10000x128xf32, #tpu.memory_space<hbm>>) target(%dma_start3A_129 : memref<80x128xf32, #tpu.memory_space<vmem>>) offsets(%arg8 : memref<80xi32, #tpu.memory_space<vmem>>) semaphore(%arg25 : memref<!tpu.dma_semaphore, #tpu.memory_space<semaphore_mem>>)
    %add3A_133 = arith.constant 240 : i32
    %add3A_134 = arith.addi %mul3A_34, %add3A_133 : i32
    %dma_wait3A_135 = tpu.memref_slice %arg3[%add3A_134] : memref<640000xi32, #tpu.memory_space<hbm>> -> memref<80xi32, #tpu.memory_space<hbm>>
    %dma_wait3A_136 = tpu.memref_slice %arg3[%add3A_134] : memref<640000xi32, #tpu.memory_space<hbm>> -> memref<80xi32, #tpu.memory_space<hbm>>
    tpu.wait_dma2 semaphore(%arg34 : memref<!tpu.dma_semaphore, #tpu.memory_space<semaphore_mem>>) src(%dma_wait3A_136 : memref<80xi32, #tpu.memory_space<hbm>>) dst(%arg9 : memref<80xi32, #tpu.memory_space<vmem>>)
    %dma_start3A_137 = arith.constant 3 : i32
    %dma_start3A_138 = arith.constant 0 : i32
    %dma_start3A_139 = arith.constant 0 : i32
    %dma_start3A_140 = tpu.memref_slice %arg5[%dma_start3A_137, %dma_start3A_138, %dma_start3A_139] : memref<4x80x128xf32, #tpu.memory_space<vmem>> -> memref<1x80x128xf32, #tpu.memory_space<vmem>>
    %dma_start3A_141 = tpu.memref_squeeze %dma_start3A_140 : memref<1x80x128xf32, #tpu.memory_space<vmem>> -> memref<80x128xf32, #tpu.memory_space<vmem>>
    %dma_start3A_142 = arith.constant 0 : i32
    %dma_start3A_143 = arith.constant 0 : i32
    %dma_start3A_144 = tpu.memref_slice %arg2[%dma_start3A_142, %dma_start3A_143] : memref<10000x128xf32, #tpu.memory_space<hbm>> -> memref<10000x128xf32, #tpu.memory_space<hbm>>
    tpu.enqueue_indirect_dma source(%dma_start3A_144 : memref<10000x128xf32, #tpu.memory_space<hbm>>) target(%dma_start3A_141 : memref<80x128xf32, #tpu.memory_space<vmem>>) offsets(%arg9 : memref<80xi32, #tpu.memory_space<vmem>>) semaphore(%arg26 : memref<!tpu.dma_semaphore, #tpu.memory_space<semaphore_mem>>)
    %scan3A_145 = arith.constant 0 : i32
    %scan3A_146 = arith.constant 0 : i32
    %scan3A_147 = arith.constant 16 : i32
    %scan3A_148 = arith.addi %scan3A_146, %scan3A_147 : i32
    %scan3A_149 = arith.constant 1 : i32
    scf.for %scan3A_161 = %scan3A_146 to %scan3A_148 step %scan3A_149  : i32 {
      %mul3A_162 = arith.constant 8 : i32
      %mul3A_163 = arith.muli %scan3A_161, %mul3A_162 : i32
      %add3A_164 = arith.constant 0 : i32
      %add3A_165 = arith.addi %mul3A_163, %add3A_164 : i32
      %lt3A = arith.constant 125 : i32
      %lt3A_166 = arith.cmpi slt, %add3A_165, %lt3A : i32
      %convert_element_type3A_167 = arith.extui %lt3A_166 : i1 to i32
      %cond3A_168 = arith.constant 0 : i32
      %cond3A_169 = arith.cmpi ne, %convert_element_type3A_167, %cond3A_168 : i32
      scf.if %cond3A_169 {
        %dma_wait3A_233 = arith.constant 0 : i32
        %dma_wait3A_234 = arith.constant 0 : i32
        %dma_wait3A_235 = arith.constant 0 : i32
        %dma_wait3A_236 = tpu.memref_slice %arg5[%dma_wait3A_233, %dma_wait3A_234, %dma_wait3A_235] : memref<4x80x128xf32, #tpu.memory_space<vmem>> -> memref<1x80x128xf32, #tpu.memory_space<vmem>>
        %dma_wait3A_237 = tpu.memref_squeeze %dma_wait3A_236 : memref<1x80x128xf32, #tpu.memory_space<vmem>> -> memref<80x128xf32, #tpu.memory_space<vmem>>
        %dma_wait3A_238 = arith.constant 0 : i32
        %dma_wait3A_239 = arith.constant 0 : i32
        %dma_wait3A_240 = tpu.memref_slice %arg2[%dma_wait3A_238, %dma_wait3A_239] : memref<10000x128xf32, #tpu.memory_space<hbm>> -> memref<10000x128xf32, #tpu.memory_space<hbm>>
        tpu.wait_indirect_dma semaphore(%arg23 : memref<!tpu.dma_semaphore, #tpu.memory_space<semaphore_mem>>) src(%dma_wait3A_240 : memref<10000x128xf32, #tpu.memory_space<hbm>>) dst(%dma_wait3A_237 : memref<80x128xf32, #tpu.memory_space<vmem>>)
        %mul3A_241 = arith.constant 80 : i32
        %mul3A_242 = arith.muli %add3A_165, %mul3A_241 : i32
        %add3A_243 = arith.addi %mul3A_34, %mul3A_242 : i32
        %add3A_244 = arith.constant 320000 : i32
        %add3A_245 = arith.addi %add3A_244, %add3A_243 : i32
        %dma_wait3A_246 = tpu.memref_slice %arg3[%add3A_245] : memref<640000xi32, #tpu.memory_space<hbm>> -> memref<80xi32, #tpu.memory_space<hbm>>
        %dma_wait3A_247 = tpu.memref_slice %arg3[%add3A_245] : memref<640000xi32, #tpu.memory_space<hbm>> -> memref<80xi32, #tpu.memory_space<hbm>>
        tpu.wait_dma2 semaphore(%arg39 : memref<!tpu.dma_semaphore, #tpu.memory_space<semaphore_mem>>) src(%dma_wait3A_247 : memref<80xi32, #tpu.memory_space<hbm>>) dst(%arg14 : memref<80xi32, #tpu.memory_space<vmem>>)
        %dma_start3A_248 = arith.constant 0 : i32
        %dma_start3A_249 = arith.constant 0 : i32
        %dma_start3A_250 = arith.constant 0 : i32
        %dma_start3A_251 = tpu.memref_slice %arg5[%dma_start3A_248, %dma_start3A_249, %dma_start3A_250] : memref<4x80x128xf32, #tpu.memory_space<vmem>> -> memref<1x80x128xf32, #tpu.memory_space<vmem>>
        %dma_start3A_252 = tpu.memref_squeeze %dma_start3A_251 : memref<1x80x128xf32, #tpu.memory_space<vmem>> -> memref<80x128xf32, #tpu.memory_space<vmem>>
        %dma_start3A_253 = arith.constant 0 : i32
        %dma_start3A_254 = arith.constant 0 : i32
        %dma_start3A_255 = tpu.memref_slice %arg22[%dma_start3A_253, %dma_start3A_254] : memref<10000x128xf32, #tpu.memory_space<vmem_shared>> -> memref<10000x128xf32, #tpu.memory_space<vmem_shared>>
        tpu.enqueue_indirect_dma source(%dma_start3A_252 : memref<80x128xf32, #tpu.memory_space<vmem>>) target(%dma_start3A_255 : memref<10000x128xf32, #tpu.memory_space<vmem_shared>>) offsets(%arg14 : memref<80xi32, #tpu.memory_space<vmem>>) semaphore(%arg27 : memref<!tpu.dma_semaphore, #tpu.memory_space<semaphore_mem>>) {add = true}
        %dma_wait3A_256 = arith.constant 0 : i32
        %dma_wait3A_257 = arith.constant 0 : i32
        %dma_wait3A_258 = arith.constant 0 : i32
        %dma_wait3A_259 = tpu.memref_slice %arg5[%dma_wait3A_256, %dma_wait3A_257, %dma_wait3A_258] : memref<4x80x128xf32, #tpu.memory_space<vmem>> -> memref<1x80x128xf32, #tpu.memory_space<vmem>>
        %dma_wait3A_260 = tpu.memref_squeeze %dma_wait3A_259 : memref<1x80x128xf32, #tpu.memory_space<vmem>> -> memref<80x128xf32, #tpu.memory_space<vmem>>
        %dma_wait3A_261 = arith.constant 0 : i32
        %dma_wait3A_262 = arith.constant 0 : i32
        %dma_wait3A_263 = tpu.memref_slice %arg22[%dma_wait3A_261, %dma_wait3A_262] : memref<10000x128xf32, #tpu.memory_space<vmem_shared>> -> memref<10000x128xf32, #tpu.memory_space<vmem_shared>>
        tpu.wait_indirect_dma semaphore(%arg27 : memref<!tpu.dma_semaphore, #tpu.memory_space<semaphore_mem>>) src(%dma_wait3A_260 : memref<80x128xf32, #tpu.memory_space<vmem>>) dst(%dma_wait3A_263 : memref<10000x128xf32, #tpu.memory_space<vmem_shared>>)
        %add3A_264 = arith.constant 8 : i32
        %add3A_265 = arith.addi %add3A_165, %add3A_264 : i32
        %lt3A_266 = arith.constant 125 : i32
        %lt3A_267 = arith.cmpi slt, %add3A_265, %lt3A_266 : i32
        %convert_element_type3A_268 = arith.extui %lt3A_267 : i1 to i32
        %cond3A_269 = arith.constant 0 : i32
        %cond3A_270 = arith.cmpi ne, %convert_element_type3A_268, %cond3A_269 : i32
        scf.if %cond3A_270 {
          %add3A_278 = arith.constant 8 : i32
          %add3A_279 = arith.addi %add3A_165, %add3A_278 : i32
          %mul3A_280 = arith.constant 80 : i32
          %mul3A_281 = arith.muli %add3A_279, %mul3A_280 : i32
          %add3A_282 = arith.addi %mul3A_34, %mul3A_281 : i32
          %dma_start3A_283 = tpu.memref_slice %arg3[%add3A_282] : memref<640000xi32, #tpu.memory_space<hbm>> -> memref<80xi32, #tpu.memory_space<hbm>>
          %dma_start3A_284 = tpu.memref_slice %arg3[%add3A_282] : memref<640000xi32, #tpu.memory_space<hbm>> -> memref<80xi32, #tpu.memory_space<hbm>>
          tpu.enqueue_dma source(%dma_start3A_284 : memref<80xi32, #tpu.memory_space<hbm>>) target(%arg6 : memref<80xi32, #tpu.memory_space<vmem>>) target_semaphore(%arg31 : memref<!tpu.dma_semaphore, #tpu.memory_space<semaphore_mem>>)
          %add3A_285 = arith.constant 320000 : i32
          %add3A_286 = arith.addi %add3A_285, %add3A_282 : i32
          %dma_start3A_287 = tpu.memref_slice %arg3[%add3A_286] : memref<640000xi32, #tpu.memory_space<hbm>> -> memref<80xi32, #tpu.memory_space<hbm>>
          %dma_start3A_288 = tpu.memref_slice %arg3[%add3A_286] : memref<640000xi32, #tpu.memory_space<hbm>> -> memref<80xi32, #tpu.memory_space<hbm>>
          tpu.enqueue_dma source(%dma_start3A_288 : memref<80xi32, #tpu.memory_space<hbm>>) target(%arg14 : memref<80xi32, #tpu.memory_space<vmem>>) target_semaphore(%arg39 : memref<!tpu.dma_semaphore, #tpu.memory_space<semaphore_mem>>)
        } else {
        }
        %add3A_271 = arith.constant 4 : i32
        %add3A_272 = arith.addi %add3A_165, %add3A_271 : i32
        %lt3A_273 = arith.constant 125 : i32
        %lt3A_274 = arith.cmpi slt, %add3A_272, %lt3A_273 : i32
        %convert_element_type3A_275 = arith.extui %lt3A_274 : i1 to i32
        %cond3A_276 = arith.constant 0 : i32
        %cond3A_277 = arith.cmpi ne, %convert_element_type3A_275, %cond3A_276 : i32
        scf.if %cond3A_277 {
          %add3A_278 = arith.constant 4 : i32
          %add3A_279 = arith.addi %add3A_165, %add3A_278 : i32
          %mul3A_280 = arith.constant 80 : i32
          %mul3A_281 = arith.muli %add3A_279, %mul3A_280 : i32
          %add3A_282 = arith.addi %mul3A_34, %mul3A_281 : i32
          %dma_wait3A_283 = tpu.memref_slice %arg3[%add3A_282] : memref<640000xi32, #tpu.memory_space<hbm>> -> memref<80xi32, #tpu.memory_space<hbm>>
          %dma_wait3A_284 = tpu.memref_slice %arg3[%add3A_282] : memref<640000xi32, #tpu.memory_space<hbm>> -> memref<80xi32, #tpu.memory_space<hbm>>
          tpu.wait_dma2 semaphore(%arg35 : memref<!tpu.dma_semaphore, #tpu.memory_space<semaphore_mem>>) src(%dma_wait3A_284 : memref<80xi32, #tpu.memory_space<hbm>>) dst(%arg10 : memref<80xi32, #tpu.memory_space<vmem>>)
          %dma_start3A_285 = arith.constant 0 : i32
          %dma_start3A_286 = arith.constant 0 : i32
          %dma_start3A_287 = arith.constant 0 : i32
          %dma_start3A_288 = tpu.memref_slice %arg5[%dma_start3A_285, %dma_start3A_286, %dma_start3A_287] : memref<4x80x128xf32, #tpu.memory_space<vmem>> -> memref<1x80x128xf32, #tpu.memory_space<vmem>>
          %dma_start3A_289 = tpu.memref_squeeze %dma_start3A_288 : memref<1x80x128xf32, #tpu.memory_space<vmem>> -> memref<80x128xf32, #tpu.memory_space<vmem>>
          %dma_start3A_290 = arith.constant 0 : i32
          %dma_start3A_291 = arith.constant 0 : i32
          %dma_start3A_292 = tpu.memref_slice %arg2[%dma_start3A_290, %dma_start3A_291] : memref<10000x128xf32, #tpu.memory_space<hbm>> -> memref<10000x128xf32, #tpu.memory_space<hbm>>
          tpu.enqueue_indirect_dma source(%dma_start3A_292 : memref<10000x128xf32, #tpu.memory_space<hbm>>) target(%dma_start3A_289 : memref<80x128xf32, #tpu.memory_space<vmem>>) offsets(%arg10 : memref<80xi32, #tpu.memory_space<vmem>>) semaphore(%arg23 : memref<!tpu.dma_semaphore, #tpu.memory_space<semaphore_mem>>)
        } else {
        }
      } else {
      }
      %mul3A_170 = arith.constant 8 : i32
      %mul3A_171 = arith.muli %scan3A_161, %mul3A_170 : i32
      %add3A_172 = arith.constant 1 : i32
      %add3A_173 = arith.addi %mul3A_171, %add3A_172 : i32
      %lt3A_174 = arith.constant 125 : i32
      %lt3A_175 = arith.cmpi slt, %add3A_173, %lt3A_174 : i32
      %convert_element_type3A_176 = arith.extui %lt3A_175 : i1 to i32
      %cond3A_177 = arith.constant 0 : i32
      %cond3A_178 = arith.cmpi ne, %convert_element_type3A_176, %cond3A_177 : i32
      scf.if %cond3A_178 {
        %dma_wait3A_233 = arith.constant 1 : i32
        %dma_wait3A_234 = arith.constant 0 : i32
        %dma_wait3A_235 = arith.constant 0 : i32
        %dma_wait3A_236 = tpu.memref_slice %arg5[%dma_wait3A_233, %dma_wait3A_234, %dma_wait3A_235] : memref<4x80x128xf32, #tpu.memory_space<vmem>> -> memref<1x80x128xf32, #tpu.memory_space<vmem>>
        %dma_wait3A_237 = tpu.memref_squeeze %dma_wait3A_236 : memref<1x80x128xf32, #tpu.memory_space<vmem>> -> memref<80x128xf32, #tpu.memory_space<vmem>>
        %dma_wait3A_238 = arith.constant 0 : i32
        %dma_wait3A_239 = arith.constant 0 : i32
        %dma_wait3A_240 = tpu.memref_slice %arg2[%dma_wait3A_238, %dma_wait3A_239] : memref<10000x128xf32, #tpu.memory_space<hbm>> -> memref<10000x128xf32, #tpu.memory_space<hbm>>
        tpu.wait_indirect_dma semaphore(%arg24 : memref<!tpu.dma_semaphore, #tpu.memory_space<semaphore_mem>>) src(%dma_wait3A_240 : memref<10000x128xf32, #tpu.memory_space<hbm>>) dst(%dma_wait3A_237 : memref<80x128xf32, #tpu.memory_space<vmem>>)
        %mul3A_241 = arith.constant 80 : i32
        %mul3A_242 = arith.muli %add3A_173, %mul3A_241 : i32
        %add3A_243 = arith.addi %mul3A_34, %mul3A_242 : i32
        %add3A_244 = arith.constant 320000 : i32
        %add3A_245 = arith.addi %add3A_244, %add3A_243 : i32
        %dma_wait3A_246 = tpu.memref_slice %arg3[%add3A_245] : memref<640000xi32, #tpu.memory_space<hbm>> -> memref<80xi32, #tpu.memory_space<hbm>>
        %dma_wait3A_247 = tpu.memref_slice %arg3[%add3A_245] : memref<640000xi32, #tpu.memory_space<hbm>> -> memref<80xi32, #tpu.memory_space<hbm>>
        tpu.wait_dma2 semaphore(%arg40 : memref<!tpu.dma_semaphore, #tpu.memory_space<semaphore_mem>>) src(%dma_wait3A_247 : memref<80xi32, #tpu.memory_space<hbm>>) dst(%arg15 : memref<80xi32, #tpu.memory_space<vmem>>)
        %dma_start3A_248 = arith.constant 1 : i32
        %dma_start3A_249 = arith.constant 0 : i32
        %dma_start3A_250 = arith.constant 0 : i32
        %dma_start3A_251 = tpu.memref_slice %arg5[%dma_start3A_248, %dma_start3A_249, %dma_start3A_250] : memref<4x80x128xf32, #tpu.memory_space<vmem>> -> memref<1x80x128xf32, #tpu.memory_space<vmem>>
        %dma_start3A_252 = tpu.memref_squeeze %dma_start3A_251 : memref<1x80x128xf32, #tpu.memory_space<vmem>> -> memref<80x128xf32, #tpu.memory_space<vmem>>
        %dma_start3A_253 = arith.constant 0 : i32
        %dma_start3A_254 = arith.constant 0 : i32
        %dma_start3A_255 = tpu.memref_slice %arg22[%dma_start3A_253, %dma_start3A_254] : memref<10000x128xf32, #tpu.memory_space<vmem_shared>> -> memref<10000x128xf32, #tpu.memory_space<vmem_shared>>
        tpu.enqueue_indirect_dma source(%dma_start3A_252 : memref<80x128xf32, #tpu.memory_space<vmem>>) target(%dma_start3A_255 : memref<10000x128xf32, #tpu.memory_space<vmem_shared>>) offsets(%arg15 : memref<80xi32, #tpu.memory_space<vmem>>) semaphore(%arg28 : memref<!tpu.dma_semaphore, #tpu.memory_space<semaphore_mem>>) {add = true}
        %dma_wait3A_256 = arith.constant 1 : i32
        %dma_wait3A_257 = arith.constant 0 : i32
        %dma_wait3A_258 = arith.constant 0 : i32
        %dma_wait3A_259 = tpu.memref_slice %arg5[%dma_wait3A_256, %dma_wait3A_257, %dma_wait3A_258] : memref<4x80x128xf32, #tpu.memory_space<vmem>> -> memref<1x80x128xf32, #tpu.memory_space<vmem>>
        %dma_wait3A_260 = tpu.memref_squeeze %dma_wait3A_259 : memref<1x80x128xf32, #tpu.memory_space<vmem>> -> memref<80x128xf32, #tpu.memory_space<vmem>>
        %dma_wait3A_261 = arith.constant 0 : i32
        %dma_wait3A_262 = arith.constant 0 : i32
        %dma_wait3A_263 = tpu.memref_slice %arg22[%dma_wait3A_261, %dma_wait3A_262] : memref<10000x128xf32, #tpu.memory_space<vmem_shared>> -> memref<10000x128xf32, #tpu.memory_space<vmem_shared>>
        tpu.wait_indirect_dma semaphore(%arg28 : memref<!tpu.dma_semaphore, #tpu.memory_space<semaphore_mem>>) src(%dma_wait3A_260 : memref<80x128xf32, #tpu.memory_space<vmem>>) dst(%dma_wait3A_263 : memref<10000x128xf32, #tpu.memory_space<vmem_shared>>)
        %add3A_264 = arith.constant 8 : i32
        %add3A_265 = arith.addi %add3A_173, %add3A_264 : i32
        %lt3A_266 = arith.constant 125 : i32
        %lt3A_267 = arith.cmpi slt, %add3A_265, %lt3A_266 : i32
        %convert_element_type3A_268 = arith.extui %lt3A_267 : i1 to i32
        %cond3A_269 = arith.constant 0 : i32
        %cond3A_270 = arith.cmpi ne, %convert_element_type3A_268, %cond3A_269 : i32
        scf.if %cond3A_270 {
          %add3A_278 = arith.constant 8 : i32
          %add3A_279 = arith.addi %add3A_173, %add3A_278 : i32
          %mul3A_280 = arith.constant 80 : i32
          %mul3A_281 = arith.muli %add3A_279, %mul3A_280 : i32
          %add3A_282 = arith.addi %mul3A_34, %mul3A_281 : i32
          %dma_start3A_283 = tpu.memref_slice %arg3[%add3A_282] : memref<640000xi32, #tpu.memory_space<hbm>> -> memref<80xi32, #tpu.memory_space<hbm>>
          %dma_start3A_284 = tpu.memref_slice %arg3[%add3A_282] : memref<640000xi32, #tpu.memory_space<hbm>> -> memref<80xi32, #tpu.memory_space<hbm>>
          tpu.enqueue_dma source(%dma_start3A_284 : memref<80xi32, #tpu.memory_space<hbm>>) target(%arg7 : memref<80xi32, #tpu.memory_space<vmem>>) target_semaphore(%arg32 : memref<!tpu.dma_semaphore, #tpu.memory_space<semaphore_mem>>)
          %add3A_285 = arith.constant 320000 : i32
          %add3A_286 = arith.addi %add3A_285, %add3A_282 : i32
          %dma_start3A_287 = tpu.memref_slice %arg3[%add3A_286] : memref<640000xi32, #tpu.memory_space<hbm>> -> memref<80xi32, #tpu.memory_space<hbm>>
          %dma_start3A_288 = tpu.memref_slice %arg3[%add3A_286] : memref<640000xi32, #tpu.memory_space<hbm>> -> memref<80xi32, #tpu.memory_space<hbm>>
          tpu.enqueue_dma source(%dma_start3A_288 : memref<80xi32, #tpu.memory_space<hbm>>) target(%arg15 : memref<80xi32, #tpu.memory_space<vmem>>) target_semaphore(%arg40 : memref<!tpu.dma_semaphore, #tpu.memory_space<semaphore_mem>>)
        } else {
        }
        %add3A_271 = arith.constant 4 : i32
        %add3A_272 = arith.addi %add3A_173, %add3A_271 : i32
        %lt3A_273 = arith.constant 125 : i32
        %lt3A_274 = arith.cmpi slt, %add3A_272, %lt3A_273 : i32
        %convert_element_type3A_275 = arith.extui %lt3A_274 : i1 to i32
        %cond3A_276 = arith.constant 0 : i32
        %cond3A_277 = arith.cmpi ne, %convert_element_type3A_275, %cond3A_276 : i32
        scf.if %cond3A_277 {
          %add3A_278 = arith.constant 4 : i32
          %add3A_279 = arith.addi %add3A_173, %add3A_278 : i32
          %mul3A_280 = arith.constant 80 : i32
          %mul3A_281 = arith.muli %add3A_279, %mul3A_280 : i32
          %add3A_282 = arith.addi %mul3A_34, %mul3A_281 : i32
          %dma_wait3A_283 = tpu.memref_slice %arg3[%add3A_282] : memref<640000xi32, #tpu.memory_space<hbm>> -> memref<80xi32, #tpu.memory_space<hbm>>
          %dma_wait3A_284 = tpu.memref_slice %arg3[%add3A_282] : memref<640000xi32, #tpu.memory_space<hbm>> -> memref<80xi32, #tpu.memory_space<hbm>>
          tpu.wait_dma2 semaphore(%arg36 : memref<!tpu.dma_semaphore, #tpu.memory_space<semaphore_mem>>) src(%dma_wait3A_284 : memref<80xi32, #tpu.memory_space<hbm>>) dst(%arg11 : memref<80xi32, #tpu.memory_space<vmem>>)
          %dma_start3A_285 = arith.constant 1 : i32
          %dma_start3A_286 = arith.constant 0 : i32
          %dma_start3A_287 = arith.constant 0 : i32
          %dma_start3A_288 = tpu.memref_slice %arg5[%dma_start3A_285, %dma_start3A_286, %dma_start3A_287] : memref<4x80x128xf32, #tpu.memory_space<vmem>> -> memref<1x80x128xf32, #tpu.memory_space<vmem>>
          %dma_start3A_289 = tpu.memref_squeeze %dma_start3A_288 : memref<1x80x128xf32, #tpu.memory_space<vmem>> -> memref<80x128xf32, #tpu.memory_space<vmem>>
          %dma_start3A_290 = arith.constant 0 : i32
          %dma_start3A_291 = arith.constant 0 : i32
          %dma_start3A_292 = tpu.memref_slice %arg2[%dma_start3A_290, %dma_start3A_291] : memref<10000x128xf32, #tpu.memory_space<hbm>> -> memref<10000x128xf32, #tpu.memory_space<hbm>>
          tpu.enqueue_indirect_dma source(%dma_start3A_292 : memref<10000x128xf32, #tpu.memory_space<hbm>>) target(%dma_start3A_289 : memref<80x128xf32, #tpu.memory_space<vmem>>) offsets(%arg11 : memref<80xi32, #tpu.memory_space<vmem>>) semaphore(%arg24 : memref<!tpu.dma_semaphore, #tpu.memory_space<semaphore_mem>>)
        } else {
        }
      } else {
      }
      %mul3A_179 = arith.constant 8 : i32
      %mul3A_180 = arith.muli %scan3A_161, %mul3A_179 : i32
      %add3A_181 = arith.constant 2 : i32
      %add3A_182 = arith.addi %mul3A_180, %add3A_181 : i32
      %lt3A_183 = arith.constant 125 : i32
      %lt3A_184 = arith.cmpi slt, %add3A_182, %lt3A_183 : i32
      %convert_element_type3A_185 = arith.extui %lt3A_184 : i1 to i32
      %cond3A_186 = arith.constant 0 : i32
      %cond3A_187 = arith.cmpi ne, %convert_element_type3A_185, %cond3A_186 : i32
      scf.if %cond3A_187 {
        %dma_wait3A_233 = arith.constant 2 : i32
        %dma_wait3A_234 = arith.constant 0 : i32
        %dma_wait3A_235 = arith.constant 0 : i32
        %dma_wait3A_236 = tpu.memref_slice %arg5[%dma_wait3A_233, %dma_wait3A_234, %dma_wait3A_235] : memref<4x80x128xf32, #tpu.memory_space<vmem>> -> memref<1x80x128xf32, #tpu.memory_space<vmem>>
        %dma_wait3A_237 = tpu.memref_squeeze %dma_wait3A_236 : memref<1x80x128xf32, #tpu.memory_space<vmem>> -> memref<80x128xf32, #tpu.memory_space<vmem>>
        %dma_wait3A_238 = arith.constant 0 : i32
        %dma_wait3A_239 = arith.constant 0 : i32
        %dma_wait3A_240 = tpu.memref_slice %arg2[%dma_wait3A_238, %dma_wait3A_239] : memref<10000x128xf32, #tpu.memory_space<hbm>> -> memref<10000x128xf32, #tpu.memory_space<hbm>>
        tpu.wait_indirect_dma semaphore(%arg25 : memref<!tpu.dma_semaphore, #tpu.memory_space<semaphore_mem>>) src(%dma_wait3A_240 : memref<10000x128xf32, #tpu.memory_space<hbm>>) dst(%dma_wait3A_237 : memref<80x128xf32, #tpu.memory_space<vmem>>)
        %mul3A_241 = arith.constant 80 : i32
        %mul3A_242 = arith.muli %add3A_182, %mul3A_241 : i32
        %add3A_243 = arith.addi %mul3A_34, %mul3A_242 : i32
        %add3A_244 = arith.constant 320000 : i32
        %add3A_245 = arith.addi %add3A_244, %add3A_243 : i32
        %dma_wait3A_246 = tpu.memref_slice %arg3[%add3A_245] : memref<640000xi32, #tpu.memory_space<hbm>> -> memref<80xi32, #tpu.memory_space<hbm>>
        %dma_wait3A_247 = tpu.memref_slice %arg3[%add3A_245] : memref<640000xi32, #tpu.memory_space<hbm>> -> memref<80xi32, #tpu.memory_space<hbm>>
        tpu.wait_dma2 semaphore(%arg41 : memref<!tpu.dma_semaphore, #tpu.memory_space<semaphore_mem>>) src(%dma_wait3A_247 : memref<80xi32, #tpu.memory_space<hbm>>) dst(%arg16 : memref<80xi32, #tpu.memory_space<vmem>>)
        %dma_start3A_248 = arith.constant 2 : i32
        %dma_start3A_249 = arith.constant 0 : i32
        %dma_start3A_250 = arith.constant 0 : i32
        %dma_start3A_251 = tpu.memref_slice %arg5[%dma_start3A_248, %dma_start3A_249, %dma_start3A_250] : memref<4x80x128xf32, #tpu.memory_space<vmem>> -> memref<1x80x128xf32, #tpu.memory_space<vmem>>
        %dma_start3A_252 = tpu.memref_squeeze %dma_start3A_251 : memref<1x80x128xf32, #tpu.memory_space<vmem>> -> memref<80x128xf32, #tpu.memory_space<vmem>>
        %dma_start3A_253 = arith.constant 0 : i32
        %dma_start3A_254 = arith.constant 0 : i32
        %dma_start3A_255 = tpu.memref_slice %arg22[%dma_start3A_253, %dma_start3A_254] : memref<10000x128xf32, #tpu.memory_space<vmem_shared>> -> memref<10000x128xf32, #tpu.memory_space<vmem_shared>>
        tpu.enqueue_indirect_dma source(%dma_start3A_252 : memref<80x128xf32, #tpu.memory_space<vmem>>) target(%dma_start3A_255 : memref<10000x128xf32, #tpu.memory_space<vmem_shared>>) offsets(%arg16 : memref<80xi32, #tpu.memory_space<vmem>>) semaphore(%arg29 : memref<!tpu.dma_semaphore, #tpu.memory_space<semaphore_mem>>) {add = true}
        %dma_wait3A_256 = arith.constant 2 : i32
        %dma_wait3A_257 = arith.constant 0 : i32
        %dma_wait3A_258 = arith.constant 0 : i32
        %dma_wait3A_259 = tpu.memref_slice %arg5[%dma_wait3A_256, %dma_wait3A_257, %dma_wait3A_258] : memref<4x80x128xf32, #tpu.memory_space<vmem>> -> memref<1x80x128xf32, #tpu.memory_space<vmem>>
        %dma_wait3A_260 = tpu.memref_squeeze %dma_wait3A_259 : memref<1x80x128xf32, #tpu.memory_space<vmem>> -> memref<80x128xf32, #tpu.memory_space<vmem>>
        %dma_wait3A_261 = arith.constant 0 : i32
        %dma_wait3A_262 = arith.constant 0 : i32
        %dma_wait3A_263 = tpu.memref_slice %arg22[%dma_wait3A_261, %dma_wait3A_262] : memref<10000x128xf32, #tpu.memory_space<vmem_shared>> -> memref<10000x128xf32, #tpu.memory_space<vmem_shared>>
        tpu.wait_indirect_dma semaphore(%arg29 : memref<!tpu.dma_semaphore, #tpu.memory_space<semaphore_mem>>) src(%dma_wait3A_260 : memref<80x128xf32, #tpu.memory_space<vmem>>) dst(%dma_wait3A_263 : memref<10000x128xf32, #tpu.memory_space<vmem_shared>>)
        %add3A_264 = arith.constant 8 : i32
        %add3A_265 = arith.addi %add3A_182, %add3A_264 : i32
        %lt3A_266 = arith.constant 125 : i32
        %lt3A_267 = arith.cmpi slt, %add3A_265, %lt3A_266 : i32
        %convert_element_type3A_268 = arith.extui %lt3A_267 : i1 to i32
        %cond3A_269 = arith.constant 0 : i32
        %cond3A_270 = arith.cmpi ne, %convert_element_type3A_268, %cond3A_269 : i32
        scf.if %cond3A_270 {
          %add3A_278 = arith.constant 8 : i32
          %add3A_279 = arith.addi %add3A_182, %add3A_278 : i32
          %mul3A_280 = arith.constant 80 : i32
          %mul3A_281 = arith.muli %add3A_279, %mul3A_280 : i32
          %add3A_282 = arith.addi %mul3A_34, %mul3A_281 : i32
          %dma_start3A_283 = tpu.memref_slice %arg3[%add3A_282] : memref<640000xi32, #tpu.memory_space<hbm>> -> memref<80xi32, #tpu.memory_space<hbm>>
          %dma_start3A_284 = tpu.memref_slice %arg3[%add3A_282] : memref<640000xi32, #tpu.memory_space<hbm>> -> memref<80xi32, #tpu.memory_space<hbm>>
          tpu.enqueue_dma source(%dma_start3A_284 : memref<80xi32, #tpu.memory_space<hbm>>) target(%arg8 : memref<80xi32, #tpu.memory_space<vmem>>) target_semaphore(%arg33 : memref<!tpu.dma_semaphore, #tpu.memory_space<semaphore_mem>>)
          %add3A_285 = arith.constant 320000 : i32
          %add3A_286 = arith.addi %add3A_285, %add3A_282 : i32
          %dma_start3A_287 = tpu.memref_slice %arg3[%add3A_286] : memref<640000xi32, #tpu.memory_space<hbm>> -> memref<80xi32, #tpu.memory_space<hbm>>
          %dma_start3A_288 = tpu.memref_slice %arg3[%add3A_286] : memref<640000xi32, #tpu.memory_space<hbm>> -> memref<80xi32, #tpu.memory_space<hbm>>
          tpu.enqueue_dma source(%dma_start3A_288 : memref<80xi32, #tpu.memory_space<hbm>>) target(%arg16 : memref<80xi32, #tpu.memory_space<vmem>>) target_semaphore(%arg41 : memref<!tpu.dma_semaphore, #tpu.memory_space<semaphore_mem>>)
        } else {
        }
        %add3A_271 = arith.constant 4 : i32
        %add3A_272 = arith.addi %add3A_182, %add3A_271 : i32
        %lt3A_273 = arith.constant 125 : i32
        %lt3A_274 = arith.cmpi slt, %add3A_272, %lt3A_273 : i32
        %convert_element_type3A_275 = arith.extui %lt3A_274 : i1 to i32
        %cond3A_276 = arith.constant 0 : i32
        %cond3A_277 = arith.cmpi ne, %convert_element_type3A_275, %cond3A_276 : i32
        scf.if %cond3A_277 {
          %add3A_278 = arith.constant 4 : i32
          %add3A_279 = arith.addi %add3A_182, %add3A_278 : i32
          %mul3A_280 = arith.constant 80 : i32
          %mul3A_281 = arith.muli %add3A_279, %mul3A_280 : i32
          %add3A_282 = arith.addi %mul3A_34, %mul3A_281 : i32
          %dma_wait3A_283 = tpu.memref_slice %arg3[%add3A_282] : memref<640000xi32, #tpu.memory_space<hbm>> -> memref<80xi32, #tpu.memory_space<hbm>>
          %dma_wait3A_284 = tpu.memref_slice %arg3[%add3A_282] : memref<640000xi32, #tpu.memory_space<hbm>> -> memref<80xi32, #tpu.memory_space<hbm>>
          tpu.wait_dma2 semaphore(%arg37 : memref<!tpu.dma_semaphore, #tpu.memory_space<semaphore_mem>>) src(%dma_wait3A_284 : memref<80xi32, #tpu.memory_space<hbm>>) dst(%arg12 : memref<80xi32, #tpu.memory_space<vmem>>)
          %dma_start3A_285 = arith.constant 2 : i32
          %dma_start3A_286 = arith.constant 0 : i32
          %dma_start3A_287 = arith.constant 0 : i32
          %dma_start3A_288 = tpu.memref_slice %arg5[%dma_start3A_285, %dma_start3A_286, %dma_start3A_287] : memref<4x80x128xf32, #tpu.memory_space<vmem>> -> memref<1x80x128xf32, #tpu.memory_space<vmem>>
          %dma_start3A_289 = tpu.memref_squeeze %dma_start3A_288 : memref<1x80x128xf32, #tpu.memory_space<vmem>> -> memref<80x128xf32, #tpu.memory_space<vmem>>
          %dma_start3A_290 = arith.constant 0 : i32
          %dma_start3A_291 = arith.constant 0 : i32
          %dma_start3A_292 = tpu.memref_slice %arg2[%dma_start3A_290, %dma_start3A_291] : memref<10000x128xf32, #tpu.memory_space<hbm>> -> memref<10000x128xf32, #tpu.memory_space<hbm>>
          tpu.enqueue_indirect_dma source(%dma_start3A_292 : memref<10000x128xf32, #tpu.memory_space<hbm>>) target(%dma_start3A_289 : memref<80x128xf32, #tpu.memory_space<vmem>>) offsets(%arg12 : memref<80xi32, #tpu.memory_space<vmem>>) semaphore(%arg25 : memref<!tpu.dma_semaphore, #tpu.memory_space<semaphore_mem>>)
        } else {
        }
      } else {
      }
      %mul3A_188 = arith.constant 8 : i32
      %mul3A_189 = arith.muli %scan3A_161, %mul3A_188 : i32
      %add3A_190 = arith.constant 3 : i32
      %add3A_191 = arith.addi %mul3A_189, %add3A_190 : i32
      %lt3A_192 = arith.constant 125 : i32
      %lt3A_193 = arith.cmpi slt, %add3A_191, %lt3A_192 : i32
      %convert_element_type3A_194 = arith.extui %lt3A_193 : i1 to i32
      %cond3A_195 = arith.constant 0 : i32
      %cond3A_196 = arith.cmpi ne, %convert_element_type3A_194, %cond3A_195 : i32
      scf.if %cond3A_196 {
        %dma_wait3A_233 = arith.constant 3 : i32
        %dma_wait3A_234 = arith.constant 0 : i32
        %dma_wait3A_235 = arith.constant 0 : i32
        %dma_wait3A_236 = tpu.memref_slice %arg5[%dma_wait3A_233, %dma_wait3A_234, %dma_wait3A_235] : memref<4x80x128xf32, #tpu.memory_space<vmem>> -> memref<1x80x128xf32, #tpu.memory_space<vmem>>
        %dma_wait3A_237 = tpu.memref_squeeze %dma_wait3A_236 : memref<1x80x128xf32, #tpu.memory_space<vmem>> -> memref<80x128xf32, #tpu.memory_space<vmem>>
        %dma_wait3A_238 = arith.constant 0 : i32
        %dma_wait3A_239 = arith.constant 0 : i32
        %dma_wait3A_240 = tpu.memref_slice %arg2[%dma_wait3A_238, %dma_wait3A_239] : memref<10000x128xf32, #tpu.memory_space<hbm>> -> memref<10000x128xf32, #tpu.memory_space<hbm>>
        tpu.wait_indirect_dma semaphore(%arg26 : memref<!tpu.dma_semaphore, #tpu.memory_space<semaphore_mem>>) src(%dma_wait3A_240 : memref<10000x128xf32, #tpu.memory_space<hbm>>) dst(%dma_wait3A_237 : memref<80x128xf32, #tpu.memory_space<vmem>>)
        %mul3A_241 = arith.constant 80 : i32
        %mul3A_242 = arith.muli %add3A_191, %mul3A_241 : i32
        %add3A_243 = arith.addi %mul3A_34, %mul3A_242 : i32
        %add3A_244 = arith.constant 320000 : i32
        %add3A_245 = arith.addi %add3A_244, %add3A_243 : i32
        %dma_wait3A_246 = tpu.memref_slice %arg3[%add3A_245] : memref<640000xi32, #tpu.memory_space<hbm>> -> memref<80xi32, #tpu.memory_space<hbm>>
        %dma_wait3A_247 = tpu.memref_slice %arg3[%add3A_245] : memref<640000xi32, #tpu.memory_space<hbm>> -> memref<80xi32, #tpu.memory_space<hbm>>
        tpu.wait_dma2 semaphore(%arg42 : memref<!tpu.dma_semaphore, #tpu.memory_space<semaphore_mem>>) src(%dma_wait3A_247 : memref<80xi32, #tpu.memory_space<hbm>>) dst(%arg17 : memref<80xi32, #tpu.memory_space<vmem>>)
        %dma_start3A_248 = arith.constant 3 : i32
        %dma_start3A_249 = arith.constant 0 : i32
        %dma_start3A_250 = arith.constant 0 : i32
        %dma_start3A_251 = tpu.memref_slice %arg5[%dma_start3A_248, %dma_start3A_249, %dma_start3A_250] : memref<4x80x128xf32, #tpu.memory_space<vmem>> -> memref<1x80x128xf32, #tpu.memory_space<vmem>>
        %dma_start3A_252 = tpu.memref_squeeze %dma_start3A_251 : memref<1x80x128xf32, #tpu.memory_space<vmem>> -> memref<80x128xf32, #tpu.memory_space<vmem>>
        %dma_start3A_253 = arith.constant 0 : i32
        %dma_start3A_254 = arith.constant 0 : i32
        %dma_start3A_255 = tpu.memref_slice %arg22[%dma_start3A_253, %dma_start3A_254] : memref<10000x128xf32, #tpu.memory_space<vmem_shared>> -> memref<10000x128xf32, #tpu.memory_space<vmem_shared>>
        tpu.enqueue_indirect_dma source(%dma_start3A_252 : memref<80x128xf32, #tpu.memory_space<vmem>>) target(%dma_start3A_255 : memref<10000x128xf32, #tpu.memory_space<vmem_shared>>) offsets(%arg17 : memref<80xi32, #tpu.memory_space<vmem>>) semaphore(%arg30 : memref<!tpu.dma_semaphore, #tpu.memory_space<semaphore_mem>>) {add = true}
        %dma_wait3A_256 = arith.constant 3 : i32
        %dma_wait3A_257 = arith.constant 0 : i32
        %dma_wait3A_258 = arith.constant 0 : i32
        %dma_wait3A_259 = tpu.memref_slice %arg5[%dma_wait3A_256, %dma_wait3A_257, %dma_wait3A_258] : memref<4x80x128xf32, #tpu.memory_space<vmem>> -> memref<1x80x128xf32, #tpu.memory_space<vmem>>
        %dma_wait3A_260 = tpu.memref_squeeze %dma_wait3A_259 : memref<1x80x128xf32, #tpu.memory_space<vmem>> -> memref<80x128xf32, #tpu.memory_space<vmem>>
        %dma_wait3A_261 = arith.constant 0 : i32
        %dma_wait3A_262 = arith.constant 0 : i32
        %dma_wait3A_263 = tpu.memref_slice %arg22[%dma_wait3A_261, %dma_wait3A_262] : memref<10000x128xf32, #tpu.memory_space<vmem_shared>> -> memref<10000x128xf32, #tpu.memory_space<vmem_shared>>
        tpu.wait_indirect_dma semaphore(%arg30 : memref<!tpu.dma_semaphore, #tpu.memory_space<semaphore_mem>>) src(%dma_wait3A_260 : memref<80x128xf32, #tpu.memory_space<vmem>>) dst(%dma_wait3A_263 : memref<10000x128xf32, #tpu.memory_space<vmem_shared>>)
        %add3A_264 = arith.constant 8 : i32
        %add3A_265 = arith.addi %add3A_191, %add3A_264 : i32
        %lt3A_266 = arith.constant 125 : i32
        %lt3A_267 = arith.cmpi slt, %add3A_265, %lt3A_266 : i32
        %convert_element_type3A_268 = arith.extui %lt3A_267 : i1 to i32
        %cond3A_269 = arith.constant 0 : i32
        %cond3A_270 = arith.cmpi ne, %convert_element_type3A_268, %cond3A_269 : i32
        scf.if %cond3A_270 {
          %add3A_278 = arith.constant 8 : i32
          %add3A_279 = arith.addi %add3A_191, %add3A_278 : i32
          %mul3A_280 = arith.constant 80 : i32
          %mul3A_281 = arith.muli %add3A_279, %mul3A_280 : i32
          %add3A_282 = arith.addi %mul3A_34, %mul3A_281 : i32
          %dma_start3A_283 = tpu.memref_slice %arg3[%add3A_282] : memref<640000xi32, #tpu.memory_space<hbm>> -> memref<80xi32, #tpu.memory_space<hbm>>
          %dma_start3A_284 = tpu.memref_slice %arg3[%add3A_282] : memref<640000xi32, #tpu.memory_space<hbm>> -> memref<80xi32, #tpu.memory_space<hbm>>
          tpu.enqueue_dma source(%dma_start3A_284 : memref<80xi32, #tpu.memory_space<hbm>>) target(%arg9 : memref<80xi32, #tpu.memory_space<vmem>>) target_semaphore(%arg34 : memref<!tpu.dma_semaphore, #tpu.memory_space<semaphore_mem>>)
          %add3A_285 = arith.constant 320000 : i32
          %add3A_286 = arith.addi %add3A_285, %add3A_282 : i32
          %dma_start3A_287 = tpu.memref_slice %arg3[%add3A_286] : memref<640000xi32, #tpu.memory_space<hbm>> -> memref<80xi32, #tpu.memory_space<hbm>>
          %dma_start3A_288 = tpu.memref_slice %arg3[%add3A_286] : memref<640000xi32, #tpu.memory_space<hbm>> -> memref<80xi32, #tpu.memory_space<hbm>>
          tpu.enqueue_dma source(%dma_start3A_288 : memref<80xi32, #tpu.memory_space<hbm>>) target(%arg17 : memref<80xi32, #tpu.memory_space<vmem>>) target_semaphore(%arg42 : memref<!tpu.dma_semaphore, #tpu.memory_space<semaphore_mem>>)
        } else {
        }
        %add3A_271 = arith.constant 4 : i32
        %add3A_272 = arith.addi %add3A_191, %add3A_271 : i32
        %lt3A_273 = arith.constant 125 : i32
        %lt3A_274 = arith.cmpi slt, %add3A_272, %lt3A_273 : i32
        %convert_element_type3A_275 = arith.extui %lt3A_274 : i1 to i32
        %cond3A_276 = arith.constant 0 : i32
        %cond3A_277 = arith.cmpi ne, %convert_element_type3A_275, %cond3A_276 : i32
        scf.if %cond3A_277 {
          %add3A_278 = arith.constant 4 : i32
          %add3A_279 = arith.addi %add3A_191, %add3A_278 : i32
          %mul3A_280 = arith.constant 80 : i32
          %mul3A_281 = arith.muli %add3A_279, %mul3A_280 : i32
          %add3A_282 = arith.addi %mul3A_34, %mul3A_281 : i32
          %dma_wait3A_283 = tpu.memref_slice %arg3[%add3A_282] : memref<640000xi32, #tpu.memory_space<hbm>> -> memref<80xi32, #tpu.memory_space<hbm>>
          %dma_wait3A_284 = tpu.memref_slice %arg3[%add3A_282] : memref<640000xi32, #tpu.memory_space<hbm>> -> memref<80xi32, #tpu.memory_space<hbm>>
          tpu.wait_dma2 semaphore(%arg38 : memref<!tpu.dma_semaphore, #tpu.memory_space<semaphore_mem>>) src(%dma_wait3A_284 : memref<80xi32, #tpu.memory_space<hbm>>) dst(%arg13 : memref<80xi32, #tpu.memory_space<vmem>>)
          %dma_start3A_285 = arith.constant 3 : i32
          %dma_start3A_286 = arith.constant 0 : i32
          %dma_start3A_287 = arith.constant 0 : i32
          %dma_start3A_288 = tpu.memref_slice %arg5[%dma_start3A_285, %dma_start3A_286, %dma_start3A_287] : memref<4x80x128xf32, #tpu.memory_space<vmem>> -> memref<1x80x128xf32, #tpu.memory_space<vmem>>
          %dma_start3A_289 = tpu.memref_squeeze %dma_start3A_288 : memref<1x80x128xf32, #tpu.memory_space<vmem>> -> memref<80x128xf32, #tpu.memory_space<vmem>>
          %dma_start3A_290 = arith.constant 0 : i32
          %dma_start3A_291 = arith.constant 0 : i32
          %dma_start3A_292 = tpu.memref_slice %arg2[%dma_start3A_290, %dma_start3A_291] : memref<10000x128xf32, #tpu.memory_space<hbm>> -> memref<10000x128xf32, #tpu.memory_space<hbm>>
          tpu.enqueue_indirect_dma source(%dma_start3A_292 : memref<10000x128xf32, #tpu.memory_space<hbm>>) target(%dma_start3A_289 : memref<80x128xf32, #tpu.memory_space<vmem>>) offsets(%arg13 : memref<80xi32, #tpu.memory_space<vmem>>) semaphore(%arg26 : memref<!tpu.dma_semaphore, #tpu.memory_space<semaphore_mem>>)
        } else {
        }
      } else {
      }
      %mul3A_197 = arith.constant 8 : i32
      %mul3A_198 = arith.muli %scan3A_161, %mul3A_197 : i32
      %add3A_199 = arith.constant 4 : i32
      %add3A_200 = arith.addi %mul3A_198, %add3A_199 : i32
      %lt3A_201 = arith.constant 125 : i32
      %lt3A_202 = arith.cmpi slt, %add3A_200, %lt3A_201 : i32
      %convert_element_type3A_203 = arith.extui %lt3A_202 : i1 to i32
      %cond3A_204 = arith.constant 0 : i32
      %cond3A_205 = arith.cmpi ne, %convert_element_type3A_203, %cond3A_204 : i32
      scf.if %cond3A_205 {
        %dma_wait3A_233 = arith.constant 0 : i32
        %dma_wait3A_234 = arith.constant 0 : i32
        %dma_wait3A_235 = arith.constant 0 : i32
        %dma_wait3A_236 = tpu.memref_slice %arg5[%dma_wait3A_233, %dma_wait3A_234, %dma_wait3A_235] : memref<4x80x128xf32, #tpu.memory_space<vmem>> -> memref<1x80x128xf32, #tpu.memory_space<vmem>>
        %dma_wait3A_237 = tpu.memref_squeeze %dma_wait3A_236 : memref<1x80x128xf32, #tpu.memory_space<vmem>> -> memref<80x128xf32, #tpu.memory_space<vmem>>
        %dma_wait3A_238 = arith.constant 0 : i32
        %dma_wait3A_239 = arith.constant 0 : i32
        %dma_wait3A_240 = tpu.memref_slice %arg2[%dma_wait3A_238, %dma_wait3A_239] : memref<10000x128xf32, #tpu.memory_space<hbm>> -> memref<10000x128xf32, #tpu.memory_space<hbm>>
        tpu.wait_indirect_dma semaphore(%arg23 : memref<!tpu.dma_semaphore, #tpu.memory_space<semaphore_mem>>) src(%dma_wait3A_240 : memref<10000x128xf32, #tpu.memory_space<hbm>>) dst(%dma_wait3A_237 : memref<80x128xf32, #tpu.memory_space<vmem>>)
        %mul3A_241 = arith.constant 80 : i32
        %mul3A_242 = arith.muli %add3A_200, %mul3A_241 : i32
        %add3A_243 = arith.addi %mul3A_34, %mul3A_242 : i32
        %add3A_244 = arith.constant 320000 : i32
        %add3A_245 = arith.addi %add3A_244, %add3A_243 : i32
        %dma_wait3A_246 = tpu.memref_slice %arg3[%add3A_245] : memref<640000xi32, #tpu.memory_space<hbm>> -> memref<80xi32, #tpu.memory_space<hbm>>
        %dma_wait3A_247 = tpu.memref_slice %arg3[%add3A_245] : memref<640000xi32, #tpu.memory_space<hbm>> -> memref<80xi32, #tpu.memory_space<hbm>>
        tpu.wait_dma2 semaphore(%arg43 : memref<!tpu.dma_semaphore, #tpu.memory_space<semaphore_mem>>) src(%dma_wait3A_247 : memref<80xi32, #tpu.memory_space<hbm>>) dst(%arg18 : memref<80xi32, #tpu.memory_space<vmem>>)
        %dma_start3A_248 = arith.constant 0 : i32
        %dma_start3A_249 = arith.constant 0 : i32
        %dma_start3A_250 = arith.constant 0 : i32
        %dma_start3A_251 = tpu.memref_slice %arg5[%dma_start3A_248, %dma_start3A_249, %dma_start3A_250] : memref<4x80x128xf32, #tpu.memory_space<vmem>> -> memref<1x80x128xf32, #tpu.memory_space<vmem>>
        %dma_start3A_252 = tpu.memref_squeeze %dma_start3A_251 : memref<1x80x128xf32, #tpu.memory_space<vmem>> -> memref<80x128xf32, #tpu.memory_space<vmem>>
        %dma_start3A_253 = arith.constant 0 : i32
        %dma_start3A_254 = arith.constant 0 : i32
        %dma_start3A_255 = tpu.memref_slice %arg22[%dma_start3A_253, %dma_start3A_254] : memref<10000x128xf32, #tpu.memory_space<vmem_shared>> -> memref<10000x128xf32, #tpu.memory_space<vmem_shared>>
        tpu.enqueue_indirect_dma source(%dma_start3A_252 : memref<80x128xf32, #tpu.memory_space<vmem>>) target(%dma_start3A_255 : memref<10000x128xf32, #tpu.memory_space<vmem_shared>>) offsets(%arg18 : memref<80xi32, #tpu.memory_space<vmem>>) semaphore(%arg27 : memref<!tpu.dma_semaphore, #tpu.memory_space<semaphore_mem>>) {add = true}
        %dma_wait3A_256 = arith.constant 0 : i32
        %dma_wait3A_257 = arith.constant 0 : i32
        %dma_wait3A_258 = arith.constant 0 : i32
        %dma_wait3A_259 = tpu.memref_slice %arg5[%dma_wait3A_256, %dma_wait3A_257, %dma_wait3A_258] : memref<4x80x128xf32, #tpu.memory_space<vmem>> -> memref<1x80x128xf32, #tpu.memory_space<vmem>>
        %dma_wait3A_260 = tpu.memref_squeeze %dma_wait3A_259 : memref<1x80x128xf32, #tpu.memory_space<vmem>> -> memref<80x128xf32, #tpu.memory_space<vmem>>
        %dma_wait3A_261 = arith.constant 0 : i32
        %dma_wait3A_262 = arith.constant 0 : i32
        %dma_wait3A_263 = tpu.memref_slice %arg22[%dma_wait3A_261, %dma_wait3A_262] : memref<10000x128xf32, #tpu.memory_space<vmem_shared>> -> memref<10000x128xf32, #tpu.memory_space<vmem_shared>>
        tpu.wait_indirect_dma semaphore(%arg27 : memref<!tpu.dma_semaphore, #tpu.memory_space<semaphore_mem>>) src(%dma_wait3A_260 : memref<80x128xf32, #tpu.memory_space<vmem>>) dst(%dma_wait3A_263 : memref<10000x128xf32, #tpu.memory_space<vmem_shared>>)
        %add3A_264 = arith.constant 8 : i32
        %add3A_265 = arith.addi %add3A_200, %add3A_264 : i32
        %lt3A_266 = arith.constant 125 : i32
        %lt3A_267 = arith.cmpi slt, %add3A_265, %lt3A_266 : i32
        %convert_element_type3A_268 = arith.extui %lt3A_267 : i1 to i32
        %cond3A_269 = arith.constant 0 : i32
        %cond3A_270 = arith.cmpi ne, %convert_element_type3A_268, %cond3A_269 : i32
        scf.if %cond3A_270 {
          %add3A_278 = arith.constant 8 : i32
          %add3A_279 = arith.addi %add3A_200, %add3A_278 : i32
          %mul3A_280 = arith.constant 80 : i32
          %mul3A_281 = arith.muli %add3A_279, %mul3A_280 : i32
          %add3A_282 = arith.addi %mul3A_34, %mul3A_281 : i32
          %dma_start3A_283 = tpu.memref_slice %arg3[%add3A_282] : memref<640000xi32, #tpu.memory_space<hbm>> -> memref<80xi32, #tpu.memory_space<hbm>>
          %dma_start3A_284 = tpu.memref_slice %arg3[%add3A_282] : memref<640000xi32, #tpu.memory_space<hbm>> -> memref<80xi32, #tpu.memory_space<hbm>>
          tpu.enqueue_dma source(%dma_start3A_284 : memref<80xi32, #tpu.memory_space<hbm>>) target(%arg10 : memref<80xi32, #tpu.memory_space<vmem>>) target_semaphore(%arg35 : memref<!tpu.dma_semaphore, #tpu.memory_space<semaphore_mem>>)
          %add3A_285 = arith.constant 320000 : i32
          %add3A_286 = arith.addi %add3A_285, %add3A_282 : i32
          %dma_start3A_287 = tpu.memref_slice %arg3[%add3A_286] : memref<640000xi32, #tpu.memory_space<hbm>> -> memref<80xi32, #tpu.memory_space<hbm>>
          %dma_start3A_288 = tpu.memref_slice %arg3[%add3A_286] : memref<640000xi32, #tpu.memory_space<hbm>> -> memref<80xi32, #tpu.memory_space<hbm>>
          tpu.enqueue_dma source(%dma_start3A_288 : memref<80xi32, #tpu.memory_space<hbm>>) target(%arg18 : memref<80xi32, #tpu.memory_space<vmem>>) target_semaphore(%arg43 : memref<!tpu.dma_semaphore, #tpu.memory_space<semaphore_mem>>)
        } else {
        }
        %add3A_271 = arith.constant 4 : i32
        %add3A_272 = arith.addi %add3A_200, %add3A_271 : i32
        %lt3A_273 = arith.constant 125 : i32
        %lt3A_274 = arith.cmpi slt, %add3A_272, %lt3A_273 : i32
        %convert_element_type3A_275 = arith.extui %lt3A_274 : i1 to i32
        %cond3A_276 = arith.constant 0 : i32
        %cond3A_277 = arith.cmpi ne, %convert_element_type3A_275, %cond3A_276 : i32
        scf.if %cond3A_277 {
          %add3A_278 = arith.constant 4 : i32
          %add3A_279 = arith.addi %add3A_200, %add3A_278 : i32
          %mul3A_280 = arith.constant 80 : i32
          %mul3A_281 = arith.muli %add3A_279, %mul3A_280 : i32
          %add3A_282 = arith.addi %mul3A_34, %mul3A_281 : i32
          %dma_wait3A_283 = tpu.memref_slice %arg3[%add3A_282] : memref<640000xi32, #tpu.memory_space<hbm>> -> memref<80xi32, #tpu.memory_space<hbm>>
          %dma_wait3A_284 = tpu.memref_slice %arg3[%add3A_282] : memref<640000xi32, #tpu.memory_space<hbm>> -> memref<80xi32, #tpu.memory_space<hbm>>
          tpu.wait_dma2 semaphore(%arg31 : memref<!tpu.dma_semaphore, #tpu.memory_space<semaphore_mem>>) src(%dma_wait3A_284 : memref<80xi32, #tpu.memory_space<hbm>>) dst(%arg6 : memref<80xi32, #tpu.memory_space<vmem>>)
          %dma_start3A_285 = arith.constant 0 : i32
          %dma_start3A_286 = arith.constant 0 : i32
          %dma_start3A_287 = arith.constant 0 : i32
          %dma_start3A_288 = tpu.memref_slice %arg5[%dma_start3A_285, %dma_start3A_286, %dma_start3A_287] : memref<4x80x128xf32, #tpu.memory_space<vmem>> -> memref<1x80x128xf32, #tpu.memory_space<vmem>>
          %dma_start3A_289 = tpu.memref_squeeze %dma_start3A_288 : memref<1x80x128xf32, #tpu.memory_space<vmem>> -> memref<80x128xf32, #tpu.memory_space<vmem>>
          %dma_start3A_290 = arith.constant 0 : i32
          %dma_start3A_291 = arith.constant 0 : i32
          %dma_start3A_292 = tpu.memref_slice %arg2[%dma_start3A_290, %dma_start3A_291] : memref<10000x128xf32, #tpu.memory_space<hbm>> -> memref<10000x128xf32, #tpu.memory_space<hbm>>
          tpu.enqueue_indirect_dma source(%dma_start3A_292 : memref<10000x128xf32, #tpu.memory_space<hbm>>) target(%dma_start3A_289 : memref<80x128xf32, #tpu.memory_space<vmem>>) offsets(%arg6 : memref<80xi32, #tpu.memory_space<vmem>>) semaphore(%arg23 : memref<!tpu.dma_semaphore, #tpu.memory_space<semaphore_mem>>)
        } else {
        }
      } else {
      }
      %mul3A_206 = arith.constant 8 : i32
      %mul3A_207 = arith.muli %scan3A_161, %mul3A_206 : i32
      %add3A_208 = arith.constant 5 : i32
      %add3A_209 = arith.addi %mul3A_207, %add3A_208 : i32
      %lt3A_210 = arith.constant 125 : i32
      %lt3A_211 = arith.cmpi slt, %add3A_209, %lt3A_210 : i32
      %convert_element_type3A_212 = arith.extui %lt3A_211 : i1 to i32
      %cond3A_213 = arith.constant 0 : i32
      %cond3A_214 = arith.cmpi ne, %convert_element_type3A_212, %cond3A_213 : i32
      scf.if %cond3A_214 {
        %dma_wait3A_233 = arith.constant 1 : i32
        %dma_wait3A_234 = arith.constant 0 : i32
        %dma_wait3A_235 = arith.constant 0 : i32
        %dma_wait3A_236 = tpu.memref_slice %arg5[%dma_wait3A_233, %dma_wait3A_234, %dma_wait3A_235] : memref<4x80x128xf32, #tpu.memory_space<vmem>> -> memref<1x80x128xf32, #tpu.memory_space<vmem>>
        %dma_wait3A_237 = tpu.memref_squeeze %dma_wait3A_236 : memref<1x80x128xf32, #tpu.memory_space<vmem>> -> memref<80x128xf32, #tpu.memory_space<vmem>>
        %dma_wait3A_238 = arith.constant 0 : i32
        %dma_wait3A_239 = arith.constant 0 : i32
        %dma_wait3A_240 = tpu.memref_slice %arg2[%dma_wait3A_238, %dma_wait3A_239] : memref<10000x128xf32, #tpu.memory_space<hbm>> -> memref<10000x128xf32, #tpu.memory_space<hbm>>
        tpu.wait_indirect_dma semaphore(%arg24 : memref<!tpu.dma_semaphore, #tpu.memory_space<semaphore_mem>>) src(%dma_wait3A_240 : memref<10000x128xf32, #tpu.memory_space<hbm>>) dst(%dma_wait3A_237 : memref<80x128xf32, #tpu.memory_space<vmem>>)
        %mul3A_241 = arith.constant 80 : i32
        %mul3A_242 = arith.muli %add3A_209, %mul3A_241 : i32
        %add3A_243 = arith.addi %mul3A_34, %mul3A_242 : i32
        %add3A_244 = arith.constant 320000 : i32
        %add3A_245 = arith.addi %add3A_244, %add3A_243 : i32
        %dma_wait3A_246 = tpu.memref_slice %arg3[%add3A_245] : memref<640000xi32, #tpu.memory_space<hbm>> -> memref<80xi32, #tpu.memory_space<hbm>>
        %dma_wait3A_247 = tpu.memref_slice %arg3[%add3A_245] : memref<640000xi32, #tpu.memory_space<hbm>> -> memref<80xi32, #tpu.memory_space<hbm>>
        tpu.wait_dma2 semaphore(%arg44 : memref<!tpu.dma_semaphore, #tpu.memory_space<semaphore_mem>>) src(%dma_wait3A_247 : memref<80xi32, #tpu.memory_space<hbm>>) dst(%arg19 : memref<80xi32, #tpu.memory_space<vmem>>)
        %dma_start3A_248 = arith.constant 1 : i32
        %dma_start3A_249 = arith.constant 0 : i32
        %dma_start3A_250 = arith.constant 0 : i32
        %dma_start3A_251 = tpu.memref_slice %arg5[%dma_start3A_248, %dma_start3A_249, %dma_start3A_250] : memref<4x80x128xf32, #tpu.memory_space<vmem>> -> memref<1x80x128xf32, #tpu.memory_space<vmem>>
        %dma_start3A_252 = tpu.memref_squeeze %dma_start3A_251 : memref<1x80x128xf32, #tpu.memory_space<vmem>> -> memref<80x128xf32, #tpu.memory_space<vmem>>
        %dma_start3A_253 = arith.constant 0 : i32
        %dma_start3A_254 = arith.constant 0 : i32
        %dma_start3A_255 = tpu.memref_slice %arg22[%dma_start3A_253, %dma_start3A_254] : memref<10000x128xf32, #tpu.memory_space<vmem_shared>> -> memref<10000x128xf32, #tpu.memory_space<vmem_shared>>
        tpu.enqueue_indirect_dma source(%dma_start3A_252 : memref<80x128xf32, #tpu.memory_space<vmem>>) target(%dma_start3A_255 : memref<10000x128xf32, #tpu.memory_space<vmem_shared>>) offsets(%arg19 : memref<80xi32, #tpu.memory_space<vmem>>) semaphore(%arg28 : memref<!tpu.dma_semaphore, #tpu.memory_space<semaphore_mem>>) {add = true}
        %dma_wait3A_256 = arith.constant 1 : i32
        %dma_wait3A_257 = arith.constant 0 : i32
        %dma_wait3A_258 = arith.constant 0 : i32
        %dma_wait3A_259 = tpu.memref_slice %arg5[%dma_wait3A_256, %dma_wait3A_257, %dma_wait3A_258] : memref<4x80x128xf32, #tpu.memory_space<vmem>> -> memref<1x80x128xf32, #tpu.memory_space<vmem>>
        %dma_wait3A_260 = tpu.memref_squeeze %dma_wait3A_259 : memref<1x80x128xf32, #tpu.memory_space<vmem>> -> memref<80x128xf32, #tpu.memory_space<vmem>>
        %dma_wait3A_261 = arith.constant 0 : i32
        %dma_wait3A_262 = arith.constant 0 : i32
        %dma_wait3A_263 = tpu.memref_slice %arg22[%dma_wait3A_261, %dma_wait3A_262] : memref<10000x128xf32, #tpu.memory_space<vmem_shared>> -> memref<10000x128xf32, #tpu.memory_space<vmem_shared>>
        tpu.wait_indirect_dma semaphore(%arg28 : memref<!tpu.dma_semaphore, #tpu.memory_space<semaphore_mem>>) src(%dma_wait3A_260 : memref<80x128xf32, #tpu.memory_space<vmem>>) dst(%dma_wait3A_263 : memref<10000x128xf32, #tpu.memory_space<vmem_shared>>)
        %add3A_264 = arith.constant 8 : i32
        %add3A_265 = arith.addi %add3A_209, %add3A_264 : i32
        %lt3A_266 = arith.constant 125 : i32
        %lt3A_267 = arith.cmpi slt, %add3A_265, %lt3A_266 : i32
        %convert_element_type3A_268 = arith.extui %lt3A_267 : i1 to i32
        %cond3A_269 = arith.constant 0 : i32
        %cond3A_270 = arith.cmpi ne, %convert_element_type3A_268, %cond3A_269 : i32
        scf.if %cond3A_270 {
          %add3A_278 = arith.constant 8 : i32
          %add3A_279 = arith.addi %add3A_209, %add3A_278 : i32
          %mul3A_280 = arith.constant 80 : i32
          %mul3A_281 = arith.muli %add3A_279, %mul3A_280 : i32
          %add3A_282 = arith.addi %mul3A_34, %mul3A_281 : i32
          %dma_start3A_283 = tpu.memref_slice %arg3[%add3A_282] : memref<640000xi32, #tpu.memory_space<hbm>> -> memref<80xi32, #tpu.memory_space<hbm>>
          %dma_start3A_284 = tpu.memref_slice %arg3[%add3A_282] : memref<640000xi32, #tpu.memory_space<hbm>> -> memref<80xi32, #tpu.memory_space<hbm>>
          tpu.enqueue_dma source(%dma_start3A_284 : memref<80xi32, #tpu.memory_space<hbm>>) target(%arg11 : memref<80xi32, #tpu.memory_space<vmem>>) target_semaphore(%arg36 : memref<!tpu.dma_semaphore, #tpu.memory_space<semaphore_mem>>)
          %add3A_285 = arith.constant 320000 : i32
          %add3A_286 = arith.addi %add3A_285, %add3A_282 : i32
          %dma_start3A_287 = tpu.memref_slice %arg3[%add3A_286] : memref<640000xi32, #tpu.memory_space<hbm>> -> memref<80xi32, #tpu.memory_space<hbm>>
          %dma_start3A_288 = tpu.memref_slice %arg3[%add3A_286] : memref<640000xi32, #tpu.memory_space<hbm>> -> memref<80xi32, #tpu.memory_space<hbm>>
          tpu.enqueue_dma source(%dma_start3A_288 : memref<80xi32, #tpu.memory_space<hbm>>) target(%arg19 : memref<80xi32, #tpu.memory_space<vmem>>) target_semaphore(%arg44 : memref<!tpu.dma_semaphore, #tpu.memory_space<semaphore_mem>>)
        } else {
        }
        %add3A_271 = arith.constant 4 : i32
        %add3A_272 = arith.addi %add3A_209, %add3A_271 : i32
        %lt3A_273 = arith.constant 125 : i32
        %lt3A_274 = arith.cmpi slt, %add3A_272, %lt3A_273 : i32
        %convert_element_type3A_275 = arith.extui %lt3A_274 : i1 to i32
        %cond3A_276 = arith.constant 0 : i32
        %cond3A_277 = arith.cmpi ne, %convert_element_type3A_275, %cond3A_276 : i32
        scf.if %cond3A_277 {
          %add3A_278 = arith.constant 4 : i32
          %add3A_279 = arith.addi %add3A_209, %add3A_278 : i32
          %mul3A_280 = arith.constant 80 : i32
          %mul3A_281 = arith.muli %add3A_279, %mul3A_280 : i32
          %add3A_282 = arith.addi %mul3A_34, %mul3A_281 : i32
          %dma_wait3A_283 = tpu.memref_slice %arg3[%add3A_282] : memref<640000xi32, #tpu.memory_space<hbm>> -> memref<80xi32, #tpu.memory_space<hbm>>
          %dma_wait3A_284 = tpu.memref_slice %arg3[%add3A_282] : memref<640000xi32, #tpu.memory_space<hbm>> -> memref<80xi32, #tpu.memory_space<hbm>>
          tpu.wait_dma2 semaphore(%arg32 : memref<!tpu.dma_semaphore, #tpu.memory_space<semaphore_mem>>) src(%dma_wait3A_284 : memref<80xi32, #tpu.memory_space<hbm>>) dst(%arg7 : memref<80xi32, #tpu.memory_space<vmem>>)
          %dma_start3A_285 = arith.constant 1 : i32
          %dma_start3A_286 = arith.constant 0 : i32
          %dma_start3A_287 = arith.constant 0 : i32
          %dma_start3A_288 = tpu.memref_slice %arg5[%dma_start3A_285, %dma_start3A_286, %dma_start3A_287] : memref<4x80x128xf32, #tpu.memory_space<vmem>> -> memref<1x80x128xf32, #tpu.memory_space<vmem>>
          %dma_start3A_289 = tpu.memref_squeeze %dma_start3A_288 : memref<1x80x128xf32, #tpu.memory_space<vmem>> -> memref<80x128xf32, #tpu.memory_space<vmem>>
          %dma_start3A_290 = arith.constant 0 : i32
          %dma_start3A_291 = arith.constant 0 : i32
          %dma_start3A_292 = tpu.memref_slice %arg2[%dma_start3A_290, %dma_start3A_291] : memref<10000x128xf32, #tpu.memory_space<hbm>> -> memref<10000x128xf32, #tpu.memory_space<hbm>>
          tpu.enqueue_indirect_dma source(%dma_start3A_292 : memref<10000x128xf32, #tpu.memory_space<hbm>>) target(%dma_start3A_289 : memref<80x128xf32, #tpu.memory_space<vmem>>) offsets(%arg7 : memref<80xi32, #tpu.memory_space<vmem>>) semaphore(%arg24 : memref<!tpu.dma_semaphore, #tpu.memory_space<semaphore_mem>>)
        } else {
        }
      } else {
      }
      %mul3A_215 = arith.constant 8 : i32
      %mul3A_216 = arith.muli %scan3A_161, %mul3A_215 : i32
      %add3A_217 = arith.constant 6 : i32
      %add3A_218 = arith.addi %mul3A_216, %add3A_217 : i32
      %lt3A_219 = arith.constant 125 : i32
      %lt3A_220 = arith.cmpi slt, %add3A_218, %lt3A_219 : i32
      %convert_element_type3A_221 = arith.extui %lt3A_220 : i1 to i32
      %cond3A_222 = arith.constant 0 : i32
      %cond3A_223 = arith.cmpi ne, %convert_element_type3A_221, %cond3A_222 : i32
      scf.if %cond3A_223 {
        %dma_wait3A_233 = arith.constant 2 : i32
        %dma_wait3A_234 = arith.constant 0 : i32
        %dma_wait3A_235 = arith.constant 0 : i32
        %dma_wait3A_236 = tpu.memref_slice %arg5[%dma_wait3A_233, %dma_wait3A_234, %dma_wait3A_235] : memref<4x80x128xf32, #tpu.memory_space<vmem>> -> memref<1x80x128xf32, #tpu.memory_space<vmem>>
        %dma_wait3A_237 = tpu.memref_squeeze %dma_wait3A_236 : memref<1x80x128xf32, #tpu.memory_space<vmem>> -> memref<80x128xf32, #tpu.memory_space<vmem>>
        %dma_wait3A_238 = arith.constant 0 : i32
        %dma_wait3A_239 = arith.constant 0 : i32
        %dma_wait3A_240 = tpu.memref_slice %arg2[%dma_wait3A_238, %dma_wait3A_239] : memref<10000x128xf32, #tpu.memory_space<hbm>> -> memref<10000x128xf32, #tpu.memory_space<hbm>>
        tpu.wait_indirect_dma semaphore(%arg25 : memref<!tpu.dma_semaphore, #tpu.memory_space<semaphore_mem>>) src(%dma_wait3A_240 : memref<10000x128xf32, #tpu.memory_space<hbm>>) dst(%dma_wait3A_237 : memref<80x128xf32, #tpu.memory_space<vmem>>)
        %mul3A_241 = arith.constant 80 : i32
        %mul3A_242 = arith.muli %add3A_218, %mul3A_241 : i32
        %add3A_243 = arith.addi %mul3A_34, %mul3A_242 : i32
        %add3A_244 = arith.constant 320000 : i32
        %add3A_245 = arith.addi %add3A_244, %add3A_243 : i32
        %dma_wait3A_246 = tpu.memref_slice %arg3[%add3A_245] : memref<640000xi32, #tpu.memory_space<hbm>> -> memref<80xi32, #tpu.memory_space<hbm>>
        %dma_wait3A_247 = tpu.memref_slice %arg3[%add3A_245] : memref<640000xi32, #tpu.memory_space<hbm>> -> memref<80xi32, #tpu.memory_space<hbm>>
        tpu.wait_dma2 semaphore(%arg45 : memref<!tpu.dma_semaphore, #tpu.memory_space<semaphore_mem>>) src(%dma_wait3A_247 : memref<80xi32, #tpu.memory_space<hbm>>) dst(%arg20 : memref<80xi32, #tpu.memory_space<vmem>>)
        %dma_start3A_248 = arith.constant 2 : i32
        %dma_start3A_249 = arith.constant 0 : i32
        %dma_start3A_250 = arith.constant 0 : i32
        %dma_start3A_251 = tpu.memref_slice %arg5[%dma_start3A_248, %dma_start3A_249, %dma_start3A_250] : memref<4x80x128xf32, #tpu.memory_space<vmem>> -> memref<1x80x128xf32, #tpu.memory_space<vmem>>
        %dma_start3A_252 = tpu.memref_squeeze %dma_start3A_251 : memref<1x80x128xf32, #tpu.memory_space<vmem>> -> memref<80x128xf32, #tpu.memory_space<vmem>>
        %dma_start3A_253 = arith.constant 0 : i32
        %dma_start3A_254 = arith.constant 0 : i32
        %dma_start3A_255 = tpu.memref_slice %arg22[%dma_start3A_253, %dma_start3A_254] : memref<10000x128xf32, #tpu.memory_space<vmem_shared>> -> memref<10000x128xf32, #tpu.memory_space<vmem_shared>>
        tpu.enqueue_indirect_dma source(%dma_start3A_252 : memref<80x128xf32, #tpu.memory_space<vmem>>) target(%dma_start3A_255 : memref<10000x128xf32, #tpu.memory_space<vmem_shared>>) offsets(%arg20 : memref<80xi32, #tpu.memory_space<vmem>>) semaphore(%arg29 : memref<!tpu.dma_semaphore, #tpu.memory_space<semaphore_mem>>) {add = true}
        %dma_wait3A_256 = arith.constant 2 : i32
        %dma_wait3A_257 = arith.constant 0 : i32
        %dma_wait3A_258 = arith.constant 0 : i32
        %dma_wait3A_259 = tpu.memref_slice %arg5[%dma_wait3A_256, %dma_wait3A_257, %dma_wait3A_258] : memref<4x80x128xf32, #tpu.memory_space<vmem>> -> memref<1x80x128xf32, #tpu.memory_space<vmem>>
        %dma_wait3A_260 = tpu.memref_squeeze %dma_wait3A_259 : memref<1x80x128xf32, #tpu.memory_space<vmem>> -> memref<80x128xf32, #tpu.memory_space<vmem>>
        %dma_wait3A_261 = arith.constant 0 : i32
        %dma_wait3A_262 = arith.constant 0 : i32
        %dma_wait3A_263 = tpu.memref_slice %arg22[%dma_wait3A_261, %dma_wait3A_262] : memref<10000x128xf32, #tpu.memory_space<vmem_shared>> -> memref<10000x128xf32, #tpu.memory_space<vmem_shared>>
        tpu.wait_indirect_dma semaphore(%arg29 : memref<!tpu.dma_semaphore, #tpu.memory_space<semaphore_mem>>) src(%dma_wait3A_260 : memref<80x128xf32, #tpu.memory_space<vmem>>) dst(%dma_wait3A_263 : memref<10000x128xf32, #tpu.memory_space<vmem_shared>>)
        %add3A_264 = arith.constant 8 : i32
        %add3A_265 = arith.addi %add3A_218, %add3A_264 : i32
        %lt3A_266 = arith.constant 125 : i32
        %lt3A_267 = arith.cmpi slt, %add3A_265, %lt3A_266 : i32
        %convert_element_type3A_268 = arith.extui %lt3A_267 : i1 to i32
        %cond3A_269 = arith.constant 0 : i32
        %cond3A_270 = arith.cmpi ne, %convert_element_type3A_268, %cond3A_269 : i32
        scf.if %cond3A_270 {
          %add3A_278 = arith.constant 8 : i32
          %add3A_279 = arith.addi %add3A_218, %add3A_278 : i32
          %mul3A_280 = arith.constant 80 : i32
          %mul3A_281 = arith.muli %add3A_279, %mul3A_280 : i32
          %add3A_282 = arith.addi %mul3A_34, %mul3A_281 : i32
          %dma_start3A_283 = tpu.memref_slice %arg3[%add3A_282] : memref<640000xi32, #tpu.memory_space<hbm>> -> memref<80xi32, #tpu.memory_space<hbm>>
          %dma_start3A_284 = tpu.memref_slice %arg3[%add3A_282] : memref<640000xi32, #tpu.memory_space<hbm>> -> memref<80xi32, #tpu.memory_space<hbm>>
          tpu.enqueue_dma source(%dma_start3A_284 : memref<80xi32, #tpu.memory_space<hbm>>) target(%arg12 : memref<80xi32, #tpu.memory_space<vmem>>) target_semaphore(%arg37 : memref<!tpu.dma_semaphore, #tpu.memory_space<semaphore_mem>>)
          %add3A_285 = arith.constant 320000 : i32
          %add3A_286 = arith.addi %add3A_285, %add3A_282 : i32
          %dma_start3A_287 = tpu.memref_slice %arg3[%add3A_286] : memref<640000xi32, #tpu.memory_space<hbm>> -> memref<80xi32, #tpu.memory_space<hbm>>
          %dma_start3A_288 = tpu.memref_slice %arg3[%add3A_286] : memref<640000xi32, #tpu.memory_space<hbm>> -> memref<80xi32, #tpu.memory_space<hbm>>
          tpu.enqueue_dma source(%dma_start3A_288 : memref<80xi32, #tpu.memory_space<hbm>>) target(%arg20 : memref<80xi32, #tpu.memory_space<vmem>>) target_semaphore(%arg45 : memref<!tpu.dma_semaphore, #tpu.memory_space<semaphore_mem>>)
        } else {
        }
        %add3A_271 = arith.constant 4 : i32
        %add3A_272 = arith.addi %add3A_218, %add3A_271 : i32
        %lt3A_273 = arith.constant 125 : i32
        %lt3A_274 = arith.cmpi slt, %add3A_272, %lt3A_273 : i32
        %convert_element_type3A_275 = arith.extui %lt3A_274 : i1 to i32
        %cond3A_276 = arith.constant 0 : i32
        %cond3A_277 = arith.cmpi ne, %convert_element_type3A_275, %cond3A_276 : i32
        scf.if %cond3A_277 {
          %add3A_278 = arith.constant 4 : i32
          %add3A_279 = arith.addi %add3A_218, %add3A_278 : i32
          %mul3A_280 = arith.constant 80 : i32
          %mul3A_281 = arith.muli %add3A_279, %mul3A_280 : i32
          %add3A_282 = arith.addi %mul3A_34, %mul3A_281 : i32
          %dma_wait3A_283 = tpu.memref_slice %arg3[%add3A_282] : memref<640000xi32, #tpu.memory_space<hbm>> -> memref<80xi32, #tpu.memory_space<hbm>>
          %dma_wait3A_284 = tpu.memref_slice %arg3[%add3A_282] : memref<640000xi32, #tpu.memory_space<hbm>> -> memref<80xi32, #tpu.memory_space<hbm>>
          tpu.wait_dma2 semaphore(%arg33 : memref<!tpu.dma_semaphore, #tpu.memory_space<semaphore_mem>>) src(%dma_wait3A_284 : memref<80xi32, #tpu.memory_space<hbm>>) dst(%arg8 : memref<80xi32, #tpu.memory_space<vmem>>)
          %dma_start3A_285 = arith.constant 2 : i32
          %dma_start3A_286 = arith.constant 0 : i32
          %dma_start3A_287 = arith.constant 0 : i32
          %dma_start3A_288 = tpu.memref_slice %arg5[%dma_start3A_285, %dma_start3A_286, %dma_start3A_287] : memref<4x80x128xf32, #tpu.memory_space<vmem>> -> memref<1x80x128xf32, #tpu.memory_space<vmem>>
          %dma_start3A_289 = tpu.memref_squeeze %dma_start3A_288 : memref<1x80x128xf32, #tpu.memory_space<vmem>> -> memref<80x128xf32, #tpu.memory_space<vmem>>
          %dma_start3A_290 = arith.constant 0 : i32
          %dma_start3A_291 = arith.constant 0 : i32
          %dma_start3A_292 = tpu.memref_slice %arg2[%dma_start3A_290, %dma_start3A_291] : memref<10000x128xf32, #tpu.memory_space<hbm>> -> memref<10000x128xf32, #tpu.memory_space<hbm>>
          tpu.enqueue_indirect_dma source(%dma_start3A_292 : memref<10000x128xf32, #tpu.memory_space<hbm>>) target(%dma_start3A_289 : memref<80x128xf32, #tpu.memory_space<vmem>>) offsets(%arg8 : memref<80xi32, #tpu.memory_space<vmem>>) semaphore(%arg25 : memref<!tpu.dma_semaphore, #tpu.memory_space<semaphore_mem>>)
        } else {
        }
      } else {
      }
      %mul3A_224 = arith.constant 8 : i32
      %mul3A_225 = arith.muli %scan3A_161, %mul3A_224 : i32
      %add3A_226 = arith.constant 7 : i32
      %add3A_227 = arith.addi %mul3A_225, %add3A_226 : i32
      %lt3A_228 = arith.constant 125 : i32
      %lt3A_229 = arith.cmpi slt, %add3A_227, %lt3A_228 : i32
      %convert_element_type3A_230 = arith.extui %lt3A_229 : i1 to i32
      %cond3A_231 = arith.constant 0 : i32
      %cond3A_232 = arith.cmpi ne, %convert_element_type3A_230, %cond3A_231 : i32
      scf.if %cond3A_232 {
        %dma_wait3A_233 = arith.constant 3 : i32
        %dma_wait3A_234 = arith.constant 0 : i32
        %dma_wait3A_235 = arith.constant 0 : i32
        %dma_wait3A_236 = tpu.memref_slice %arg5[%dma_wait3A_233, %dma_wait3A_234, %dma_wait3A_235] : memref<4x80x128xf32, #tpu.memory_space<vmem>> -> memref<1x80x128xf32, #tpu.memory_space<vmem>>
        %dma_wait3A_237 = tpu.memref_squeeze %dma_wait3A_236 : memref<1x80x128xf32, #tpu.memory_space<vmem>> -> memref<80x128xf32, #tpu.memory_space<vmem>>
        %dma_wait3A_238 = arith.constant 0 : i32
        %dma_wait3A_239 = arith.constant 0 : i32
        %dma_wait3A_240 = tpu.memref_slice %arg2[%dma_wait3A_238, %dma_wait3A_239] : memref<10000x128xf32, #tpu.memory_space<hbm>> -> memref<10000x128xf32, #tpu.memory_space<hbm>>
        tpu.wait_indirect_dma semaphore(%arg26 : memref<!tpu.dma_semaphore, #tpu.memory_space<semaphore_mem>>) src(%dma_wait3A_240 : memref<10000x128xf32, #tpu.memory_space<hbm>>) dst(%dma_wait3A_237 : memref<80x128xf32, #tpu.memory_space<vmem>>)
        %mul3A_241 = arith.constant 80 : i32
        %mul3A_242 = arith.muli %add3A_227, %mul3A_241 : i32
        %add3A_243 = arith.addi %mul3A_34, %mul3A_242 : i32
        %add3A_244 = arith.constant 320000 : i32
        %add3A_245 = arith.addi %add3A_244, %add3A_243 : i32
        %dma_wait3A_246 = tpu.memref_slice %arg3[%add3A_245] : memref<640000xi32, #tpu.memory_space<hbm>> -> memref<80xi32, #tpu.memory_space<hbm>>
        %dma_wait3A_247 = tpu.memref_slice %arg3[%add3A_245] : memref<640000xi32, #tpu.memory_space<hbm>> -> memref<80xi32, #tpu.memory_space<hbm>>
        tpu.wait_dma2 semaphore(%arg46 : memref<!tpu.dma_semaphore, #tpu.memory_space<semaphore_mem>>) src(%dma_wait3A_247 : memref<80xi32, #tpu.memory_space<hbm>>) dst(%arg21 : memref<80xi32, #tpu.memory_space<vmem>>)
        %dma_start3A_248 = arith.constant 3 : i32
        %dma_start3A_249 = arith.constant 0 : i32
        %dma_start3A_250 = arith.constant 0 : i32
        %dma_start3A_251 = tpu.memref_slice %arg5[%dma_start3A_248, %dma_start3A_249, %dma_start3A_250] : memref<4x80x128xf32, #tpu.memory_space<vmem>> -> memref<1x80x128xf32, #tpu.memory_space<vmem>>
        %dma_start3A_252 = tpu.memref_squeeze %dma_start3A_251 : memref<1x80x128xf32, #tpu.memory_space<vmem>> -> memref<80x128xf32, #tpu.memory_space<vmem>>
        %dma_start3A_253 = arith.constant 0 : i32
        %dma_start3A_254 = arith.constant 0 : i32
        %dma_start3A_255 = tpu.memref_slice %arg22[%dma_start3A_253, %dma_start3A_254] : memref<10000x128xf32, #tpu.memory_space<vmem_shared>> -> memref<10000x128xf32, #tpu.memory_space<vmem_shared>>
        tpu.enqueue_indirect_dma source(%dma_start3A_252 : memref<80x128xf32, #tpu.memory_space<vmem>>) target(%dma_start3A_255 : memref<10000x128xf32, #tpu.memory_space<vmem_shared>>) offsets(%arg21 : memref<80xi32, #tpu.memory_space<vmem>>) semaphore(%arg30 : memref<!tpu.dma_semaphore, #tpu.memory_space<semaphore_mem>>) {add = true}
        %dma_wait3A_256 = arith.constant 3 : i32
        %dma_wait3A_257 = arith.constant 0 : i32
        %dma_wait3A_258 = arith.constant 0 : i32
        %dma_wait3A_259 = tpu.memref_slice %arg5[%dma_wait3A_256, %dma_wait3A_257, %dma_wait3A_258] : memref<4x80x128xf32, #tpu.memory_space<vmem>> -> memref<1x80x128xf32, #tpu.memory_space<vmem>>
        %dma_wait3A_260 = tpu.memref_squeeze %dma_wait3A_259 : memref<1x80x128xf32, #tpu.memory_space<vmem>> -> memref<80x128xf32, #tpu.memory_space<vmem>>
        %dma_wait3A_261 = arith.constant 0 : i32
        %dma_wait3A_262 = arith.constant 0 : i32
        %dma_wait3A_263 = tpu.memref_slice %arg22[%dma_wait3A_261, %dma_wait3A_262] : memref<10000x128xf32, #tpu.memory_space<vmem_shared>> -> memref<10000x128xf32, #tpu.memory_space<vmem_shared>>
        tpu.wait_indirect_dma semaphore(%arg30 : memref<!tpu.dma_semaphore, #tpu.memory_space<semaphore_mem>>) src(%dma_wait3A_260 : memref<80x128xf32, #tpu.memory_space<vmem>>) dst(%dma_wait3A_263 : memref<10000x128xf32, #tpu.memory_space<vmem_shared>>)
        %add3A_264 = arith.constant 8 : i32
        %add3A_265 = arith.addi %add3A_227, %add3A_264 : i32
        %lt3A_266 = arith.constant 125 : i32
        %lt3A_267 = arith.cmpi slt, %add3A_265, %lt3A_266 : i32
        %convert_element_type3A_268 = arith.extui %lt3A_267 : i1 to i32
        %cond3A_269 = arith.constant 0 : i32
        %cond3A_270 = arith.cmpi ne, %convert_element_type3A_268, %cond3A_269 : i32
        scf.if %cond3A_270 {
          %add3A_278 = arith.constant 8 : i32
          %add3A_279 = arith.addi %add3A_227, %add3A_278 : i32
          %mul3A_280 = arith.constant 80 : i32
          %mul3A_281 = arith.muli %add3A_279, %mul3A_280 : i32
          %add3A_282 = arith.addi %mul3A_34, %mul3A_281 : i32
          %dma_start3A_283 = tpu.memref_slice %arg3[%add3A_282] : memref<640000xi32, #tpu.memory_space<hbm>> -> memref<80xi32, #tpu.memory_space<hbm>>
          %dma_start3A_284 = tpu.memref_slice %arg3[%add3A_282] : memref<640000xi32, #tpu.memory_space<hbm>> -> memref<80xi32, #tpu.memory_space<hbm>>
          tpu.enqueue_dma source(%dma_start3A_284 : memref<80xi32, #tpu.memory_space<hbm>>) target(%arg13 : memref<80xi32, #tpu.memory_space<vmem>>) target_semaphore(%arg38 : memref<!tpu.dma_semaphore, #tpu.memory_space<semaphore_mem>>)
          %add3A_285 = arith.constant 320000 : i32
          %add3A_286 = arith.addi %add3A_285, %add3A_282 : i32
          %dma_start3A_287 = tpu.memref_slice %arg3[%add3A_286] : memref<640000xi32, #tpu.memory_space<hbm>> -> memref<80xi32, #tpu.memory_space<hbm>>
          %dma_start3A_288 = tpu.memref_slice %arg3[%add3A_286] : memref<640000xi32, #tpu.memory_space<hbm>> -> memref<80xi32, #tpu.memory_space<hbm>>
          tpu.enqueue_dma source(%dma_start3A_288 : memref<80xi32, #tpu.memory_space<hbm>>) target(%arg21 : memref<80xi32, #tpu.memory_space<vmem>>) target_semaphore(%arg46 : memref<!tpu.dma_semaphore, #tpu.memory_space<semaphore_mem>>)
        } else {
        }
        %add3A_271 = arith.constant 4 : i32
        %add3A_272 = arith.addi %add3A_227, %add3A_271 : i32
        %lt3A_273 = arith.constant 125 : i32
        %lt3A_274 = arith.cmpi slt, %add3A_272, %lt3A_273 : i32
        %convert_element_type3A_275 = arith.extui %lt3A_274 : i1 to i32
        %cond3A_276 = arith.constant 0 : i32
        %cond3A_277 = arith.cmpi ne, %convert_element_type3A_275, %cond3A_276 : i32
        scf.if %cond3A_277 {
          %add3A_278 = arith.constant 4 : i32
          %add3A_279 = arith.addi %add3A_227, %add3A_278 : i32
          %mul3A_280 = arith.constant 80 : i32
          %mul3A_281 = arith.muli %add3A_279, %mul3A_280 : i32
          %add3A_282 = arith.addi %mul3A_34, %mul3A_281 : i32
          %dma_wait3A_283 = tpu.memref_slice %arg3[%add3A_282] : memref<640000xi32, #tpu.memory_space<hbm>> -> memref<80xi32, #tpu.memory_space<hbm>>
          %dma_wait3A_284 = tpu.memref_slice %arg3[%add3A_282] : memref<640000xi32, #tpu.memory_space<hbm>> -> memref<80xi32, #tpu.memory_space<hbm>>
          tpu.wait_dma2 semaphore(%arg34 : memref<!tpu.dma_semaphore, #tpu.memory_space<semaphore_mem>>) src(%dma_wait3A_284 : memref<80xi32, #tpu.memory_space<hbm>>) dst(%arg9 : memref<80xi32, #tpu.memory_space<vmem>>)
          %dma_start3A_285 = arith.constant 3 : i32
          %dma_start3A_286 = arith.constant 0 : i32
          %dma_start3A_287 = arith.constant 0 : i32
          %dma_start3A_288 = tpu.memref_slice %arg5[%dma_start3A_285, %dma_start3A_286, %dma_start3A_287] : memref<4x80x128xf32, #tpu.memory_space<vmem>> -> memref<1x80x128xf32, #tpu.memory_space<vmem>>
          %dma_start3A_289 = tpu.memref_squeeze %dma_start3A_288 : memref<1x80x128xf32, #tpu.memory_space<vmem>> -> memref<80x128xf32, #tpu.memory_space<vmem>>
          %dma_start3A_290 = arith.constant 0 : i32
          %dma_start3A_291 = arith.constant 0 : i32
          %dma_start3A_292 = tpu.memref_slice %arg2[%dma_start3A_290, %dma_start3A_291] : memref<10000x128xf32, #tpu.memory_space<hbm>> -> memref<10000x128xf32, #tpu.memory_space<hbm>>
          tpu.enqueue_indirect_dma source(%dma_start3A_292 : memref<10000x128xf32, #tpu.memory_space<hbm>>) target(%dma_start3A_289 : memref<80x128xf32, #tpu.memory_space<vmem>>) offsets(%arg9 : memref<80xi32, #tpu.memory_space<vmem>>) semaphore(%arg26 : memref<!tpu.dma_semaphore, #tpu.memory_space<semaphore_mem>>)
        } else {
        }
      } else {
      }
    }
    %scan3A_150 = arith.constant 16 : i32
    %barrier3A_151 = arith.constant 0 : index
    tpu.barrier barrier_id(%barrier3A_151)
    %mul3A_152 = arith.constant 10000 : i32
    %mul3A_153 = arith.muli %arg0, %mul3A_152 : i32
    %add3A_154 = arith.addi %mul3A_153, %multiple_of3A : i32
    %multiple_of3A_155 = tpu.assume_multiple %add3A_154, 8 : i32
    "tpu.region"() ({
      %run_scoped3A_161 = tpu.sem_alloc : memref<!tpu.dma_semaphore, #tpu.memory_space<semaphore_mem>>
      %dma_start3A_162 = arith.constant 0 : i32
      %dma_start3A_163 = tpu.memref_slice %arg4[%multiple_of3A_155, %dma_start3A_162] : memref<20000x128xf32, #tpu.memory_space<hbm>> -> memref<624x128xf32, #tpu.memory_space<hbm>>
      %dma_start3A_164 = arith.constant 0 : i32
      %dma_start3A_165 = tpu.memref_slice %arg22[%multiple_of3A, %dma_start3A_164] : memref<10000x128xf32, #tpu.memory_space<vmem_shared>> -> memref<624x128xf32, #tpu.memory_space<vmem_shared>>
      tpu.enqueue_dma source(%dma_start3A_165 : memref<624x128xf32, #tpu.memory_space<vmem_shared>>) target(%dma_start3A_163 : memref<624x128xf32, #tpu.memory_space<hbm>>) target_semaphore(%run_scoped3A_161 : memref<!tpu.dma_semaphore, #tpu.memory_space<semaphore_mem>>)
      %dma_wait3A_166 = arith.constant 0 : i32
      %dma_wait3A_167 = tpu.memref_slice %arg4[%multiple_of3A_155, %dma_wait3A_166] : memref<20000x128xf32, #tpu.memory_space<hbm>> -> memref<624x128xf32, #tpu.memory_space<hbm>>
      %dma_wait3A_168 = arith.constant 0 : i32
      %dma_wait3A_169 = tpu.memref_slice %arg22[%multiple_of3A, %dma_wait3A_168] : memref<10000x128xf32, #tpu.memory_space<vmem_shared>> -> memref<624x128xf32, #tpu.memory_space<vmem_shared>>
      tpu.wait_dma2 semaphore(%run_scoped3A_161 : memref<!tpu.dma_semaphore, #tpu.memory_space<semaphore_mem>>) src(%dma_wait3A_169 : memref<624x128xf32, #tpu.memory_space<vmem_shared>>) dst(%dma_wait3A_167 : memref<624x128xf32, #tpu.memory_space<hbm>>)
      tpu.yield
    }) : () -> ()
    %eq3A_156 = arith.constant 0 : i32
    %eq3A_157 = arith.cmpi eq, %arg1, %eq3A_156 : i32
    %convert_element_type3A_158 = arith.extui %eq3A_157 : i1 to i32
    %cond3A_159 = arith.constant 0 : i32
    %cond3A_160 = arith.cmpi ne, %convert_element_type3A_158, %cond3A_159 : i32
    scf.if %cond3A_160 {
      %mul3A_161 = arith.constant 10000 : i32
      %mul3A_162 = arith.muli %arg0, %mul3A_161 : i32
      %add3A_163 = arith.constant 9984 : i32
      %add3A_164 = arith.addi %mul3A_162, %add3A_163 : i32
      %multiple_of3A_165 = tpu.assume_multiple %add3A_164, 8 : i32
      "tpu.region"() ({
        %run_scoped3A_166 = tpu.sem_alloc : memref<!tpu.dma_semaphore, #tpu.memory_space<semaphore_mem>>
        %dma_start3A_167 = arith.constant 0 : i32
        %dma_start3A_168 = tpu.memref_slice %arg4[%multiple_of3A_165, %dma_start3A_167] : memref<20000x128xf32, #tpu.memory_space<hbm>> -> memref<16x128xf32, #tpu.memory_space<hbm>>
        %dma_start3A_169 = arith.constant 9984 : i32
        %dma_start3A_170 = arith.constant 0 : i32
        %dma_start3A_171 = tpu.memref_slice %arg22[%dma_start3A_169, %dma_start3A_170] : memref<10000x128xf32, #tpu.memory_space<vmem_shared>> -> memref<16x128xf32, #tpu.memory_space<vmem_shared>>
        tpu.enqueue_dma source(%dma_start3A_171 : memref<16x128xf32, #tpu.memory_space<vmem_shared>>) target(%dma_start3A_168 : memref<16x128xf32, #tpu.memory_space<hbm>>) target_semaphore(%run_scoped3A_166 : memref<!tpu.dma_semaphore, #tpu.memory_space<semaphore_mem>>)
        %dma_wait3A_172 = arith.constant 0 : i32
        %dma_wait3A_173 = tpu.memref_slice %arg4[%multiple_of3A_165, %dma_wait3A_172] : memref<20000x128xf32, #tpu.memory_space<hbm>> -> memref<16x128xf32, #tpu.memory_space<hbm>>
        %dma_wait3A_174 = arith.constant 9984 : i32
        %dma_wait3A_175 = arith.constant 0 : i32
        %dma_wait3A_176 = tpu.memref_slice %arg22[%dma_wait3A_174, %dma_wait3A_175] : memref<10000x128xf32, #tpu.memory_space<vmem_shared>> -> memref<16x128xf32, #tpu.memory_space<vmem_shared>>
        tpu.wait_dma2 semaphore(%run_scoped3A_166 : memref<!tpu.dma_semaphore, #tpu.memory_space<semaphore_mem>>) src(%dma_wait3A_176 : memref<16x128xf32, #tpu.memory_space<vmem_shared>>) dst(%dma_wait3A_173 : memref<16x128xf32, #tpu.memory_space<hbm>>)
        tpu.yield
      }) : () -> ()
    } else {
    }
    return
  }
}

module attributes {stable_mosaic.version = 14 : i64} {
  func.func @_mlp1_body(%arg0: i32, %arg1: memref<5000x128xf32, #tpu.memory_space<vmem>>, %arg2: memref<5000x128xf32, #tpu.memory_space<vmem>>, %arg3: memref<5000x128xf32, #tpu.memory_space<vmem>>, %arg4: memref<128x128xf32, #tpu.memory_space<vmem>>, %arg5: memref<1x128xf32, #tpu.memory_space<vmem>>, %arg6: memref<128x128xf32, #tpu.memory_space<vmem>>, %arg7: memref<1x128xf32, #tpu.memory_space<vmem>>, %arg8: memref<5000x128xf32, #tpu.memory_space<vmem>>) attributes {dimension_semantics = [#tpu.dimension_semantics<arbitrary>], iteration_bounds = array<i64: 2>, scalar_prefetch = 0 : i64, scratch_operands = 0 : i64, tpu.core_type = #tpu.core_type<tc>, window_params = [{transform_indices = @transform_0, window_bounds = array<i64: 5000, 128>}, {transform_indices = @transform_1, window_bounds = array<i64: 5000, 128>}, {transform_indices = @transform_2, window_bounds = array<i64: 5000, 128>}, {pipeline_mode = #tpu.pipeline_mode<synchronous>, transform_indices = @transform_3, window_bounds = array<i64: 128, 128>}, {pipeline_mode = #tpu.pipeline_mode<synchronous>, transform_indices = @transform_4, window_bounds = array<i64: 1, 128>}, {pipeline_mode = #tpu.pipeline_mode<synchronous>, transform_indices = @transform_5, window_bounds = array<i64: 128, 128>}, {pipeline_mode = #tpu.pipeline_mode<synchronous>, transform_indices = @transform_6, window_bounds = array<i64: 1, 128>}, {transform_indices = @transform_7, window_bounds = array<i64: 5000, 128>}]} {
    %get3A = arith.constant 0 : index
    %get3A_0 = arith.constant 0 : index
    %get3A_1 = vector.load %arg1[%get3A, %get3A_0] : memref<5000x128xf32, #tpu.memory_space<vmem>>, vector<5000x128xf32>
    %get3A_2 = arith.constant 0 : index
    %get3A_3 = arith.constant 0 : index
    %get3A_4 = vector.load %arg2[%get3A_2, %get3A_3] : memref<5000x128xf32, #tpu.memory_space<vmem>>, vector<5000x128xf32>
    %add3A = arith.addf %get3A_1, %get3A_4 : vector<5000x128xf32>
    %get3A_5 = arith.constant 0 : index
    %get3A_6 = arith.constant 0 : index
    %get3A_7 = vector.load %arg3[%get3A_5, %get3A_6] : memref<5000x128xf32, #tpu.memory_space<vmem>>, vector<5000x128xf32>
    %add3A_8 = arith.addf %add3A, %get3A_7 : vector<5000x128xf32>
    %get3A_9 = arith.constant 0 : index
    %get3A_10 = arith.constant 0 : index
    %get3A_11 = vector.load %arg4[%get3A_9, %get3A_10] : memref<128x128xf32, #tpu.memory_space<vmem>>, vector<128x128xf32>
    %dot_general3A = arith.constant dense<0.000000e+00> : vector<5000x128xf32>
    %dot_general3A_12 = tpu.matmul %add3A_8, %get3A_11, %dot_general3A {dimension_numbers = #tpu.dot_dimension_numbers<[1], [0], [0], [1], [0, 0, 1, 1], [], []>, transpose_lhs_hint = false} : vector<5000x128xf32>, vector<128x128xf32>, vector<5000x128xf32> -> vector<5000x128xf32>
    %get3A_13 = arith.constant 0 : index
    %get3A_14 = arith.constant 0 : index
    %get3A_15 = vector.load %arg5[%get3A_13, %get3A_14] : memref<1x128xf32, #tpu.memory_space<vmem>>, vector<1x128xf32>
    %add3A_16 = vector.broadcast %get3A_15 : vector<1x128xf32> to vector<5000x128xf32>
    %add3A_17 = arith.addf %dot_general3A_12, %add3A_16 : vector<5000x128xf32>
    %max3A = arith.constant 0.000000e+00 : f32
    %max3A_18 = vector.broadcast %max3A : f32 to vector<5000x128xf32>
    %max3A_19 = arith.maximumf %add3A_17, %max3A_18 : vector<5000x128xf32>
    %get3A_20 = arith.constant 0 : index
    %get3A_21 = arith.constant 0 : index
    %get3A_22 = vector.load %arg6[%get3A_20, %get3A_21] : memref<128x128xf32, #tpu.memory_space<vmem>>, vector<128x128xf32>
    %dot_general3A_23 = arith.constant dense<0.000000e+00> : vector<5000x128xf32>
    %dot_general3A_24 = tpu.matmul %max3A_19, %get3A_22, %dot_general3A_23 {dimension_numbers = #tpu.dot_dimension_numbers<[1], [0], [0], [1], [0, 0, 1, 1], [], []>, transpose_lhs_hint = false} : vector<5000x128xf32>, vector<128x128xf32>, vector<5000x128xf32> -> vector<5000x128xf32>
    %get3A_25 = arith.constant 0 : index
    %get3A_26 = arith.constant 0 : index
    %get3A_27 = vector.load %arg7[%get3A_25, %get3A_26] : memref<1x128xf32, #tpu.memory_space<vmem>>, vector<1x128xf32>
    %add3A_28 = vector.broadcast %get3A_27 : vector<1x128xf32> to vector<5000x128xf32>
    %add3A_29 = arith.addf %dot_general3A_24, %add3A_28 : vector<5000x128xf32>
    %max3A_30 = arith.constant 0.000000e+00 : f32
    %max3A_31 = vector.broadcast %max3A_30 : f32 to vector<5000x128xf32>
    %max3A_32 = arith.maximumf %add3A_29, %max3A_31 : vector<5000x128xf32>
    %swap3A = arith.constant 0 : index
    %swap3A_33 = arith.constant 0 : index
    %swap3A_34 = vector.load %arg8[%swap3A, %swap3A_33] : memref<5000x128xf32, #tpu.memory_space<vmem>>, vector<5000x128xf32>
    tpu.vector_store %arg8[%swap3A, %swap3A_33], %max3A_32 {strides = array<i32>} : memref<5000x128xf32, #tpu.memory_space<vmem>>, vector<5000x128xf32>,
    return
  }
  func.func @transform_0(%arg0: i32) -> (i32, i32) {
    %c0_i32 = arith.constant 0 : i32
    %c0_i32_0 = arith.constant 0 : i32
    return %arg0, %c0_i32 : i32, i32
  }
  func.func @transform_1(%arg0: i32) -> (i32, i32) {
    %c0_i32 = arith.constant 0 : i32
    %c0_i32_0 = arith.constant 0 : i32
    return %arg0, %c0_i32 : i32, i32
  }
  func.func @transform_2(%arg0: i32) -> (i32, i32) {
    %add3A = arith.constant 2 : i32
    %add3A_0 = arith.addi %arg0, %add3A : i32
    %c0_i32 = arith.constant 0 : i32
    %c0_i32_1 = arith.constant 0 : i32
    return %add3A_0, %c0_i32 : i32, i32
  }
  func.func @transform_3(%arg0: i32) -> (i32, i32) {
    %c0_i32 = arith.constant 0 : i32
    %c0_i32_0 = arith.constant 0 : i32
    %c0_i32_1 = arith.constant 0 : i32
    return %c0_i32, %c0_i32_0 : i32, i32
  }
  func.func @transform_4(%arg0: i32) -> (i32, i32) {
    %c0_i32 = arith.constant 0 : i32
    %c0_i32_0 = arith.constant 0 : i32
    %c0_i32_1 = arith.constant 0 : i32
    return %c0_i32, %c0_i32_0 : i32, i32
  }
  func.func @transform_5(%arg0: i32) -> (i32, i32) {
    %c0_i32 = arith.constant 0 : i32
    %c0_i32_0 = arith.constant 0 : i32
    %c0_i32_1 = arith.constant 0 : i32
    return %c0_i32, %c0_i32_0 : i32, i32
  }
  func.func @transform_6(%arg0: i32) -> (i32, i32) {
    %c0_i32 = arith.constant 0 : i32
    %c0_i32_0 = arith.constant 0 : i32
    %c0_i32_1 = arith.constant 0 : i32
    return %c0_i32, %c0_i32_0 : i32, i32
  }
  func.func @transform_7(%arg0: i32) -> (i32, i32) {
    %c0_i32 = arith.constant 0 : i32
    %c0_i32_0 = arith.constant 0 : i32
    return %arg0, %c0_i32 : i32, i32
  }
}

module attributes {stable_mosaic.version = 14 : i64} {
  func.func @_mlp2_body(%arg0: i32, %arg1: memref<5000x128xf32, #tpu.memory_space<vmem>>, %arg2: memref<5000x128xf32, #tpu.memory_space<vmem>>, %arg3: memref<5000x128xf32, #tpu.memory_space<vmem>>, %arg4: memref<128x128xf32, #tpu.memory_space<vmem>>, %arg5: memref<1x128xf32, #tpu.memory_space<vmem>>, %arg6: memref<128x128xf32, #tpu.memory_space<vmem>>, %arg7: memref<1x128xf32, #tpu.memory_space<vmem>>, %arg8: memref<128x128xf32, #tpu.memory_space<vmem>>, %arg9: memref<1x128xf32, #tpu.memory_space<vmem>>, %arg10: memref<5000x128xf32, #tpu.memory_space<vmem>>) attributes {dimension_semantics = [#tpu.dimension_semantics<arbitrary>], iteration_bounds = array<i64: 2>, scalar_prefetch = 0 : i64, scratch_operands = 0 : i64, tpu.core_type = #tpu.core_type<tc>, window_params = [{transform_indices = @transform_0, window_bounds = array<i64: 5000, 128>}, {transform_indices = @transform_1, window_bounds = array<i64: 5000, 128>}, {transform_indices = @transform_2, window_bounds = array<i64: 5000, 128>}, {pipeline_mode = #tpu.pipeline_mode<synchronous>, transform_indices = @transform_3, window_bounds = array<i64: 128, 128>}, {pipeline_mode = #tpu.pipeline_mode<synchronous>, transform_indices = @transform_4, window_bounds = array<i64: 1, 128>}, {pipeline_mode = #tpu.pipeline_mode<synchronous>, transform_indices = @transform_5, window_bounds = array<i64: 128, 128>}, {pipeline_mode = #tpu.pipeline_mode<synchronous>, transform_indices = @transform_6, window_bounds = array<i64: 1, 128>}, {pipeline_mode = #tpu.pipeline_mode<synchronous>, transform_indices = @transform_7, window_bounds = array<i64: 128, 128>}, {pipeline_mode = #tpu.pipeline_mode<synchronous>, transform_indices = @transform_8, window_bounds = array<i64: 1, 128>}, {transform_indices = @transform_9, window_bounds = array<i64: 5000, 128>}]} {
    %get3A = arith.constant 0 : index
    %get3A_0 = arith.constant 0 : index
    %get3A_1 = vector.load %arg1[%get3A, %get3A_0] : memref<5000x128xf32, #tpu.memory_space<vmem>>, vector<5000x128xf32>
    %get3A_2 = arith.constant 0 : index
    %get3A_3 = arith.constant 0 : index
    %get3A_4 = vector.load %arg2[%get3A_2, %get3A_3] : memref<5000x128xf32, #tpu.memory_space<vmem>>, vector<5000x128xf32>
    %add3A = arith.addf %get3A_1, %get3A_4 : vector<5000x128xf32>
    %get3A_5 = arith.constant 0 : index
    %get3A_6 = arith.constant 0 : index
    %get3A_7 = vector.load %arg3[%get3A_5, %get3A_6] : memref<5000x128xf32, #tpu.memory_space<vmem>>, vector<5000x128xf32>
    %add3A_8 = arith.addf %add3A, %get3A_7 : vector<5000x128xf32>
    %get3A_9 = arith.constant 0 : index
    %get3A_10 = arith.constant 0 : index
    %get3A_11 = vector.load %arg4[%get3A_9, %get3A_10] : memref<128x128xf32, #tpu.memory_space<vmem>>, vector<128x128xf32>
    %dot_general3A = arith.constant dense<0.000000e+00> : vector<5000x128xf32>
    %dot_general3A_12 = tpu.matmul %add3A_8, %get3A_11, %dot_general3A {dimension_numbers = #tpu.dot_dimension_numbers<[1], [0], [0], [1], [0, 0, 1, 1], [], []>, transpose_lhs_hint = false} : vector<5000x128xf32>, vector<128x128xf32>, vector<5000x128xf32> -> vector<5000x128xf32>
    %get3A_13 = arith.constant 0 : index
    %get3A_14 = arith.constant 0 : index
    %get3A_15 = vector.load %arg5[%get3A_13, %get3A_14] : memref<1x128xf32, #tpu.memory_space<vmem>>, vector<1x128xf32>
    %add3A_16 = vector.broadcast %get3A_15 : vector<1x128xf32> to vector<5000x128xf32>
    %add3A_17 = arith.addf %dot_general3A_12, %add3A_16 : vector<5000x128xf32>
    %max3A = arith.constant 0.000000e+00 : f32
    %max3A_18 = vector.broadcast %max3A : f32 to vector<5000x128xf32>
    %max3A_19 = arith.maximumf %add3A_17, %max3A_18 : vector<5000x128xf32>
    %get3A_20 = arith.constant 0 : index
    %get3A_21 = arith.constant 0 : index
    %get3A_22 = vector.load %arg6[%get3A_20, %get3A_21] : memref<128x128xf32, #tpu.memory_space<vmem>>, vector<128x128xf32>
    %dot_general3A_23 = arith.constant dense<0.000000e+00> : vector<5000x128xf32>
    %dot_general3A_24 = tpu.matmul %max3A_19, %get3A_22, %dot_general3A_23 {dimension_numbers = #tpu.dot_dimension_numbers<[1], [0], [0], [1], [0, 0, 1, 1], [], []>, transpose_lhs_hint = false} : vector<5000x128xf32>, vector<128x128xf32>, vector<5000x128xf32> -> vector<5000x128xf32>
    %get3A_25 = arith.constant 0 : index
    %get3A_26 = arith.constant 0 : index
    %get3A_27 = vector.load %arg7[%get3A_25, %get3A_26] : memref<1x128xf32, #tpu.memory_space<vmem>>, vector<1x128xf32>
    %add3A_28 = vector.broadcast %get3A_27 : vector<1x128xf32> to vector<5000x128xf32>
    %add3A_29 = arith.addf %dot_general3A_24, %add3A_28 : vector<5000x128xf32>
    %get3A_30 = arith.constant 0 : index
    %get3A_31 = arith.constant 0 : index
    %get3A_32 = vector.load %arg8[%get3A_30, %get3A_31] : memref<128x128xf32, #tpu.memory_space<vmem>>, vector<128x128xf32>
    %dot_general3A_33 = arith.constant dense<0.000000e+00> : vector<5000x128xf32>
    %dot_general3A_34 = tpu.matmul %add3A_29, %get3A_32, %dot_general3A_33 {dimension_numbers = #tpu.dot_dimension_numbers<[1], [0], [0], [1], [0, 0, 1, 1], [], []>, transpose_lhs_hint = false} : vector<5000x128xf32>, vector<128x128xf32>, vector<5000x128xf32> -> vector<5000x128xf32>
    %get3A_35 = arith.constant 0 : index
    %get3A_36 = arith.constant 0 : index
    %get3A_37 = vector.load %arg9[%get3A_35, %get3A_36] : memref<1x128xf32, #tpu.memory_space<vmem>>, vector<1x128xf32>
    %add3A_38 = vector.broadcast %get3A_37 : vector<1x128xf32> to vector<5000x128xf32>
    %add3A_39 = arith.addf %dot_general3A_34, %add3A_38 : vector<5000x128xf32>
    %swap3A = arith.constant 0 : index
    %swap3A_40 = arith.constant 0 : index
    %swap3A_41 = vector.load %arg10[%swap3A, %swap3A_40] : memref<5000x128xf32, #tpu.memory_space<vmem>>, vector<5000x128xf32>
    tpu.vector_store %arg10[%swap3A, %swap3A_40], %add3A_39 {strides = array<i32>} : memref<5000x128xf32, #tpu.memory_space<vmem>>, vector<5000x128xf32>,
    return
  }
  func.func @transform_0(%arg0: i32) -> (i32, i32) {
    %c0_i32 = arith.constant 0 : i32
    %c0_i32_0 = arith.constant 0 : i32
    return %arg0, %c0_i32 : i32, i32
  }
  func.func @transform_1(%arg0: i32) -> (i32, i32) {
    %c0_i32 = arith.constant 0 : i32
    %c0_i32_0 = arith.constant 0 : i32
    return %arg0, %c0_i32 : i32, i32
  }
  func.func @transform_2(%arg0: i32) -> (i32, i32) {
    %add3A = arith.constant 2 : i32
    %add3A_0 = arith.addi %arg0, %add3A : i32
    %c0_i32 = arith.constant 0 : i32
    %c0_i32_1 = arith.constant 0 : i32
    return %add3A_0, %c0_i32 : i32, i32
  }
  func.func @transform_3(%arg0: i32) -> (i32, i32) {
    %c0_i32 = arith.constant 0 : i32
    %c0_i32_0 = arith.constant 0 : i32
    %c0_i32_1 = arith.constant 0 : i32
    return %c0_i32, %c0_i32_0 : i32, i32
  }
  func.func @transform_4(%arg0: i32) -> (i32, i32) {
    %c0_i32 = arith.constant 0 : i32
    %c0_i32_0 = arith.constant 0 : i32
    %c0_i32_1 = arith.constant 0 : i32
    return %c0_i32, %c0_i32_0 : i32, i32
  }
  func.func @transform_5(%arg0: i32) -> (i32, i32) {
    %c0_i32 = arith.constant 0 : i32
    %c0_i32_0 = arith.constant 0 : i32
    %c0_i32_1 = arith.constant 0 : i32
    return %c0_i32, %c0_i32_0 : i32, i32
  }
  func.func @transform_6(%arg0: i32) -> (i32, i32) {
    %c0_i32 = arith.constant 0 : i32
    %c0_i32_0 = arith.constant 0 : i32
    %c0_i32_1 = arith.constant 0 : i32
    return %c0_i32, %c0_i32_0 : i32, i32
  }
  func.func @transform_7(%arg0: i32) -> (i32, i32) {
    %c0_i32 = arith.constant 0 : i32
    %c0_i32_0 = arith.constant 0 : i32
    %c0_i32_1 = arith.constant 0 : i32
    return %c0_i32, %c0_i32_0 : i32, i32
  }
  func.func @transform_8(%arg0: i32) -> (i32, i32) {
    %c0_i32 = arith.constant 0 : i32
    %c0_i32_0 = arith.constant 0 : i32
    %c0_i32_1 = arith.constant 0 : i32
    return %c0_i32, %c0_i32_0 : i32, i32
  }
  func.func @transform_9(%arg0: i32) -> (i32, i32) {
    %c0_i32 = arith.constant 0 : i32
    %c0_i32_0 = arith.constant 0 : i32
    return %arg0, %c0_i32 : i32, i32
  }
}

</mosaic_0001>

<sc_bundles>
// kernel: kernel.6.cloned.1.call-start
scs
__scs_entry_jumppad:
0x0: {  	(pc) =	sbr.rel $0x88, $3  }
0x1: {  	(tag) =	ssettag $0x0;
	lr =	simm.s32 $0x1  }
0x2: {  	[smem:$0x3F95] =	sst lr;
	_ =	strace $0xD0000000  }
0x3: {  	_ = 	snop  }
0x4: {  	_ = 	snop  }
0x5: {  	_ = 	snop  }
0x6: {  	_ = 	snop  }
0x7: {  	_ = 	snop  }
__scs_overlays_trampoline_lowered:
0x8: {  	[smem:$0x3FA4] =	sst s0  }
0x9: {  	[smem:$0x3FA5] =	sst s1  }
0xa: {  	[smem:$0x3FA6] =	sst s2  }
0xb: {  	[smem:$0x3FA7] =	sst s3  }
0xc: {  	[smem:$0x3FA8] =	sst s4  }
0xd: {  	[smem:$0x3FA9] =	sst s5  }
0xe: {  	[smem:$0x3FAA] =	sst s6  }
0xf: {  	[smem:$0x3FAB] =	sst s7  }
0x10: {  	[smem:$0x3FAC] =	sst s8  }
0x11: {  	[smem:$0x3FAD] =	sst s9;
	s0 =	simm.s32 @!p0 $0x0  }
0x12: {  	s1 =	sld [smem:$0x3F93];
	s0 =	simm.s32 @p0 $0x1  }
0x13: {  	[smem:$0x3FAE] =	sst s0;
	s0 =	simm.s32 @!p1 $0x0  }
0x14: {  	s2 =	sld [smem:$0x3F92];
	s0 =	simm.s32 @p1 $0x1  }
0x15: {  	[smem:$0x3FAF] =	sst s0;
	s0 =	simm.s32 @!p2 $0x0  }
0x16: {  	s3 =	sld [smem:$0x3FDB];
	s0 =	simm.s32 @p2 $0x1  }
0x17: {  	s4 =	simm.s32 $0x1BF5;
	[smem:$0x3FB1] =	sst s0  }
0x18: {  	s0 =	sld [smem:$0x3F94];
	_ =	swait.ge [sflag:s4], $0x0  }
0x19: {  	s7 =	sld [smem:$0x3F95]  }
0x1a: {  	s8 =	sadd.s32 $0xFFFFE003, lr  }
0x1b: {  	s9 =	sadd.s32 $0xFFFFFEF7, lr;
	s5 =	simm.s32 $0xFFFFFFFF;
	p2 =	slt.u32 s8, $0xFFFFF086  }
0x1c: {  	p1 =	slt.u32 s9, $0xF7A;
	s5 =	simm.s32 @!p2 $0x0  }
0x1d: {  	s5 =	simm.s32 @p1 $0x1;
	p0 =	seq.s32 s7, s2  }
0x1e: {  	s7 =	smul.u32 @!p0 $0xF7A, s2;
	p2 =	seq.s32 @!p0 s5, $0x0  }
0x1f: {  	s9 =	smul.u32 $0xF7A, s1;
	s8 =	simm.s32 @!p0 $0x1BF5;
	p2 =	por !p2, p0  }
0x20: {  	[sflag:s8] =	ssyncset.s32 @!p0 $0xFFFFF086;
	s6 =	sadd.s32 @!p0 s3, s7;
	s7 =	simm.s32 @!p0 $0x108  }
0x21: {  	s3 =	sadd.s32 s3, s9;
	s6 =	sadd.s32 @!p0 $0x88, s6;
	s7 =	simm.s32 @p2 $0x1082  }
0x22: {  	[simem:s7], [sflag:s8] =	dma.local @!p0 [hbm:s6], $0xF7A  }
0x23: {  	s9 =	sor.u32 $0xD0000000, s2;
	s6 =	simm.s32 $0x108;
	_ =	swait.ge @!p0 [sflag:s8], $0x0  }
0x24: {  	s3 =	sadd.s32 $0x88, s3;
	s6 =	simm.s32 @!p1 $0x1082;
	[sflag:s4] =	ssyncset.s32 $0xFFFFF086  }
0x25: {  	[simem:s6], [sflag:s4] =	dma.local [hbm:s3], $0xF7A  }
0x26: {  	[smem:$0x3F95] =	sst s1;
	(tag) =	ssettag s2;
	_ =	strace s9  }
0x27: {  	s1 =	sld [smem:$0x3FA5]  }
0x28: {  	s2 =	sld [smem:$0x3FA6]  }
0x29: {  	s4 =	sld [smem:$0x3FA8]  }
0x2a: {  	p0 =	seq.s32 s5, $0x0;
	s5 =	sld [smem:$0x3FA9]  }
0x2b: {  	s6 =	sld [smem:$0x3FAA]  }
0x2c: {  	s7 =	sld [smem:$0x3FAB]  }
0x2d: {  	s3 =	simm.s32 $0x108;
	s8 =	sld [smem:$0x3FAC]  }
0x2e: {  	s3 =	simm.s32 @!p0 $0x1082;
	s9 =	sld [smem:$0x3FAD]  }
0x2f: {  	lr =	sadd.s32 s0, s3;
	s0 =	sld [smem:$0x3FA4]  }
0x30: {  	s3 =	sld [smem:$0x3FA7]  }
0x31: {  	[smem:$0x3FB0] =	sst s10  }
0x32: {  	s10 =	sld [smem:$0x3FAE];
	_ =	sdelay $0x3  }
0x33: {  	p0 =	seq.s32 s10, $0x1;
	s10 =	sld [smem:$0x3FB0];
	_ =	sdelay $0x3  }
0x34: {  	[smem:$0x3FB0] =	sst s10  }
0x35: {  	s10 =	sld [smem:$0x3FAF];
	_ =	sdelay $0x3  }
0x36: {  	p1 =	seq.s32 s10, $0x1;
	s10 =	sld [smem:$0x3FB0];
	_ =	sdelay $0x3  }
0x37: {  	[smem:$0x3FB0] =	sst s10  }
0x38: {  	s10 =	sld [smem:$0x3FB1]  }
0x39: {  	_ = 	snop;
	(pc) =	sbr.ind lr, $3  }
0x3a: {  	_ = 	snop  }
0x3b: {  	_ = 	snop  }
0x3c: {  	p2 =	seq.s32 s10, $0x1;
	s10 =	sld [smem:$0x3FB0]  }
0x3d: {  	_ =	shalt  }
0x3e: {  	_ =	shalt  }
0x3f: {  	_ =	shalt  }
0x40: {  	_ =	shalt  }
0x41: {  	_ =	shalt  }
0x42: {  	_ =	shalt  }
0x43: {  	_ =	shalt  }
0x44: {  	_ =	shalt  }
0x45: {  	_ =	shalt  }
0x46: {  	_ =	shalt  }
0x47: {  	_ =	shalt  }
0x48: {  	_ =	shalt  }
0x49: {  	_ =	shalt  }
0x4a: {  	_ =	shalt  }
0x4b: {  	_ =	shalt  }
0x4c: {  	_ =	shalt  }
0x4d: {  	_ =	shalt  }
0x4e: {  	_ =	shalt  }
0x4f: {  	_ =	shalt  }
0x50: {  	_ =	shalt  }
0x51: {  	_ =	shalt  }
0x52: {  	_ =	shalt  }
0x53: {  	_ =	shalt  }
0x54: {  	_ =	shalt  }
0x55: {  	_ =	shalt  }
0x56: {  	_ =	shalt  }
0x57: {  	_ =	shalt  }
0x58: {  	_ =	shalt  }
0x59: {  	_ =	shalt  }
0x5a: {  	_ =	shalt  }
0x5b: {  	_ =	shalt  }
0x5c: {  	_ =	shalt  }
0x5d: {  	_ =	shalt  }
0x5e: {  	_ =	shalt  }
0x5f: {  	_ =	shalt  }
0x60: {  	_ =	shalt  }
0x61: {  	_ =	shalt  }
0x62: {  	_ =	shalt  }
0x63: {  	_ =	shalt  }
0x64: {  	_ =	shalt  }
0x65: {  	_ =	shalt  }
0x66: {  	_ =	shalt  }
0x67: {  	_ =	shalt  }
0x68: {  	_ =	shalt  }
0x69: {  	_ =	shalt  }
0x6a: {  	_ =	shalt  }
0x6b: {  	_ =	shalt  }
0x6c: {  	_ =	shalt  }
0x6d: {  	_ =	shalt  }
0x6e: {  	_ =	shalt  }
0x6f: {  	_ =	shalt  }
0x70: {  	_ =	shalt  }
0x71: {  	_ =	shalt  }
0x72: {  	_ =	shalt  }
0x73: {  	_ =	shalt  }
0x74: {  	_ =	shalt  }
0x75: {  	_ =	shalt  }
0x76: {  	_ =	shalt  }
0x77: {  	_ =	shalt  }
0x78: {  	_ =	shalt  }
0x79: {  	_ =	shalt  }
0x7a: {  	_ =	shalt  }
0x7b: {  	_ =	shalt  }
0x7c: {  	_ =	shalt  }
0x7d: {  	_ =	shalt  }
0x7e: {  	_ =	shalt  }
0x7f: {  	_ =	shalt  }
0x80: {  	_ =	shalt  }
0x81: {  	_ =	shalt  }
0x82: {  	_ =	shalt  }
0x83: {  	_ =	shalt  }
0x84: {  	_ =	shalt  }
0x85: {  	_ =	shalt  }
0x86: {  	_ =	shalt  }
0x87: {  	_ =	shalt  }
.Lfunc_end0:
.L_simem_size_0:
called_computation_lowered:
.L_overlay_start_0:
0x88: {  	s2 =	sld [smem:$0x3FD9]  }
0x89: {  	s3 =	sld [smem:$0x3FFE];
	_ =	sdelay $0x1  }
0x8a: {  	s1 =	srdreg.scid  }
0x8b: {  	s0 =	sand.u32 $0x1, s1  }
0x8c: {  	s17 =	sshll.u32 s0, $0xA;
	s2 =	sadd.s32 s3, s2  }
0x8d: {  	s2 =	sadd.s32 s2, s17  }
0x8e: {  	[smem:$0x3FBC] =	sst s2  }
0x8f: {  	_ = 	snop  }
0x90: {  	s2 =	sld [smem:$0x3FC9];
	(tm) =	ssettm $0x1  }
0x91: {  	s18 =	sld [smem:$0x3FFB];
	_ =	sdelay $0x3  }
0x92: {  	_ =	strace s18  }
0x93: {  	s3 =	sld [smem:$0x3FFC];
	_ =	sdelay $0x3  }
0x94: {  	_ =	strace s3  }
0x95: {  	s3 =	sld [smem:$0x3FFD];
	_ =	sdelay $0x3  }
0x96: {  	_ =	strace s3  }
0x97: {  	_ =	strace $0x8FFFFFFF  }
0x98: {  	s19 =	sld [smem:$0x3FDB];
	_ =	sdelay $0x1  }
0x99: {  	s4 =	simm.s32 $_scs_section_size  }
0x9a: {  	s5 =	simm.s32 $_size__tile_overlayer_lowered;
	s6 =	simm.s32 $_tile_overlayer_lowered  }
0x9b: {  	s22 =	simm.s32 $0x1BFF;
	s21 =	sshll.u32 s6, $0x1;
	s3 =	sadd.s32 s4, s19  }
0x9c: {  	s7 =	simm.s32 $0x0;
	s20 =	sshll.u32 s5, $0x1;
	s5 =	sadd.s32 s21, s3  }
0x9d: {  	[timem:s7], [sflag:s22] =	dma.local [hbm:s5], s20  }
0x9e: {  	_ =	swait.ge [sflag:s22], s20  }
0x9f: {  	s4 =	ssub.s32 $0x0, s20;
	[sflag:s22] =	ssyncset.done $0x0  }
0xa0: {  	[sflag:s22] =	ssyncadd.s32 s4;
	_ =	sdelay $0x1  }
0xa1: {  	s23 =	simm.s32 $0x1B8B  }
0xa2: {  	_ =	swait.ge [sflag:s23], $0x1  }
0xa3: {  	[sflag:s23] =	ssyncset.done $0x0  }
0xa4: {  	s25 =	simm.s32 $0x1B8E;
	s24 =	sld [smem:$0x3FFE];
	[sflag:s23] =	ssyncadd.s32 $0xFFFFFFFF  }
0xa5: {  	s26 =	simm.s32 $execute0_lowered;
	[smem:$0x3FD2] =	sst s25  }
0xa6: {  	s5 =	sshll.u32 s26, $0x1;
	_ =	strace $0x80000046;
	[dreg:$0x1] =	wrdreg $0xFFFFFFFF  }
0xa7: {  	s28 =	simm.s32 $_size_execute0_lowered;
	s3 =	sadd.s32 s3, s5;
	[dreg:$0x0] =	wrdreg $0x0  }
0xa8: {  	s5 =	sshll.u32 s28, $0x1;
	[dreg:$0x2] =	wrdreg s3  }
0xa9: {  	[dreg:$0x3] =	wrdreg s5  }
0xaa: {  	[dreg:$0x4] =	wrdreg $0xC0  }
0xab: {  	_ =	task [dreg:s7], $0x5FFFF  }
0xac: {  	[dreg:$0x1] =	wrdreg $0xFFFFFFFF  }
0xad: {  	[dreg:$0x0] =	wrdreg $0x60  }
0xae: {  	[dreg:$0x2] =	wrdreg s2  }
0xaf: {  	[dreg:$0x3] =	wrdreg s24  }
0xb0: {  	[dreg:$0x4] =	wrdreg $0xA8000  }
0xb1: {  	[dreg:$0x5] =	wrdreg $0x9  }
0xb2: {  	_ =	task.clear_ibuf [dreg:s7], $0x6FFFF;
	_ =	strace $0x90000046  }
0xb3: {  	s29 =	simm.s32 $0x9;
	_ =	strace $0x80000048  }
0xb4: {  	_ =	swait.ge [sflag:s29], $0x1  }
0xb5: {  	[sflag:s29] =	ssyncadd.s32 $0xFFFFFFFF  }
0xb6: {  	_ =	strace $0x90000048  }
0xb7: {  	_ =	sfence  }
0xb8: {  	s30 =	sld [smem:$0x0];
	_ =	sdelay $0x2  }
0xb9: {  	s31 =	sshll.u32 s1, $0xD;
	s1 =	sshrl.u32 s1, $0x2  }
0xba: {  	s3 =	sand.u32 $0x4000, s31;
	s1 =	sadd.s32 s1, s30  }
0xbb: {  	s0 =	sor.u32 s3, s0;
	s1 =	sshll.u32 s1, $0x11  }
0xbc: {  	s0 =	sor.u32 s1, s0  }
0xbd: {  	s0 =	sadd.s32 $0x8F2B, s0  }
0xbe: {  	[sflag:s0] =	ssyncadd.remote.s32 $0x1  }
0xbf: {  	_ =	sfence.sel $0xFFFF  }
0xc0: {  	[dreg:$0x0] =	wrdreg $0xFFFFFFFF;
	(pc) =	sbr.abs _section_cstart, $3  }
0xc1: {  	[dreg:$0x1] =	wrdreg $0xFFFFFFFF  }
0xc2: {  	_ =	task.clear_ibuf [dreg:s7], $0x2FFFF;
	_ =	strace $0x9FFFFFFF  }
0xc3: {  	(tm) =	ssettm $0x7FFFFFFF  }
tec
execute0_lowered:
.L_overlay_start_1:
0x0: {  	(tag) =	ssettag $0x1  }
0x1: {  	s1 =	rddreg [dreg:$0x0]  }
0x2: {  	s0 =	rddreg [dreg:$0x1]  }
0x3: {  	s2 =	rddreg [dreg:$0x2];
	s3 =	simm.s32 $0x0  }
0x4: {  	s4 =	srdreg.scid;
	s12 =	stileid.u32;
	s30 =	simm.s32 $0xA580  }
0x5: {  	s31 =	simm.s32 $0xA200;
	s4 =	sand.u32 $0x1, s4;
	s6 =	smul.u32 $0x2700, s12  }
0x6: {  	s5 =	sshll.u32 s12, $0x1;
	[smem:$0x7FF] =	sst s3;
	s7 =	smul.u32 $0x4E000, s12  }
0x7: {  	s13 =	sadd.s32 $0x2C00, s0;
	s0 =	sadd.s32 $0x16600, s0;
	s23 =	smul.u32 $0x4E20, s12  }
0x8: {  	p0 =	sne.s32 s12, $0x0;
	s5 =	sor.u32 s4, s5;
	s9 =	smul.u32 $0x27100, s4  }
0x9: {  	_ =	strace $0x80000047;
	s8 =	ssub.s32 $0x2, s4;
	s11 =	smul.u32 $0x138800, s4  }
0xa: {  	s5 =	smul.u32 $0x2710, s5;
	s10 =	sshrl.u32 s8, $0x1;
	s7 =	sshrl.u32 s7, $0x2  }
0xb: {  	s4 =	smul.u32 $0x2710, s4;
	s8 =	ssub.s32 s8, s10;
	s19 =	sadd.s32 s7, s2  }
0xc: {  	s24 =	sshrl.u32 s11, $0x3;
	s25 =	sadd.s32 s6, s9;
	s5 =	sshrl.u32 s5, $0x3  }
0xd: {  	s26 =	sadd.s32 s0, s24;
	s0 =	sadd.s32 s0, s25;
	[dreg:$0x4] =	wrdreg s19  }
0xe: {  	s9 =	smax.u32 s8, $0x1;
	s11 =	sadd.s32 s13, s5;
	[dreg:$0x6] =	wrdreg s0  }
0xf: {  	s6 =	sadd.s32 $0x27000, s26;
	s0 =	sadd.s32 s4, s23;
	[dreg:$0x8] =	wrdreg s9  }
0x10: {  	[dreg:$0x7] =	wrdreg s6;
	s10 =	sadd.s32 $0x4B0, s0;
	s14 =	sadd.s32 $0x4E6B0, s0  }
0x11: {  	s15 =	sadd.s32 $0x460, s0;
	s18 =	sadd.s32 $0x4E660, s0;
	s20 =	sadd.s32 $0x410, s0  }
0x12: {  	s21 =	sadd.s32 $0x4E610, s0;
	s24 =	sadd.s32 $0x3C0, s0;
	s25 =	sadd.s32 $0x4E5C0, s0  }
0x13: {  	s26 =	sadd.s32 $0x370, s0;
	s8 =	sadd.s32 $0x4E570, s0;
	s9 =	sadd.s32 $0x320, s0  }
0x14: {  	s6 =	sadd.s32 $0xF000, s19;
	s12 =	sadd.s32 $0x14, s11;
	[dreg:$0x5] =	wrdreg s11  }
0x15: {  	s4 =	sshrl.u32 s10, $0x3;
	s5 =	sshrl.u32 s14, $0x3;
	[dreg:$0x1d] =	wrdreg s6  }
0x16: {  	s7 =	sshrl.u32 s26, $0x3;
	s26 =	sadd.s32 $0x7800, s19;
	[smem:$0x7F2] =	sst s12  }
0x17: {  	s17 =	sshrl.u32 s15, $0x3;
	s4 =	sadd.s32 s4, s13;
	[dreg:$0x1a] =	wrdreg s26  }
0x18: {  	s10 =	sadd.s32 $0x4E520, s0;
	s16 =	sadd.s32 s5, s13;
	[dreg:$0x9] =	wrdreg s4  }
0x19: {  	s15 =	sshrl.u32 s10, $0x3;
	s10 =	sadd.s32 $0x9C4A, s11;
	[dreg:$0xa] =	wrdreg s16  }
0x1a: {  	s5 =	sshrl.u32 s20, $0x3;
	s26 =	sadd.s32 $0x9C86, s11;
	[smem:$0x7F1] =	sst s10  }
0x1b: {  	s4 =	sadd.s32 s17, s13;
	s22 =	sadd.s32 s5, s13;
	[smem:$0x7FD] =	sst s26  }
0x1c: {  	s5 =	sshrl.u32 s25, $0x3;
	s16 =	sadd.s32 $0x2D0, s0;
	[dreg:$0xb] =	wrdreg s4  }
0x1d: {  	s17 =	sadd.s32 $0x4E4D0, s0;
	s25 =	sadd.s32 $0x5000, s19;
	[dreg:$0xd] =	wrdreg s22  }
0x1e: {  	s4 =	sshrl.u32 s18, $0x3;
	s5 =	sadd.s32 s5, s13;
	[dreg:$0x19] =	wrdreg s25  }
0x1f: {  	s18 =	sadd.s32 $0x4E480, s0;
	s0 =	sadd.s32 $0x280, s0;
	[dreg:$0x10] =	wrdreg s5  }
0x20: {  	s28 =	simm.s32 $0x12;
	s25 =	sadd.s32 $0x46, s11;
	[dreg:$0x17] =	wrdreg s0  }
0x21: {  	s23 =	sshrl.u32 s21, $0x3;
	s4 =	sadd.s32 s4, s13;
	[smem:$0x7FC] =	sst s25  }
0x22: {  	s5 =	sshrl.u32 s9, $0x3;
	s9 =	sadd.s32 $0xA, s11;
	[dreg:$0xc] =	wrdreg s4  }
0x23: {  	s21 =	sshrl.u32 s18, $0x3;
	s18 =	sadd.s32 $0x32, s11;
	[smem:$0x7F0] =	sst s9  }
0x24: {  	s29 =	simm.s32 $0x14;
	s4 =	sadd.s32 s23, s13;
	[smem:$0x7F8] =	sst s18  }
0x25: {  	s6 =	simm.s32 $0x2;
	s14 =	sadd.s32 s5, s13;
	[dreg:$0xe] =	wrdreg s4  }
0x26: {  	s12 =	simm.s32 $0x8;
	s22 =	sadd.s32 s21, s13;
	[dreg:$0x13] =	wrdreg s14  }
0x27: {  	s10 =	simm.s32 $0x50;
	s23 =	sadd.s32 $0x2800, s19;
	[smem:$0x7EE] =	sst s22  }
0x28: {  	s5 =	sshrl.u32 s17, $0x3;
	s17 =	sadd.s32 $0x9C68, s11;
	[dreg:$0x18] =	wrdreg s23  }
0x29: {  	s26 =	simm.s32 $0xA180;
	s21 =	sadd.s32 $0x138000, s2;
	[smem:$0x7F7] =	sst s17  }
0x2a: {  	s25 =	simm.s32 $0x4;
	s20 =	sadd.s32 s5, s13;
	[dreg:$0x1f] =	wrdreg s21  }
0x2b: {  	s0 =	simm.s32 $0x15;
	s5 =	sadd.s32 $0xC800, s19;
	[dreg:$0x16] =	wrdreg s20  }
0x2c: {  	s9 =	simm.s32 $0x9;
	s14 =	sadd.s32 $0x1E, s11;
	[dreg:$0x1c] =	wrdreg s5  }
0x2d: {  	s4 =	sshrl.u32 s24, $0x3;
	s22 =	sadd.s32 $0x3C, s11;
	[smem:$0x7F4] =	sst s14  }
0x2e: {  	s24 =	smov.u32 s13;
	s23 =	sadd.s32 $0x9C7C, s11;
	[smem:$0x7FA] =	sst s22  }
0x2f: {  	s4 =	sadd.s32 s4, s13;
	s20 =	sadd.s32 $0x9C72, s11;
	[smem:$0x7FB] =	sst s23  }
0x30: {  	s22 =	simm.s32 $0x19;
	s14 =	simm.s32 $0x7800;
	[dreg:$0xf] =	wrdreg s4  }
0x31: {  	s5 =	simm.s32 $0x10;
	s4 =	sadd.s32 s7, s13;
	[smem:$0x7F9] =	sst s20  }
0x32: {  	s7 =	sadd.s32 $0x11800, s19;
	s20 =	simm.s32 $0x0;
	[dreg:$0x11] =	wrdreg s4  }
0x33: {  	s4 =	sshrl.u32 s8, $0x3;
	[dreg:$0x1e] =	wrdreg s7;
	s8 =	sadd.s32 $0x9C40, s11  }
0x34: {  	s7 =	simm.s32 $0xA600;
	s4 =	sadd.s32 s4, s13;
	[smem:$0x7EF] =	sst s8  }
0x35: {  	s8 =	simm.s32 $0xD;
	[dreg:$0x12] =	wrdreg s4;
	s4 =	sadd.s32 s15, s13  }
0x36: {  	s15 =	sadd.s32 $0x9C5E, s11;
	[dreg:$0x14] =	wrdreg s4;
	s4 =	sshrl.u32 s16, $0x3  }
.Ltmp0:
0x37: {  	[smem:$0x7F5] =	sst s15;
	s16 =	sadd.s32 $0x28, s11;
	(pc) =	sbr.rel .LBB2_1-.Ltmp0, $4  }
0x38: {  	s15 =	simm.s32 $0x1;
	s4 =	sadd.s32 s4, s13;
	[smem:$0x7F6] =	sst s16  }
0x39: {  	s13 =	sadd.s32 $0x9C54, s11;
	s11 =	simm.s32 $0x2800;
	[dreg:$0x15] =	wrdreg s4  }
0x3a: {  	s16 =	simm.s32 $0x11;
	s4 =	sadd.s32 $0xA000, s19;
	[smem:$0x7F3] =	sst s13  }
0x3b: {  	v0 =	vimm.f32 $0.0e+00;
	s13 =	simm.s32 $0x6;
	[dreg:$0x1b] =	wrdreg s4;
	s4 =	simm.s32 $0x5  }
.LBB2_8:
0x3c: {  	_ =	swait.ge [sflag:s15], $0x2800  }
0x3d: {  	[sflag:s15] =	ssyncset.done $0x0  }
0x3e: {  	[sflag:s15] =	ssyncadd.s32 $0xFFFFD800  }
0x3f: {  	_ =	swait.ge [sflag:s0], $0x50  }
0x40: {  	[sflag:s0] =	ssyncset.done $0x0  }
0x41: {  	[sflag:s0] =	ssyncadd.s32 $0xFFFFFFB0  }
0x42: {  	[spmem:s2] =	stream.indirect.scatter.add.f32 [tilespmem:s3], [sflag:$0x5], $0x80, s7, s10, $0xb8;
	[tilespmem:$0x1E080] =	vst v63  }
0x43: {  	_ =	swait.ge [sflag:s4], $0x2800  }
0x44: {  	[sflag:s4] =	ssyncset.done $0x0  }
0x45: {  	[sflag:s4] =	ssyncadd.s32 $0xFFFFD800  }
0x46: {  	s17 =	stileid.u32;
	[bflag:$0x0] =	sbarrier.arrive $0xFFFF  }
0x47: {  	s22 =	simm.s32 $0x19;
	s17 =	sshll.u32 s17, $0x6;
	s19 =	rddreg [dreg:$0x4]  }
0x48: {  	s17 =	sor.u32 $0x1C19, s17;
	s20 =	rddreg [dreg:$0x6];
	s18 =	sshrl.u32 s19, $0x3  }
0x49: {  	[hbm:s20], [sflag:s17] =	dma.local [spmem:s18], $0x2700  }
0x4a: {  	_ =	swait.ge [sflag:s22], $0x2700  }
0x4b: {  	[sflag:s22] =	ssyncset.done $0x0;
	s21 =	rddreg [dreg:$0x1f]  }
0x4c: {  	s20 =	rddreg [dreg:$0x7];
	[sflag:s22] =	ssyncadd.s32 $0xFFFFD900;
	s18 =	sshrl.u32 @!p0 s21, $0x3  }
0x4d: {  	[hbm:s20], [sflag:s17] =	dma.local @!p0 [spmem:s18], $0x100  }
0x4e: {  	s17 =	simm.s32 @!p0 $0x19  }
0x4f: {  	_ =	swait.ge @!p0 [sflag:s17], $0x100  }
0x50: {  	s18 =	sld [smem:$0x7ED];
	_ =	sdelay $0x2  }
0x51: {  	s23 =	rddreg [dreg:$0x8];
	s20 =	sadd.s32 $0x1, s18  }
0x52: {  	p1 =	sne.s32 s20, s23  }
.Ltmp1:
0x53: {  	_ = 	snop;
	(pc) =	sbr.rel @!p1 .LBB2_9-.Ltmp1, $3  }
0x54: {  	_ =	sdelay $0x1  }
0x55: {  	[sflag:s17] =	ssyncset.done @!p0 $0x0  }
0x56: {  	[sflag:s17] =	ssyncadd.s32 @!p0 $0xFFFFFF00  }
.LBB2_1:
0x57: {  	[smem:$0x7ED] =	sst s20;
	s17 =	simm.s32 $0x0;
	s18 =	simm.s32 $0x200  }
.LBB2_2:
0x58: {  	p1 =	sne.s32 s18, $0x9E00;
	[tilespmem:s17+$0x70] =	vst v0  }
0x59: {  	[tilespmem:s17+$0x0] =	vst v0  }
0x5a: {  	[tilespmem:s17+$0x10] =	vst v0  }
.Ltmp2:
0x5b: {  	[tilespmem:s17+$0x20] =	vst v0;
	(pc) =	sbr.rel @p1 .LBB2_2-.Ltmp2, $4  }
0x5c: {  	[tilespmem:s17+$0x30] =	vst v0  }
0x5d: {  	[tilespmem:s17+$0x40] =	vst v0  }
0x5e: {  	[tilespmem:s17+$0x50] =	vst v0  }
0x5f: {  	[tilespmem:s17+$0x60] =	vst v0;
	s17 =	sshra.s32 s18, $0x2;
	s18 =	sadd.s32 $0x200, s18  }
0x60: {  	[tilespmem:s17+$0x70] =	vst v0  }
0x61: {  	[tilespmem:s17+$0x0] =	vst v0  }
0x62: {  	[tilespmem:s17+$0x10] =	vst v0  }
0x63: {  	[tilespmem:s17+$0x20] =	vst v0  }
0x64: {  	[tilespmem:s17+$0x30] =	vst v0  }
0x65: {  	[tilespmem:s17+$0x40] =	vst v0  }
0x66: {  	[tilespmem:s17+$0x50] =	vst v0  }
0x67: {  	[tilespmem:s17+$0x60] =	vst v0  }
0x68: {  	[spmem:s19] =	stream.linear.scatter [tilespmem:s3], [sflag:$0x19], $0x2800, $0x38;
	[tilespmem:$0x1E080] =	vst v63  }
0x69: {  	_ =	swait.ge [sflag:s22], $0x2800  }
0x6a: {  	[sflag:s22] =	ssyncset.done $0x0  }
0x6b: {  	s18 =	rddreg [dreg:$0x18];
	[sflag:s22] =	ssyncadd.s32 $0xFFFFD800  }
0x6c: {  	[spmem:s18] =	stream.linear.scatter [tilespmem:s3], [sflag:$0x19], $0x2800, $0x38;
	[tilespmem:$0x1E080] =	vst v63  }
0x6d: {  	_ =	swait.ge [sflag:s22], $0x2800  }
0x6e: {  	[sflag:s22] =	ssyncset.done $0x0  }
0x6f: {  	s19 =	rddreg [dreg:$0x19];
	[sflag:s22] =	ssyncadd.s32 $0xFFFFD800  }
0x70: {  	[spmem:s19] =	stream.linear.scatter [tilespmem:s3], [sflag:$0x19], $0x2800, $0x38;
	[tilespmem:$0x1E080] =	vst v63  }
0x71: {  	_ =	swait.ge [sflag:s22], $0x2800  }
0x72: {  	[sflag:s22] =	ssyncset.done $0x0  }
0x73: {  	s20 =	rddreg [dreg:$0x1a];
	[sflag:s22] =	ssyncadd.s32 $0xFFFFD800  }
0x74: {  	[spmem:s20] =	stream.linear.scatter [tilespmem:s3], [sflag:$0x19], $0x2800, $0x38;
	[tilespmem:$0x1E080] =	vst v63  }
0x75: {  	_ =	swait.ge [sflag:s22], $0x2800  }
0x76: {  	[sflag:s22] =	ssyncset.done $0x0  }
0x77: {  	s23 =	rddreg [dreg:$0x1b];
	[sflag:s22] =	ssyncadd.s32 $0xFFFFD800  }
0x78: {  	[spmem:s23] =	stream.linear.scatter [tilespmem:s3], [sflag:$0x19], $0x2800, $0x38;
	[tilespmem:$0x1E080] =	vst v63  }
0x79: {  	_ =	swait.ge [sflag:s22], $0x2800  }
0x7a: {  	[sflag:s22] =	ssyncset.done $0x0  }
0x7b: {  	s18 =	rddreg [dreg:$0x1c];
	[sflag:s22] =	ssyncadd.s32 $0xFFFFD800  }
0x7c: {  	[spmem:s18] =	stream.linear.scatter [tilespmem:s3], [sflag:$0x19], $0x2800, $0x38;
	[tilespmem:$0x1E080] =	vst v63  }
0x7d: {  	_ =	swait.ge [sflag:s22], $0x2800  }
0x7e: {  	[sflag:s22] =	ssyncset.done $0x0  }
0x7f: {  	s19 =	rddreg [dreg:$0x1d];
	[sflag:s22] =	ssyncadd.s32 $0xFFFFD800  }
0x80: {  	[spmem:s19] =	stream.linear.scatter [tilespmem:s3], [sflag:$0x19], $0x2800, $0x38;
	[tilespmem:$0x1E080] =	vst v63  }
0x81: {  	_ =	swait.ge [sflag:s22], $0x2800  }
0x82: {  	[sflag:s22] =	ssyncset.done $0x0  }
0x83: {  	s20 =	rddreg [dreg:$0x1e];
	[sflag:s22] =	ssyncadd.s32 $0xFFFFD800  }
0x84: {  	[spmem:s20] =	stream.linear.scatter [tilespmem:s3], [sflag:$0x19], $0x2000, $0x38;
	[tilespmem:$0x1E080] =	vst v63  }
0x85: {  	_ =	swait.ge [sflag:s22], $0x2000  }
0x86: {  	[sflag:s22] =	ssyncset.done $0x0  }
0x87: {  	s17 =	simm.s32 @!p0 $0x0;
	[sflag:s22] =	ssyncadd.s32 $0xFFFFE000  }
0x88: {  	[spmem:s21] =	stream.linear.scatter @!p0 [tilespmem:s17], [sflag:$0x19], $0x800, $0x38;
	[tilespmem:$0x1E080] =	vst v63  }
0x89: {  	s17 =	simm.s32 @!p0 $0x19  }
0x8a: {  	_ =	swait.ge @!p0 [sflag:s17], $0x800  }
0x8b: {  	[sflag:s17] =	ssyncset.done @!p0 $0x0  }
0x8c: {  	[sflag:s17] =	ssyncadd.s32 @!p0 $0xFFFFF800  }
0x8d: {  	[bflag:$0x0] =	sbarrier.arrive $0xFFFF  }
0x8e: {  	s18 =	rddreg [dreg:$0x5]  }
0x8f: {  	s19 =	simm.s32 $0xA000;
	s17 =	simm.s32 $0x0;
	s22 =	sld [smem:$0x7EF]  }
0x90: {  	[tilespmem:s19], [sflag:$0x9] =	stream.linear.gather [hbm4b:s18+s17], $0x50, $0x38;
	[tilespmem:$0x1E080] =	vst v63  }
0x91: {  	s20 =	simm.s32 $0xA400;
	s23 =	sld [smem:$0x7F0]  }
0x92: {  	[tilespmem:s20], [sflag:$0x11] =	stream.linear.gather [hbm4b:s22+s17], $0x50, $0x38;
	[tilespmem:$0x1E080] =	vst v63  }
0x93: {  	s21 =	sld [smem:$0x7F1];
	s20 =	simm.s32 $0xA080  }
0x94: {  	[tilespmem:s20], [sflag:$0xA] =	stream.linear.gather [hbm4b:s23+s17], $0x50, $0x38;
	[tilespmem:$0x1E080] =	vst v63  }
0x95: {  	s22 =	simm.s32 $0xA480;
	s23 =	sld [smem:$0x7F2]  }
0x96: {  	[tilespmem:s22], [sflag:$0x12] =	stream.linear.gather [hbm4b:s21+s17], $0x50, $0x38;
	[tilespmem:$0x1E080] =	vst v63  }
0x97: {  	s21 =	simm.s32 $0xA100;
	s22 =	sld [smem:$0x7F3]  }
0x98: {  	[tilespmem:s21], [sflag:$0xB] =	stream.linear.gather [hbm4b:s23+s17], $0x50, $0x38;
	[tilespmem:$0x1E080] =	vst v63  }
0x99: {  	s23 =	simm.s32 $0xA500  }
0x9a: {  	[tilespmem:s23], [sflag:$0x13] =	stream.linear.gather [hbm4b:s22+s17], $0x50, $0x38;
	[tilespmem:$0x1E080] =	vst v63  }
0x9b: {  	s23 =	sld [smem:$0x7F4];
	_ =	sdelay $0x1  }
0x9c: {  	s22 =	simm.s32 $0xA180  }
0x9d: {  	[tilespmem:s22], [sflag:$0xC] =	stream.linear.gather [hbm4b:s23+s17], $0x50, $0x38;
	[tilespmem:$0x1E080] =	vst v63  }
0x9e: {  	s23 =	sld [smem:$0x7F5];
	_ =	sdelay $0x2  }
0x9f: {  	[tilespmem:s30], [sflag:$0x14] =	stream.linear.gather [hbm4b:s23+s17], $0x50, $0x38;
	[tilespmem:$0x1E080] =	vst v63  }
0xa0: {  	s23 =	sld [smem:$0x7F6];
	_ =	sdelay $0x2  }
0xa1: {  	[tilespmem:s31], [sflag:$0xD] =	stream.linear.gather [hbm4b:s23+s17], $0x50, $0x38;
	[tilespmem:$0x1E080] =	vst v63  }
0xa2: {  	s23 =	sld [smem:$0x7F7];
	_ =	sdelay $0x1  }
0xa3: {  	s18 =	sld [smem:$0x7F8]  }
0xa4: {  	[tilespmem:s7], [sflag:$0x15] =	stream.linear.gather [hbm4b:s23+s17], $0x50, $0x38;
	[tilespmem:$0x1E080] =	vst v63  }
0xa5: {  	s23 =	simm.s32 $0xA280  }
0xa6: {  	[tilespmem:s23], [sflag:$0xE] =	stream.linear.gather [hbm4b:s18+s17], $0x50, $0x38;
	[tilespmem:$0x1E080] =	vst v63  }
0xa7: {  	s18 =	sld [smem:$0x7F9];
	_ =	sdelay $0x1  }
0xa8: {  	s23 =	simm.s32 $0xA680  }
0xa9: {  	[tilespmem:s23], [sflag:$0x16] =	stream.linear.gather [hbm4b:s18+s17], $0x50, $0x38;
	[tilespmem:$0x1E080] =	vst v63  }
0xaa: {  	s18 =	sld [smem:$0x7FA];
	_ =	sdelay $0x1  }
0xab: {  	s23 =	simm.s32 $0xA300  }
0xac: {  	[tilespmem:s23], [sflag:$0xF] =	stream.linear.gather [hbm4b:s18+s17], $0x50, $0x38;
	[tilespmem:$0x1E080] =	vst v63  }
0xad: {  	s18 =	sld [smem:$0x7FB];
	_ =	sdelay $0x1  }
0xae: {  	s23 =	simm.s32 $0xA700  }
0xaf: {  	[tilespmem:s23], [sflag:$0x17] =	stream.linear.gather [hbm4b:s18+s17], $0x50, $0x38;
	[tilespmem:$0x1E080] =	vst v63  }
0xb0: {  	s18 =	sld [smem:$0x7FC];
	_ =	sdelay $0x1  }
0xb1: {  	s23 =	simm.s32 $0xA380  }
0xb2: {  	[tilespmem:s23], [sflag:$0x10] =	stream.linear.gather [hbm4b:s18+s17], $0x50, $0x38;
	[tilespmem:$0x1E080] =	vst v63  }
0xb3: {  	s18 =	sld [smem:$0x7FD];
	_ =	sdelay $0x1  }
0xb4: {  	s23 =	simm.s32 $0xA780  }
0xb5: {  	[tilespmem:s23], [sflag:$0x18] =	stream.linear.gather [hbm4b:s18+s17], $0x50, $0x38;
	[tilespmem:$0x1E080] =	vst v63  }
0xb6: {  	_ =	swait.ge [sflag:s9], $0x50  }
0xb7: {  	[sflag:s9] =	ssyncset.done $0x0  }
0xb8: {  	s23 =	simm.s32 $0xA;
	[sflag:s9] =	ssyncadd.s32 $0xFFFFFFB0  }
0xb9: {  	[tilespmem:s17], [sflag:$0x1] =	stream.indirect.gather [hbm4b:s1+s10], $0x80, s19, s10, $0xb8;
	[tilespmem:$0x1E080] =	vst v63  }
0xba: {  	_ =	swait.ge [sflag:s23], $0x50  }
0xbb: {  	[sflag:s23] =	ssyncset.done $0x0  }
0xbc: {  	s19 =	simm.s32 $0xB;
	[sflag:s23] =	ssyncadd.s32 $0xFFFFFFB0  }
0xbd: {  	[tilespmem:s11], [sflag:$0x2] =	stream.indirect.gather [hbm4b:s1+s10], $0x80, s20, s10, $0xb8;
	[tilespmem:$0x1E080] =	vst v63  }
0xbe: {  	_ =	swait.ge [sflag:s19], $0x50  }
0xbf: {  	[sflag:s19] =	ssyncset.done $0x0  }
0xc0: {  	s20 =	simm.s32 $0x5000;
	[sflag:s19] =	ssyncadd.s32 $0xFFFFFFB0  }
0xc1: {  	[tilespmem:s20], [sflag:$0x3] =	stream.indirect.gather [hbm4b:s1+s10], $0x80, s21, s10, $0xb8;
	[tilespmem:$0x1E080] =	vst v63  }
.Ltmp3:
0xc2: {  	s23 =	simm.s32 $0xC;
	(pc) =	sbr.rel .LBB2_4-.Ltmp3, $4  }
0xc3: {  	_ =	swait.ge [sflag:s23], $0x50  }
0xc4: {  	[sflag:s23] =	ssyncset.done $0x0  }
0xc5: {  	s19 =	simm.s32 $0x0;
	s18 =	rddreg [dreg:$0x17];
	[sflag:s23] =	ssyncadd.s32 $0xFFFFFFB0  }
0xc6: {  	[tilespmem:s14], [sflag:$0x4] =	stream.indirect.gather [hbm4b:s1+s10], $0x80, s22, s10, $0xb8;
	[tilespmem:$0x1E080] =	vst v63  }
.LBB2_7:
0xc7: {  	s19 =	sadd.s32 $0x1, s19;
	s17 =	sadd.s32 $0x50, s17;
	s18 =	sadd.s32 $0x280, s18  }
.LBB2_4:
0xc8: {  	_ =	swait.ge [sflag:s15], $0x2800  }
0xc9: {  	[sflag:s15] =	ssyncset.done $0x0  }
0xca: {  	[sflag:s15] =	ssyncadd.s32 $0xFFFFD800  }
0xcb: {  	_ =	swait.ge [sflag:s16], $0x50  }
0xcc: {  	[sflag:s16] =	ssyncset.done $0x0  }
0xcd: {  	s20 =	simm.s32 $0xA400;
	[sflag:s16] =	ssyncadd.s32 $0xFFFFFFB0  }
0xce: {  	[spmem:s2] =	stream.indirect.scatter.add.f32 [tilespmem:s3], [sflag:$0x5], $0x80, s20, s10, $0xb8;
	[tilespmem:$0x1E080] =	vst v63  }
0xcf: {  	p1 =	seq.s32 s17, $0x4B0;
	_ =	swait.ge [sflag:s4], $0x2800  }
0xd0: {  	s22 =	simm.s32 @!p1 $0xA000;
	s20 =	sshrl.u32 @!p1 s18, $0x3;
	[sflag:s4] =	ssyncset.done $0x0  }
0xd1: {  	s21 =	sadd.s32 @!p1 s24, s20;
	s20 =	simm.s32 @!p1 $0x0;
	[sflag:s4] =	ssyncadd.s32 $0xFFFFD800  }
0xd2: {  	[tilespmem:s22], [sflag:$0x9] =	stream.linear.gather @!p1 [hbm4b:s21+s20], $0x50, $0x38;
	[tilespmem:$0x1E080] =	vst v63  }
0xd3: {  	s21 =	sld [smem:$0x7EE];
	_ =	sdelay $0x2  }
0xd4: {  	s22 =	simm.s32 @!p1 $0xA400;
	s21 =	sadd.s32 @!p1 s17, s21  }
0xd5: {  	[tilespmem:s22], [sflag:$0x11] =	stream.linear.gather @!p1 [hbm4b:s21+s20], $0x50, $0x38;
	[tilespmem:$0x1E080] =	vst v63  }
0xd6: {  	_ =	swait.ge [sflag:s8], $0x50  }
0xd7: {  	[sflag:s8] =	ssyncset.done $0x0  }
0xd8: {  	[sflag:s8] =	ssyncadd.s32 $0xFFFFFFB0  }
0xd9: {  	[tilespmem:s3], [sflag:$0x1] =	stream.indirect.gather [hbm4b:s1+s10], $0x80, s31, s10, $0xb8;
	[tilespmem:$0x1E080] =	vst v63  }
0xda: {  	_ =	swait.ge [sflag:s6], $0x2800  }
0xdb: {  	[sflag:s6] =	ssyncset.done $0x0  }
0xdc: {  	[sflag:s6] =	ssyncadd.s32 $0xFFFFD800  }
0xdd: {  	_ =	swait.ge [sflag:s28], $0x50  }
0xde: {  	[sflag:s28] =	ssyncset.done $0x0  }
0xdf: {  	s23 =	simm.s32 $0xA480;
	[sflag:s28] =	ssyncadd.s32 $0xFFFFFFB0  }
0xe0: {  	[spmem:s2] =	stream.indirect.scatter.add.f32 [tilespmem:s11], [sflag:$0x6], $0x80, s23, s10, $0xb8;
	[tilespmem:$0x1E080] =	vst v63  }
0xe1: {  	_ =	swait.ge [sflag:s13], $0x2800  }
0xe2: {  	[sflag:s13] =	ssyncset.done $0x0  }
0xe3: {  	s21 =	simm.s32 @p1 $0x3;
	[sflag:s13] =	ssyncadd.s32 $0xFFFFD800  }
0xe4: {  	_ =	swait.ge @p1 [sflag:s21], $0x2800  }
0xe5: {  	[sflag:s21] =	ssyncset.done @p1 $0x0  }
0xe6: {  	[sflag:s21] =	ssyncadd.s32 @p1 $0xFFFFD800;
	s21 =	simm.s32 @p1 $0x13  }
0xe7: {  	_ =	swait.ge @p1 [sflag:s21], $0x50  }
0xe8: {  	s22 =	simm.s32 @p1 $0xA500;
	[sflag:s21] =	ssyncset.done @p1 $0x0  }
0xe9: {  	s23 =	simm.s32 @p1 $0x5000;
	[sflag:s21] =	ssyncadd.s32 @p1 $0xFFFFFFB0;
	s21 =	simm.s32 @p1 $0x50  }
0xea: {  	[spmem:s2] =	stream.indirect.scatter.add.f32 @p1 [tilespmem:s23], [sflag:$0x7], $0x80, s22, s21, $0xb8;
	[tilespmem:$0x1E080] =	vst v63  }
0xeb: {  	s21 =	simm.s32 @p1 $0x7  }
0xec: {  	_ =	swait.ge @p1 [sflag:s21], $0x2800  }
0xed: {  	[sflag:s21] =	ssyncset.done @p1 $0x0  }
0xee: {  	[sflag:s21] =	ssyncadd.s32 @p1 $0xFFFFD800;
	s21 =	rddreg [dreg:$0x15]  }
0xef: {  	s22 =	simm.s32 @!p1 $0xA080;
	s21 =	sadd.s32 @!p1 s17, s21  }
0xf0: {  	[tilespmem:s22], [sflag:$0xA] =	stream.linear.gather @!p1 [hbm4b:s21+s20], $0x50, $0x38;
	[tilespmem:$0x1E080] =	vst v63  }
0xf1: {  	s21 =	rddreg [dreg:$0x16]  }
0xf2: {  	s22 =	simm.s32 @!p1 $0xA480;
	s21 =	sadd.s32 @!p1 s17, s21  }
0xf3: {  	[tilespmem:s22], [sflag:$0x12] =	stream.linear.gather @!p1 [hbm4b:s21+s20], $0x50, $0x38;
	[tilespmem:$0x1E080] =	vst v63  }
0xf4: {  	s21 =	simm.s32 @!p1 $0xE  }
0xf5: {  	_ =	swait.ge @!p1 [sflag:s21], $0x50  }
0xf6: {  	s23 =	simm.s32 @!p1 $0x2800;
	[sflag:s21] =	ssyncset.done @!p1 $0x0  }
0xf7: {  	s22 =	simm.s32 @!p1 $0xA280;
	[sflag:s21] =	ssyncadd.s32 @!p1 $0xFFFFFFB0;
	s21 =	simm.s32 @!p1 $0x50  }
0xf8: {  	[tilespmem:s23], [sflag:$0x2] =	stream.indirect.gather @!p1 [hbm4b:s1+s21], $0x80, s22, s21, $0xb8;
	[tilespmem:$0x1E080] =	vst v63  }
0xf9: {  	s22 =	simm.s32 @!p1 $0x3  }
0xfa: {  	_ =	swait.ge @!p1 [sflag:s22], $0x2800  }
0xfb: {  	[sflag:s22] =	ssyncset.done @!p1 $0x0  }
0xfc: {  	[sflag:s22] =	ssyncadd.s32 @!p1 $0xFFFFD800;
	s22 =	simm.s32 @!p1 $0x13  }
0xfd: {  	_ =	swait.ge @!p1 [sflag:s22], $0x50  }
0xfe: {  	[sflag:s22] =	ssyncset.done @!p1 $0x0  }
0xff: {  	s23 =	simm.s32 @!p1 $0x5000;
	[sflag:s22] =	ssyncadd.s32 @!p1 $0xFFFFFFB0;
	s22 =	simm.s32 @!p1 $0xA500  }
0x100: {  	[spmem:s2] =	stream.indirect.scatter.add.f32 @!p1 [tilespmem:s23], [sflag:$0x7], $0x80, s22, s21, $0xb8;
	[tilespmem:$0x1E080] =	vst v63  }
0x101: {  	s21 =	simm.s32 @!p1 $0x7  }
0x102: {  	_ =	swait.ge @!p1 [sflag:s21], $0x2800  }
0x103: {  	[sflag:s21] =	ssyncset.done @!p1 $0x0  }
0x104: {  	[sflag:s21] =	ssyncadd.s32 @!p1 $0xFFFFD800;
	s21 =	rddreg [dreg:$0x13]  }
0x105: {  	s23 =	simm.s32 @!p1 $0xA100;
	s21 =	sadd.s32 @!p1 s17, s21  }
0x106: {  	[tilespmem:s23], [sflag:$0xB] =	stream.linear.gather @!p1 [hbm4b:s21+s20], $0x50, $0x38;
	[tilespmem:$0x1E080] =	vst v63  }
0x107: {  	p2 =	sgt.u32 @!p1 s19, $0xE;
	s21 =	rddreg [dreg:$0x14]  }
0x108: {  	p2 =	por p2, p1;
	s21 =	sadd.s32 @!p1 s17, s21  }
0x109: {  	[tilespmem:s22], [sflag:$0x13] =	stream.linear.gather @!p1 [hbm4b:s21+s20], $0x50, $0x38;
	[tilespmem:$0x1E080] =	vst v63  }
0x10a: {  	s20 =	simm.s32 @!p2 $0xF  }
0x10b: {  	_ =	swait.ge @!p2 [sflag:s20], $0x50  }
0x10c: {  	s21 =	simm.s32 @!p2 $0xA300;
	[sflag:s20] =	ssyncset.done @!p2 $0x0  }
0x10d: {  	s22 =	simm.s32 @!p2 $0x5000;
	[sflag:s20] =	ssyncadd.s32 @!p2 $0xFFFFFFB0;
	s20 =	simm.s32 @!p2 $0x50  }
0x10e: {  	[tilespmem:s22], [sflag:$0x3] =	stream.indirect.gather @!p2 [hbm4b:s1+s20], $0x80, s21, s20, $0xb8;
	[tilespmem:$0x1E080] =	vst v63  }
0x10f: {  	_ =	swait.ge [sflag:s25], $0x2800  }
0x110: {  	[sflag:s25] =	ssyncset.done $0x0  }
0x111: {  	[sflag:s25] =	ssyncadd.s32 $0xFFFFD800  }
0x112: {  	_ =	swait.ge [sflag:s29], $0x50  }
0x113: {  	[sflag:s29] =	ssyncset.done $0x0  }
.Ltmp4:
0x114: {  	[sflag:s29] =	ssyncadd.s32 $0xFFFFFFB0;
	(pc) =	sbr.rel @p1 .LBB2_8-.Ltmp4, $4  }
0x115: {  	[spmem:s2] =	stream.indirect.scatter.add.f32 [tilespmem:s14], [sflag:$0x8], $0x80, s30, s10, $0xb8;
	[tilespmem:$0x1E080] =	vst v63  }
0x116: {  	_ =	swait.ge [sflag:s12], $0x2800  }
0x117: {  	[sflag:s12] =	ssyncset.done $0x0  }
0x118: {  	[sflag:s12] =	ssyncadd.s32 $0xFFFFD800  }
0x119: {  	s20 =	rddreg [dreg:$0x11]  }
0x11a: {  	s22 =	rddreg [dreg:$0x12];
	s20 =	sadd.s32 s17, s20  }
0x11b: {  	[tilespmem:s26], [sflag:$0xC] =	stream.linear.gather [hbm4b:s20+s3], $0x50, $0x38;
	[tilespmem:$0x1E080] =	vst v63  }
0x11c: {  	s20 =	sadd.s32 s17, s22  }
0x11d: {  	[tilespmem:s30], [sflag:$0x14] =	stream.linear.gather [hbm4b:s20+s3], $0x50, $0x38;
	[tilespmem:$0x1E080] =	vst v63  }
0x11e: {  	_ =	swait.ge [sflag:s5], $0x50  }
0x11f: {  	[sflag:s5] =	ssyncset.done $0x0  }
0x120: {  	s23 =	simm.s32 $0xA380;
	[sflag:s5] =	ssyncadd.s32 $0xFFFFFFB0  }
0x121: {  	[tilespmem:s14], [sflag:$0x4] =	stream.indirect.gather [hbm4b:s1+s10], $0x80, s23, s10, $0xb8;
	[tilespmem:$0x1E080] =	vst v63  }
0x122: {  	_ =	swait.ge [sflag:s15], $0x2800  }
0x123: {  	[sflag:s15] =	ssyncset.done $0x0  }
0x124: {  	[sflag:s15] =	ssyncadd.s32 $0xFFFFD800  }
0x125: {  	_ =	swait.ge [sflag:s0], $0x50  }
0x126: {  	[sflag:s0] =	ssyncset.done $0x0  }
0x127: {  	[sflag:s0] =	ssyncadd.s32 $0xFFFFFFB0  }
0x128: {  	[spmem:s2] =	stream.indirect.scatter.add.f32 [tilespmem:s3], [sflag:$0x5], $0x80, s7, s10, $0xb8;
	[tilespmem:$0x1E080] =	vst v63  }
0x129: {  	_ =	swait.ge [sflag:s4], $0x2800  }
0x12a: {  	[sflag:s4] =	ssyncset.done $0x0;
	s21 =	rddreg [dreg:$0xf]  }
0x12b: {  	s22 =	rddreg [dreg:$0x10];
	[sflag:s4] =	ssyncadd.s32 $0xFFFFD800;
	s20 =	sadd.s32 s17, s21  }
0x12c: {  	[tilespmem:s31], [sflag:$0xD] =	stream.linear.gather [hbm4b:s20+s3], $0x50, $0x38;
	[tilespmem:$0x1E080] =	vst v63  }
0x12d: {  	p1 =	sgt.u32 s19, $0xE;
	s20 =	sadd.s32 s17, s22  }
0x12e: {  	[tilespmem:s7], [sflag:$0x15] =	stream.linear.gather [hbm4b:s20+s3], $0x50, $0x38;
	[tilespmem:$0x1E080] =	vst v63  }
.Ltmp5:
0x12f: {  	_ = 	snop;
	(pc) =	sbr.rel @p1 .LBB2_7-.Ltmp5, $4  }
0x130: {  	_ =	swait.ge [sflag:s9], $0x50  }
0x131: {  	[sflag:s9] =	ssyncset.done $0x0  }
0x132: {  	s23 =	simm.s32 $0xA000;
	[sflag:s9] =	ssyncadd.s32 $0xFFFFFFB0  }
0x133: {  	[tilespmem:s3], [sflag:$0x1] =	stream.indirect.gather [hbm4b:s1+s10], $0x80, s23, s10, $0xb8;
	[tilespmem:$0x1E080] =	vst v63  }
0x134: {  	_ =	swait.ge [sflag:s6], $0x2800  }
0x135: {  	[sflag:s6] =	ssyncset.done $0x0  }
0x136: {  	s20 =	simm.s32 $0x16;
	[sflag:s6] =	ssyncadd.s32 $0xFFFFD800  }
0x137: {  	_ =	swait.ge [sflag:s20], $0x50  }
0x138: {  	[sflag:s20] =	ssyncset.done $0x0  }
0x139: {  	s21 =	simm.s32 $0xA680;
	[sflag:s20] =	ssyncadd.s32 $0xFFFFFFB0  }
0x13a: {  	[spmem:s2] =	stream.indirect.scatter.add.f32 [tilespmem:s11], [sflag:$0x6], $0x80, s21, s10, $0xb8;
	[tilespmem:$0x1E080] =	vst v63  }
0x13b: {  	p1 =	seq.s32 s17, $0x460;
	_ =	swait.ge [sflag:s13], $0x2800  }
0x13c: {  	s22 =	simm.s32 @!p1 $0xA280;
	[sflag:s13] =	ssyncset.done $0x0;
	s20 =	rddreg [dreg:$0xd]  }
0x13d: {  	s21 =	simm.s32 @!p1 $0x0;
	[sflag:s13] =	ssyncadd.s32 $0xFFFFD800;
	s20 =	sadd.s32 @!p1 s17, s20  }
0x13e: {  	[tilespmem:s22], [sflag:$0xE] =	stream.linear.gather @!p1 [hbm4b:s20+s21], $0x50, $0x38;
	[tilespmem:$0x1E080] =	vst v63  }
0x13f: {  	s20 =	rddreg [dreg:$0xe]  }
0x140: {  	s22 =	simm.s32 @!p1 $0xA680;
	s20 =	sadd.s32 @!p1 s17, s20  }
0x141: {  	[tilespmem:s22], [sflag:$0x16] =	stream.linear.gather @!p1 [hbm4b:s20+s21], $0x50, $0x38;
	[tilespmem:$0x1E080] =	vst v63  }
0x142: {  	s22 =	simm.s32 $0xA  }
0x143: {  	_ =	swait.ge [sflag:s22], $0x50  }
0x144: {  	[sflag:s22] =	ssyncset.done $0x0  }
0x145: {  	s23 =	simm.s32 $0xA080;
	[sflag:s22] =	ssyncadd.s32 $0xFFFFFFB0;
	s22 =	simm.s32 $0x3  }
0x146: {  	[tilespmem:s11], [sflag:$0x2] =	stream.indirect.gather [hbm4b:s1+s10], $0x80, s23, s10, $0xb8;
	[tilespmem:$0x1E080] =	vst v63  }
0x147: {  	_ =	swait.ge [sflag:s22], $0x2800  }
0x148: {  	[sflag:s22] =	ssyncset.done $0x0  }
0x149: {  	s23 =	simm.s32 $0x17;
	[sflag:s22] =	ssyncadd.s32 $0xFFFFD800  }
0x14a: {  	_ =	swait.ge [sflag:s23], $0x50  }
0x14b: {  	[sflag:s23] =	ssyncset.done $0x0  }
0x14c: {  	s22 =	simm.s32 $0xA700;
	[sflag:s23] =	ssyncadd.s32 $0xFFFFFFB0;
	s23 =	simm.s32 $0x5000  }
0x14d: {  	[spmem:s2] =	stream.indirect.scatter.add.f32 [tilespmem:s23], [sflag:$0x7], $0x80, s22, s10, $0xb8;
	[tilespmem:$0x1E080] =	vst v63  }
0x14e: {  	s22 =	simm.s32 $0x7  }
0x14f: {  	_ =	swait.ge [sflag:s22], $0x2800  }
0x150: {  	[sflag:s22] =	ssyncset.done $0x0;
	s20 =	rddreg [dreg:$0xb]  }
0x151: {  	[sflag:s22] =	ssyncadd.s32 $0xFFFFD800;
	s20 =	sadd.s32 @!p1 s17, s20;
	s22 =	simm.s32 @!p1 $0xA300  }
0x152: {  	[tilespmem:s22], [sflag:$0xF] =	stream.linear.gather @!p1 [hbm4b:s20+s21], $0x50, $0x38;
	[tilespmem:$0x1E080] =	vst v63  }
0x153: {  	s20 =	rddreg [dreg:$0xc]  }
0x154: {  	s22 =	simm.s32 @!p1 $0xA700;
	s20 =	sadd.s32 @!p1 s17, s20  }
0x155: {  	[tilespmem:s22], [sflag:$0x17] =	stream.linear.gather @!p1 [hbm4b:s20+s21], $0x50, $0x38;
	[tilespmem:$0x1E080] =	vst v63  }
0x156: {  	s22 =	simm.s32 $0xB  }
0x157: {  	_ =	swait.ge [sflag:s22], $0x50  }
0x158: {  	[sflag:s22] =	ssyncset.done $0x0  }
0x159: {  	[sflag:s22] =	ssyncadd.s32 $0xFFFFFFB0;
	s22 =	simm.s32 $0xA100  }
0x15a: {  	[tilespmem:s23], [sflag:$0x3] =	stream.indirect.gather [hbm4b:s1+s10], $0x80, s22, s10, $0xb8;
	[tilespmem:$0x1E080] =	vst v63  }
0x15b: {  	_ =	swait.ge [sflag:s25], $0x2800  }
0x15c: {  	[sflag:s25] =	ssyncset.done $0x0  }
0x15d: {  	s23 =	simm.s32 $0x18;
	[sflag:s25] =	ssyncadd.s32 $0xFFFFD800  }
0x15e: {  	_ =	swait.ge [sflag:s23], $0x50  }
0x15f: {  	[sflag:s23] =	ssyncset.done $0x0  }
0x160: {  	s22 =	simm.s32 $0xA780;
	[sflag:s23] =	ssyncadd.s32 $0xFFFFFFB0  }
0x161: {  	[spmem:s2] =	stream.indirect.scatter.add.f32 [tilespmem:s14], [sflag:$0x8], $0x80, s22, s10, $0xb8;
	[tilespmem:$0x1E080] =	vst v63  }
0x162: {  	_ =	swait.ge [sflag:s12], $0x2800  }
0x163: {  	[sflag:s12] =	ssyncset.done $0x0;
	s20 =	rddreg [dreg:$0x9]  }
0x164: {  	s22 =	simm.s32 @!p1 $0xA380;
	[sflag:s12] =	ssyncadd.s32 $0xFFFFD800;
	s20 =	sadd.s32 @!p1 s17, s20  }
0x165: {  	[tilespmem:s22], [sflag:$0x10] =	stream.linear.gather @!p1 [hbm4b:s20+s21], $0x50, $0x38;
	[tilespmem:$0x1E080] =	vst v63  }
0x166: {  	s20 =	rddreg [dreg:$0xa]  }
0x167: {  	s22 =	simm.s32 @!p1 $0xA780;
	s20 =	sadd.s32 @!p1 s17, s20  }
0x168: {  	[tilespmem:s22], [sflag:$0x18] =	stream.linear.gather @!p1 [hbm4b:s20+s21], $0x50, $0x38;
	[tilespmem:$0x1E080] =	vst v63  }
.Ltmp6:
0x169: {  	s23 =	simm.s32 $0xC;
	(pc) =	sbr.rel .LBB2_7-.Ltmp6, $4  }
0x16a: {  	_ =	swait.ge [sflag:s23], $0x50  }
0x16b: {  	[sflag:s23] =	ssyncset.done $0x0  }
0x16c: {  	[sflag:s23] =	ssyncadd.s32 $0xFFFFFFB0  }
0x16d: {  	[tilespmem:s14], [sflag:$0x4] =	stream.indirect.gather [hbm4b:s1+s10], $0x80, s26, s10, $0xb8;
	[tilespmem:$0x1E080] =	vst v63  }
.LBB2_9:
0x16e: {  	_ =	sfence.sel $0x180000  }
0x16f: {  	[bflag:$0x0] =	sbarrier.arrive $0xFFFF  }
0x170: {  	_ =	strace $0x90000047  }
0x171: {  	[bflag:$0x2] =	sbarrier.arrive $0xFFFF  }
0x172: {  	s0 =	rddreg [dreg:$0x3]  }
0x173: {  	s0 =	sadd.s32 @!p0 $0x100000, s0  }
0x174: {  	[sflag:s0] =	ssyncadd.tile.s32 @!p0 $0x1;
	_ =	shalt  }
.Lfunc_end2:
_tile_overlayer_lowered:
.L_overlay_start_2:
0x175: {  	(tag) =	ssettag $0x2  }
0x176: {  	s0 =	rddreg [dreg:$0x0];
	s2 =	stileid.u32  }
0x177: {  	s1 =	rddreg [dreg:$0x1];
	p0 =	sne.s32 s2, $0x0  }
0x178: {  	s3 =	rddreg [dreg:$0x2];
	[bflag:$0x3] =	sbarrier.arrive $0xFFFF;
	s2 =	simm.s32 @!p0 $0x1C19  }
0x179: {  	[timem:s3], [sflag:s2] =	dma.local @!p0 [hbm:s0], s1  }
0x17a: {  	s0 =	simm.s32 @!p0 $0x19  }
0x17b: {  	_ =	swait.ge @!p0 [sflag:s0], s1  }
0x17c: {  	s1 =	ssub.s32 @!p0 $0x0, s1;
	[sflag:s0] =	ssyncset.done @!p0 $0x0  }
0x17d: {  	[sflag:s0] =	ssyncadd.s32 @!p0 s1  }
0x17e: {  	[bflag:$0x3] =	sbarrier.arrive $0xFFFF  }
0x17f: {  	_ =	shalt  }

// kernel: kernel.9.cloned.1.call-start
scs
__scs_entry_jumppad:
0x0: {  	(pc) =	sbr.rel $0x88, $3  }
0x1: {  	(tag) =	ssettag $0x0;
	lr =	simm.s32 $0x1  }
0x2: {  	[smem:$0x3F95] =	sst lr;
	_ =	strace $0xD0000000  }
0x3: {  	_ = 	snop  }
0x4: {  	_ = 	snop  }
0x5: {  	_ = 	snop  }
0x6: {  	_ = 	snop  }
0x7: {  	_ = 	snop  }
__scs_overlays_trampoline_lowered:
0x8: {  	[smem:$0x3FA4] =	sst s0  }
0x9: {  	[smem:$0x3FA5] =	sst s1  }
0xa: {  	[smem:$0x3FA6] =	sst s2  }
0xb: {  	[smem:$0x3FA7] =	sst s3  }
0xc: {  	[smem:$0x3FA8] =	sst s4  }
0xd: {  	[smem:$0x3FA9] =	sst s5  }
0xe: {  	[smem:$0x3FAA] =	sst s6  }
0xf: {  	[smem:$0x3FAB] =	sst s7  }
0x10: {  	[smem:$0x3FAC] =	sst s8  }
0x11: {  	[smem:$0x3FAD] =	sst s9;
	s0 =	simm.s32 @!p0 $0x0  }
0x12: {  	s1 =	sld [smem:$0x3F93];
	s0 =	simm.s32 @p0 $0x1  }
0x13: {  	[smem:$0x3FAE] =	sst s0;
	s0 =	simm.s32 @!p1 $0x0  }
0x14: {  	s2 =	sld [smem:$0x3F92];
	s0 =	simm.s32 @p1 $0x1  }
0x15: {  	[smem:$0x3FAF] =	sst s0;
	s0 =	simm.s32 @!p2 $0x0  }
0x16: {  	s3 =	sld [smem:$0x3FDB];
	s0 =	simm.s32 @p2 $0x1  }
0x17: {  	s4 =	simm.s32 $0x1BF5;
	[smem:$0x3FB1] =	sst s0  }
0x18: {  	s0 =	sld [smem:$0x3F94];
	_ =	swait.ge [sflag:s4], $0x0  }
0x19: {  	s7 =	sld [smem:$0x3F95]  }
0x1a: {  	s8 =	sadd.s32 $0xFFFFE003, lr  }
0x1b: {  	s9 =	sadd.s32 $0xFFFFFEF7, lr;
	s5 =	simm.s32 $0xFFFFFFFF;
	p2 =	slt.u32 s8, $0xFFFFF086  }
0x1c: {  	p1 =	slt.u32 s9, $0xF7A;
	s5 =	simm.s32 @!p2 $0x0  }
0x1d: {  	s5 =	simm.s32 @p1 $0x1;
	p0 =	seq.s32 s7, s2  }
0x1e: {  	s7 =	smul.u32 @!p0 $0xF7A, s2;
	p2 =	seq.s32 @!p0 s5, $0x0  }
0x1f: {  	s9 =	smul.u32 $0xF7A, s1;
	s8 =	simm.s32 @!p0 $0x1BF5;
	p2 =	por !p2, p0  }
0x20: {  	[sflag:s8] =	ssyncset.s32 @!p0 $0xFFFFF086;
	s6 =	sadd.s32 @!p0 s3, s7;
	s7 =	simm.s32 @!p0 $0x108  }
0x21: {  	s3 =	sadd.s32 s3, s9;
	s6 =	sadd.s32 @!p0 $0x88, s6;
	s7 =	simm.s32 @p2 $0x1082  }
0x22: {  	[simem:s7], [sflag:s8] =	dma.local @!p0 [hbm:s6], $0xF7A  }
0x23: {  	s9 =	sor.u32 $0xD0000000, s2;
	s6 =	simm.s32 $0x108;
	_ =	swait.ge @!p0 [sflag:s8], $0x0  }
0x24: {  	s3 =	sadd.s32 $0x88, s3;
	s6 =	simm.s32 @!p1 $0x1082;
	[sflag:s4] =	ssyncset.s32 $0xFFFFF086  }
0x25: {  	[simem:s6], [sflag:s4] =	dma.local [hbm:s3], $0xF7A  }
0x26: {  	[smem:$0x3F95] =	sst s1;
	(tag) =	ssettag s2;
	_ =	strace s9  }
0x27: {  	s1 =	sld [smem:$0x3FA5]  }
0x28: {  	s2 =	sld [smem:$0x3FA6]  }
0x29: {  	s4 =	sld [smem:$0x3FA8]  }
0x2a: {  	p0 =	seq.s32 s5, $0x0;
	s5 =	sld [smem:$0x3FA9]  }
0x2b: {  	s6 =	sld [smem:$0x3FAA]  }
0x2c: {  	s7 =	sld [smem:$0x3FAB]  }
0x2d: {  	s3 =	simm.s32 $0x108;
	s8 =	sld [smem:$0x3FAC]  }
0x2e: {  	s3 =	simm.s32 @!p0 $0x1082;
	s9 =	sld [smem:$0x3FAD]  }
0x2f: {  	lr =	sadd.s32 s0, s3;
	s0 =	sld [smem:$0x3FA4]  }
0x30: {  	s3 =	sld [smem:$0x3FA7]  }
0x31: {  	[smem:$0x3FB0] =	sst s10  }
0x32: {  	s10 =	sld [smem:$0x3FAE];
	_ =	sdelay $0x3  }
0x33: {  	p0 =	seq.s32 s10, $0x1;
	s10 =	sld [smem:$0x3FB0];
	_ =	sdelay $0x3  }
0x34: {  	[smem:$0x3FB0] =	sst s10  }
0x35: {  	s10 =	sld [smem:$0x3FAF];
	_ =	sdelay $0x3  }
0x36: {  	p1 =	seq.s32 s10, $0x1;
	s10 =	sld [smem:$0x3FB0];
	_ =	sdelay $0x3  }
0x37: {  	[smem:$0x3FB0] =	sst s10  }
0x38: {  	s10 =	sld [smem:$0x3FB1]  }
0x39: {  	_ = 	snop;
	(pc) =	sbr.ind lr, $3  }
0x3a: {  	_ = 	snop  }
0x3b: {  	_ = 	snop  }
0x3c: {  	p2 =	seq.s32 s10, $0x1;
	s10 =	sld [smem:$0x3FB0]  }
0x3d: {  	_ =	shalt  }
0x3e: {  	_ =	shalt  }
0x3f: {  	_ =	shalt  }
0x40: {  	_ =	shalt  }
0x41: {  	_ =	shalt  }
0x42: {  	_ =	shalt  }
0x43: {  	_ =	shalt  }
0x44: {  	_ =	shalt  }
0x45: {  	_ =	shalt  }
0x46: {  	_ =	shalt  }
0x47: {  	_ =	shalt  }
0x48: {  	_ =	shalt  }
0x49: {  	_ =	shalt  }
0x4a: {  	_ =	shalt  }
0x4b: {  	_ =	shalt  }
0x4c: {  	_ =	shalt  }
0x4d: {  	_ =	shalt  }
0x4e: {  	_ =	shalt  }
0x4f: {  	_ =	shalt  }
0x50: {  	_ =	shalt  }
0x51: {  	_ =	shalt  }
0x52: {  	_ =	shalt  }
0x53: {  	_ =	shalt  }
0x54: {  	_ =	shalt  }
0x55: {  	_ =	shalt  }
0x56: {  	_ =	shalt  }
0x57: {  	_ =	shalt  }
0x58: {  	_ =	shalt  }
0x59: {  	_ =	shalt  }
0x5a: {  	_ =	shalt  }
0x5b: {  	_ =	shalt  }
0x5c: {  	_ =	shalt  }
0x5d: {  	_ =	shalt  }
0x5e: {  	_ =	shalt  }
0x5f: {  	_ =	shalt  }
0x60: {  	_ =	shalt  }
0x61: {  	_ =	shalt  }
0x62: {  	_ =	shalt  }
0x63: {  	_ =	shalt  }
0x64: {  	_ =	shalt  }
0x65: {  	_ =	shalt  }
0x66: {  	_ =	shalt  }
0x67: {  	_ =	shalt  }
0x68: {  	_ =	shalt  }
0x69: {  	_ =	shalt  }
0x6a: {  	_ =	shalt  }
0x6b: {  	_ =	shalt  }
0x6c: {  	_ =	shalt  }
0x6d: {  	_ =	shalt  }
0x6e: {  	_ =	shalt  }
0x6f: {  	_ =	shalt  }
0x70: {  	_ =	shalt  }
0x71: {  	_ =	shalt  }
0x72: {  	_ =	shalt  }
0x73: {  	_ =	shalt  }
0x74: {  	_ =	shalt  }
0x75: {  	_ =	shalt  }
0x76: {  	_ =	shalt  }
0x77: {  	_ =	shalt  }
0x78: {  	_ =	shalt  }
0x79: {  	_ =	shalt  }
0x7a: {  	_ =	shalt  }
0x7b: {  	_ =	shalt  }
0x7c: {  	_ =	shalt  }
0x7d: {  	_ =	shalt  }
0x7e: {  	_ =	shalt  }
0x7f: {  	_ =	shalt  }
0x80: {  	_ =	shalt  }
0x81: {  	_ =	shalt  }
0x82: {  	_ =	shalt  }
0x83: {  	_ =	shalt  }
0x84: {  	_ =	shalt  }
0x85: {  	_ =	shalt  }
0x86: {  	_ =	shalt  }
0x87: {  	_ =	shalt  }
.Lfunc_end0:
.L_simem_size_0:
called_computation.1_lowered:
.L_overlay_start_0:
0x88: {  	s2 =	sld [smem:$0x3FD9]  }
0x89: {  	s3 =	sld [smem:$0x3FFE];
	_ =	sdelay $0x1  }
0x8a: {  	s1 =	srdreg.scid  }
0x8b: {  	s0 =	sand.u32 $0x1, s1  }
0x8c: {  	s17 =	sshll.u32 s0, $0xA;
	s2 =	sadd.s32 s3, s2  }
0x8d: {  	s2 =	sadd.s32 s2, s17  }
0x8e: {  	[smem:$0x3FBC] =	sst s2  }
0x8f: {  	_ = 	snop  }
0x90: {  	s2 =	sld [smem:$0x3FD0];
	(tm) =	ssettm $0x1  }
0x91: {  	s18 =	sld [smem:$0x3FFB];
	_ =	sdelay $0x3  }
0x92: {  	_ =	strace s18  }
0x93: {  	s3 =	sld [smem:$0x3FFC];
	_ =	sdelay $0x3  }
0x94: {  	_ =	strace s3  }
0x95: {  	s3 =	sld [smem:$0x3FFD];
	_ =	sdelay $0x3  }
0x96: {  	_ =	strace s3  }
0x97: {  	_ =	strace $0x8FFFFFFF  }
0x98: {  	s19 =	sld [smem:$0x3FDB];
	_ =	sdelay $0x1  }
0x99: {  	s4 =	simm.s32 $_scs_section_size  }
0x9a: {  	s5 =	simm.s32 $_size__tile_overlayer_lowered;
	s6 =	simm.s32 $_tile_overlayer_lowered  }
0x9b: {  	s22 =	simm.s32 $0x1BFF;
	s21 =	sshll.u32 s6, $0x1;
	s3 =	sadd.s32 s4, s19  }
0x9c: {  	s7 =	simm.s32 $0x0;
	s20 =	sshll.u32 s5, $0x1;
	s5 =	sadd.s32 s21, s3  }
0x9d: {  	[timem:s7], [sflag:s22] =	dma.local [hbm:s5], s20  }
0x9e: {  	_ =	swait.ge [sflag:s22], s20  }
0x9f: {  	s4 =	ssub.s32 $0x0, s20;
	[sflag:s22] =	ssyncset.done $0x0  }
0xa0: {  	[sflag:s22] =	ssyncadd.s32 s4;
	_ =	sdelay $0x1  }
0xa1: {  	s23 =	simm.s32 $0x1B8B  }
0xa2: {  	_ =	swait.ge [sflag:s23], $0x1  }
0xa3: {  	[sflag:s23] =	ssyncset.done $0x0  }
0xa4: {  	s25 =	simm.s32 $0x1B8E;
	s24 =	sld [smem:$0x3FFE];
	[sflag:s23] =	ssyncadd.s32 $0xFFFFFFFF  }
0xa5: {  	s26 =	simm.s32 $execute0_lowered;
	[smem:$0x3FD2] =	sst s25  }
0xa6: {  	s5 =	sshll.u32 s26, $0x1;
	_ =	strace $0x80000049;
	[dreg:$0x1] =	wrdreg $0xFFFFFFFF  }
0xa7: {  	s28 =	simm.s32 $_size_execute0_lowered;
	s3 =	sadd.s32 s3, s5;
	[dreg:$0x0] =	wrdreg $0x0  }
0xa8: {  	s5 =	sshll.u32 s28, $0x1;
	[dreg:$0x2] =	wrdreg s3  }
0xa9: {  	[dreg:$0x3] =	wrdreg s5  }
0xaa: {  	[dreg:$0x4] =	wrdreg $0xC0  }
0xab: {  	_ =	task [dreg:s7], $0x5FFFF  }
0xac: {  	[dreg:$0x1] =	wrdreg $0xFFFFFFFF  }
0xad: {  	[dreg:$0x0] =	wrdreg $0x60  }
0xae: {  	[dreg:$0x2] =	wrdreg s2  }
0xaf: {  	[dreg:$0x3] =	wrdreg s24  }
0xb0: {  	[dreg:$0x4] =	wrdreg $0xA8000  }
0xb1: {  	[dreg:$0x5] =	wrdreg $0x9  }
0xb2: {  	_ =	task.clear_ibuf [dreg:s7], $0x6FFFF;
	_ =	strace $0x90000049  }
0xb3: {  	s29 =	simm.s32 $0x9;
	_ =	strace $0x8000004B  }
0xb4: {  	_ =	swait.ge [sflag:s29], $0x1  }
0xb5: {  	[sflag:s29] =	ssyncadd.s32 $0xFFFFFFFF  }
0xb6: {  	_ =	strace $0x9000004B  }
0xb7: {  	_ =	sfence  }
0xb8: {  	s30 =	sld [smem:$0x0];
	_ =	sdelay $0x2  }
0xb9: {  	s31 =	sshll.u32 s1, $0xD;
	s1 =	sshrl.u32 s1, $0x2  }
0xba: {  	s3 =	sand.u32 $0x4000, s31;
	s1 =	sadd.s32 s1, s30  }
0xbb: {  	s0 =	sor.u32 s3, s0;
	s1 =	sshll.u32 s1, $0x11  }
0xbc: {  	s0 =	sor.u32 s1, s0  }
0xbd: {  	s0 =	sadd.s32 $0x8F2B, s0  }
0xbe: {  	[sflag:s0] =	ssyncadd.remote.s32 $0x1  }
0xbf: {  	_ =	sfence.sel $0xFFFF  }
0xc0: {  	[dreg:$0x0] =	wrdreg $0xFFFFFFFF;
	(pc) =	sbr.abs _section_cstart, $3  }
0xc1: {  	[dreg:$0x1] =	wrdreg $0xFFFFFFFF  }
0xc2: {  	_ =	task.clear_ibuf [dreg:s7], $0x2FFFF;
	_ =	strace $0x9FFFFFFF  }
0xc3: {  	(tm) =	ssettm $0x7FFFFFFF  }
tec
execute0_lowered:
.L_overlay_start_1:
0x0: {  	(tag) =	ssettag $0x1  }
0x1: {  	s1 =	rddreg [dreg:$0x0]  }
0x2: {  	s0 =	rddreg [dreg:$0x1]  }
0x3: {  	s2 =	rddreg [dreg:$0x2];
	s3 =	simm.s32 $0x0  }
0x4: {  	s4 =	srdreg.scid;
	s12 =	stileid.u32;
	s30 =	simm.s32 $0xA580  }
0x5: {  	s31 =	simm.s32 $0xA200;
	s4 =	sand.u32 $0x1, s4;
	s6 =	smul.u32 $0x2700, s12  }
0x6: {  	s5 =	sshll.u32 s12, $0x1;
	[smem:$0x7FF] =	sst s3;
	s7 =	smul.u32 $0x4E000, s12  }
0x7: {  	s13 =	sadd.s32 $0x2C00, s0;
	s0 =	sadd.s32 $0x16600, s0;
	s23 =	smul.u32 $0x4E20, s12  }
0x8: {  	p0 =	sne.s32 s12, $0x0;
	s5 =	sor.u32 s4, s5;
	s9 =	smul.u32 $0x27100, s4  }
0x9: {  	_ =	strace $0x8000004A;
	s8 =	ssub.s32 $0x2, s4;
	s11 =	smul.u32 $0x138800, s4  }
0xa: {  	s5 =	smul.u32 $0x2710, s5;
	s10 =	sshrl.u32 s8, $0x1;
	s7 =	sshrl.u32 s7, $0x2  }
0xb: {  	s4 =	smul.u32 $0x2710, s4;
	s8 =	ssub.s32 s8, s10;
	s19 =	sadd.s32 s7, s2  }
0xc: {  	s24 =	sshrl.u32 s11, $0x3;
	s25 =	sadd.s32 s6, s9;
	s5 =	sshrl.u32 s5, $0x3  }
0xd: {  	s26 =	sadd.s32 s0, s24;
	s0 =	sadd.s32 s0, s25;
	[dreg:$0x4] =	wrdreg s19  }
0xe: {  	s9 =	smax.u32 s8, $0x1;
	s11 =	sadd.s32 s13, s5;
	[dreg:$0x6] =	wrdreg s0  }
0xf: {  	s6 =	sadd.s32 $0x27000, s26;
	s0 =	sadd.s32 s4, s23;
	[dreg:$0x8] =	wrdreg s9  }
0x10: {  	[dreg:$0x7] =	wrdreg s6;
	s10 =	sadd.s32 $0x4B0, s0;
	s14 =	sadd.s32 $0x4E6B0, s0  }
0x11: {  	s15 =	sadd.s32 $0x460, s0;
	s18 =	sadd.s32 $0x4E660, s0;
	s20 =	sadd.s32 $0x410, s0  }
0x12: {  	s21 =	sadd.s32 $0x4E610, s0;
	s24 =	sadd.s32 $0x3C0, s0;
	s25 =	sadd.s32 $0x4E5C0, s0  }
0x13: {  	s26 =	sadd.s32 $0x370, s0;
	s8 =	sadd.s32 $0x4E570, s0;
	s9 =	sadd.s32 $0x320, s0  }
0x14: {  	s6 =	sadd.s32 $0xF000, s19;
	s12 =	sadd.s32 $0x14, s11;
	[dreg:$0x5] =	wrdreg s11  }
0x15: {  	s4 =	sshrl.u32 s10, $0x3;
	s5 =	sshrl.u32 s14, $0x3;
	[dreg:$0x1d] =	wrdreg s6  }
0x16: {  	s7 =	sshrl.u32 s26, $0x3;
	s26 =	sadd.s32 $0x7800, s19;
	[smem:$0x7F2] =	sst s12  }
0x17: {  	s17 =	sshrl.u32 s15, $0x3;
	s4 =	sadd.s32 s4, s13;
	[dreg:$0x1a] =	wrdreg s26  }
0x18: {  	s10 =	sadd.s32 $0x4E520, s0;
	s16 =	sadd.s32 s5, s13;
	[dreg:$0x9] =	wrdreg s4  }
0x19: {  	s15 =	sshrl.u32 s10, $0x3;
	s10 =	sadd.s32 $0x9C4A, s11;
	[dreg:$0xa] =	wrdreg s16  }
0x1a: {  	s5 =	sshrl.u32 s20, $0x3;
	s26 =	sadd.s32 $0x9C86, s11;
	[smem:$0x7F1] =	sst s10  }
0x1b: {  	s4 =	sadd.s32 s17, s13;
	s22 =	sadd.s32 s5, s13;
	[smem:$0x7FD] =	sst s26  }
0x1c: {  	s5 =	sshrl.u32 s25, $0x3;
	s16 =	sadd.s32 $0x2D0, s0;
	[dreg:$0xb] =	wrdreg s4  }
0x1d: {  	s17 =	sadd.s32 $0x4E4D0, s0;
	s25 =	sadd.s32 $0x5000, s19;
	[dreg:$0xd] =	wrdreg s22  }
0x1e: {  	s4 =	sshrl.u32 s18, $0x3;
	s5 =	sadd.s32 s5, s13;
	[dreg:$0x19] =	wrdreg s25  }
0x1f: {  	s18 =	sadd.s32 $0x4E480, s0;
	s0 =	sadd.s32 $0x280, s0;
	[dreg:$0x10] =	wrdreg s5  }
0x20: {  	s28 =	simm.s32 $0x12;
	s25 =	sadd.s32 $0x46, s11;
	[dreg:$0x17] =	wrdreg s0  }
0x21: {  	s23 =	sshrl.u32 s21, $0x3;
	s4 =	sadd.s32 s4, s13;
	[smem:$0x7FC] =	sst s25  }
0x22: {  	s5 =	sshrl.u32 s9, $0x3;
	s9 =	sadd.s32 $0xA, s11;
	[dreg:$0xc] =	wrdreg s4  }
0x23: {  	s21 =	sshrl.u32 s18, $0x3;
	s18 =	sadd.s32 $0x32, s11;
	[smem:$0x7F0] =	sst s9  }
0x24: {  	s29 =	simm.s32 $0x14;
	s4 =	sadd.s32 s23, s13;
	[smem:$0x7F8] =	sst s18  }
0x25: {  	s6 =	simm.s32 $0x2;
	s14 =	sadd.s32 s5, s13;
	[dreg:$0xe] =	wrdreg s4  }
0x26: {  	s12 =	simm.s32 $0x8;
	s22 =	sadd.s32 s21, s13;
	[dreg:$0x13] =	wrdreg s14  }
0x27: {  	s10 =	simm.s32 $0x50;
	s23 =	sadd.s32 $0x2800, s19;
	[smem:$0x7EE] =	sst s22  }
0x28: {  	s5 =	sshrl.u32 s17, $0x3;
	s17 =	sadd.s32 $0x9C68, s11;
	[dreg:$0x18] =	wrdreg s23  }
0x29: {  	s26 =	simm.s32 $0xA180;
	s21 =	sadd.s32 $0x138000, s2;
	[smem:$0x7F7] =	sst s17  }
0x2a: {  	s25 =	simm.s32 $0x4;
	s20 =	sadd.s32 s5, s13;
	[dreg:$0x1f] =	wrdreg s21  }
0x2b: {  	s0 =	simm.s32 $0x15;
	s5 =	sadd.s32 $0xC800, s19;
	[dreg:$0x16] =	wrdreg s20  }
0x2c: {  	s9 =	simm.s32 $0x9;
	s14 =	sadd.s32 $0x1E, s11;
	[dreg:$0x1c] =	wrdreg s5  }
0x2d: {  	s4 =	sshrl.u32 s24, $0x3;
	s22 =	sadd.s32 $0x3C, s11;
	[smem:$0x7F4] =	sst s14  }
0x2e: {  	s24 =	smov.u32 s13;
	s23 =	sadd.s32 $0x9C7C, s11;
	[smem:$0x7FA] =	sst s22  }
0x2f: {  	s4 =	sadd.s32 s4, s13;
	s20 =	sadd.s32 $0x9C72, s11;
	[smem:$0x7FB] =	sst s23  }
0x30: {  	s22 =	simm.s32 $0x19;
	s14 =	simm.s32 $0x7800;
	[dreg:$0xf] =	wrdreg s4  }
0x31: {  	s5 =	simm.s32 $0x10;
	s4 =	sadd.s32 s7, s13;
	[smem:$0x7F9] =	sst s20  }
0x32: {  	s7 =	sadd.s32 $0x11800, s19;
	s20 =	simm.s32 $0x0;
	[dreg:$0x11] =	wrdreg s4  }
0x33: {  	s4 =	sshrl.u32 s8, $0x3;
	[dreg:$0x1e] =	wrdreg s7;
	s8 =	sadd.s32 $0x9C40, s11  }
0x34: {  	s7 =	simm.s32 $0xA600;
	s4 =	sadd.s32 s4, s13;
	[smem:$0x7EF] =	sst s8  }
0x35: {  	s8 =	simm.s32 $0xD;
	[dreg:$0x12] =	wrdreg s4;
	s4 =	sadd.s32 s15, s13  }
0x36: {  	s15 =	sadd.s32 $0x9C5E, s11;
	[dreg:$0x14] =	wrdreg s4;
	s4 =	sshrl.u32 s16, $0x3  }
.Ltmp0:
0x37: {  	[smem:$0x7F5] =	sst s15;
	s16 =	sadd.s32 $0x28, s11;
	(pc) =	sbr.rel .LBB2_1-.Ltmp0, $4  }
0x38: {  	s15 =	simm.s32 $0x1;
	s4 =	sadd.s32 s4, s13;
	[smem:$0x7F6] =	sst s16  }
0x39: {  	s13 =	sadd.s32 $0x9C54, s11;
	s11 =	simm.s32 $0x2800;
	[dreg:$0x15] =	wrdreg s4  }
0x3a: {  	s16 =	simm.s32 $0x11;
	s4 =	sadd.s32 $0xA000, s19;
	[smem:$0x7F3] =	sst s13  }
0x3b: {  	v0 =	vimm.f32 $0.0e+00;
	s13 =	simm.s32 $0x6;
	[dreg:$0x1b] =	wrdreg s4;
	s4 =	simm.s32 $0x5  }
.LBB2_8:
0x3c: {  	_ =	swait.ge [sflag:s15], $0x2800  }
0x3d: {  	[sflag:s15] =	ssyncset.done $0x0  }
0x3e: {  	[sflag:s15] =	ssyncadd.s32 $0xFFFFD800  }
0x3f: {  	_ =	swait.ge [sflag:s0], $0x50  }
0x40: {  	[sflag:s0] =	ssyncset.done $0x0  }
0x41: {  	[sflag:s0] =	ssyncadd.s32 $0xFFFFFFB0  }
0x42: {  	[spmem:s2] =	stream.indirect.scatter.add.f32 [tilespmem:s3], [sflag:$0x5], $0x80, s7, s10, $0xb8;
	[tilespmem:$0x1E080] =	vst v63  }
0x43: {  	_ =	swait.ge [sflag:s4], $0x2800  }
0x44: {  	[sflag:s4] =	ssyncset.done $0x0  }
0x45: {  	[sflag:s4] =	ssyncadd.s32 $0xFFFFD800  }
0x46: {  	s17 =	stileid.u32;
	[bflag:$0x0] =	sbarrier.arrive $0xFFFF  }
0x47: {  	s22 =	simm.s32 $0x19;
	s17 =	sshll.u32 s17, $0x6;
	s19 =	rddreg [dreg:$0x4]  }
0x48: {  	s17 =	sor.u32 $0x1C19, s17;
	s20 =	rddreg [dreg:$0x6];
	s18 =	sshrl.u32 s19, $0x3  }
0x49: {  	[hbm:s20], [sflag:s17] =	dma.local [spmem:s18], $0x2700  }
0x4a: {  	_ =	swait.ge [sflag:s22], $0x2700  }
0x4b: {  	[sflag:s22] =	ssyncset.done $0x0;
	s21 =	rddreg [dreg:$0x1f]  }
0x4c: {  	s20 =	rddreg [dreg:$0x7];
	[sflag:s22] =	ssyncadd.s32 $0xFFFFD900;
	s18 =	sshrl.u32 @!p0 s21, $0x3  }
0x4d: {  	[hbm:s20], [sflag:s17] =	dma.local @!p0 [spmem:s18], $0x100  }
0x4e: {  	s17 =	simm.s32 @!p0 $0x19  }
0x4f: {  	_ =	swait.ge @!p0 [sflag:s17], $0x100  }
0x50: {  	s18 =	sld [smem:$0x7ED];
	_ =	sdelay $0x2  }
0x51: {  	s23 =	rddreg [dreg:$0x8];
	s20 =	sadd.s32 $0x1, s18  }
0x52: {  	p1 =	sne.s32 s20, s23  }
.Ltmp1:
0x53: {  	_ = 	snop;
	(pc) =	sbr.rel @!p1 .LBB2_9-.Ltmp1, $3  }
0x54: {  	_ =	sdelay $0x1  }
0x55: {  	[sflag:s17] =	ssyncset.done @!p0 $0x0  }
0x56: {  	[sflag:s17] =	ssyncadd.s32 @!p0 $0xFFFFFF00  }
.LBB2_1:
0x57: {  	[smem:$0x7ED] =	sst s20;
	s17 =	simm.s32 $0x0;
	s18 =	simm.s32 $0x200  }
.LBB2_2:
0x58: {  	p1 =	sne.s32 s18, $0x9E00;
	[tilespmem:s17+$0x70] =	vst v0  }
0x59: {  	[tilespmem:s17+$0x0] =	vst v0  }
0x5a: {  	[tilespmem:s17+$0x10] =	vst v0  }
.Ltmp2:
0x5b: {  	[tilespmem:s17+$0x20] =	vst v0;
	(pc) =	sbr.rel @p1 .LBB2_2-.Ltmp2, $4  }
0x5c: {  	[tilespmem:s17+$0x30] =	vst v0  }
0x5d: {  	[tilespmem:s17+$0x40] =	vst v0  }
0x5e: {  	[tilespmem:s17+$0x50] =	vst v0  }
0x5f: {  	[tilespmem:s17+$0x60] =	vst v0;
	s17 =	sshra.s32 s18, $0x2;
	s18 =	sadd.s32 $0x200, s18  }
0x60: {  	[tilespmem:s17+$0x70] =	vst v0  }
0x61: {  	[tilespmem:s17+$0x0] =	vst v0  }
0x62: {  	[tilespmem:s17+$0x10] =	vst v0  }
0x63: {  	[tilespmem:s17+$0x20] =	vst v0  }
0x64: {  	[tilespmem:s17+$0x30] =	vst v0  }
0x65: {  	[tilespmem:s17+$0x40] =	vst v0  }
0x66: {  	[tilespmem:s17+$0x50] =	vst v0  }
0x67: {  	[tilespmem:s17+$0x60] =	vst v0  }
0x68: {  	[spmem:s19] =	stream.linear.scatter [tilespmem:s3], [sflag:$0x19], $0x2800, $0x38;
	[tilespmem:$0x1E080] =	vst v63  }
0x69: {  	_ =	swait.ge [sflag:s22], $0x2800  }
0x6a: {  	[sflag:s22] =	ssyncset.done $0x0  }
0x6b: {  	s18 =	rddreg [dreg:$0x18];
	[sflag:s22] =	ssyncadd.s32 $0xFFFFD800  }
0x6c: {  	[spmem:s18] =	stream.linear.scatter [tilespmem:s3], [sflag:$0x19], $0x2800, $0x38;
	[tilespmem:$0x1E080] =	vst v63  }
0x6d: {  	_ =	swait.ge [sflag:s22], $0x2800  }
0x6e: {  	[sflag:s22] =	ssyncset.done $0x0  }
0x6f: {  	s19 =	rddreg [dreg:$0x19];
	[sflag:s22] =	ssyncadd.s32 $0xFFFFD800  }
0x70: {  	[spmem:s19] =	stream.linear.scatter [tilespmem:s3], [sflag:$0x19], $0x2800, $0x38;
	[tilespmem:$0x1E080] =	vst v63  }
0x71: {  	_ =	swait.ge [sflag:s22], $0x2800  }
0x72: {  	[sflag:s22] =	ssyncset.done $0x0  }
0x73: {  	s20 =	rddreg [dreg:$0x1a];
	[sflag:s22] =	ssyncadd.s32 $0xFFFFD800  }
0x74: {  	[spmem:s20] =	stream.linear.scatter [tilespmem:s3], [sflag:$0x19], $0x2800, $0x38;
	[tilespmem:$0x1E080] =	vst v63  }
0x75: {  	_ =	swait.ge [sflag:s22], $0x2800  }
0x76: {  	[sflag:s22] =	ssyncset.done $0x0  }
0x77: {  	s23 =	rddreg [dreg:$0x1b];
	[sflag:s22] =	ssyncadd.s32 $0xFFFFD800  }
0x78: {  	[spmem:s23] =	stream.linear.scatter [tilespmem:s3], [sflag:$0x19], $0x2800, $0x38;
	[tilespmem:$0x1E080] =	vst v63  }
0x79: {  	_ =	swait.ge [sflag:s22], $0x2800  }
0x7a: {  	[sflag:s22] =	ssyncset.done $0x0  }
0x7b: {  	s18 =	rddreg [dreg:$0x1c];
	[sflag:s22] =	ssyncadd.s32 $0xFFFFD800  }
0x7c: {  	[spmem:s18] =	stream.linear.scatter [tilespmem:s3], [sflag:$0x19], $0x2800, $0x38;
	[tilespmem:$0x1E080] =	vst v63  }
0x7d: {  	_ =	swait.ge [sflag:s22], $0x2800  }
0x7e: {  	[sflag:s22] =	ssyncset.done $0x0  }
0x7f: {  	s19 =	rddreg [dreg:$0x1d];
	[sflag:s22] =	ssyncadd.s32 $0xFFFFD800  }
0x80: {  	[spmem:s19] =	stream.linear.scatter [tilespmem:s3], [sflag:$0x19], $0x2800, $0x38;
	[tilespmem:$0x1E080] =	vst v63  }
0x81: {  	_ =	swait.ge [sflag:s22], $0x2800  }
0x82: {  	[sflag:s22] =	ssyncset.done $0x0  }
0x83: {  	s20 =	rddreg [dreg:$0x1e];
	[sflag:s22] =	ssyncadd.s32 $0xFFFFD800  }
0x84: {  	[spmem:s20] =	stream.linear.scatter [tilespmem:s3], [sflag:$0x19], $0x2000, $0x38;
	[tilespmem:$0x1E080] =	vst v63  }
0x85: {  	_ =	swait.ge [sflag:s22], $0x2000  }
0x86: {  	[sflag:s22] =	ssyncset.done $0x0  }
0x87: {  	s17 =	simm.s32 @!p0 $0x0;
	[sflag:s22] =	ssyncadd.s32 $0xFFFFE000  }
0x88: {  	[spmem:s21] =	stream.linear.scatter @!p0 [tilespmem:s17], [sflag:$0x19], $0x800, $0x38;
	[tilespmem:$0x1E080] =	vst v63  }
0x89: {  	s17 =	simm.s32 @!p0 $0x19  }
0x8a: {  	_ =	swait.ge @!p0 [sflag:s17], $0x800  }
0x8b: {  	[sflag:s17] =	ssyncset.done @!p0 $0x0  }
0x8c: {  	[sflag:s17] =	ssyncadd.s32 @!p0 $0xFFFFF800  }
0x8d: {  	[bflag:$0x0] =	sbarrier.arrive $0xFFFF  }
0x8e: {  	s18 =	rddreg [dreg:$0x5]  }
0x8f: {  	s19 =	simm.s32 $0xA000;
	s17 =	simm.s32 $0x0;
	s22 =	sld [smem:$0x7EF]  }
0x90: {  	[tilespmem:s19], [sflag:$0x9] =	stream.linear.gather [hbm4b:s18+s17], $0x50, $0x38;
	[tilespmem:$0x1E080] =	vst v63  }
0x91: {  	s20 =	simm.s32 $0xA400;
	s23 =	sld [smem:$0x7F0]  }
0x92: {  	[tilespmem:s20], [sflag:$0x11] =	stream.linear.gather [hbm4b:s22+s17], $0x50, $0x38;
	[tilespmem:$0x1E080] =	vst v63  }
0x93: {  	s21 =	sld [smem:$0x7F1];
	s20 =	simm.s32 $0xA080  }
0x94: {  	[tilespmem:s20], [sflag:$0xA] =	stream.linear.gather [hbm4b:s23+s17], $0x50, $0x38;
	[tilespmem:$0x1E080] =	vst v63  }
0x95: {  	s22 =	simm.s32 $0xA480;
	s23 =	sld [smem:$0x7F2]  }
0x96: {  	[tilespmem:s22], [sflag:$0x12] =	stream.linear.gather [hbm4b:s21+s17], $0x50, $0x38;
	[tilespmem:$0x1E080] =	vst v63  }
0x97: {  	s21 =	simm.s32 $0xA100;
	s22 =	sld [smem:$0x7F3]  }
0x98: {  	[tilespmem:s21], [sflag:$0xB] =	stream.linear.gather [hbm4b:s23+s17], $0x50, $0x38;
	[tilespmem:$0x1E080] =	vst v63  }
0x99: {  	s23 =	simm.s32 $0xA500  }
0x9a: {  	[tilespmem:s23], [sflag:$0x13] =	stream.linear.gather [hbm4b:s22+s17], $0x50, $0x38;
	[tilespmem:$0x1E080] =	vst v63  }
0x9b: {  	s23 =	sld [smem:$0x7F4];
	_ =	sdelay $0x1  }
0x9c: {  	s22 =	simm.s32 $0xA180  }
0x9d: {  	[tilespmem:s22], [sflag:$0xC] =	stream.linear.gather [hbm4b:s23+s17], $0x50, $0x38;
	[tilespmem:$0x1E080] =	vst v63  }
0x9e: {  	s23 =	sld [smem:$0x7F5];
	_ =	sdelay $0x2  }
0x9f: {  	[tilespmem:s30], [sflag:$0x14] =	stream.linear.gather [hbm4b:s23+s17], $0x50, $0x38;
	[tilespmem:$0x1E080] =	vst v63  }
0xa0: {  	s23 =	sld [smem:$0x7F6];
	_ =	sdelay $0x2  }
0xa1: {  	[tilespmem:s31], [sflag:$0xD] =	stream.linear.gather [hbm4b:s23+s17], $0x50, $0x38;
	[tilespmem:$0x1E080] =	vst v63  }
0xa2: {  	s23 =	sld [smem:$0x7F7];
	_ =	sdelay $0x1  }
0xa3: {  	s18 =	sld [smem:$0x7F8]  }
0xa4: {  	[tilespmem:s7], [sflag:$0x15] =	stream.linear.gather [hbm4b:s23+s17], $0x50, $0x38;
	[tilespmem:$0x1E080] =	vst v63  }
0xa5: {  	s23 =	simm.s32 $0xA280  }
0xa6: {  	[tilespmem:s23], [sflag:$0xE] =	stream.linear.gather [hbm4b:s18+s17], $0x50, $0x38;
	[tilespmem:$0x1E080] =	vst v63  }
0xa7: {  	s18 =	sld [smem:$0x7F9];
	_ =	sdelay $0x1  }
0xa8: {  	s23 =	simm.s32 $0xA680  }
0xa9: {  	[tilespmem:s23], [sflag:$0x16] =	stream.linear.gather [hbm4b:s18+s17], $0x50, $0x38;
	[tilespmem:$0x1E080] =	vst v63  }
0xaa: {  	s18 =	sld [smem:$0x7FA];
	_ =	sdelay $0x1  }
0xab: {  	s23 =	simm.s32 $0xA300  }
0xac: {  	[tilespmem:s23], [sflag:$0xF] =	stream.linear.gather [hbm4b:s18+s17], $0x50, $0x38;
	[tilespmem:$0x1E080] =	vst v63  }
0xad: {  	s18 =	sld [smem:$0x7FB];
	_ =	sdelay $0x1  }
0xae: {  	s23 =	simm.s32 $0xA700  }
0xaf: {  	[tilespmem:s23], [sflag:$0x17] =	stream.linear.gather [hbm4b:s18+s17], $0x50, $0x38;
	[tilespmem:$0x1E080] =	vst v63  }
0xb0: {  	s18 =	sld [smem:$0x7FC];
	_ =	sdelay $0x1  }
0xb1: {  	s23 =	simm.s32 $0xA380  }
0xb2: {  	[tilespmem:s23], [sflag:$0x10] =	stream.linear.gather [hbm4b:s18+s17], $0x50, $0x38;
	[tilespmem:$0x1E080] =	vst v63  }
0xb3: {  	s18 =	sld [smem:$0x7FD];
	_ =	sdelay $0x1  }
0xb4: {  	s23 =	simm.s32 $0xA780  }
0xb5: {  	[tilespmem:s23], [sflag:$0x18] =	stream.linear.gather [hbm4b:s18+s17], $0x50, $0x38;
	[tilespmem:$0x1E080] =	vst v63  }
0xb6: {  	_ =	swait.ge [sflag:s9], $0x50  }
0xb7: {  	[sflag:s9] =	ssyncset.done $0x0  }
0xb8: {  	s23 =	simm.s32 $0xA;
	[sflag:s9] =	ssyncadd.s32 $0xFFFFFFB0  }
0xb9: {  	[tilespmem:s17], [sflag:$0x1] =	stream.indirect.gather [hbm4b:s1+s10], $0x80, s19, s10, $0xb8;
	[tilespmem:$0x1E080] =	vst v63  }
0xba: {  	_ =	swait.ge [sflag:s23], $0x50  }
0xbb: {  	[sflag:s23] =	ssyncset.done $0x0  }
0xbc: {  	s19 =	simm.s32 $0xB;
	[sflag:s23] =	ssyncadd.s32 $0xFFFFFFB0  }
0xbd: {  	[tilespmem:s11], [sflag:$0x2] =	stream.indirect.gather [hbm4b:s1+s10], $0x80, s20, s10, $0xb8;
	[tilespmem:$0x1E080] =	vst v63  }
0xbe: {  	_ =	swait.ge [sflag:s19], $0x50  }
0xbf: {  	[sflag:s19] =	ssyncset.done $0x0  }
0xc0: {  	s20 =	simm.s32 $0x5000;
	[sflag:s19] =	ssyncadd.s32 $0xFFFFFFB0  }
0xc1: {  	[tilespmem:s20], [sflag:$0x3] =	stream.indirect.gather [hbm4b:s1+s10], $0x80, s21, s10, $0xb8;
	[tilespmem:$0x1E080] =	vst v63  }
.Ltmp3:
0xc2: {  	s23 =	simm.s32 $0xC;
	(pc) =	sbr.rel .LBB2_4-.Ltmp3, $4  }
0xc3: {  	_ =	swait.ge [sflag:s23], $0x50  }
0xc4: {  	[sflag:s23] =	ssyncset.done $0x0  }
0xc5: {  	s19 =	simm.s32 $0x0;
	s18 =	rddreg [dreg:$0x17];
	[sflag:s23] =	ssyncadd.s32 $0xFFFFFFB0  }
0xc6: {  	[tilespmem:s14], [sflag:$0x4] =	stream.indirect.gather [hbm4b:s1+s10], $0x80, s22, s10, $0xb8;
	[tilespmem:$0x1E080] =	vst v63  }
.LBB2_7:
0xc7: {  	s19 =	sadd.s32 $0x1, s19;
	s17 =	sadd.s32 $0x50, s17;
	s18 =	sadd.s32 $0x280, s18  }
.LBB2_4:
0xc8: {  	_ =	swait.ge [sflag:s15], $0x2800  }
0xc9: {  	[sflag:s15] =	ssyncset.done $0x0  }
0xca: {  	[sflag:s15] =	ssyncadd.s32 $0xFFFFD800  }
0xcb: {  	_ =	swait.ge [sflag:s16], $0x50  }
0xcc: {  	[sflag:s16] =	ssyncset.done $0x0  }
0xcd: {  	s20 =	simm.s32 $0xA400;
	[sflag:s16] =	ssyncadd.s32 $0xFFFFFFB0  }
0xce: {  	[spmem:s2] =	stream.indirect.scatter.add.f32 [tilespmem:s3], [sflag:$0x5], $0x80, s20, s10, $0xb8;
	[tilespmem:$0x1E080] =	vst v63  }
0xcf: {  	p1 =	seq.s32 s17, $0x4B0;
	_ =	swait.ge [sflag:s4], $0x2800  }
0xd0: {  	s22 =	simm.s32 @!p1 $0xA000;
	s20 =	sshrl.u32 @!p1 s18, $0x3;
	[sflag:s4] =	ssyncset.done $0x0  }
0xd1: {  	s21 =	sadd.s32 @!p1 s24, s20;
	s20 =	simm.s32 @!p1 $0x0;
	[sflag:s4] =	ssyncadd.s32 $0xFFFFD800  }
0xd2: {  	[tilespmem:s22], [sflag:$0x9] =	stream.linear.gather @!p1 [hbm4b:s21+s20], $0x50, $0x38;
	[tilespmem:$0x1E080] =	vst v63  }
0xd3: {  	s21 =	sld [smem:$0x7EE];
	_ =	sdelay $0x2  }
0xd4: {  	s22 =	simm.s32 @!p1 $0xA400;
	s21 =	sadd.s32 @!p1 s17, s21  }
0xd5: {  	[tilespmem:s22], [sflag:$0x11] =	stream.linear.gather @!p1 [hbm4b:s21+s20], $0x50, $0x38;
	[tilespmem:$0x1E080] =	vst v63  }
0xd6: {  	_ =	swait.ge [sflag:s8], $0x50  }
0xd7: {  	[sflag:s8] =	ssyncset.done $0x0  }
0xd8: {  	[sflag:s8] =	ssyncadd.s32 $0xFFFFFFB0  }
0xd9: {  	[tilespmem:s3], [sflag:$0x1] =	stream.indirect.gather [hbm4b:s1+s10], $0x80, s31, s10, $0xb8;
	[tilespmem:$0x1E080] =	vst v63  }
0xda: {  	_ =	swait.ge [sflag:s6], $0x2800  }
0xdb: {  	[sflag:s6] =	ssyncset.done $0x0  }
0xdc: {  	[sflag:s6] =	ssyncadd.s32 $0xFFFFD800  }
0xdd: {  	_ =	swait.ge [sflag:s28], $0x50  }
0xde: {  	[sflag:s28] =	ssyncset.done $0x0  }
0xdf: {  	s23 =	simm.s32 $0xA480;
	[sflag:s28] =	ssyncadd.s32 $0xFFFFFFB0  }
0xe0: {  	[spmem:s2] =	stream.indirect.scatter.add.f32 [tilespmem:s11], [sflag:$0x6], $0x80, s23, s10, $0xb8;
	[tilespmem:$0x1E080] =	vst v63  }
0xe1: {  	_ =	swait.ge [sflag:s13], $0x2800  }
0xe2: {  	[sflag:s13] =	ssyncset.done $0x0  }
0xe3: {  	s21 =	simm.s32 @p1 $0x3;
	[sflag:s13] =	ssyncadd.s32 $0xFFFFD800  }
0xe4: {  	_ =	swait.ge @p1 [sflag:s21], $0x2800  }
0xe5: {  	[sflag:s21] =	ssyncset.done @p1 $0x0  }
0xe6: {  	[sflag:s21] =	ssyncadd.s32 @p1 $0xFFFFD800;
	s21 =	simm.s32 @p1 $0x13  }
0xe7: {  	_ =	swait.ge @p1 [sflag:s21], $0x50  }
0xe8: {  	s22 =	simm.s32 @p1 $0xA500;
	[sflag:s21] =	ssyncset.done @p1 $0x0  }
0xe9: {  	s23 =	simm.s32 @p1 $0x5000;
	[sflag:s21] =	ssyncadd.s32 @p1 $0xFFFFFFB0;
	s21 =	simm.s32 @p1 $0x50  }
0xea: {  	[spmem:s2] =	stream.indirect.scatter.add.f32 @p1 [tilespmem:s23], [sflag:$0x7], $0x80, s22, s21, $0xb8;
	[tilespmem:$0x1E080] =	vst v63  }
0xeb: {  	s21 =	simm.s32 @p1 $0x7  }
0xec: {  	_ =	swait.ge @p1 [sflag:s21], $0x2800  }
0xed: {  	[sflag:s21] =	ssyncset.done @p1 $0x0  }
0xee: {  	[sflag:s21] =	ssyncadd.s32 @p1 $0xFFFFD800;
	s21 =	rddreg [dreg:$0x15]  }
0xef: {  	s22 =	simm.s32 @!p1 $0xA080;
	s21 =	sadd.s32 @!p1 s17, s21  }
0xf0: {  	[tilespmem:s22], [sflag:$0xA] =	stream.linear.gather @!p1 [hbm4b:s21+s20], $0x50, $0x38;
	[tilespmem:$0x1E080] =	vst v63  }
0xf1: {  	s21 =	rddreg [dreg:$0x16]  }
0xf2: {  	s22 =	simm.s32 @!p1 $0xA480;
	s21 =	sadd.s32 @!p1 s17, s21  }
0xf3: {  	[tilespmem:s22], [sflag:$0x12] =	stream.linear.gather @!p1 [hbm4b:s21+s20], $0x50, $0x38;
	[tilespmem:$0x1E080] =	vst v63  }
0xf4: {  	s21 =	simm.s32 @!p1 $0xE  }
0xf5: {  	_ =	swait.ge @!p1 [sflag:s21], $0x50  }
0xf6: {  	s23 =	simm.s32 @!p1 $0x2800;
	[sflag:s21] =	ssyncset.done @!p1 $0x0  }
0xf7: {  	s22 =	simm.s32 @!p1 $0xA280;
	[sflag:s21] =	ssyncadd.s32 @!p1 $0xFFFFFFB0;
	s21 =	simm.s32 @!p1 $0x50  }
0xf8: {  	[tilespmem:s23], [sflag:$0x2] =	stream.indirect.gather @!p1 [hbm4b:s1+s21], $0x80, s22, s21, $0xb8;
	[tilespmem:$0x1E080] =	vst v63  }
0xf9: {  	s22 =	simm.s32 @!p1 $0x3  }
0xfa: {  	_ =	swait.ge @!p1 [sflag:s22], $0x2800  }
0xfb: {  	[sflag:s22] =	ssyncset.done @!p1 $0x0  }
0xfc: {  	[sflag:s22] =	ssyncadd.s32 @!p1 $0xFFFFD800;
	s22 =	simm.s32 @!p1 $0x13  }
0xfd: {  	_ =	swait.ge @!p1 [sflag:s22], $0x50  }
0xfe: {  	[sflag:s22] =	ssyncset.done @!p1 $0x0  }
0xff: {  	s23 =	simm.s32 @!p1 $0x5000;
	[sflag:s22] =	ssyncadd.s32 @!p1 $0xFFFFFFB0;
	s22 =	simm.s32 @!p1 $0xA500  }
0x100: {  	[spmem:s2] =	stream.indirect.scatter.add.f32 @!p1 [tilespmem:s23], [sflag:$0x7], $0x80, s22, s21, $0xb8;
	[tilespmem:$0x1E080] =	vst v63  }
0x101: {  	s21 =	simm.s32 @!p1 $0x7  }
0x102: {  	_ =	swait.ge @!p1 [sflag:s21], $0x2800  }
0x103: {  	[sflag:s21] =	ssyncset.done @!p1 $0x0  }
0x104: {  	[sflag:s21] =	ssyncadd.s32 @!p1 $0xFFFFD800;
	s21 =	rddreg [dreg:$0x13]  }
0x105: {  	s23 =	simm.s32 @!p1 $0xA100;
	s21 =	sadd.s32 @!p1 s17, s21  }
0x106: {  	[tilespmem:s23], [sflag:$0xB] =	stream.linear.gather @!p1 [hbm4b:s21+s20], $0x50, $0x38;
	[tilespmem:$0x1E080] =	vst v63  }
0x107: {  	p2 =	sgt.u32 @!p1 s19, $0xE;
	s21 =	rddreg [dreg:$0x14]  }
0x108: {  	p2 =	por p2, p1;
	s21 =	sadd.s32 @!p1 s17, s21  }
0x109: {  	[tilespmem:s22], [sflag:$0x13] =	stream.linear.gather @!p1 [hbm4b:s21+s20], $0x50, $0x38;
	[tilespmem:$0x1E080] =	vst v63  }
0x10a: {  	s20 =	simm.s32 @!p2 $0xF  }
0x10b: {  	_ =	swait.ge @!p2 [sflag:s20], $0x50  }
0x10c: {  	s21 =	simm.s32 @!p2 $0xA300;
	[sflag:s20] =	ssyncset.done @!p2 $0x0  }
0x10d: {  	s22 =	simm.s32 @!p2 $0x5000;
	[sflag:s20] =	ssyncadd.s32 @!p2 $0xFFFFFFB0;
	s20 =	simm.s32 @!p2 $0x50  }
0x10e: {  	[tilespmem:s22], [sflag:$0x3] =	stream.indirect.gather @!p2 [hbm4b:s1+s20], $0x80, s21, s20, $0xb8;
	[tilespmem:$0x1E080] =	vst v63  }
0x10f: {  	_ =	swait.ge [sflag:s25], $0x2800  }
0x110: {  	[sflag:s25] =	ssyncset.done $0x0  }
0x111: {  	[sflag:s25] =	ssyncadd.s32 $0xFFFFD800  }
0x112: {  	_ =	swait.ge [sflag:s29], $0x50  }
0x113: {  	[sflag:s29] =	ssyncset.done $0x0  }
.Ltmp4:
0x114: {  	[sflag:s29] =	ssyncadd.s32 $0xFFFFFFB0;
	(pc) =	sbr.rel @p1 .LBB2_8-.Ltmp4, $4  }
0x115: {  	[spmem:s2] =	stream.indirect.scatter.add.f32 [tilespmem:s14], [sflag:$0x8], $0x80, s30, s10, $0xb8;
	[tilespmem:$0x1E080] =	vst v63  }
0x116: {  	_ =	swait.ge [sflag:s12], $0x2800  }
0x117: {  	[sflag:s12] =	ssyncset.done $0x0  }
0x118: {  	[sflag:s12] =	ssyncadd.s32 $0xFFFFD800  }
0x119: {  	s20 =	rddreg [dreg:$0x11]  }
0x11a: {  	s22 =	rddreg [dreg:$0x12];
	s20 =	sadd.s32 s17, s20  }
0x11b: {  	[tilespmem:s26], [sflag:$0xC] =	stream.linear.gather [hbm4b:s20+s3], $0x50, $0x38;
	[tilespmem:$0x1E080] =	vst v63  }
0x11c: {  	s20 =	sadd.s32 s17, s22  }
0x11d: {  	[tilespmem:s30], [sflag:$0x14] =	stream.linear.gather [hbm4b:s20+s3], $0x50, $0x38;
	[tilespmem:$0x1E080] =	vst v63  }
0x11e: {  	_ =	swait.ge [sflag:s5], $0x50  }
0x11f: {  	[sflag:s5] =	ssyncset.done $0x0  }
0x120: {  	s23 =	simm.s32 $0xA380;
	[sflag:s5] =	ssyncadd.s32 $0xFFFFFFB0  }
0x121: {  	[tilespmem:s14], [sflag:$0x4] =	stream.indirect.gather [hbm4b:s1+s10], $0x80, s23, s10, $0xb8;
	[tilespmem:$0x1E080] =	vst v63  }
0x122: {  	_ =	swait.ge [sflag:s15], $0x2800  }
0x123: {  	[sflag:s15] =	ssyncset.done $0x0  }
0x124: {  	[sflag:s15] =	ssyncadd.s32 $0xFFFFD800  }
0x125: {  	_ =	swait.ge [sflag:s0], $0x50  }
0x126: {  	[sflag:s0] =	ssyncset.done $0x0  }
0x127: {  	[sflag:s0] =	ssyncadd.s32 $0xFFFFFFB0  }
0x128: {  	[spmem:s2] =	stream.indirect.scatter.add.f32 [tilespmem:s3], [sflag:$0x5], $0x80, s7, s10, $0xb8;
	[tilespmem:$0x1E080] =	vst v63  }
0x129: {  	_ =	swait.ge [sflag:s4], $0x2800  }
0x12a: {  	[sflag:s4] =	ssyncset.done $0x0;
	s21 =	rddreg [dreg:$0xf]  }
0x12b: {  	s22 =	rddreg [dreg:$0x10];
	[sflag:s4] =	ssyncadd.s32 $0xFFFFD800;
	s20 =	sadd.s32 s17, s21  }
0x12c: {  	[tilespmem:s31], [sflag:$0xD] =	stream.linear.gather [hbm4b:s20+s3], $0x50, $0x38;
	[tilespmem:$0x1E080] =	vst v63  }
0x12d: {  	p1 =	sgt.u32 s19, $0xE;
	s20 =	sadd.s32 s17, s22  }
0x12e: {  	[tilespmem:s7], [sflag:$0x15] =	stream.linear.gather [hbm4b:s20+s3], $0x50, $0x38;
	[tilespmem:$0x1E080] =	vst v63  }
.Ltmp5:
0x12f: {  	_ = 	snop;
	(pc) =	sbr.rel @p1 .LBB2_7-.Ltmp5, $4  }
0x130: {  	_ =	swait.ge [sflag:s9], $0x50  }
0x131: {  	[sflag:s9] =	ssyncset.done $0x0  }
0x132: {  	s23 =	simm.s32 $0xA000;
	[sflag:s9] =	ssyncadd.s32 $0xFFFFFFB0  }
0x133: {  	[tilespmem:s3], [sflag:$0x1] =	stream.indirect.gather [hbm4b:s1+s10], $0x80, s23, s10, $0xb8;
	[tilespmem:$0x1E080] =	vst v63  }
0x134: {  	_ =	swait.ge [sflag:s6], $0x2800  }
0x135: {  	[sflag:s6] =	ssyncset.done $0x0  }
0x136: {  	s20 =	simm.s32 $0x16;
	[sflag:s6] =	ssyncadd.s32 $0xFFFFD800  }
0x137: {  	_ =	swait.ge [sflag:s20], $0x50  }
0x138: {  	[sflag:s20] =	ssyncset.done $0x0  }
0x139: {  	s21 =	simm.s32 $0xA680;
	[sflag:s20] =	ssyncadd.s32 $0xFFFFFFB0  }
0x13a: {  	[spmem:s2] =	stream.indirect.scatter.add.f32 [tilespmem:s11], [sflag:$0x6], $0x80, s21, s10, $0xb8;
	[tilespmem:$0x1E080] =	vst v63  }
0x13b: {  	p1 =	seq.s32 s17, $0x460;
	_ =	swait.ge [sflag:s13], $0x2800  }
0x13c: {  	s22 =	simm.s32 @!p1 $0xA280;
	[sflag:s13] =	ssyncset.done $0x0;
	s20 =	rddreg [dreg:$0xd]  }
0x13d: {  	s21 =	simm.s32 @!p1 $0x0;
	[sflag:s13] =	ssyncadd.s32 $0xFFFFD800;
	s20 =	sadd.s32 @!p1 s17, s20  }
0x13e: {  	[tilespmem:s22], [sflag:$0xE] =	stream.linear.gather @!p1 [hbm4b:s20+s21], $0x50, $0x38;
	[tilespmem:$0x1E080] =	vst v63  }
0x13f: {  	s20 =	rddreg [dreg:$0xe]  }
0x140: {  	s22 =	simm.s32 @!p1 $0xA680;
	s20 =	sadd.s32 @!p1 s17, s20  }
0x141: {  	[tilespmem:s22], [sflag:$0x16] =	stream.linear.gather @!p1 [hbm4b:s20+s21], $0x50, $0x38;
	[tilespmem:$0x1E080] =	vst v63  }
0x142: {  	s22 =	simm.s32 $0xA  }
0x143: {  	_ =	swait.ge [sflag:s22], $0x50  }
0x144: {  	[sflag:s22] =	ssyncset.done $0x0  }
0x145: {  	s23 =	simm.s32 $0xA080;
	[sflag:s22] =	ssyncadd.s32 $0xFFFFFFB0;
	s22 =	simm.s32 $0x3  }
0x146: {  	[tilespmem:s11], [sflag:$0x2] =	stream.indirect.gather [hbm4b:s1+s10], $0x80, s23, s10, $0xb8;
	[tilespmem:$0x1E080] =	vst v63  }
0x147: {  	_ =	swait.ge [sflag:s22], $0x2800  }
0x148: {  	[sflag:s22] =	ssyncset.done $0x0  }
0x149: {  	s23 =	simm.s32 $0x17;
	[sflag:s22] =	ssyncadd.s32 $0xFFFFD800  }
0x14a: {  	_ =	swait.ge [sflag:s23], $0x50  }
0x14b: {  	[sflag:s23] =	ssyncset.done $0x0  }
0x14c: {  	s22 =	simm.s32 $0xA700;
	[sflag:s23] =	ssyncadd.s32 $0xFFFFFFB0;
	s23 =	simm.s32 $0x5000  }
0x14d: {  	[spmem:s2] =	stream.indirect.scatter.add.f32 [tilespmem:s23], [sflag:$0x7], $0x80, s22, s10, $0xb8;
	[tilespmem:$0x1E080] =	vst v63  }
0x14e: {  	s22 =	simm.s32 $0x7  }
0x14f: {  	_ =	swait.ge [sflag:s22], $0x2800  }
0x150: {  	[sflag:s22] =	ssyncset.done $0x0;
	s20 =	rddreg [dreg:$0xb]  }
0x151: {  	[sflag:s22] =	ssyncadd.s32 $0xFFFFD800;
	s20 =	sadd.s32 @!p1 s17, s20;
	s22 =	simm.s32 @!p1 $0xA300  }
0x152: {  	[tilespmem:s22], [sflag:$0xF] =	stream.linear.gather @!p1 [hbm4b:s20+s21], $0x50, $0x38;
	[tilespmem:$0x1E080] =	vst v63  }
0x153: {  	s20 =	rddreg [dreg:$0xc]  }
0x154: {  	s22 =	simm.s32 @!p1 $0xA700;
	s20 =	sadd.s32 @!p1 s17, s20  }
0x155: {  	[tilespmem:s22], [sflag:$0x17] =	stream.linear.gather @!p1 [hbm4b:s20+s21], $0x50, $0x38;
	[tilespmem:$0x1E080] =	vst v63  }
0x156: {  	s22 =	simm.s32 $0xB  }
0x157: {  	_ =	swait.ge [sflag:s22], $0x50  }
0x158: {  	[sflag:s22] =	ssyncset.done $0x0  }
0x159: {  	[sflag:s22] =	ssyncadd.s32 $0xFFFFFFB0;
	s22 =	simm.s32 $0xA100  }
0x15a: {  	[tilespmem:s23], [sflag:$0x3] =	stream.indirect.gather [hbm4b:s1+s10], $0x80, s22, s10, $0xb8;
	[tilespmem:$0x1E080] =	vst v63  }
0x15b: {  	_ =	swait.ge [sflag:s25], $0x2800  }
0x15c: {  	[sflag:s25] =	ssyncset.done $0x0  }
0x15d: {  	s23 =	simm.s32 $0x18;
	[sflag:s25] =	ssyncadd.s32 $0xFFFFD800  }
0x15e: {  	_ =	swait.ge [sflag:s23], $0x50  }
0x15f: {  	[sflag:s23] =	ssyncset.done $0x0  }
0x160: {  	s22 =	simm.s32 $0xA780;
	[sflag:s23] =	ssyncadd.s32 $0xFFFFFFB0  }
0x161: {  	[spmem:s2] =	stream.indirect.scatter.add.f32 [tilespmem:s14], [sflag:$0x8], $0x80, s22, s10, $0xb8;
	[tilespmem:$0x1E080] =	vst v63  }
0x162: {  	_ =	swait.ge [sflag:s12], $0x2800  }
0x163: {  	[sflag:s12] =	ssyncset.done $0x0;
	s20 =	rddreg [dreg:$0x9]  }
0x164: {  	s22 =	simm.s32 @!p1 $0xA380;
	[sflag:s12] =	ssyncadd.s32 $0xFFFFD800;
	s20 =	sadd.s32 @!p1 s17, s20  }
0x165: {  	[tilespmem:s22], [sflag:$0x10] =	stream.linear.gather @!p1 [hbm4b:s20+s21], $0x50, $0x38;
	[tilespmem:$0x1E080] =	vst v63  }
0x166: {  	s20 =	rddreg [dreg:$0xa]  }
0x167: {  	s22 =	simm.s32 @!p1 $0xA780;
	s20 =	sadd.s32 @!p1 s17, s20  }
0x168: {  	[tilespmem:s22], [sflag:$0x18] =	stream.linear.gather @!p1 [hbm4b:s20+s21], $0x50, $0x38;
	[tilespmem:$0x1E080] =	vst v63  }
.Ltmp6:
0x169: {  	s23 =	simm.s32 $0xC;
	(pc) =	sbr.rel .LBB2_7-.Ltmp6, $4  }
0x16a: {  	_ =	swait.ge [sflag:s23], $0x50  }
0x16b: {  	[sflag:s23] =	ssyncset.done $0x0  }
0x16c: {  	[sflag:s23] =	ssyncadd.s32 $0xFFFFFFB0  }
0x16d: {  	[tilespmem:s14], [sflag:$0x4] =	stream.indirect.gather [hbm4b:s1+s10], $0x80, s26, s10, $0xb8;
	[tilespmem:$0x1E080] =	vst v63  }
.LBB2_9:
0x16e: {  	_ =	sfence.sel $0x180000  }
0x16f: {  	[bflag:$0x0] =	sbarrier.arrive $0xFFFF  }
0x170: {  	_ =	strace $0x9000004A  }
0x171: {  	[bflag:$0x2] =	sbarrier.arrive $0xFFFF  }
0x172: {  	s0 =	rddreg [dreg:$0x3]  }
0x173: {  	s0 =	sadd.s32 @!p0 $0x100000, s0  }
0x174: {  	[sflag:s0] =	ssyncadd.tile.s32 @!p0 $0x1;
	_ =	shalt  }
.Lfunc_end2:
_tile_overlayer_lowered:
.L_overlay_start_2:
0x175: {  	(tag) =	ssettag $0x2  }
0x176: {  	s0 =	rddreg [dreg:$0x0];
	s2 =	stileid.u32  }
0x177: {  	s1 =	rddreg [dreg:$0x1];
	p0 =	sne.s32 s2, $0x0  }
0x178: {  	s3 =	rddreg [dreg:$0x2];
	[bflag:$0x3] =	sbarrier.arrive $0xFFFF;
	s2 =	simm.s32 @!p0 $0x1C19  }
0x179: {  	[timem:s3], [sflag:s2] =	dma.local @!p0 [hbm:s0], s1  }
0x17a: {  	s0 =	simm.s32 @!p0 $0x19  }
0x17b: {  	_ =	swait.ge @!p0 [sflag:s0], s1  }
0x17c: {  	s1 =	ssub.s32 @!p0 $0x0, s1;
	[sflag:s0] =	ssyncset.done @!p0 $0x0  }
0x17d: {  	[sflag:s0] =	ssyncadd.s32 @!p0 s1  }
0x17e: {  	[bflag:$0x3] =	sbarrier.arrive $0xFFFF  }
0x17f: {  	_ =	shalt  }

</sc_bundles>
